<compile_context>
chip_gen: v7x
topology: tpu7x:2x2x1
jax: 0.10.2.dev20260603
libtpu: 0.0.44.dev20260713+nightly
codegen_flags: <defaults>
</compile_context>

<pallas_src>
import functools

import jax
import jax.numpy as jnp
from jax import lax
from jax.experimental import pallas as pl
from jax.experimental.pallas import tpu as pltpu
from jax.experimental.pallas import tpu_sc as plsc

SRC_LAT = 721
SRC_LON = 1440
DST_LAT = 181
DST_LON = 360
IMGS = 64
NUM_CORES = 2
NUM_SUBCORES = 16
NUM_WORKERS = NUM_CORES * NUM_SUBCORES
IMGS_PER_W = IMGS // NUM_WORKERS

NQUAD = DST_LON // 4
NGRP = 12
GRP_OFF = tuple(min(16 * g, DST_LAT - 16) for g in range(NGRP))

_mesh = plsc.VectorSubcoreMesh(core_axis_name="c", subcore_axis_name="s")


@functools.partial(
    pl.kernel,
    out_type=jax.ShapeDtypeStruct((IMGS * DST_LAT * DST_LON,), jnp.float32),
    mesh=_mesh,
    scratch_types=[
        pltpu.VMEM((224,), jnp.int32),
        pltpu.VMEM((384,), jnp.int32),
        pltpu.VMEM((16, SRC_LAT), jnp.float32),
        pltpu.VMEM((16, SRC_LAT), jnp.float32),
        pltpu.VMEM((16, SRC_LAT), jnp.float32),
        pltpu.VMEM((16, SRC_LAT), jnp.float32),
        pltpu.VMEM((16, SRC_LAT), jnp.float32),
        pltpu.VMEM((DST_LAT * DST_LON,), jnp.float32),
        pltpu.SemaphoreType.DMA,
        pltpu.SemaphoreType.DMA,
        pltpu.SemaphoreType.DMA,
        pltpu.SemaphoreType.DMA,
        pltpu.SemaphoreType.DMA,
        pltpu.SemaphoreType.DMA,
    ],
    compiler_params=pltpu.CompilerParams(needs_layout_passes=False),
)
def _regrid_sc(xt_hbm, lat_hbm, lon_hbm, out_hbm,
               lat_vm, lon_vm, gbuf_0, gbuf_1, gbuf_2, gbuf_3, gbuf_4,
               vbuf, sem_0, sem_1, sem_2, sem_3, sem_4, sem_w):
    wid = lax.axis_index("s") * NUM_CORES + lax.axis_index("c")
    iota16 = lax.iota(jnp.int32, 16)

    pltpu.sync_copy(lat_hbm, lat_vm)
    pltpu.sync_copy(lon_hbm, lon_vm)
    latv_gs = [lat_vm[pl.ds(GRP_OFF[g], 16)] for g in range(NGRP)]
    dst_gs = [(iota16 + GRP_OFF[g]) * DST_LON for g in range(NGRP)]

    bufs = ((gbuf_0, sem_0), (gbuf_1, sem_1), (gbuf_2, sem_2),
            (gbuf_3, sem_3), (gbuf_4, sem_4))

    def fire(b, ch, q, gbuf, sem):
        lonv = lon_vm[pl.ds(4 * q, 16)]
        g16 = pl.multiple_of((lonv[0] // 16) * 16, 16)
        pltpu.async_copy(xt_hbm.at[b, ch, pl.ds(g16, 16), :], gbuf, sem)

    def drain(gbuf, sem):
        pltpu.make_async_copy(xt_hbm.at[0, 0, pl.ds(0, 16), :], gbuf,
                              sem).wait()

    def compute(q, gbuf):
        lonv = lon_vm[pl.ds(4 * q, 16)]
        rvs = [iota16 * 0 + lonv[u] % 16 for u in range(4)]
        j0 = 4 * q
        for g in range(NGRP):
            dst = dst_gs[g] + j0
            for u in range(4):
                v = plsc.load_gather(gbuf, [rvs[u], latv_gs[g]])
                plsc.store_scatter(vbuf, [dst + u], v)

    def img_body(t, carry):
        img = wid * IMGS_PER_W + t
        b = img // 32
        ch = img % 32

        fire(b, ch, 0, *bufs[0])
        fire(b, ch, 1, *bufs[1])
        fire(b, ch, 2, *bufs[2])
        fire(b, ch, 3, *bufs[3])

        @pl.when(t > 0)
        def _():
            pltpu.make_async_copy(out_hbm.at[pl.ds(0, DST_LAT * DST_LON)],
                                  vbuf, sem_w).wait()

        def pipe_body(k, c2):
            for u in range(5):
                q = 5 * k + u
                if u == 0:
                    fire(b, ch, q + 4, *bufs[(u + 4) % 5])
                else:
                    @pl.when(k < NQUAD // 5 - 1)
                    def _():
                        fire(b, ch, q + 4, *bufs[(u + 4) % 5])
                drain(*bufs[u])
                compute(q, bufs[u][0])
            return c2

        lax.fori_loop(0, NQUAD // 5, pipe_body, 0, unroll=False)

        def wb_body(i, c2):
            row = ((b * DST_LAT + i) * 32 + ch) * DST_LON
            pltpu.async_copy(vbuf.at[pl.ds(i * DST_LON, DST_LON)],
                             out_hbm.at[pl.ds(row, DST_LON)], sem_w)
            return c2

        lax.fori_loop(0, DST_LAT, wb_body, 0, unroll=False)
        return carry

    lax.fori_loop(0, IMGS_PER_W, img_body, 0, unroll=False)
    pltpu.make_async_copy(out_hbm.at[pl.ds(0, DST_LAT * DST_LON)],
                          vbuf, sem_w).wait()


def kernel(x, lat_index, lon_index):
    xt = jnp.transpose(x, (0, 1, 3, 2))
    lat_p = jnp.pad(lat_index.astype(jnp.int32), (0, 224 - DST_LAT))
    lon_p = jnp.pad(lon_index.astype(jnp.int32), (0, 384 - DST_LON))
    out = _regrid_sc(xt, lat_p, lon_p)
    out = out.reshape(2, DST_LAT, 32, DST_LON)
    return jnp.transpose(out, (0, 2, 1, 3))

# --- scband reference (transcript-rebuilt; emitter-appended) ---
"""Pipeline reference for scband-regrid-lat-lon-2310692405551 (READ-ONLY COPY).

The authoritative reference and input builder live on the scoring server;
editing this copy changes nothing except your own understanding.
"""

import jax, jax.numpy as jnp
import numpy as np

SRC_LAT_N = 721
SRC_LON_N = 1440
# dest grid is every 4th point of src grid (0.25 deg -> 1.0 deg)

def setup_inputs(seed: int = 0) -> dict:
    key = jax.random.key(seed)
    x = jax.random.normal(key, (2, 32, SRC_LAT_N, SRC_LON_N), dtype=jnp.float32)
    # indices computed in __init__ via pandas get_indexer: dest lat/lon values are an
    # exact subset of src lat/lon values, stride 4 (0.25 deg src -> 1.0 deg dest)
    lat_index = jnp.asarray(np.arange(0, SRC_LAT_N, 4), dtype=jnp.int32)  # 181 entries
    lon_index = jnp.asarray(np.arange(0, SRC_LON_N, 4), dtype=jnp.int32)  # 360 entries
    return {"x": x, "lat_index": lat_index, "lon_index": lon_index}

def reference(x, lat_index, lon_index):
    # faithful to: x[..., lat_index, :][..., lon_index]
    y = jnp.take(x, lat_index, axis=-2)
    y = jnp.take(y, lon_index, axis=-1)
    return y

if __name__ == "__main__":
    import jax
    _d = setup_inputs()
    print(jax.jit(kernel)(*tuple(_d.values())))

</pallas_src>

<mosaic_0001>
#map = affine_map<(d0, d1) -> (0, 0, 0, 0)>
#map1 = affine_map<(d0, d1) -> (0)>
module attributes {stable_mosaic.version = 14 : i64} {
  func.func @_regrid_sc(%arg0: i32, %arg1: i32, %arg2: memref<2x32x1440x721xf32, #tpu.memory_space<hbm>>, %arg3: memref<224xi32, #tpu.memory_space<hbm>>, %arg4: memref<384xi32, #tpu.memory_space<hbm>>, %arg5: memref<4170240xf32, #tpu.memory_space<hbm>>, %arg6: memref<224xi32, #tpu.memory_space<vmem>>, %arg7: memref<384xi32, #tpu.memory_space<vmem>>, %arg8: memref<16x721xf32, #tpu.memory_space<vmem>>, %arg9: memref<16x721xf32, #tpu.memory_space<vmem>>, %arg10: memref<16x721xf32, #tpu.memory_space<vmem>>, %arg11: memref<16x721xf32, #tpu.memory_space<vmem>>, %arg12: memref<16x721xf32, #tpu.memory_space<vmem>>, %arg13: memref<65160xf32, #tpu.memory_space<vmem>>, %arg14: memref<!tpu.dma_semaphore, #tpu.memory_space<semaphore_mem>>, %arg15: memref<!tpu.dma_semaphore, #tpu.memory_space<semaphore_mem>>, %arg16: memref<!tpu.dma_semaphore, #tpu.memory_space<semaphore_mem>>, %arg17: memref<!tpu.dma_semaphore, #tpu.memory_space<semaphore_mem>>, %arg18: memref<!tpu.dma_semaphore, #tpu.memory_space<semaphore_mem>>, %arg19: memref<!tpu.dma_semaphore, #tpu.memory_space<semaphore_mem>>) attributes {dimension_semantics = [#tpu.dimension_semantics<core_parallel>, #tpu.dimension_semantics<subcore_parallel>], iteration_bounds = array<i64: 2, 16>, scalar_prefetch = 0 : i64, scratch_operands = 14 : i64, tpu.core_type = #tpu.core_type<sc_vector_subcore>, window_params = [{transform_indices = #map}, {transform_indices = #map1}, {transform_indices = #map1}, {transform_indices = #map1}]} {
    %mul3A = arith.constant 2 : i32
    %mul3A_0 = arith.muli %arg1, %mul3A : i32
    %add3A = arith.addi %mul3A_0, %arg0 : i32
    %iota3A = tpu.iota {dimensions = array<i32: 0>} : vector<16xi32>
    "tpu.region"() ({
      %run_scoped3A = tpu.sem_alloc : memref<!tpu.dma_semaphore, #tpu.memory_space<semaphore_mem>>
      tpu.enqueue_dma source(%arg3 : memref<224xi32, #tpu.memory_space<hbm>>) target(%arg6 : memref<224xi32, #tpu.memory_space<vmem>>) target_semaphore(%run_scoped3A : memref<!tpu.dma_semaphore, #tpu.memory_space<semaphore_mem>>)
      tpu.wait_dma2 semaphore(%run_scoped3A : memref<!tpu.dma_semaphore, #tpu.memory_space<semaphore_mem>>) src(%arg3 : memref<224xi32, #tpu.memory_space<hbm>>) dst(%arg6 : memref<224xi32, #tpu.memory_space<vmem>>)
      tpu.yield
    }) : () -> ()
    "tpu.region"() ({
      %run_scoped3A = tpu.sem_alloc : memref<!tpu.dma_semaphore, #tpu.memory_space<semaphore_mem>>
      tpu.enqueue_dma source(%arg4 : memref<384xi32, #tpu.memory_space<hbm>>) target(%arg7 : memref<384xi32, #tpu.memory_space<vmem>>) target_semaphore(%run_scoped3A : memref<!tpu.dma_semaphore, #tpu.memory_space<semaphore_mem>>)
      tpu.wait_dma2 semaphore(%run_scoped3A : memref<!tpu.dma_semaphore, #tpu.memory_space<semaphore_mem>>) src(%arg4 : memref<384xi32, #tpu.memory_space<hbm>>) dst(%arg7 : memref<384xi32, #tpu.memory_space<vmem>>)
      tpu.yield
    }) : () -> ()
    %get3A = arith.constant 0 : index
    %get3A_1 = tpu.vector_load %arg6[%get3A] {strides = array<i32>} : memref<224xi32, #tpu.memory_space<vmem>>, vector<16xi32>,
    %get3A_2 = arith.constant 16 : index
    %get3A_3 = tpu.vector_load %arg6[%get3A_2] {strides = array<i32>} : memref<224xi32, #tpu.memory_space<vmem>>, vector<16xi32>,
    %get3A_4 = arith.constant 32 : index
    %get3A_5 = tpu.vector_load %arg6[%get3A_4] {strides = array<i32>} : memref<224xi32, #tpu.memory_space<vmem>>, vector<16xi32>,
    %get3A_6 = arith.constant 48 : index
    %get3A_7 = tpu.vector_load %arg6[%get3A_6] {strides = array<i32>} : memref<224xi32, #tpu.memory_space<vmem>>, vector<16xi32>,
    %get3A_8 = arith.constant 64 : index
    %get3A_9 = tpu.vector_load %arg6[%get3A_8] {strides = array<i32>} : memref<224xi32, #tpu.memory_space<vmem>>, vector<16xi32>,
    %get3A_10 = arith.constant 80 : index
    %get3A_11 = tpu.vector_load %arg6[%get3A_10] {strides = array<i32>} : memref<224xi32, #tpu.memory_space<vmem>>, vector<16xi32>,
    %get3A_12 = arith.constant 96 : index
    %get3A_13 = tpu.vector_load %arg6[%get3A_12] {strides = array<i32>} : memref<224xi32, #tpu.memory_space<vmem>>, vector<16xi32>,
    %get3A_14 = arith.constant 112 : index
    %get3A_15 = tpu.vector_load %arg6[%get3A_14] {strides = array<i32>} : memref<224xi32, #tpu.memory_space<vmem>>, vector<16xi32>,
    %get3A_16 = arith.constant 128 : index
    %get3A_17 = tpu.vector_load %arg6[%get3A_16] {strides = array<i32>} : memref<224xi32, #tpu.memory_space<vmem>>, vector<16xi32>,
    %get3A_18 = arith.constant 144 : index
    %get3A_19 = tpu.vector_load %arg6[%get3A_18] {strides = array<i32>} : memref<224xi32, #tpu.memory_space<vmem>>, vector<16xi32>,
    %get3A_20 = arith.constant 160 : index
    %get3A_21 = tpu.vector_load %arg6[%get3A_20] {strides = array<i32>} : memref<224xi32, #tpu.memory_space<vmem>>, vector<16xi32>,
    %get3A_22 = arith.constant 165 : index
    %get3A_23 = tpu.vector_load %arg6[%get3A_22] {strides = array<i32>} : memref<224xi32, #tpu.memory_space<vmem>>, vector<16xi32>,
    %add3A_24 = arith.constant 0 : i32
    %add3A_25 = vector.broadcast %add3A_24 : i32 to vector<16xi32>
    %add3A_26 = arith.addi %iota3A, %add3A_25 : vector<16xi32>
    %mul3A_27 = arith.constant 360 : i32
    %mul3A_28 = vector.broadcast %mul3A_27 : i32 to vector<16xi32>
    %mul3A_29 = arith.muli %add3A_26, %mul3A_28 : vector<16xi32>
    %add3A_30 = arith.constant 16 : i32
    %add3A_31 = vector.broadcast %add3A_30 : i32 to vector<16xi32>
    %add3A_32 = arith.addi %iota3A, %add3A_31 : vector<16xi32>
    %mul3A_33 = arith.constant 360 : i32
    %mul3A_34 = vector.broadcast %mul3A_33 : i32 to vector<16xi32>
    %mul3A_35 = arith.muli %add3A_32, %mul3A_34 : vector<16xi32>
    %add3A_36 = arith.constant 32 : i32
    %add3A_37 = vector.broadcast %add3A_36 : i32 to vector<16xi32>
    %add3A_38 = arith.addi %iota3A, %add3A_37 : vector<16xi32>
    %mul3A_39 = arith.constant 360 : i32
    %mul3A_40 = vector.broadcast %mul3A_39 : i32 to vector<16xi32>
    %mul3A_41 = arith.muli %add3A_38, %mul3A_40 : vector<16xi32>
    %add3A_42 = arith.constant 48 : i32
    %add3A_43 = vector.broadcast %add3A_42 : i32 to vector<16xi32>
    %add3A_44 = arith.addi %iota3A, %add3A_43 : vector<16xi32>
    %mul3A_45 = arith.constant 360 : i32
    %mul3A_46 = vector.broadcast %mul3A_45 : i32 to vector<16xi32>
    %mul3A_47 = arith.muli %add3A_44, %mul3A_46 : vector<16xi32>
    %add3A_48 = arith.constant 64 : i32
    %add3A_49 = vector.broadcast %add3A_48 : i32 to vector<16xi32>
    %add3A_50 = arith.addi %iota3A, %add3A_49 : vector<16xi32>
    %mul3A_51 = arith.constant 360 : i32
    %mul3A_52 = vector.broadcast %mul3A_51 : i32 to vector<16xi32>
    %mul3A_53 = arith.muli %add3A_50, %mul3A_52 : vector<16xi32>
    %add3A_54 = arith.constant 80 : i32
    %add3A_55 = vector.broadcast %add3A_54 : i32 to vector<16xi32>
    %add3A_56 = arith.addi %iota3A, %add3A_55 : vector<16xi32>
    %mul3A_57 = arith.constant 360 : i32
    %mul3A_58 = vector.broadcast %mul3A_57 : i32 to vector<16xi32>
    %mul3A_59 = arith.muli %add3A_56, %mul3A_58 : vector<16xi32>
    %add3A_60 = arith.constant 96 : i32
    %add3A_61 = vector.broadcast %add3A_60 : i32 to vector<16xi32>
    %add3A_62 = arith.addi %iota3A, %add3A_61 : vector<16xi32>
    %mul3A_63 = arith.constant 360 : i32
    %mul3A_64 = vector.broadcast %mul3A_63 : i32 to vector<16xi32>
    %mul3A_65 = arith.muli %add3A_62, %mul3A_64 : vector<16xi32>
    %add3A_66 = arith.constant 112 : i32
    %add3A_67 = vector.broadcast %add3A_66 : i32 to vector<16xi32>
    %add3A_68 = arith.addi %iota3A, %add3A_67 : vector<16xi32>
    %mul3A_69 = arith.constant 360 : i32
    %mul3A_70 = vector.broadcast %mul3A_69 : i32 to vector<16xi32>
    %mul3A_71 = arith.muli %add3A_68, %mul3A_70 : vector<16xi32>
    %add3A_72 = arith.constant 128 : i32
    %add3A_73 = vector.broadcast %add3A_72 : i32 to vector<16xi32>
    %add3A_74 = arith.addi %iota3A, %add3A_73 : vector<16xi32>
    %mul3A_75 = arith.constant 360 : i32
    %mul3A_76 = vector.broadcast %mul3A_75 : i32 to vector<16xi32>
    %mul3A_77 = arith.muli %add3A_74, %mul3A_76 : vector<16xi32>
    %add3A_78 = arith.constant 144 : i32
    %add3A_79 = vector.broadcast %add3A_78 : i32 to vector<16xi32>
    %add3A_80 = arith.addi %iota3A, %add3A_79 : vector<16xi32>
    %mul3A_81 = arith.constant 360 : i32
    %mul3A_82 = vector.broadcast %mul3A_81 : i32 to vector<16xi32>
    %mul3A_83 = arith.muli %add3A_80, %mul3A_82 : vector<16xi32>
    %add3A_84 = arith.constant 160 : i32
    %add3A_85 = vector.broadcast %add3A_84 : i32 to vector<16xi32>
    %add3A_86 = arith.addi %iota3A, %add3A_85 : vector<16xi32>
    %mul3A_87 = arith.constant 360 : i32
    %mul3A_88 = vector.broadcast %mul3A_87 : i32 to vector<16xi32>
    %mul3A_89 = arith.muli %add3A_86, %mul3A_88 : vector<16xi32>
    %add3A_90 = arith.constant 165 : i32
    %add3A_91 = vector.broadcast %add3A_90 : i32 to vector<16xi32>
    %add3A_92 = arith.addi %iota3A, %add3A_91 : vector<16xi32>
    %mul3A_93 = arith.constant 360 : i32
    %mul3A_94 = vector.broadcast %mul3A_93 : i32 to vector<16xi32>
    %mul3A_95 = arith.muli %add3A_92, %mul3A_94 : vector<16xi32>
    %scan3A = arith.constant 0 : i32
    %scan3A_96 = arith.constant 0 : i32
    %scan3A_97 = arith.constant 2 : i32
    %scan3A_98 = arith.addi %scan3A_96, %scan3A_97 : i32
    %scan3A_99 = arith.constant 1 : i32
    scf.for %scan3A_104 = %scan3A_96 to %scan3A_98 step %scan3A_99  : i32 {
      %mul3A_105 = arith.constant 2 : i32
      %mul3A_106 = arith.muli %add3A, %mul3A_105 : i32
      %add3A_107 = arith.addi %mul3A_106, %scan3A_104 : i32
      %jit3A = arith.constant 32 : i32
      %div3A = arith.divsi %add3A_107, %jit3A : i32
      %sign3A = arith.constant 0 : i32
      %sign3A_108 = arith.cmpi sgt, %add3A_107, %sign3A : i32
      %sign3A_109 = arith.extui %sign3A_108 : i1 to i32
      %sign3A_110 = arith.constant 0 : i32
      %sign3A_111 = arith.cmpi slt, %add3A_107, %sign3A_110 : i32
      %sign3A_112 = arith.extui %sign3A_111 : i1 to i32
      %sign3A_113 = arith.subi %sign3A_109, %sign3A_112 : i32
      %sign3A_114 = arith.constant 0 : i32
      %sign3A_115 = arith.cmpi sgt, %jit3A, %sign3A_114 : i32
      %sign3A_116 = arith.extui %sign3A_115 : i1 to i32
      %sign3A_117 = arith.constant 0 : i32
      %sign3A_118 = arith.cmpi slt, %jit3A, %sign3A_117 : i32
      %sign3A_119 = arith.extui %sign3A_118 : i1 to i32
      %sign3A_120 = arith.subi %sign3A_116, %sign3A_119 : i32
      %ne3A = arith.cmpi ne, %sign3A_113, %sign3A_120 : i32
      %rem3A = arith.remsi %add3A_107, %jit3A : i32
      %ne3A_121 = arith.constant 0 : i32
      %ne3A_122 = arith.cmpi ne, %rem3A, %ne3A_121 : i32
      %and3A = arith.andi %ne3A, %ne3A_122 : i1
      %sub3A = arith.constant 1 : i32
      %sub3A_123 = arith.subi %div3A, %sub3A : i32
      %select_n3A = arith.select %and3A, %sub3A_123, %div3A : i32
      %jit3A_124 = arith.constant 32 : i32
      %eq3A = arith.constant 0 : i32
      %eq3A_125 = arith.cmpi eq, %jit3A_124, %eq3A : i32
      %jit3A_126 = arith.constant 1 : i32
      %select_n3A_127 = arith.select %eq3A_125, %jit3A_126, %jit3A_124 : i32
      %rem3A_128 = arith.remsi %add3A_107, %select_n3A_127 : i32
      %ne3A_129 = arith.constant 0 : i32
      %ne3A_130 = arith.cmpi ne, %rem3A_128, %ne3A_129 : i32
      %lt3A = arith.constant 0 : i32
      %lt3A_131 = arith.cmpi slt, %rem3A_128, %lt3A : i32
      %lt3A_132 = arith.constant 0 : i32
      %lt3A_133 = arith.cmpi slt, %select_n3A_127, %lt3A_132 : i32
      %ne3A_134 = arith.xori %lt3A_131, %lt3A_133 : i1
      %and3A_135 = arith.andi %ne3A_134, %ne3A_130 : i1
      %add3A_136 = arith.addi %rem3A_128, %select_n3A_127 : i32
      %select_n3A_137 = arith.select %and3A_135, %add3A_136, %rem3A_128 : i32
      %get3A_138 = arith.constant 0 : index
      %get3A_139 = tpu.vector_load %arg7[%get3A_138] {strides = array<i32>} : memref<384xi32, #tpu.memory_space<vmem>>, vector<16xi32>,
      %slice3A = vector.extract_strided_slice %get3A_139 {offsets = [0], sizes = [1], strides = [1]} : vector<16xi32> to vector<1xi32>
      %squeeze3A = vector.extract %slice3A[0] : i32 from vector<1xi32>
      %jit3A_140 = arith.constant 16 : i32
      %div3A_141 = arith.divsi %squeeze3A, %jit3A_140 : i32
      %sign3A_142 = arith.constant 0 : i32
      %sign3A_143 = arith.cmpi sgt, %squeeze3A, %sign3A_142 : i32
      %sign3A_144 = arith.extui %sign3A_143 : i1 to i32
      %sign3A_145 = arith.constant 0 : i32
      %sign3A_146 = arith.cmpi slt, %squeeze3A, %sign3A_145 : i32
      %sign3A_147 = arith.extui %sign3A_146 : i1 to i32
      %sign3A_148 = arith.subi %sign3A_144, %sign3A_147 : i32
      %sign3A_149 = arith.constant 0 : i32
      %sign3A_150 = arith.cmpi sgt, %jit3A_140, %sign3A_149 : i32
      %sign3A_151 = arith.extui %sign3A_150 : i1 to i32
      %sign3A_152 = arith.constant 0 : i32
      %sign3A_153 = arith.cmpi slt, %jit3A_140, %sign3A_152 : i32
      %sign3A_154 = arith.extui %sign3A_153 : i1 to i32
      %sign3A_155 = arith.subi %sign3A_151, %sign3A_154 : i32
      %ne3A_156 = arith.cmpi ne, %sign3A_148, %sign3A_155 : i32
      %rem3A_157 = arith.remsi %squeeze3A, %jit3A_140 : i32
      %ne3A_158 = arith.constant 0 : i32
      %ne3A_159 = arith.cmpi ne, %rem3A_157, %ne3A_158 : i32
      %and3A_160 = arith.andi %ne3A_156, %ne3A_159 : i1
      %sub3A_161 = arith.constant 1 : i32
      %sub3A_162 = arith.subi %div3A_141, %sub3A_161 : i32
      %select_n3A_163 = arith.select %and3A_160, %sub3A_162, %div3A_141 : i32
      %mul3A_164 = arith.constant 16 : i32
      %mul3A_165 = arith.muli %select_n3A_163, %mul3A_164 : i32
      %multiple_of3A = tpu.assume_multiple %mul3A_165, 16 : i32
      %dma_start3A = arith.constant 0 : i32
      %dma_start3A_166 = tpu.memref_slice %arg2[%select_n3A, %select_n3A_137, %multiple_of3A, %dma_start3A] : memref<2x32x1440x721xf32, #tpu.memory_space<hbm>> -> memref<1x1x16x721xf32, #tpu.memory_space<hbm>>
      %dma_start3A_167 = tpu.memref_squeeze %dma_start3A_166 : memref<1x1x16x721xf32, #tpu.memory_space<hbm>> -> memref<16x721xf32, #tpu.memory_space<hbm>>
      %dma_start3A_168 = arith.constant 0 : i32
      %dma_start3A_169 = tpu.memref_slice %arg2[%select_n3A, %select_n3A_137, %multiple_of3A, %dma_start3A_168] : memref<2x32x1440x721xf32, #tpu.memory_space<hbm>> -> memref<1x1x16x721xf32, #tpu.memory_space<hbm>>
      %dma_start3A_170 = tpu.memref_squeeze %dma_start3A_169 : memref<1x1x16x721xf32, #tpu.memory_space<hbm>> -> memref<16x721xf32, #tpu.memory_space<hbm>>
      tpu.enqueue_dma source(%dma_start3A_170 : memref<16x721xf32, #tpu.memory_space<hbm>>) target(%arg8 : memref<16x721xf32, #tpu.memory_space<vmem>>) target_semaphore(%arg14 : memref<!tpu.dma_semaphore, #tpu.memory_space<semaphore_mem>>)
      %get3A_171 = arith.constant 4 : index
      %get3A_172 = tpu.vector_load %arg7[%get3A_171] {strides = array<i32>} : memref<384xi32, #tpu.memory_space<vmem>>, vector<16xi32>,
      %slice3A_173 = vector.extract_strided_slice %get3A_172 {offsets = [0], sizes = [1], strides = [1]} : vector<16xi32> to vector<1xi32>
      %squeeze3A_174 = vector.extract %slice3A_173[0] : i32 from vector<1xi32>
      %jit3A_175 = arith.constant 16 : i32
      %div3A_176 = arith.divsi %squeeze3A_174, %jit3A_175 : i32
      %sign3A_177 = arith.constant 0 : i32
      %sign3A_178 = arith.cmpi sgt, %squeeze3A_174, %sign3A_177 : i32
      %sign3A_179 = arith.extui %sign3A_178 : i1 to i32
      %sign3A_180 = arith.constant 0 : i32
      %sign3A_181 = arith.cmpi slt, %squeeze3A_174, %sign3A_180 : i32
      %sign3A_182 = arith.extui %sign3A_181 : i1 to i32
      %sign3A_183 = arith.subi %sign3A_179, %sign3A_182 : i32
      %sign3A_184 = arith.constant 0 : i32
      %sign3A_185 = arith.cmpi sgt, %jit3A_175, %sign3A_184 : i32
      %sign3A_186 = arith.extui %sign3A_185 : i1 to i32
      %sign3A_187 = arith.constant 0 : i32
      %sign3A_188 = arith.cmpi slt, %jit3A_175, %sign3A_187 : i32
      %sign3A_189 = arith.extui %sign3A_188 : i1 to i32
      %sign3A_190 = arith.subi %sign3A_186, %sign3A_189 : i32
      %ne3A_191 = arith.cmpi ne, %sign3A_183, %sign3A_190 : i32
      %rem3A_192 = arith.remsi %squeeze3A_174, %jit3A_175 : i32
      %ne3A_193 = arith.constant 0 : i32
      %ne3A_194 = arith.cmpi ne, %rem3A_192, %ne3A_193 : i32
      %and3A_195 = arith.andi %ne3A_191, %ne3A_194 : i1
      %sub3A_196 = arith.constant 1 : i32
      %sub3A_197 = arith.subi %div3A_176, %sub3A_196 : i32
      %select_n3A_198 = arith.select %and3A_195, %sub3A_197, %div3A_176 : i32
      %mul3A_199 = arith.constant 16 : i32
      %mul3A_200 = arith.muli %select_n3A_198, %mul3A_199 : i32
      %multiple_of3A_201 = tpu.assume_multiple %mul3A_200, 16 : i32
      %dma_start3A_202 = arith.constant 0 : i32
      %dma_start3A_203 = tpu.memref_slice %arg2[%select_n3A, %select_n3A_137, %multiple_of3A_201, %dma_start3A_202] : memref<2x32x1440x721xf32, #tpu.memory_space<hbm>> -> memref<1x1x16x721xf32, #tpu.memory_space<hbm>>
      %dma_start3A_204 = tpu.memref_squeeze %dma_start3A_203 : memref<1x1x16x721xf32, #tpu.memory_space<hbm>> -> memref<16x721xf32, #tpu.memory_space<hbm>>
      %dma_start3A_205 = arith.constant 0 : i32
      %dma_start3A_206 = tpu.memref_slice %arg2[%select_n3A, %select_n3A_137, %multiple_of3A_201, %dma_start3A_205] : memref<2x32x1440x721xf32, #tpu.memory_space<hbm>> -> memref<1x1x16x721xf32, #tpu.memory_space<hbm>>
      %dma_start3A_207 = tpu.memref_squeeze %dma_start3A_206 : memref<1x1x16x721xf32, #tpu.memory_space<hbm>> -> memref<16x721xf32, #tpu.memory_space<hbm>>
      tpu.enqueue_dma source(%dma_start3A_207 : memref<16x721xf32, #tpu.memory_space<hbm>>) target(%arg9 : memref<16x721xf32, #tpu.memory_space<vmem>>) target_semaphore(%arg15 : memref<!tpu.dma_semaphore, #tpu.memory_space<semaphore_mem>>)
      %get3A_208 = arith.constant 8 : index
      %get3A_209 = tpu.vector_load %arg7[%get3A_208] {strides = array<i32>} : memref<384xi32, #tpu.memory_space<vmem>>, vector<16xi32>,
      %slice3A_210 = vector.extract_strided_slice %get3A_209 {offsets = [0], sizes = [1], strides = [1]} : vector<16xi32> to vector<1xi32>
      %squeeze3A_211 = vector.extract %slice3A_210[0] : i32 from vector<1xi32>
      %jit3A_212 = arith.constant 16 : i32
      %div3A_213 = arith.divsi %squeeze3A_211, %jit3A_212 : i32
      %sign3A_214 = arith.constant 0 : i32
      %sign3A_215 = arith.cmpi sgt, %squeeze3A_211, %sign3A_214 : i32
      %sign3A_216 = arith.extui %sign3A_215 : i1 to i32
      %sign3A_217 = arith.constant 0 : i32
      %sign3A_218 = arith.cmpi slt, %squeeze3A_211, %sign3A_217 : i32
      %sign3A_219 = arith.extui %sign3A_218 : i1 to i32
      %sign3A_220 = arith.subi %sign3A_216, %sign3A_219 : i32
      %sign3A_221 = arith.constant 0 : i32
      %sign3A_222 = arith.cmpi sgt, %jit3A_212, %sign3A_221 : i32
      %sign3A_223 = arith.extui %sign3A_222 : i1 to i32
      %sign3A_224 = arith.constant 0 : i32
      %sign3A_225 = arith.cmpi slt, %jit3A_212, %sign3A_224 : i32
      %sign3A_226 = arith.extui %sign3A_225 : i1 to i32
      %sign3A_227 = arith.subi %sign3A_223, %sign3A_226 : i32
      %ne3A_228 = arith.cmpi ne, %sign3A_220, %sign3A_227 : i32
      %rem3A_229 = arith.remsi %squeeze3A_211, %jit3A_212 : i32
      %ne3A_230 = arith.constant 0 : i32
      %ne3A_231 = arith.cmpi ne, %rem3A_229, %ne3A_230 : i32
      %and3A_232 = arith.andi %ne3A_228, %ne3A_231 : i1
      %sub3A_233 = arith.constant 1 : i32
      %sub3A_234 = arith.subi %div3A_213, %sub3A_233 : i32
      %select_n3A_235 = arith.select %and3A_232, %sub3A_234, %div3A_213 : i32
      %mul3A_236 = arith.constant 16 : i32
      %mul3A_237 = arith.muli %select_n3A_235, %mul3A_236 : i32
      %multiple_of3A_238 = tpu.assume_multiple %mul3A_237, 16 : i32
      %dma_start3A_239 = arith.constant 0 : i32
      %dma_start3A_240 = tpu.memref_slice %arg2[%select_n3A, %select_n3A_137, %multiple_of3A_238, %dma_start3A_239] : memref<2x32x1440x721xf32, #tpu.memory_space<hbm>> -> memref<1x1x16x721xf32, #tpu.memory_space<hbm>>
      %dma_start3A_241 = tpu.memref_squeeze %dma_start3A_240 : memref<1x1x16x721xf32, #tpu.memory_space<hbm>> -> memref<16x721xf32, #tpu.memory_space<hbm>>
      %dma_start3A_242 = arith.constant 0 : i32
      %dma_start3A_243 = tpu.memref_slice %arg2[%select_n3A, %select_n3A_137, %multiple_of3A_238, %dma_start3A_242] : memref<2x32x1440x721xf32, #tpu.memory_space<hbm>> -> memref<1x1x16x721xf32, #tpu.memory_space<hbm>>
      %dma_start3A_244 = tpu.memref_squeeze %dma_start3A_243 : memref<1x1x16x721xf32, #tpu.memory_space<hbm>> -> memref<16x721xf32, #tpu.memory_space<hbm>>
      tpu.enqueue_dma source(%dma_start3A_244 : memref<16x721xf32, #tpu.memory_space<hbm>>) target(%arg10 : memref<16x721xf32, #tpu.memory_space<vmem>>) target_semaphore(%arg16 : memref<!tpu.dma_semaphore, #tpu.memory_space<semaphore_mem>>)
      %get3A_245 = arith.constant 12 : index
      %get3A_246 = tpu.vector_load %arg7[%get3A_245] {strides = array<i32>} : memref<384xi32, #tpu.memory_space<vmem>>, vector<16xi32>,
      %slice3A_247 = vector.extract_strided_slice %get3A_246 {offsets = [0], sizes = [1], strides = [1]} : vector<16xi32> to vector<1xi32>
      %squeeze3A_248 = vector.extract %slice3A_247[0] : i32 from vector<1xi32>
      %jit3A_249 = arith.constant 16 : i32
      %div3A_250 = arith.divsi %squeeze3A_248, %jit3A_249 : i32
      %sign3A_251 = arith.constant 0 : i32
      %sign3A_252 = arith.cmpi sgt, %squeeze3A_248, %sign3A_251 : i32
      %sign3A_253 = arith.extui %sign3A_252 : i1 to i32
      %sign3A_254 = arith.constant 0 : i32
      %sign3A_255 = arith.cmpi slt, %squeeze3A_248, %sign3A_254 : i32
      %sign3A_256 = arith.extui %sign3A_255 : i1 to i32
      %sign3A_257 = arith.subi %sign3A_253, %sign3A_256 : i32
      %sign3A_258 = arith.constant 0 : i32
      %sign3A_259 = arith.cmpi sgt, %jit3A_249, %sign3A_258 : i32
      %sign3A_260 = arith.extui %sign3A_259 : i1 to i32
      %sign3A_261 = arith.constant 0 : i32
      %sign3A_262 = arith.cmpi slt, %jit3A_249, %sign3A_261 : i32
      %sign3A_263 = arith.extui %sign3A_262 : i1 to i32
      %sign3A_264 = arith.subi %sign3A_260, %sign3A_263 : i32
      %ne3A_265 = arith.cmpi ne, %sign3A_257, %sign3A_264 : i32
      %rem3A_266 = arith.remsi %squeeze3A_248, %jit3A_249 : i32
      %ne3A_267 = arith.constant 0 : i32
      %ne3A_268 = arith.cmpi ne, %rem3A_266, %ne3A_267 : i32
      %and3A_269 = arith.andi %ne3A_265, %ne3A_268 : i1
      %sub3A_270 = arith.constant 1 : i32
      %sub3A_271 = arith.subi %div3A_250, %sub3A_270 : i32
      %select_n3A_272 = arith.select %and3A_269, %sub3A_271, %div3A_250 : i32
      %mul3A_273 = arith.constant 16 : i32
      %mul3A_274 = arith.muli %select_n3A_272, %mul3A_273 : i32
      %multiple_of3A_275 = tpu.assume_multiple %mul3A_274, 16 : i32
      %dma_start3A_276 = arith.constant 0 : i32
      %dma_start3A_277 = tpu.memref_slice %arg2[%select_n3A, %select_n3A_137, %multiple_of3A_275, %dma_start3A_276] : memref<2x32x1440x721xf32, #tpu.memory_space<hbm>> -> memref<1x1x16x721xf32, #tpu.memory_space<hbm>>
      %dma_start3A_278 = tpu.memref_squeeze %dma_start3A_277 : memref<1x1x16x721xf32, #tpu.memory_space<hbm>> -> memref<16x721xf32, #tpu.memory_space<hbm>>
      %dma_start3A_279 = arith.constant 0 : i32
      %dma_start3A_280 = tpu.memref_slice %arg2[%select_n3A, %select_n3A_137, %multiple_of3A_275, %dma_start3A_279] : memref<2x32x1440x721xf32, #tpu.memory_space<hbm>> -> memref<1x1x16x721xf32, #tpu.memory_space<hbm>>
      %dma_start3A_281 = tpu.memref_squeeze %dma_start3A_280 : memref<1x1x16x721xf32, #tpu.memory_space<hbm>> -> memref<16x721xf32, #tpu.memory_space<hbm>>
      tpu.enqueue_dma source(%dma_start3A_281 : memref<16x721xf32, #tpu.memory_space<hbm>>) target(%arg11 : memref<16x721xf32, #tpu.memory_space<vmem>>) target_semaphore(%arg17 : memref<!tpu.dma_semaphore, #tpu.memory_space<semaphore_mem>>)
      %gt3A = arith.constant 0 : i32
      %gt3A_282 = arith.cmpi sgt, %scan3A_104, %gt3A : i32
      %convert_element_type3A = arith.extui %gt3A_282 : i1 to i32
      %cond3A = arith.constant 0 : i32
      %cond3A_283 = arith.cmpi ne, %convert_element_type3A, %cond3A : i32
      scf.if %cond3A_283 {
        %dma_wait3A_296 = arith.constant 0 : i32
        %dma_wait3A_297 = tpu.memref_slice %arg5[%dma_wait3A_296] : memref<4170240xf32, #tpu.memory_space<hbm>> -> memref<65160xf32, #tpu.memory_space<hbm>>
        %dma_wait3A_298 = arith.constant 0 : i32
        %dma_wait3A_299 = tpu.memref_slice %arg5[%dma_wait3A_298] : memref<4170240xf32, #tpu.memory_space<hbm>> -> memref<65160xf32, #tpu.memory_space<hbm>>
        tpu.wait_dma2 semaphore(%arg19 : memref<!tpu.dma_semaphore, #tpu.memory_space<semaphore_mem>>) src(%dma_wait3A_299 : memref<65160xf32, #tpu.memory_space<hbm>>) dst(%arg13 : memref<65160xf32, #tpu.memory_space<vmem>>)
      } else {
      }
      %scan3A_284 = arith.constant 0 : i32
      %scan3A_285 = arith.constant 0 : i32
      %scan3A_286 = arith.constant 18 : i32
      %scan3A_287 = arith.addi %scan3A_285, %scan3A_286 : i32
      %scan3A_288 = arith.constant 1 : i32
      scf.for %scan3A_296 = %scan3A_285 to %scan3A_287 step %scan3A_288  : i32 {
        %mul3A_297 = arith.constant 5 : i32
        %mul3A_298 = arith.muli %mul3A_297, %scan3A_296 : i32
        %add3A_299 = arith.constant 0 : i32
        %add3A_300 = arith.addi %mul3A_298, %add3A_299 : i32
        %add3A_301 = arith.constant 4 : i32
        %add3A_302 = arith.addi %add3A_300, %add3A_301 : i32
        %mul3A_303 = arith.constant 4 : i32
        %mul3A_304 = arith.muli %mul3A_303, %add3A_302 : i32
        %get3A_305 = arith.index_cast %mul3A_304 : i32 to index
        %get3A_306 = tpu.vector_load %arg7[%get3A_305] {strides = array<i32>} : memref<384xi32, #tpu.memory_space<vmem>>, vector<16xi32>,
        %slice3A_307 = vector.extract_strided_slice %get3A_306 {offsets = [0], sizes = [1], strides = [1]} : vector<16xi32> to vector<1xi32>
        %squeeze3A_308 = vector.extract %slice3A_307[0] : i32 from vector<1xi32>
        %jit3A_309 = arith.constant 16 : i32
        %div3A_310 = arith.divsi %squeeze3A_308, %jit3A_309 : i32
        %sign3A_311 = arith.constant 0 : i32
        %sign3A_312 = arith.cmpi sgt, %squeeze3A_308, %sign3A_311 : i32
        %sign3A_313 = arith.extui %sign3A_312 : i1 to i32
        %sign3A_314 = arith.constant 0 : i32
        %sign3A_315 = arith.cmpi slt, %squeeze3A_308, %sign3A_314 : i32
        %sign3A_316 = arith.extui %sign3A_315 : i1 to i32
        %sign3A_317 = arith.subi %sign3A_313, %sign3A_316 : i32
        %sign3A_318 = arith.constant 0 : i32
        %sign3A_319 = arith.cmpi sgt, %jit3A_309, %sign3A_318 : i32
        %sign3A_320 = arith.extui %sign3A_319 : i1 to i32
        %sign3A_321 = arith.constant 0 : i32
        %sign3A_322 = arith.cmpi slt, %jit3A_309, %sign3A_321 : i32
        %sign3A_323 = arith.extui %sign3A_322 : i1 to i32
        %sign3A_324 = arith.subi %sign3A_320, %sign3A_323 : i32
        %ne3A_325 = arith.cmpi ne, %sign3A_317, %sign3A_324 : i32
        %rem3A_326 = arith.remsi %squeeze3A_308, %jit3A_309 : i32
        %ne3A_327 = arith.constant 0 : i32
        %ne3A_328 = arith.cmpi ne, %rem3A_326, %ne3A_327 : i32
        %and3A_329 = arith.andi %ne3A_325, %ne3A_328 : i1
        %sub3A_330 = arith.constant 1 : i32
        %sub3A_331 = arith.subi %div3A_310, %sub3A_330 : i32
        %select_n3A_332 = arith.select %and3A_329, %sub3A_331, %div3A_310 : i32
        %mul3A_333 = arith.constant 16 : i32
        %mul3A_334 = arith.muli %select_n3A_332, %mul3A_333 : i32
        %multiple_of3A_335 = tpu.assume_multiple %mul3A_334, 16 : i32
        %dma_start3A_336 = arith.constant 0 : i32
        %dma_start3A_337 = tpu.memref_slice %arg2[%select_n3A, %select_n3A_137, %multiple_of3A_335, %dma_start3A_336] : memref<2x32x1440x721xf32, #tpu.memory_space<hbm>> -> memref<1x1x16x721xf32, #tpu.memory_space<hbm>>
        %dma_start3A_338 = tpu.memref_squeeze %dma_start3A_337 : memref<1x1x16x721xf32, #tpu.memory_space<hbm>> -> memref<16x721xf32, #tpu.memory_space<hbm>>
        %dma_start3A_339 = arith.constant 0 : i32
        %dma_start3A_340 = tpu.memref_slice %arg2[%select_n3A, %select_n3A_137, %multiple_of3A_335, %dma_start3A_339] : memref<2x32x1440x721xf32, #tpu.memory_space<hbm>> -> memref<1x1x16x721xf32, #tpu.memory_space<hbm>>
        %dma_start3A_341 = tpu.memref_squeeze %dma_start3A_340 : memref<1x1x16x721xf32, #tpu.memory_space<hbm>> -> memref<16x721xf32, #tpu.memory_space<hbm>>
        tpu.enqueue_dma source(%dma_start3A_341 : memref<16x721xf32, #tpu.memory_space<hbm>>) target(%arg12 : memref<16x721xf32, #tpu.memory_space<vmem>>) target_semaphore(%arg18 : memref<!tpu.dma_semaphore, #tpu.memory_space<semaphore_mem>>)
        %dma_wait3A_342 = arith.constant 0 : i32
        %dma_wait3A_343 = arith.constant 0 : i32
        %dma_wait3A_344 = arith.constant 0 : i32
        %dma_wait3A_345 = arith.constant 0 : i32
        %dma_wait3A_346 = tpu.memref_slice %arg2[%dma_wait3A_342, %dma_wait3A_343, %dma_wait3A_344, %dma_wait3A_345] : memref<2x32x1440x721xf32, #tpu.memory_space<hbm>> -> memref<1x1x16x721xf32, #tpu.memory_space<hbm>>
        %dma_wait3A_347 = tpu.memref_squeeze %dma_wait3A_346 : memref<1x1x16x721xf32, #tpu.memory_space<hbm>> -> memref<16x721xf32, #tpu.memory_space<hbm>>
        %dma_wait3A_348 = arith.constant 0 : i32
        %dma_wait3A_349 = arith.constant 0 : i32
        %dma_wait3A_350 = tpu.memref_slice %arg2[%dma_wait3A_342, %dma_wait3A_343, %dma_wait3A_348, %dma_wait3A_349] : memref<2x32x1440x721xf32, #tpu.memory_space<hbm>> -> memref<1x1x16x721xf32, #tpu.memory_space<hbm>>
        %dma_wait3A_351 = tpu.memref_squeeze %dma_wait3A_350 : memref<1x1x16x721xf32, #tpu.memory_space<hbm>> -> memref<16x721xf32, #tpu.memory_space<hbm>>
        tpu.wait_dma2 semaphore(%arg14 : memref<!tpu.dma_semaphore, #tpu.memory_space<semaphore_mem>>) src(%dma_wait3A_351 : memref<16x721xf32, #tpu.memory_space<hbm>>) dst(%arg8 : memref<16x721xf32, #tpu.memory_space<vmem>>)
        %mul3A_352 = arith.constant 4 : i32
        %mul3A_353 = arith.muli %mul3A_352, %add3A_300 : i32
        %get3A_354 = arith.index_cast %mul3A_353 : i32 to index
        %get3A_355 = tpu.vector_load %arg7[%get3A_354] {strides = array<i32>} : memref<384xi32, #tpu.memory_space<vmem>>, vector<16xi32>,
        %mul3A_356 = arith.constant 0 : i32
        %mul3A_357 = vector.broadcast %mul3A_356 : i32 to vector<16xi32>
        %mul3A_358 = arith.muli %iota3A, %mul3A_357 : vector<16xi32>
        %slice3A_359 = vector.extract_strided_slice %get3A_355 {offsets = [0], sizes = [1], strides = [1]} : vector<16xi32> to vector<1xi32>
        %squeeze3A_360 = vector.extract %slice3A_359[0] : i32 from vector<1xi32>
        %jit3A_361 = arith.constant 16 : i32
        %eq3A_362 = arith.constant 0 : i32
        %eq3A_363 = arith.cmpi eq, %jit3A_361, %eq3A_362 : i32
        %jit3A_364 = arith.constant 1 : i32
        %select_n3A_365 = arith.select %eq3A_363, %jit3A_364, %jit3A_361 : i32
        %rem3A_366 = arith.remsi %squeeze3A_360, %select_n3A_365 : i32
        %ne3A_367 = arith.constant 0 : i32
        %ne3A_368 = arith.cmpi ne, %rem3A_366, %ne3A_367 : i32
        %lt3A_369 = arith.constant 0 : i32
        %lt3A_370 = arith.cmpi slt, %rem3A_366, %lt3A_369 : i32
        %lt3A_371 = arith.constant 0 : i32
        %lt3A_372 = arith.cmpi slt, %select_n3A_365, %lt3A_371 : i32
        %ne3A_373 = arith.xori %lt3A_370, %lt3A_372 : i1
        %and3A_374 = arith.andi %ne3A_373, %ne3A_368 : i1
        %add3A_375 = arith.addi %rem3A_366, %select_n3A_365 : i32
        %select_n3A_376 = arith.select %and3A_374, %add3A_375, %rem3A_366 : i32
        %add3A_377 = vector.broadcast %select_n3A_376 : i32 to vector<16xi32>
        %add3A_378 = arith.addi %mul3A_358, %add3A_377 : vector<16xi32>
        %mul3A_379 = arith.constant 0 : i32
        %mul3A_380 = vector.broadcast %mul3A_379 : i32 to vector<16xi32>
        %mul3A_381 = arith.muli %iota3A, %mul3A_380 : vector<16xi32>
        %slice3A_382 = vector.extract_strided_slice %get3A_355 {offsets = [1], sizes = [1], strides = [1]} : vector<16xi32> to vector<1xi32>
        %squeeze3A_383 = vector.extract %slice3A_382[0] : i32 from vector<1xi32>
        %jit3A_384 = arith.constant 16 : i32
        %eq3A_385 = arith.constant 0 : i32
        %eq3A_386 = arith.cmpi eq, %jit3A_384, %eq3A_385 : i32
        %jit3A_387 = arith.constant 1 : i32
        %select_n3A_388 = arith.select %eq3A_386, %jit3A_387, %jit3A_384 : i32
        %rem3A_389 = arith.remsi %squeeze3A_383, %select_n3A_388 : i32
        %ne3A_390 = arith.constant 0 : i32
        %ne3A_391 = arith.cmpi ne, %rem3A_389, %ne3A_390 : i32
        %lt3A_392 = arith.constant 0 : i32
        %lt3A_393 = arith.cmpi slt, %rem3A_389, %lt3A_392 : i32
        %lt3A_394 = arith.constant 0 : i32
        %lt3A_395 = arith.cmpi slt, %select_n3A_388, %lt3A_394 : i32
        %ne3A_396 = arith.xori %lt3A_393, %lt3A_395 : i1
        %and3A_397 = arith.andi %ne3A_396, %ne3A_391 : i1
        %add3A_398 = arith.addi %rem3A_389, %select_n3A_388 : i32
        %select_n3A_399 = arith.select %and3A_397, %add3A_398, %rem3A_389 : i32
        %add3A_400 = vector.broadcast %select_n3A_399 : i32 to vector<16xi32>
        %add3A_401 = arith.addi %mul3A_381, %add3A_400 : vector<16xi32>
        %mul3A_402 = arith.constant 0 : i32
        %mul3A_403 = vector.broadcast %mul3A_402 : i32 to vector<16xi32>
        %mul3A_404 = arith.muli %iota3A, %mul3A_403 : vector<16xi32>
        %slice3A_405 = vector.extract_strided_slice %get3A_355 {offsets = [2], sizes = [1], strides = [1]} : vector<16xi32> to vector<1xi32>
        %squeeze3A_406 = vector.extract %slice3A_405[0] : i32 from vector<1xi32>
        %jit3A_407 = arith.constant 16 : i32
        %eq3A_408 = arith.constant 0 : i32
        %eq3A_409 = arith.cmpi eq, %jit3A_407, %eq3A_408 : i32
        %jit3A_410 = arith.constant 1 : i32
        %select_n3A_411 = arith.select %eq3A_409, %jit3A_410, %jit3A_407 : i32
        %rem3A_412 = arith.remsi %squeeze3A_406, %select_n3A_411 : i32
        %ne3A_413 = arith.constant 0 : i32
        %ne3A_414 = arith.cmpi ne, %rem3A_412, %ne3A_413 : i32
        %lt3A_415 = arith.constant 0 : i32
        %lt3A_416 = arith.cmpi slt, %rem3A_412, %lt3A_415 : i32
        %lt3A_417 = arith.constant 0 : i32
        %lt3A_418 = arith.cmpi slt, %select_n3A_411, %lt3A_417 : i32
        %ne3A_419 = arith.xori %lt3A_416, %lt3A_418 : i1
        %and3A_420 = arith.andi %ne3A_419, %ne3A_414 : i1
        %add3A_421 = arith.addi %rem3A_412, %select_n3A_411 : i32
        %select_n3A_422 = arith.select %and3A_420, %add3A_421, %rem3A_412 : i32
        %add3A_423 = vector.broadcast %select_n3A_422 : i32 to vector<16xi32>
        %add3A_424 = arith.addi %mul3A_404, %add3A_423 : vector<16xi32>
        %mul3A_425 = arith.constant 0 : i32
        %mul3A_426 = vector.broadcast %mul3A_425 : i32 to vector<16xi32>
        %mul3A_427 = arith.muli %iota3A, %mul3A_426 : vector<16xi32>
        %slice3A_428 = vector.extract_strided_slice %get3A_355 {offsets = [3], sizes = [1], strides = [1]} : vector<16xi32> to vector<1xi32>
        %squeeze3A_429 = vector.extract %slice3A_428[0] : i32 from vector<1xi32>
        %jit3A_430 = arith.constant 16 : i32
        %eq3A_431 = arith.constant 0 : i32
        %eq3A_432 = arith.cmpi eq, %jit3A_430, %eq3A_431 : i32
        %jit3A_433 = arith.constant 1 : i32
        %select_n3A_434 = arith.select %eq3A_432, %jit3A_433, %jit3A_430 : i32
        %rem3A_435 = arith.remsi %squeeze3A_429, %select_n3A_434 : i32
        %ne3A_436 = arith.constant 0 : i32
        %ne3A_437 = arith.cmpi ne, %rem3A_435, %ne3A_436 : i32
        %lt3A_438 = arith.constant 0 : i32
        %lt3A_439 = arith.cmpi slt, %rem3A_435, %lt3A_438 : i32
        %lt3A_440 = arith.constant 0 : i32
        %lt3A_441 = arith.cmpi slt, %select_n3A_434, %lt3A_440 : i32
        %ne3A_442 = arith.xori %lt3A_439, %lt3A_441 : i1
        %and3A_443 = arith.andi %ne3A_442, %ne3A_437 : i1
        %add3A_444 = arith.addi %rem3A_435, %select_n3A_434 : i32
        %select_n3A_445 = arith.select %and3A_443, %add3A_444, %rem3A_435 : i32
        %add3A_446 = vector.broadcast %select_n3A_445 : i32 to vector<16xi32>
        %add3A_447 = arith.addi %mul3A_427, %add3A_446 : vector<16xi32>
        %mul3A_448 = arith.constant 4 : i32
        %mul3A_449 = arith.muli %mul3A_448, %add3A_300 : i32
        %add3A_450 = vector.broadcast %mul3A_449 : i32 to vector<16xi32>
        %add3A_451 = arith.addi %mul3A_29, %add3A_450 : vector<16xi32>
        %gather3A = tpu.vector_load_idx %arg8[%add3A_378, %get3A_1] : memref<16x721xf32, #tpu.memory_space<vmem>>[vector<16xi32>, vector<16xi32>], vector<16xf32>,
        %add3A_452 = arith.constant 0 : i32
        %add3A_453 = vector.broadcast %add3A_452 : i32 to vector<16xi32>
        %add3A_454 = arith.addi %add3A_451, %add3A_453 : vector<16xi32>
        tpu.vector_store_idx %arg13[%add3A_454], %gather3A : memref<65160xf32, #tpu.memory_space<vmem>>[vector<16xi32>], vector<16xf32>,
        %gather3A_455 = tpu.vector_load_idx %arg8[%add3A_401, %get3A_1] : memref<16x721xf32, #tpu.memory_space<vmem>>[vector<16xi32>, vector<16xi32>], vector<16xf32>,
        %add3A_456 = arith.constant 1 : i32
        %add3A_457 = vector.broadcast %add3A_456 : i32 to vector<16xi32>
        %add3A_458 = arith.addi %add3A_451, %add3A_457 : vector<16xi32>
        tpu.vector_store_idx %arg13[%add3A_458], %gather3A_455 : memref<65160xf32, #tpu.memory_space<vmem>>[vector<16xi32>], vector<16xf32>,
        %gather3A_459 = tpu.vector_load_idx %arg8[%add3A_424, %get3A_1] : memref<16x721xf32, #tpu.memory_space<vmem>>[vector<16xi32>, vector<16xi32>], vector<16xf32>,
        %add3A_460 = arith.constant 2 : i32
        %add3A_461 = vector.broadcast %add3A_460 : i32 to vector<16xi32>
        %add3A_462 = arith.addi %add3A_451, %add3A_461 : vector<16xi32>
        tpu.vector_store_idx %arg13[%add3A_462], %gather3A_459 : memref<65160xf32, #tpu.memory_space<vmem>>[vector<16xi32>], vector<16xf32>,
        %gather3A_463 = tpu.vector_load_idx %arg8[%add3A_447, %get3A_1] : memref<16x721xf32, #tpu.memory_space<vmem>>[vector<16xi32>, vector<16xi32>], vector<16xf32>,
        %add3A_464 = arith.constant 3 : i32
        %add3A_465 = vector.broadcast %add3A_464 : i32 to vector<16xi32>
        %add3A_466 = arith.addi %add3A_451, %add3A_465 : vector<16xi32>
        tpu.vector_store_idx %arg13[%add3A_466], %gather3A_463 : memref<65160xf32, #tpu.memory_space<vmem>>[vector<16xi32>], vector<16xf32>,
        %add3A_467 = vector.broadcast %mul3A_449 : i32 to vector<16xi32>
        %add3A_468 = arith.addi %mul3A_35, %add3A_467 : vector<16xi32>
        %gather3A_469 = tpu.vector_load_idx %arg8[%add3A_378, %get3A_3] : memref<16x721xf32, #tpu.memory_space<vmem>>[vector<16xi32>, vector<16xi32>], vector<16xf32>,
        %add3A_470 = arith.constant 0 : i32
        %add3A_471 = vector.broadcast %add3A_470 : i32 to vector<16xi32>
        %add3A_472 = arith.addi %add3A_468, %add3A_471 : vector<16xi32>
        tpu.vector_store_idx %arg13[%add3A_472], %gather3A_469 : memref<65160xf32, #tpu.memory_space<vmem>>[vector<16xi32>], vector<16xf32>,
        %gather3A_473 = tpu.vector_load_idx %arg8[%add3A_401, %get3A_3] : memref<16x721xf32, #tpu.memory_space<vmem>>[vector<16xi32>, vector<16xi32>], vector<16xf32>,
        %add3A_474 = arith.constant 1 : i32
        %add3A_475 = vector.broadcast %add3A_474 : i32 to vector<16xi32>
        %add3A_476 = arith.addi %add3A_468, %add3A_475 : vector<16xi32>
        tpu.vector_store_idx %arg13[%add3A_476], %gather3A_473 : memref<65160xf32, #tpu.memory_space<vmem>>[vector<16xi32>], vector<16xf32>,
        %gather3A_477 = tpu.vector_load_idx %arg8[%add3A_424, %get3A_3] : memref<16x721xf32, #tpu.memory_space<vmem>>[vector<16xi32>, vector<16xi32>], vector<16xf32>,
        %add3A_478 = arith.constant 2 : i32
        %add3A_479 = vector.broadcast %add3A_478 : i32 to vector<16xi32>
        %add3A_480 = arith.addi %add3A_468, %add3A_479 : vector<16xi32>
        tpu.vector_store_idx %arg13[%add3A_480], %gather3A_477 : memref<65160xf32, #tpu.memory_space<vmem>>[vector<16xi32>], vector<16xf32>,
        %gather3A_481 = tpu.vector_load_idx %arg8[%add3A_447, %get3A_3] : memref<16x721xf32, #tpu.memory_space<vmem>>[vector<16xi32>, vector<16xi32>], vector<16xf32>,
        %add3A_482 = arith.constant 3 : i32
        %add3A_483 = vector.broadcast %add3A_482 : i32 to vector<16xi32>
        %add3A_484 = arith.addi %add3A_468, %add3A_483 : vector<16xi32>
        tpu.vector_store_idx %arg13[%add3A_484], %gather3A_481 : memref<65160xf32, #tpu.memory_space<vmem>>[vector<16xi32>], vector<16xf32>,
        %add3A_485 = vector.broadcast %mul3A_449 : i32 to vector<16xi32>
        %add3A_486 = arith.addi %mul3A_41, %add3A_485 : vector<16xi32>
        %gather3A_487 = tpu.vector_load_idx %arg8[%add3A_378, %get3A_5] : memref<16x721xf32, #tpu.memory_space<vmem>>[vector<16xi32>, vector<16xi32>], vector<16xf32>,
        %add3A_488 = arith.constant 0 : i32
        %add3A_489 = vector.broadcast %add3A_488 : i32 to vector<16xi32>
        %add3A_490 = arith.addi %add3A_486, %add3A_489 : vector<16xi32>
        tpu.vector_store_idx %arg13[%add3A_490], %gather3A_487 : memref<65160xf32, #tpu.memory_space<vmem>>[vector<16xi32>], vector<16xf32>,
        %gather3A_491 = tpu.vector_load_idx %arg8[%add3A_401, %get3A_5] : memref<16x721xf32, #tpu.memory_space<vmem>>[vector<16xi32>, vector<16xi32>], vector<16xf32>,
        %add3A_492 = arith.constant 1 : i32
        %add3A_493 = vector.broadcast %add3A_492 : i32 to vector<16xi32>
        %add3A_494 = arith.addi %add3A_486, %add3A_493 : vector<16xi32>
        tpu.vector_store_idx %arg13[%add3A_494], %gather3A_491 : memref<65160xf32, #tpu.memory_space<vmem>>[vector<16xi32>], vector<16xf32>,
        %gather3A_495 = tpu.vector_load_idx %arg8[%add3A_424, %get3A_5] : memref<16x721xf32, #tpu.memory_space<vmem>>[vector<16xi32>, vector<16xi32>], vector<16xf32>,
        %add3A_496 = arith.constant 2 : i32
        %add3A_497 = vector.broadcast %add3A_496 : i32 to vector<16xi32>
        %add3A_498 = arith.addi %add3A_486, %add3A_497 : vector<16xi32>
        tpu.vector_store_idx %arg13[%add3A_498], %gather3A_495 : memref<65160xf32, #tpu.memory_space<vmem>>[vector<16xi32>], vector<16xf32>,
        %gather3A_499 = tpu.vector_load_idx %arg8[%add3A_447, %get3A_5] : memref<16x721xf32, #tpu.memory_space<vmem>>[vector<16xi32>, vector<16xi32>], vector<16xf32>,
        %add3A_500 = arith.constant 3 : i32
        %add3A_501 = vector.broadcast %add3A_500 : i32 to vector<16xi32>
        %add3A_502 = arith.addi %add3A_486, %add3A_501 : vector<16xi32>
        tpu.vector_store_idx %arg13[%add3A_502], %gather3A_499 : memref<65160xf32, #tpu.memory_space<vmem>>[vector<16xi32>], vector<16xf32>,
        %add3A_503 = vector.broadcast %mul3A_449 : i32 to vector<16xi32>
        %add3A_504 = arith.addi %mul3A_47, %add3A_503 : vector<16xi32>
        %gather3A_505 = tpu.vector_load_idx %arg8[%add3A_378, %get3A_7] : memref<16x721xf32, #tpu.memory_space<vmem>>[vector<16xi32>, vector<16xi32>], vector<16xf32>,
        %add3A_506 = arith.constant 0 : i32
        %add3A_507 = vector.broadcast %add3A_506 : i32 to vector<16xi32>
        %add3A_508 = arith.addi %add3A_504, %add3A_507 : vector<16xi32>
        tpu.vector_store_idx %arg13[%add3A_508], %gather3A_505 : memref<65160xf32, #tpu.memory_space<vmem>>[vector<16xi32>], vector<16xf32>,
        %gather3A_509 = tpu.vector_load_idx %arg8[%add3A_401, %get3A_7] : memref<16x721xf32, #tpu.memory_space<vmem>>[vector<16xi32>, vector<16xi32>], vector<16xf32>,
        %add3A_510 = arith.constant 1 : i32
        %add3A_511 = vector.broadcast %add3A_510 : i32 to vector<16xi32>
        %add3A_512 = arith.addi %add3A_504, %add3A_511 : vector<16xi32>
        tpu.vector_store_idx %arg13[%add3A_512], %gather3A_509 : memref<65160xf32, #tpu.memory_space<vmem>>[vector<16xi32>], vector<16xf32>,
        %gather3A_513 = tpu.vector_load_idx %arg8[%add3A_424, %get3A_7] : memref<16x721xf32, #tpu.memory_space<vmem>>[vector<16xi32>, vector<16xi32>], vector<16xf32>,
        %add3A_514 = arith.constant 2 : i32
        %add3A_515 = vector.broadcast %add3A_514 : i32 to vector<16xi32>
        %add3A_516 = arith.addi %add3A_504, %add3A_515 : vector<16xi32>
        tpu.vector_store_idx %arg13[%add3A_516], %gather3A_513 : memref<65160xf32, #tpu.memory_space<vmem>>[vector<16xi32>], vector<16xf32>,
        %gather3A_517 = tpu.vector_load_idx %arg8[%add3A_447, %get3A_7] : memref<16x721xf32, #tpu.memory_space<vmem>>[vector<16xi32>, vector<16xi32>], vector<16xf32>,
        %add3A_518 = arith.constant 3 : i32
        %add3A_519 = vector.broadcast %add3A_518 : i32 to vector<16xi32>
        %add3A_520 = arith.addi %add3A_504, %add3A_519 : vector<16xi32>
        tpu.vector_store_idx %arg13[%add3A_520], %gather3A_517 : memref<65160xf32, #tpu.memory_space<vmem>>[vector<16xi32>], vector<16xf32>,
        %add3A_521 = vector.broadcast %mul3A_449 : i32 to vector<16xi32>
        %add3A_522 = arith.addi %mul3A_53, %add3A_521 : vector<16xi32>
        %gather3A_523 = tpu.vector_load_idx %arg8[%add3A_378, %get3A_9] : memref<16x721xf32, #tpu.memory_space<vmem>>[vector<16xi32>, vector<16xi32>], vector<16xf32>,
        %add3A_524 = arith.constant 0 : i32
        %add3A_525 = vector.broadcast %add3A_524 : i32 to vector<16xi32>
        %add3A_526 = arith.addi %add3A_522, %add3A_525 : vector<16xi32>
        tpu.vector_store_idx %arg13[%add3A_526], %gather3A_523 : memref<65160xf32, #tpu.memory_space<vmem>>[vector<16xi32>], vector<16xf32>,
        %gather3A_527 = tpu.vector_load_idx %arg8[%add3A_401, %get3A_9] : memref<16x721xf32, #tpu.memory_space<vmem>>[vector<16xi32>, vector<16xi32>], vector<16xf32>,
        %add3A_528 = arith.constant 1 : i32
        %add3A_529 = vector.broadcast %add3A_528 : i32 to vector<16xi32>
        %add3A_530 = arith.addi %add3A_522, %add3A_529 : vector<16xi32>
        tpu.vector_store_idx %arg13[%add3A_530], %gather3A_527 : memref<65160xf32, #tpu.memory_space<vmem>>[vector<16xi32>], vector<16xf32>,
        %gather3A_531 = tpu.vector_load_idx %arg8[%add3A_424, %get3A_9] : memref<16x721xf32, #tpu.memory_space<vmem>>[vector<16xi32>, vector<16xi32>], vector<16xf32>,
        %add3A_532 = arith.constant 2 : i32
        %add3A_533 = vector.broadcast %add3A_532 : i32 to vector<16xi32>
        %add3A_534 = arith.addi %add3A_522, %add3A_533 : vector<16xi32>
        tpu.vector_store_idx %arg13[%add3A_534], %gather3A_531 : memref<65160xf32, #tpu.memory_space<vmem>>[vector<16xi32>], vector<16xf32>,
        %gather3A_535 = tpu.vector_load_idx %arg8[%add3A_447, %get3A_9] : memref<16x721xf32, #tpu.memory_space<vmem>>[vector<16xi32>, vector<16xi32>], vector<16xf32>,
        %add3A_536 = arith.constant 3 : i32
        %add3A_537 = vector.broadcast %add3A_536 : i32 to vector<16xi32>
        %add3A_538 = arith.addi %add3A_522, %add3A_537 : vector<16xi32>
        tpu.vector_store_idx %arg13[%add3A_538], %gather3A_535 : memref<65160xf32, #tpu.memory_space<vmem>>[vector<16xi32>], vector<16xf32>,
        %add3A_539 = vector.broadcast %mul3A_449 : i32 to vector<16xi32>
        %add3A_540 = arith.addi %mul3A_59, %add3A_539 : vector<16xi32>
        %gather3A_541 = tpu.vector_load_idx %arg8[%add3A_378, %get3A_11] : memref<16x721xf32, #tpu.memory_space<vmem>>[vector<16xi32>, vector<16xi32>], vector<16xf32>,
        %add3A_542 = arith.constant 0 : i32
        %add3A_543 = vector.broadcast %add3A_542 : i32 to vector<16xi32>
        %add3A_544 = arith.addi %add3A_540, %add3A_543 : vector<16xi32>
        tpu.vector_store_idx %arg13[%add3A_544], %gather3A_541 : memref<65160xf32, #tpu.memory_space<vmem>>[vector<16xi32>], vector<16xf32>,
        %gather3A_545 = tpu.vector_load_idx %arg8[%add3A_401, %get3A_11] : memref<16x721xf32, #tpu.memory_space<vmem>>[vector<16xi32>, vector<16xi32>], vector<16xf32>,
        %add3A_546 = arith.constant 1 : i32
        %add3A_547 = vector.broadcast %add3A_546 : i32 to vector<16xi32>
        %add3A_548 = arith.addi %add3A_540, %add3A_547 : vector<16xi32>
        tpu.vector_store_idx %arg13[%add3A_548], %gather3A_545 : memref<65160xf32, #tpu.memory_space<vmem>>[vector<16xi32>], vector<16xf32>,
        %gather3A_549 = tpu.vector_load_idx %arg8[%add3A_424, %get3A_11] : memref<16x721xf32, #tpu.memory_space<vmem>>[vector<16xi32>, vector<16xi32>], vector<16xf32>,
        %add3A_550 = arith.constant 2 : i32
        %add3A_551 = vector.broadcast %add3A_550 : i32 to vector<16xi32>
        %add3A_552 = arith.addi %add3A_540, %add3A_551 : vector<16xi32>
        tpu.vector_store_idx %arg13[%add3A_552], %gather3A_549 : memref<65160xf32, #tpu.memory_space<vmem>>[vector<16xi32>], vector<16xf32>,
        %gather3A_553 = tpu.vector_load_idx %arg8[%add3A_447, %get3A_11] : memref<16x721xf32, #tpu.memory_space<vmem>>[vector<16xi32>, vector<16xi32>], vector<16xf32>,
        %add3A_554 = arith.constant 3 : i32
        %add3A_555 = vector.broadcast %add3A_554 : i32 to vector<16xi32>
        %add3A_556 = arith.addi %add3A_540, %add3A_555 : vector<16xi32>
        tpu.vector_store_idx %arg13[%add3A_556], %gather3A_553 : memref<65160xf32, #tpu.memory_space<vmem>>[vector<16xi32>], vector<16xf32>,
        %add3A_557 = vector.broadcast %mul3A_449 : i32 to vector<16xi32>
        %add3A_558 = arith.addi %mul3A_65, %add3A_557 : vector<16xi32>
        %gather3A_559 = tpu.vector_load_idx %arg8[%add3A_378, %get3A_13] : memref<16x721xf32, #tpu.memory_space<vmem>>[vector<16xi32>, vector<16xi32>], vector<16xf32>,
        %add3A_560 = arith.constant 0 : i32
        %add3A_561 = vector.broadcast %add3A_560 : i32 to vector<16xi32>
        %add3A_562 = arith.addi %add3A_558, %add3A_561 : vector<16xi32>
        tpu.vector_store_idx %arg13[%add3A_562], %gather3A_559 : memref<65160xf32, #tpu.memory_space<vmem>>[vector<16xi32>], vector<16xf32>,
        %gather3A_563 = tpu.vector_load_idx %arg8[%add3A_401, %get3A_13] : memref<16x721xf32, #tpu.memory_space<vmem>>[vector<16xi32>, vector<16xi32>], vector<16xf32>,
        %add3A_564 = arith.constant 1 : i32
        %add3A_565 = vector.broadcast %add3A_564 : i32 to vector<16xi32>
        %add3A_566 = arith.addi %add3A_558, %add3A_565 : vector<16xi32>
        tpu.vector_store_idx %arg13[%add3A_566], %gather3A_563 : memref<65160xf32, #tpu.memory_space<vmem>>[vector<16xi32>], vector<16xf32>,
        %gather3A_567 = tpu.vector_load_idx %arg8[%add3A_424, %get3A_13] : memref<16x721xf32, #tpu.memory_space<vmem>>[vector<16xi32>, vector<16xi32>], vector<16xf32>,
        %add3A_568 = arith.constant 2 : i32
        %add3A_569 = vector.broadcast %add3A_568 : i32 to vector<16xi32>
        %add3A_570 = arith.addi %add3A_558, %add3A_569 : vector<16xi32>
        tpu.vector_store_idx %arg13[%add3A_570], %gather3A_567 : memref<65160xf32, #tpu.memory_space<vmem>>[vector<16xi32>], vector<16xf32>,
        %gather3A_571 = tpu.vector_load_idx %arg8[%add3A_447, %get3A_13] : memref<16x721xf32, #tpu.memory_space<vmem>>[vector<16xi32>, vector<16xi32>], vector<16xf32>,
        %add3A_572 = arith.constant 3 : i32
        %add3A_573 = vector.broadcast %add3A_572 : i32 to vector<16xi32>
        %add3A_574 = arith.addi %add3A_558, %add3A_573 : vector<16xi32>
        tpu.vector_store_idx %arg13[%add3A_574], %gather3A_571 : memref<65160xf32, #tpu.memory_space<vmem>>[vector<16xi32>], vector<16xf32>,
        %add3A_575 = vector.broadcast %mul3A_449 : i32 to vector<16xi32>
        %add3A_576 = arith.addi %mul3A_71, %add3A_575 : vector<16xi32>
        %gather3A_577 = tpu.vector_load_idx %arg8[%add3A_378, %get3A_15] : memref<16x721xf32, #tpu.memory_space<vmem>>[vector<16xi32>, vector<16xi32>], vector<16xf32>,
        %add3A_578 = arith.constant 0 : i32
        %add3A_579 = vector.broadcast %add3A_578 : i32 to vector<16xi32>
        %add3A_580 = arith.addi %add3A_576, %add3A_579 : vector<16xi32>
        tpu.vector_store_idx %arg13[%add3A_580], %gather3A_577 : memref<65160xf32, #tpu.memory_space<vmem>>[vector<16xi32>], vector<16xf32>,
        %gather3A_581 = tpu.vector_load_idx %arg8[%add3A_401, %get3A_15] : memref<16x721xf32, #tpu.memory_space<vmem>>[vector<16xi32>, vector<16xi32>], vector<16xf32>,
        %add3A_582 = arith.constant 1 : i32
        %add3A_583 = vector.broadcast %add3A_582 : i32 to vector<16xi32>
        %add3A_584 = arith.addi %add3A_576, %add3A_583 : vector<16xi32>
        tpu.vector_store_idx %arg13[%add3A_584], %gather3A_581 : memref<65160xf32, #tpu.memory_space<vmem>>[vector<16xi32>], vector<16xf32>,
        %gather3A_585 = tpu.vector_load_idx %arg8[%add3A_424, %get3A_15] : memref<16x721xf32, #tpu.memory_space<vmem>>[vector<16xi32>, vector<16xi32>], vector<16xf32>,
        %add3A_586 = arith.constant 2 : i32
        %add3A_587 = vector.broadcast %add3A_586 : i32 to vector<16xi32>
        %add3A_588 = arith.addi %add3A_576, %add3A_587 : vector<16xi32>
        tpu.vector_store_idx %arg13[%add3A_588], %gather3A_585 : memref<65160xf32, #tpu.memory_space<vmem>>[vector<16xi32>], vector<16xf32>,
        %gather3A_589 = tpu.vector_load_idx %arg8[%add3A_447, %get3A_15] : memref<16x721xf32, #tpu.memory_space<vmem>>[vector<16xi32>, vector<16xi32>], vector<16xf32>,
        %add3A_590 = arith.constant 3 : i32
        %add3A_591 = vector.broadcast %add3A_590 : i32 to vector<16xi32>
        %add3A_592 = arith.addi %add3A_576, %add3A_591 : vector<16xi32>
        tpu.vector_store_idx %arg13[%add3A_592], %gather3A_589 : memref<65160xf32, #tpu.memory_space<vmem>>[vector<16xi32>], vector<16xf32>,
        %add3A_593 = vector.broadcast %mul3A_449 : i32 to vector<16xi32>
        %add3A_594 = arith.addi %mul3A_77, %add3A_593 : vector<16xi32>
        %gather3A_595 = tpu.vector_load_idx %arg8[%add3A_378, %get3A_17] : memref<16x721xf32, #tpu.memory_space<vmem>>[vector<16xi32>, vector<16xi32>], vector<16xf32>,
        %add3A_596 = arith.constant 0 : i32
        %add3A_597 = vector.broadcast %add3A_596 : i32 to vector<16xi32>
        %add3A_598 = arith.addi %add3A_594, %add3A_597 : vector<16xi32>
        tpu.vector_store_idx %arg13[%add3A_598], %gather3A_595 : memref<65160xf32, #tpu.memory_space<vmem>>[vector<16xi32>], vector<16xf32>,
        %gather3A_599 = tpu.vector_load_idx %arg8[%add3A_401, %get3A_17] : memref<16x721xf32, #tpu.memory_space<vmem>>[vector<16xi32>, vector<16xi32>], vector<16xf32>,
        %add3A_600 = arith.constant 1 : i32
        %add3A_601 = vector.broadcast %add3A_600 : i32 to vector<16xi32>
        %add3A_602 = arith.addi %add3A_594, %add3A_601 : vector<16xi32>
        tpu.vector_store_idx %arg13[%add3A_602], %gather3A_599 : memref<65160xf32, #tpu.memory_space<vmem>>[vector<16xi32>], vector<16xf32>,
        %gather3A_603 = tpu.vector_load_idx %arg8[%add3A_424, %get3A_17] : memref<16x721xf32, #tpu.memory_space<vmem>>[vector<16xi32>, vector<16xi32>], vector<16xf32>,
        %add3A_604 = arith.constant 2 : i32
        %add3A_605 = vector.broadcast %add3A_604 : i32 to vector<16xi32>
        %add3A_606 = arith.addi %add3A_594, %add3A_605 : vector<16xi32>
        tpu.vector_store_idx %arg13[%add3A_606], %gather3A_603 : memref<65160xf32, #tpu.memory_space<vmem>>[vector<16xi32>], vector<16xf32>,
        %gather3A_607 = tpu.vector_load_idx %arg8[%add3A_447, %get3A_17] : memref<16x721xf32, #tpu.memory_space<vmem>>[vector<16xi32>, vector<16xi32>], vector<16xf32>,
        %add3A_608 = arith.constant 3 : i32
        %add3A_609 = vector.broadcast %add3A_608 : i32 to vector<16xi32>
        %add3A_610 = arith.addi %add3A_594, %add3A_609 : vector<16xi32>
        tpu.vector_store_idx %arg13[%add3A_610], %gather3A_607 : memref<65160xf32, #tpu.memory_space<vmem>>[vector<16xi32>], vector<16xf32>,
        %add3A_611 = vector.broadcast %mul3A_449 : i32 to vector<16xi32>
        %add3A_612 = arith.addi %mul3A_83, %add3A_611 : vector<16xi32>
        %gather3A_613 = tpu.vector_load_idx %arg8[%add3A_378, %get3A_19] : memref<16x721xf32, #tpu.memory_space<vmem>>[vector<16xi32>, vector<16xi32>], vector<16xf32>,
        %add3A_614 = arith.constant 0 : i32
        %add3A_615 = vector.broadcast %add3A_614 : i32 to vector<16xi32>
        %add3A_616 = arith.addi %add3A_612, %add3A_615 : vector<16xi32>
        tpu.vector_store_idx %arg13[%add3A_616], %gather3A_613 : memref<65160xf32, #tpu.memory_space<vmem>>[vector<16xi32>], vector<16xf32>,
        %gather3A_617 = tpu.vector_load_idx %arg8[%add3A_401, %get3A_19] : memref<16x721xf32, #tpu.memory_space<vmem>>[vector<16xi32>, vector<16xi32>], vector<16xf32>,
        %add3A_618 = arith.constant 1 : i32
        %add3A_619 = vector.broadcast %add3A_618 : i32 to vector<16xi32>
        %add3A_620 = arith.addi %add3A_612, %add3A_619 : vector<16xi32>
        tpu.vector_store_idx %arg13[%add3A_620], %gather3A_617 : memref<65160xf32, #tpu.memory_space<vmem>>[vector<16xi32>], vector<16xf32>,
        %gather3A_621 = tpu.vector_load_idx %arg8[%add3A_424, %get3A_19] : memref<16x721xf32, #tpu.memory_space<vmem>>[vector<16xi32>, vector<16xi32>], vector<16xf32>,
        %add3A_622 = arith.constant 2 : i32
        %add3A_623 = vector.broadcast %add3A_622 : i32 to vector<16xi32>
        %add3A_624 = arith.addi %add3A_612, %add3A_623 : vector<16xi32>
        tpu.vector_store_idx %arg13[%add3A_624], %gather3A_621 : memref<65160xf32, #tpu.memory_space<vmem>>[vector<16xi32>], vector<16xf32>,
        %gather3A_625 = tpu.vector_load_idx %arg8[%add3A_447, %get3A_19] : memref<16x721xf32, #tpu.memory_space<vmem>>[vector<16xi32>, vector<16xi32>], vector<16xf32>,
        %add3A_626 = arith.constant 3 : i32
        %add3A_627 = vector.broadcast %add3A_626 : i32 to vector<16xi32>
        %add3A_628 = arith.addi %add3A_612, %add3A_627 : vector<16xi32>
        tpu.vector_store_idx %arg13[%add3A_628], %gather3A_625 : memref<65160xf32, #tpu.memory_space<vmem>>[vector<16xi32>], vector<16xf32>,
        %add3A_629 = vector.broadcast %mul3A_449 : i32 to vector<16xi32>
        %add3A_630 = arith.addi %mul3A_89, %add3A_629 : vector<16xi32>
        %gather3A_631 = tpu.vector_load_idx %arg8[%add3A_378, %get3A_21] : memref<16x721xf32, #tpu.memory_space<vmem>>[vector<16xi32>, vector<16xi32>], vector<16xf32>,
        %add3A_632 = arith.constant 0 : i32
        %add3A_633 = vector.broadcast %add3A_632 : i32 to vector<16xi32>
        %add3A_634 = arith.addi %add3A_630, %add3A_633 : vector<16xi32>
        tpu.vector_store_idx %arg13[%add3A_634], %gather3A_631 : memref<65160xf32, #tpu.memory_space<vmem>>[vector<16xi32>], vector<16xf32>,
        %gather3A_635 = tpu.vector_load_idx %arg8[%add3A_401, %get3A_21] : memref<16x721xf32, #tpu.memory_space<vmem>>[vector<16xi32>, vector<16xi32>], vector<16xf32>,
        %add3A_636 = arith.constant 1 : i32
        %add3A_637 = vector.broadcast %add3A_636 : i32 to vector<16xi32>
        %add3A_638 = arith.addi %add3A_630, %add3A_637 : vector<16xi32>
        tpu.vector_store_idx %arg13[%add3A_638], %gather3A_635 : memref<65160xf32, #tpu.memory_space<vmem>>[vector<16xi32>], vector<16xf32>,
        %gather3A_639 = tpu.vector_load_idx %arg8[%add3A_424, %get3A_21] : memref<16x721xf32, #tpu.memory_space<vmem>>[vector<16xi32>, vector<16xi32>], vector<16xf32>,
        %add3A_640 = arith.constant 2 : i32
        %add3A_641 = vector.broadcast %add3A_640 : i32 to vector<16xi32>
        %add3A_642 = arith.addi %add3A_630, %add3A_641 : vector<16xi32>
        tpu.vector_store_idx %arg13[%add3A_642], %gather3A_639 : memref<65160xf32, #tpu.memory_space<vmem>>[vector<16xi32>], vector<16xf32>,
        %gather3A_643 = tpu.vector_load_idx %arg8[%add3A_447, %get3A_21] : memref<16x721xf32, #tpu.memory_space<vmem>>[vector<16xi32>, vector<16xi32>], vector<16xf32>,
        %add3A_644 = arith.constant 3 : i32
        %add3A_645 = vector.broadcast %add3A_644 : i32 to vector<16xi32>
        %add3A_646 = arith.addi %add3A_630, %add3A_645 : vector<16xi32>
        tpu.vector_store_idx %arg13[%add3A_646], %gather3A_643 : memref<65160xf32, #tpu.memory_space<vmem>>[vector<16xi32>], vector<16xf32>,
        %add3A_647 = vector.broadcast %mul3A_449 : i32 to vector<16xi32>
        %add3A_648 = arith.addi %mul3A_95, %add3A_647 : vector<16xi32>
        %gather3A_649 = tpu.vector_load_idx %arg8[%add3A_378, %get3A_23] : memref<16x721xf32, #tpu.memory_space<vmem>>[vector<16xi32>, vector<16xi32>], vector<16xf32>,
        %add3A_650 = arith.constant 0 : i32
        %add3A_651 = vector.broadcast %add3A_650 : i32 to vector<16xi32>
        %add3A_652 = arith.addi %add3A_648, %add3A_651 : vector<16xi32>
        tpu.vector_store_idx %arg13[%add3A_652], %gather3A_649 : memref<65160xf32, #tpu.memory_space<vmem>>[vector<16xi32>], vector<16xf32>,
        %gather3A_653 = tpu.vector_load_idx %arg8[%add3A_401, %get3A_23] : memref<16x721xf32, #tpu.memory_space<vmem>>[vector<16xi32>, vector<16xi32>], vector<16xf32>,
        %add3A_654 = arith.constant 1 : i32
        %add3A_655 = vector.broadcast %add3A_654 : i32 to vector<16xi32>
        %add3A_656 = arith.addi %add3A_648, %add3A_655 : vector<16xi32>
        tpu.vector_store_idx %arg13[%add3A_656], %gather3A_653 : memref<65160xf32, #tpu.memory_space<vmem>>[vector<16xi32>], vector<16xf32>,
        %gather3A_657 = tpu.vector_load_idx %arg8[%add3A_424, %get3A_23] : memref<16x721xf32, #tpu.memory_space<vmem>>[vector<16xi32>, vector<16xi32>], vector<16xf32>,
        %add3A_658 = arith.constant 2 : i32
        %add3A_659 = vector.broadcast %add3A_658 : i32 to vector<16xi32>
        %add3A_660 = arith.addi %add3A_648, %add3A_659 : vector<16xi32>
        tpu.vector_store_idx %arg13[%add3A_660], %gather3A_657 : memref<65160xf32, #tpu.memory_space<vmem>>[vector<16xi32>], vector<16xf32>,
        %gather3A_661 = tpu.vector_load_idx %arg8[%add3A_447, %get3A_23] : memref<16x721xf32, #tpu.memory_space<vmem>>[vector<16xi32>, vector<16xi32>], vector<16xf32>,
        %add3A_662 = arith.constant 3 : i32
        %add3A_663 = vector.broadcast %add3A_662 : i32 to vector<16xi32>
        %add3A_664 = arith.addi %add3A_648, %add3A_663 : vector<16xi32>
        tpu.vector_store_idx %arg13[%add3A_664], %gather3A_661 : memref<65160xf32, #tpu.memory_space<vmem>>[vector<16xi32>], vector<16xf32>,
        %mul3A_665 = arith.constant 5 : i32
        %mul3A_666 = arith.muli %mul3A_665, %scan3A_296 : i32
        %add3A_667 = arith.constant 1 : i32
        %add3A_668 = arith.addi %mul3A_666, %add3A_667 : i32
        %lt3A_669 = arith.constant 17 : i32
        %lt3A_670 = arith.cmpi slt, %scan3A_296, %lt3A_669 : i32
        %convert_element_type3A_671 = arith.extui %lt3A_670 : i1 to i32
        %cond3A_672 = arith.constant 0 : i32
        %cond3A_673 = arith.cmpi ne, %convert_element_type3A_671, %cond3A_672 : i32
        scf.if %cond3A_673 {
          %add3A_1997 = arith.constant 4 : i32
          %add3A_1998 = arith.addi %add3A_668, %add3A_1997 : i32
          %mul3A_1999 = arith.constant 4 : i32
          %mul3A_2000 = arith.muli %mul3A_1999, %add3A_1998 : i32
          %get3A_2001 = arith.index_cast %mul3A_2000 : i32 to index
          %get3A_2002 = tpu.vector_load %arg7[%get3A_2001] {strides = array<i32>} : memref<384xi32, #tpu.memory_space<vmem>>, vector<16xi32>,
          %slice3A_2003 = vector.extract_strided_slice %get3A_2002 {offsets = [0], sizes = [1], strides = [1]} : vector<16xi32> to vector<1xi32>
          %squeeze3A_2004 = vector.extract %slice3A_2003[0] : i32 from vector<1xi32>
          %jit3A_2005 = arith.constant 16 : i32
          %div3A_2006 = arith.divsi %squeeze3A_2004, %jit3A_2005 : i32
          %sign3A_2007 = arith.constant 0 : i32
          %sign3A_2008 = arith.cmpi sgt, %squeeze3A_2004, %sign3A_2007 : i32
          %sign3A_2009 = arith.extui %sign3A_2008 : i1 to i32
          %sign3A_2010 = arith.constant 0 : i32
          %sign3A_2011 = arith.cmpi slt, %squeeze3A_2004, %sign3A_2010 : i32
          %sign3A_2012 = arith.extui %sign3A_2011 : i1 to i32
          %sign3A_2013 = arith.subi %sign3A_2009, %sign3A_2012 : i32
          %sign3A_2014 = arith.constant 0 : i32
          %sign3A_2015 = arith.cmpi sgt, %jit3A_2005, %sign3A_2014 : i32
          %sign3A_2016 = arith.extui %sign3A_2015 : i1 to i32
          %sign3A_2017 = arith.constant 0 : i32
          %sign3A_2018 = arith.cmpi slt, %jit3A_2005, %sign3A_2017 : i32
          %sign3A_2019 = arith.extui %sign3A_2018 : i1 to i32
          %sign3A_2020 = arith.subi %sign3A_2016, %sign3A_2019 : i32
          %ne3A_2021 = arith.cmpi ne, %sign3A_2013, %sign3A_2020 : i32
          %rem3A_2022 = arith.remsi %squeeze3A_2004, %jit3A_2005 : i32
          %ne3A_2023 = arith.constant 0 : i32
          %ne3A_2024 = arith.cmpi ne, %rem3A_2022, %ne3A_2023 : i32
          %and3A_2025 = arith.andi %ne3A_2021, %ne3A_2024 : i1
          %sub3A_2026 = arith.constant 1 : i32
          %sub3A_2027 = arith.subi %div3A_2006, %sub3A_2026 : i32
          %select_n3A_2028 = arith.select %and3A_2025, %sub3A_2027, %div3A_2006 : i32
          %mul3A_2029 = arith.constant 16 : i32
          %mul3A_2030 = arith.muli %select_n3A_2028, %mul3A_2029 : i32
          %multiple_of3A_2031 = tpu.assume_multiple %mul3A_2030, 16 : i32
          %dma_start3A_2032 = arith.constant 0 : i32
          %dma_start3A_2033 = tpu.memref_slice %arg2[%select_n3A, %select_n3A_137, %multiple_of3A_2031, %dma_start3A_2032] : memref<2x32x1440x721xf32, #tpu.memory_space<hbm>> -> memref<1x1x16x721xf32, #tpu.memory_space<hbm>>
          %dma_start3A_2034 = tpu.memref_squeeze %dma_start3A_2033 : memref<1x1x16x721xf32, #tpu.memory_space<hbm>> -> memref<16x721xf32, #tpu.memory_space<hbm>>
          %dma_start3A_2035 = arith.constant 0 : i32
          %dma_start3A_2036 = tpu.memref_slice %arg2[%select_n3A, %select_n3A_137, %multiple_of3A_2031, %dma_start3A_2035] : memref<2x32x1440x721xf32, #tpu.memory_space<hbm>> -> memref<1x1x16x721xf32, #tpu.memory_space<hbm>>
          %dma_start3A_2037 = tpu.memref_squeeze %dma_start3A_2036 : memref<1x1x16x721xf32, #tpu.memory_space<hbm>> -> memref<16x721xf32, #tpu.memory_space<hbm>>
          tpu.enqueue_dma source(%dma_start3A_2037 : memref<16x721xf32, #tpu.memory_space<hbm>>) target(%arg8 : memref<16x721xf32, #tpu.memory_space<vmem>>) target_semaphore(%arg14 : memref<!tpu.dma_semaphore, #tpu.memory_space<semaphore_mem>>)
        } else {
        }
        %dma_wait3A_674 = arith.constant 0 : i32
        %dma_wait3A_675 = arith.constant 0 : i32
        %dma_wait3A_676 = arith.constant 0 : i32
        %dma_wait3A_677 = arith.constant 0 : i32
        %dma_wait3A_678 = tpu.memref_slice %arg2[%dma_wait3A_674, %dma_wait3A_675, %dma_wait3A_676, %dma_wait3A_677] : memref<2x32x1440x721xf32, #tpu.memory_space<hbm>> -> memref<1x1x16x721xf32, #tpu.memory_space<hbm>>
        %dma_wait3A_679 = tpu.memref_squeeze %dma_wait3A_678 : memref<1x1x16x721xf32, #tpu.memory_space<hbm>> -> memref<16x721xf32, #tpu.memory_space<hbm>>
        %dma_wait3A_680 = arith.constant 0 : i32
        %dma_wait3A_681 = arith.constant 0 : i32
        %dma_wait3A_682 = tpu.memref_slice %arg2[%dma_wait3A_674, %dma_wait3A_675, %dma_wait3A_680, %dma_wait3A_681] : memref<2x32x1440x721xf32, #tpu.memory_space<hbm>> -> memref<1x1x16x721xf32, #tpu.memory_space<hbm>>
        %dma_wait3A_683 = tpu.memref_squeeze %dma_wait3A_682 : memref<1x1x16x721xf32, #tpu.memory_space<hbm>> -> memref<16x721xf32, #tpu.memory_space<hbm>>
        tpu.wait_dma2 semaphore(%arg15 : memref<!tpu.dma_semaphore, #tpu.memory_space<semaphore_mem>>) src(%dma_wait3A_683 : memref<16x721xf32, #tpu.memory_space<hbm>>) dst(%arg9 : memref<16x721xf32, #tpu.memory_space<vmem>>)
        %mul3A_684 = arith.constant 4 : i32
        %mul3A_685 = arith.muli %mul3A_684, %add3A_668 : i32
        %get3A_686 = arith.index_cast %mul3A_685 : i32 to index
        %get3A_687 = tpu.vector_load %arg7[%get3A_686] {strides = array<i32>} : memref<384xi32, #tpu.memory_space<vmem>>, vector<16xi32>,
        %mul3A_688 = arith.constant 0 : i32
        %mul3A_689 = vector.broadcast %mul3A_688 : i32 to vector<16xi32>
        %mul3A_690 = arith.muli %iota3A, %mul3A_689 : vector<16xi32>
        %slice3A_691 = vector.extract_strided_slice %get3A_687 {offsets = [0], sizes = [1], strides = [1]} : vector<16xi32> to vector<1xi32>
        %squeeze3A_692 = vector.extract %slice3A_691[0] : i32 from vector<1xi32>
        %jit3A_693 = arith.constant 16 : i32
        %eq3A_694 = arith.constant 0 : i32
        %eq3A_695 = arith.cmpi eq, %jit3A_693, %eq3A_694 : i32
        %jit3A_696 = arith.constant 1 : i32
        %select_n3A_697 = arith.select %eq3A_695, %jit3A_696, %jit3A_693 : i32
        %rem3A_698 = arith.remsi %squeeze3A_692, %select_n3A_697 : i32
        %ne3A_699 = arith.constant 0 : i32
        %ne3A_700 = arith.cmpi ne, %rem3A_698, %ne3A_699 : i32
        %lt3A_701 = arith.constant 0 : i32
        %lt3A_702 = arith.cmpi slt, %rem3A_698, %lt3A_701 : i32
        %lt3A_703 = arith.constant 0 : i32
        %lt3A_704 = arith.cmpi slt, %select_n3A_697, %lt3A_703 : i32
        %ne3A_705 = arith.xori %lt3A_702, %lt3A_704 : i1
        %and3A_706 = arith.andi %ne3A_705, %ne3A_700 : i1
        %add3A_707 = arith.addi %rem3A_698, %select_n3A_697 : i32
        %select_n3A_708 = arith.select %and3A_706, %add3A_707, %rem3A_698 : i32
        %add3A_709 = vector.broadcast %select_n3A_708 : i32 to vector<16xi32>
        %add3A_710 = arith.addi %mul3A_690, %add3A_709 : vector<16xi32>
        %mul3A_711 = arith.constant 0 : i32
        %mul3A_712 = vector.broadcast %mul3A_711 : i32 to vector<16xi32>
        %mul3A_713 = arith.muli %iota3A, %mul3A_712 : vector<16xi32>
        %slice3A_714 = vector.extract_strided_slice %get3A_687 {offsets = [1], sizes = [1], strides = [1]} : vector<16xi32> to vector<1xi32>
        %squeeze3A_715 = vector.extract %slice3A_714[0] : i32 from vector<1xi32>
        %jit3A_716 = arith.constant 16 : i32
        %eq3A_717 = arith.constant 0 : i32
        %eq3A_718 = arith.cmpi eq, %jit3A_716, %eq3A_717 : i32
        %jit3A_719 = arith.constant 1 : i32
        %select_n3A_720 = arith.select %eq3A_718, %jit3A_719, %jit3A_716 : i32
        %rem3A_721 = arith.remsi %squeeze3A_715, %select_n3A_720 : i32
        %ne3A_722 = arith.constant 0 : i32
        %ne3A_723 = arith.cmpi ne, %rem3A_721, %ne3A_722 : i32
        %lt3A_724 = arith.constant 0 : i32
        %lt3A_725 = arith.cmpi slt, %rem3A_721, %lt3A_724 : i32
        %lt3A_726 = arith.constant 0 : i32
        %lt3A_727 = arith.cmpi slt, %select_n3A_720, %lt3A_726 : i32
        %ne3A_728 = arith.xori %lt3A_725, %lt3A_727 : i1
        %and3A_729 = arith.andi %ne3A_728, %ne3A_723 : i1
        %add3A_730 = arith.addi %rem3A_721, %select_n3A_720 : i32
        %select_n3A_731 = arith.select %and3A_729, %add3A_730, %rem3A_721 : i32
        %add3A_732 = vector.broadcast %select_n3A_731 : i32 to vector<16xi32>
        %add3A_733 = arith.addi %mul3A_713, %add3A_732 : vector<16xi32>
        %mul3A_734 = arith.constant 0 : i32
        %mul3A_735 = vector.broadcast %mul3A_734 : i32 to vector<16xi32>
        %mul3A_736 = arith.muli %iota3A, %mul3A_735 : vector<16xi32>
        %slice3A_737 = vector.extract_strided_slice %get3A_687 {offsets = [2], sizes = [1], strides = [1]} : vector<16xi32> to vector<1xi32>
        %squeeze3A_738 = vector.extract %slice3A_737[0] : i32 from vector<1xi32>
        %jit3A_739 = arith.constant 16 : i32
        %eq3A_740 = arith.constant 0 : i32
        %eq3A_741 = arith.cmpi eq, %jit3A_739, %eq3A_740 : i32
        %jit3A_742 = arith.constant 1 : i32
        %select_n3A_743 = arith.select %eq3A_741, %jit3A_742, %jit3A_739 : i32
        %rem3A_744 = arith.remsi %squeeze3A_738, %select_n3A_743 : i32
        %ne3A_745 = arith.constant 0 : i32
        %ne3A_746 = arith.cmpi ne, %rem3A_744, %ne3A_745 : i32
        %lt3A_747 = arith.constant 0 : i32
        %lt3A_748 = arith.cmpi slt, %rem3A_744, %lt3A_747 : i32
        %lt3A_749 = arith.constant 0 : i32
        %lt3A_750 = arith.cmpi slt, %select_n3A_743, %lt3A_749 : i32
        %ne3A_751 = arith.xori %lt3A_748, %lt3A_750 : i1
        %and3A_752 = arith.andi %ne3A_751, %ne3A_746 : i1
        %add3A_753 = arith.addi %rem3A_744, %select_n3A_743 : i32
        %select_n3A_754 = arith.select %and3A_752, %add3A_753, %rem3A_744 : i32
        %add3A_755 = vector.broadcast %select_n3A_754 : i32 to vector<16xi32>
        %add3A_756 = arith.addi %mul3A_736, %add3A_755 : vector<16xi32>
        %mul3A_757 = arith.constant 0 : i32
        %mul3A_758 = vector.broadcast %mul3A_757 : i32 to vector<16xi32>
        %mul3A_759 = arith.muli %iota3A, %mul3A_758 : vector<16xi32>
        %slice3A_760 = vector.extract_strided_slice %get3A_687 {offsets = [3], sizes = [1], strides = [1]} : vector<16xi32> to vector<1xi32>
        %squeeze3A_761 = vector.extract %slice3A_760[0] : i32 from vector<1xi32>
        %jit3A_762 = arith.constant 16 : i32
        %eq3A_763 = arith.constant 0 : i32
        %eq3A_764 = arith.cmpi eq, %jit3A_762, %eq3A_763 : i32
        %jit3A_765 = arith.constant 1 : i32
        %select_n3A_766 = arith.select %eq3A_764, %jit3A_765, %jit3A_762 : i32
        %rem3A_767 = arith.remsi %squeeze3A_761, %select_n3A_766 : i32
        %ne3A_768 = arith.constant 0 : i32
        %ne3A_769 = arith.cmpi ne, %rem3A_767, %ne3A_768 : i32
        %lt3A_770 = arith.constant 0 : i32
        %lt3A_771 = arith.cmpi slt, %rem3A_767, %lt3A_770 : i32
        %lt3A_772 = arith.constant 0 : i32
        %lt3A_773 = arith.cmpi slt, %select_n3A_766, %lt3A_772 : i32
        %ne3A_774 = arith.xori %lt3A_771, %lt3A_773 : i1
        %and3A_775 = arith.andi %ne3A_774, %ne3A_769 : i1
        %add3A_776 = arith.addi %rem3A_767, %select_n3A_766 : i32
        %select_n3A_777 = arith.select %and3A_775, %add3A_776, %rem3A_767 : i32
        %add3A_778 = vector.broadcast %select_n3A_777 : i32 to vector<16xi32>
        %add3A_779 = arith.addi %mul3A_759, %add3A_778 : vector<16xi32>
        %mul3A_780 = arith.constant 4 : i32
        %mul3A_781 = arith.muli %mul3A_780, %add3A_668 : i32
        %add3A_782 = vector.broadcast %mul3A_781 : i32 to vector<16xi32>
        %add3A_783 = arith.addi %mul3A_29, %add3A_782 : vector<16xi32>
        %gather3A_784 = tpu.vector_load_idx %arg9[%add3A_710, %get3A_1] : memref<16x721xf32, #tpu.memory_space<vmem>>[vector<16xi32>, vector<16xi32>], vector<16xf32>,
        %add3A_785 = arith.constant 0 : i32
        %add3A_786 = vector.broadcast %add3A_785 : i32 to vector<16xi32>
        %add3A_787 = arith.addi %add3A_783, %add3A_786 : vector<16xi32>
        tpu.vector_store_idx %arg13[%add3A_787], %gather3A_784 : memref<65160xf32, #tpu.memory_space<vmem>>[vector<16xi32>], vector<16xf32>,
        %gather3A_788 = tpu.vector_load_idx %arg9[%add3A_733, %get3A_1] : memref<16x721xf32, #tpu.memory_space<vmem>>[vector<16xi32>, vector<16xi32>], vector<16xf32>,
        %add3A_789 = arith.constant 1 : i32
        %add3A_790 = vector.broadcast %add3A_789 : i32 to vector<16xi32>
        %add3A_791 = arith.addi %add3A_783, %add3A_790 : vector<16xi32>
        tpu.vector_store_idx %arg13[%add3A_791], %gather3A_788 : memref<65160xf32, #tpu.memory_space<vmem>>[vector<16xi32>], vector<16xf32>,
        %gather3A_792 = tpu.vector_load_idx %arg9[%add3A_756, %get3A_1] : memref<16x721xf32, #tpu.memory_space<vmem>>[vector<16xi32>, vector<16xi32>], vector<16xf32>,
        %add3A_793 = arith.constant 2 : i32
        %add3A_794 = vector.broadcast %add3A_793 : i32 to vector<16xi32>
        %add3A_795 = arith.addi %add3A_783, %add3A_794 : vector<16xi32>
        tpu.vector_store_idx %arg13[%add3A_795], %gather3A_792 : memref<65160xf32, #tpu.memory_space<vmem>>[vector<16xi32>], vector<16xf32>,
        %gather3A_796 = tpu.vector_load_idx %arg9[%add3A_779, %get3A_1] : memref<16x721xf32, #tpu.memory_space<vmem>>[vector<16xi32>, vector<16xi32>], vector<16xf32>,
        %add3A_797 = arith.constant 3 : i32
        %add3A_798 = vector.broadcast %add3A_797 : i32 to vector<16xi32>
        %add3A_799 = arith.addi %add3A_783, %add3A_798 : vector<16xi32>
        tpu.vector_store_idx %arg13[%add3A_799], %gather3A_796 : memref<65160xf32, #tpu.memory_space<vmem>>[vector<16xi32>], vector<16xf32>,
        %add3A_800 = vector.broadcast %mul3A_781 : i32 to vector<16xi32>
        %add3A_801 = arith.addi %mul3A_35, %add3A_800 : vector<16xi32>
        %gather3A_802 = tpu.vector_load_idx %arg9[%add3A_710, %get3A_3] : memref<16x721xf32, #tpu.memory_space<vmem>>[vector<16xi32>, vector<16xi32>], vector<16xf32>,
        %add3A_803 = arith.constant 0 : i32
        %add3A_804 = vector.broadcast %add3A_803 : i32 to vector<16xi32>
        %add3A_805 = arith.addi %add3A_801, %add3A_804 : vector<16xi32>
        tpu.vector_store_idx %arg13[%add3A_805], %gather3A_802 : memref<65160xf32, #tpu.memory_space<vmem>>[vector<16xi32>], vector<16xf32>,
        %gather3A_806 = tpu.vector_load_idx %arg9[%add3A_733, %get3A_3] : memref<16x721xf32, #tpu.memory_space<vmem>>[vector<16xi32>, vector<16xi32>], vector<16xf32>,
        %add3A_807 = arith.constant 1 : i32
        %add3A_808 = vector.broadcast %add3A_807 : i32 to vector<16xi32>
        %add3A_809 = arith.addi %add3A_801, %add3A_808 : vector<16xi32>
        tpu.vector_store_idx %arg13[%add3A_809], %gather3A_806 : memref<65160xf32, #tpu.memory_space<vmem>>[vector<16xi32>], vector<16xf32>,
        %gather3A_810 = tpu.vector_load_idx %arg9[%add3A_756, %get3A_3] : memref<16x721xf32, #tpu.memory_space<vmem>>[vector<16xi32>, vector<16xi32>], vector<16xf32>,
        %add3A_811 = arith.constant 2 : i32
        %add3A_812 = vector.broadcast %add3A_811 : i32 to vector<16xi32>
        %add3A_813 = arith.addi %add3A_801, %add3A_812 : vector<16xi32>
        tpu.vector_store_idx %arg13[%add3A_813], %gather3A_810 : memref<65160xf32, #tpu.memory_space<vmem>>[vector<16xi32>], vector<16xf32>,
        %gather3A_814 = tpu.vector_load_idx %arg9[%add3A_779, %get3A_3] : memref<16x721xf32, #tpu.memory_space<vmem>>[vector<16xi32>, vector<16xi32>], vector<16xf32>,
        %add3A_815 = arith.constant 3 : i32
        %add3A_816 = vector.broadcast %add3A_815 : i32 to vector<16xi32>
        %add3A_817 = arith.addi %add3A_801, %add3A_816 : vector<16xi32>
        tpu.vector_store_idx %arg13[%add3A_817], %gather3A_814 : memref<65160xf32, #tpu.memory_space<vmem>>[vector<16xi32>], vector<16xf32>,
        %add3A_818 = vector.broadcast %mul3A_781 : i32 to vector<16xi32>
        %add3A_819 = arith.addi %mul3A_41, %add3A_818 : vector<16xi32>
        %gather3A_820 = tpu.vector_load_idx %arg9[%add3A_710, %get3A_5] : memref<16x721xf32, #tpu.memory_space<vmem>>[vector<16xi32>, vector<16xi32>], vector<16xf32>,
        %add3A_821 = arith.constant 0 : i32
        %add3A_822 = vector.broadcast %add3A_821 : i32 to vector<16xi32>
        %add3A_823 = arith.addi %add3A_819, %add3A_822 : vector<16xi32>
        tpu.vector_store_idx %arg13[%add3A_823], %gather3A_820 : memref<65160xf32, #tpu.memory_space<vmem>>[vector<16xi32>], vector<16xf32>,
        %gather3A_824 = tpu.vector_load_idx %arg9[%add3A_733, %get3A_5] : memref<16x721xf32, #tpu.memory_space<vmem>>[vector<16xi32>, vector<16xi32>], vector<16xf32>,
        %add3A_825 = arith.constant 1 : i32
        %add3A_826 = vector.broadcast %add3A_825 : i32 to vector<16xi32>
        %add3A_827 = arith.addi %add3A_819, %add3A_826 : vector<16xi32>
        tpu.vector_store_idx %arg13[%add3A_827], %gather3A_824 : memref<65160xf32, #tpu.memory_space<vmem>>[vector<16xi32>], vector<16xf32>,
        %gather3A_828 = tpu.vector_load_idx %arg9[%add3A_756, %get3A_5] : memref<16x721xf32, #tpu.memory_space<vmem>>[vector<16xi32>, vector<16xi32>], vector<16xf32>,
        %add3A_829 = arith.constant 2 : i32
        %add3A_830 = vector.broadcast %add3A_829 : i32 to vector<16xi32>
        %add3A_831 = arith.addi %add3A_819, %add3A_830 : vector<16xi32>
        tpu.vector_store_idx %arg13[%add3A_831], %gather3A_828 : memref<65160xf32, #tpu.memory_space<vmem>>[vector<16xi32>], vector<16xf32>,
        %gather3A_832 = tpu.vector_load_idx %arg9[%add3A_779, %get3A_5] : memref<16x721xf32, #tpu.memory_space<vmem>>[vector<16xi32>, vector<16xi32>], vector<16xf32>,
        %add3A_833 = arith.constant 3 : i32
        %add3A_834 = vector.broadcast %add3A_833 : i32 to vector<16xi32>
        %add3A_835 = arith.addi %add3A_819, %add3A_834 : vector<16xi32>
        tpu.vector_store_idx %arg13[%add3A_835], %gather3A_832 : memref<65160xf32, #tpu.memory_space<vmem>>[vector<16xi32>], vector<16xf32>,
        %add3A_836 = vector.broadcast %mul3A_781 : i32 to vector<16xi32>
        %add3A_837 = arith.addi %mul3A_47, %add3A_836 : vector<16xi32>
        %gather3A_838 = tpu.vector_load_idx %arg9[%add3A_710, %get3A_7] : memref<16x721xf32, #tpu.memory_space<vmem>>[vector<16xi32>, vector<16xi32>], vector<16xf32>,
        %add3A_839 = arith.constant 0 : i32
        %add3A_840 = vector.broadcast %add3A_839 : i32 to vector<16xi32>
        %add3A_841 = arith.addi %add3A_837, %add3A_840 : vector<16xi32>
        tpu.vector_store_idx %arg13[%add3A_841], %gather3A_838 : memref<65160xf32, #tpu.memory_space<vmem>>[vector<16xi32>], vector<16xf32>,
        %gather3A_842 = tpu.vector_load_idx %arg9[%add3A_733, %get3A_7] : memref<16x721xf32, #tpu.memory_space<vmem>>[vector<16xi32>, vector<16xi32>], vector<16xf32>,
        %add3A_843 = arith.constant 1 : i32
        %add3A_844 = vector.broadcast %add3A_843 : i32 to vector<16xi32>
        %add3A_845 = arith.addi %add3A_837, %add3A_844 : vector<16xi32>
        tpu.vector_store_idx %arg13[%add3A_845], %gather3A_842 : memref<65160xf32, #tpu.memory_space<vmem>>[vector<16xi32>], vector<16xf32>,
        %gather3A_846 = tpu.vector_load_idx %arg9[%add3A_756, %get3A_7] : memref<16x721xf32, #tpu.memory_space<vmem>>[vector<16xi32>, vector<16xi32>], vector<16xf32>,
        %add3A_847 = arith.constant 2 : i32
        %add3A_848 = vector.broadcast %add3A_847 : i32 to vector<16xi32>
        %add3A_849 = arith.addi %add3A_837, %add3A_848 : vector<16xi32>
        tpu.vector_store_idx %arg13[%add3A_849], %gather3A_846 : memref<65160xf32, #tpu.memory_space<vmem>>[vector<16xi32>], vector<16xf32>,
        %gather3A_850 = tpu.vector_load_idx %arg9[%add3A_779, %get3A_7] : memref<16x721xf32, #tpu.memory_space<vmem>>[vector<16xi32>, vector<16xi32>], vector<16xf32>,
        %add3A_851 = arith.constant 3 : i32
        %add3A_852 = vector.broadcast %add3A_851 : i32 to vector<16xi32>
        %add3A_853 = arith.addi %add3A_837, %add3A_852 : vector<16xi32>
        tpu.vector_store_idx %arg13[%add3A_853], %gather3A_850 : memref<65160xf32, #tpu.memory_space<vmem>>[vector<16xi32>], vector<16xf32>,
        %add3A_854 = vector.broadcast %mul3A_781 : i32 to vector<16xi32>
        %add3A_855 = arith.addi %mul3A_53, %add3A_854 : vector<16xi32>
        %gather3A_856 = tpu.vector_load_idx %arg9[%add3A_710, %get3A_9] : memref<16x721xf32, #tpu.memory_space<vmem>>[vector<16xi32>, vector<16xi32>], vector<16xf32>,
        %add3A_857 = arith.constant 0 : i32
        %add3A_858 = vector.broadcast %add3A_857 : i32 to vector<16xi32>
        %add3A_859 = arith.addi %add3A_855, %add3A_858 : vector<16xi32>
        tpu.vector_store_idx %arg13[%add3A_859], %gather3A_856 : memref<65160xf32, #tpu.memory_space<vmem>>[vector<16xi32>], vector<16xf32>,
        %gather3A_860 = tpu.vector_load_idx %arg9[%add3A_733, %get3A_9] : memref<16x721xf32, #tpu.memory_space<vmem>>[vector<16xi32>, vector<16xi32>], vector<16xf32>,
        %add3A_861 = arith.constant 1 : i32
        %add3A_862 = vector.broadcast %add3A_861 : i32 to vector<16xi32>
        %add3A_863 = arith.addi %add3A_855, %add3A_862 : vector<16xi32>
        tpu.vector_store_idx %arg13[%add3A_863], %gather3A_860 : memref<65160xf32, #tpu.memory_space<vmem>>[vector<16xi32>], vector<16xf32>,
        %gather3A_864 = tpu.vector_load_idx %arg9[%add3A_756, %get3A_9] : memref<16x721xf32, #tpu.memory_space<vmem>>[vector<16xi32>, vector<16xi32>], vector<16xf32>,
        %add3A_865 = arith.constant 2 : i32
        %add3A_866 = vector.broadcast %add3A_865 : i32 to vector<16xi32>
        %add3A_867 = arith.addi %add3A_855, %add3A_866 : vector<16xi32>
        tpu.vector_store_idx %arg13[%add3A_867], %gather3A_864 : memref<65160xf32, #tpu.memory_space<vmem>>[vector<16xi32>], vector<16xf32>,
        %gather3A_868 = tpu.vector_load_idx %arg9[%add3A_779, %get3A_9] : memref<16x721xf32, #tpu.memory_space<vmem>>[vector<16xi32>, vector<16xi32>], vector<16xf32>,
        %add3A_869 = arith.constant 3 : i32
        %add3A_870 = vector.broadcast %add3A_869 : i32 to vector<16xi32>
        %add3A_871 = arith.addi %add3A_855, %add3A_870 : vector<16xi32>
        tpu.vector_store_idx %arg13[%add3A_871], %gather3A_868 : memref<65160xf32, #tpu.memory_space<vmem>>[vector<16xi32>], vector<16xf32>,
        %add3A_872 = vector.broadcast %mul3A_781 : i32 to vector<16xi32>
        %add3A_873 = arith.addi %mul3A_59, %add3A_872 : vector<16xi32>
        %gather3A_874 = tpu.vector_load_idx %arg9[%add3A_710, %get3A_11] : memref<16x721xf32, #tpu.memory_space<vmem>>[vector<16xi32>, vector<16xi32>], vector<16xf32>,
        %add3A_875 = arith.constant 0 : i32
        %add3A_876 = vector.broadcast %add3A_875 : i32 to vector<16xi32>
        %add3A_877 = arith.addi %add3A_873, %add3A_876 : vector<16xi32>
        tpu.vector_store_idx %arg13[%add3A_877], %gather3A_874 : memref<65160xf32, #tpu.memory_space<vmem>>[vector<16xi32>], vector<16xf32>,
        %gather3A_878 = tpu.vector_load_idx %arg9[%add3A_733, %get3A_11] : memref<16x721xf32, #tpu.memory_space<vmem>>[vector<16xi32>, vector<16xi32>], vector<16xf32>,
        %add3A_879 = arith.constant 1 : i32
        %add3A_880 = vector.broadcast %add3A_879 : i32 to vector<16xi32>
        %add3A_881 = arith.addi %add3A_873, %add3A_880 : vector<16xi32>
        tpu.vector_store_idx %arg13[%add3A_881], %gather3A_878 : memref<65160xf32, #tpu.memory_space<vmem>>[vector<16xi32>], vector<16xf32>,
        %gather3A_882 = tpu.vector_load_idx %arg9[%add3A_756, %get3A_11] : memref<16x721xf32, #tpu.memory_space<vmem>>[vector<16xi32>, vector<16xi32>], vector<16xf32>,
        %add3A_883 = arith.constant 2 : i32
        %add3A_884 = vector.broadcast %add3A_883 : i32 to vector<16xi32>
        %add3A_885 = arith.addi %add3A_873, %add3A_884 : vector<16xi32>
        tpu.vector_store_idx %arg13[%add3A_885], %gather3A_882 : memref<65160xf32, #tpu.memory_space<vmem>>[vector<16xi32>], vector<16xf32>,
        %gather3A_886 = tpu.vector_load_idx %arg9[%add3A_779, %get3A_11] : memref<16x721xf32, #tpu.memory_space<vmem>>[vector<16xi32>, vector<16xi32>], vector<16xf32>,
        %add3A_887 = arith.constant 3 : i32
        %add3A_888 = vector.broadcast %add3A_887 : i32 to vector<16xi32>
        %add3A_889 = arith.addi %add3A_873, %add3A_888 : vector<16xi32>
        tpu.vector_store_idx %arg13[%add3A_889], %gather3A_886 : memref<65160xf32, #tpu.memory_space<vmem>>[vector<16xi32>], vector<16xf32>,
        %add3A_890 = vector.broadcast %mul3A_781 : i32 to vector<16xi32>
        %add3A_891 = arith.addi %mul3A_65, %add3A_890 : vector<16xi32>
        %gather3A_892 = tpu.vector_load_idx %arg9[%add3A_710, %get3A_13] : memref<16x721xf32, #tpu.memory_space<vmem>>[vector<16xi32>, vector<16xi32>], vector<16xf32>,
        %add3A_893 = arith.constant 0 : i32
        %add3A_894 = vector.broadcast %add3A_893 : i32 to vector<16xi32>
        %add3A_895 = arith.addi %add3A_891, %add3A_894 : vector<16xi32>
        tpu.vector_store_idx %arg13[%add3A_895], %gather3A_892 : memref<65160xf32, #tpu.memory_space<vmem>>[vector<16xi32>], vector<16xf32>,
        %gather3A_896 = tpu.vector_load_idx %arg9[%add3A_733, %get3A_13] : memref<16x721xf32, #tpu.memory_space<vmem>>[vector<16xi32>, vector<16xi32>], vector<16xf32>,
        %add3A_897 = arith.constant 1 : i32
        %add3A_898 = vector.broadcast %add3A_897 : i32 to vector<16xi32>
        %add3A_899 = arith.addi %add3A_891, %add3A_898 : vector<16xi32>
        tpu.vector_store_idx %arg13[%add3A_899], %gather3A_896 : memref<65160xf32, #tpu.memory_space<vmem>>[vector<16xi32>], vector<16xf32>,
        %gather3A_900 = tpu.vector_load_idx %arg9[%add3A_756, %get3A_13] : memref<16x721xf32, #tpu.memory_space<vmem>>[vector<16xi32>, vector<16xi32>], vector<16xf32>,
        %add3A_901 = arith.constant 2 : i32
        %add3A_902 = vector.broadcast %add3A_901 : i32 to vector<16xi32>
        %add3A_903 = arith.addi %add3A_891, %add3A_902 : vector<16xi32>
        tpu.vector_store_idx %arg13[%add3A_903], %gather3A_900 : memref<65160xf32, #tpu.memory_space<vmem>>[vector<16xi32>], vector<16xf32>,
        %gather3A_904 = tpu.vector_load_idx %arg9[%add3A_779, %get3A_13] : memref<16x721xf32, #tpu.memory_space<vmem>>[vector<16xi32>, vector<16xi32>], vector<16xf32>,
        %add3A_905 = arith.constant 3 : i32
        %add3A_906 = vector.broadcast %add3A_905 : i32 to vector<16xi32>
        %add3A_907 = arith.addi %add3A_891, %add3A_906 : vector<16xi32>
        tpu.vector_store_idx %arg13[%add3A_907], %gather3A_904 : memref<65160xf32, #tpu.memory_space<vmem>>[vector<16xi32>], vector<16xf32>,
        %add3A_908 = vector.broadcast %mul3A_781 : i32 to vector<16xi32>
        %add3A_909 = arith.addi %mul3A_71, %add3A_908 : vector<16xi32>
        %gather3A_910 = tpu.vector_load_idx %arg9[%add3A_710, %get3A_15] : memref<16x721xf32, #tpu.memory_space<vmem>>[vector<16xi32>, vector<16xi32>], vector<16xf32>,
        %add3A_911 = arith.constant 0 : i32
        %add3A_912 = vector.broadcast %add3A_911 : i32 to vector<16xi32>
        %add3A_913 = arith.addi %add3A_909, %add3A_912 : vector<16xi32>
        tpu.vector_store_idx %arg13[%add3A_913], %gather3A_910 : memref<65160xf32, #tpu.memory_space<vmem>>[vector<16xi32>], vector<16xf32>,
        %gather3A_914 = tpu.vector_load_idx %arg9[%add3A_733, %get3A_15] : memref<16x721xf32, #tpu.memory_space<vmem>>[vector<16xi32>, vector<16xi32>], vector<16xf32>,
        %add3A_915 = arith.constant 1 : i32
        %add3A_916 = vector.broadcast %add3A_915 : i32 to vector<16xi32>
        %add3A_917 = arith.addi %add3A_909, %add3A_916 : vector<16xi32>
        tpu.vector_store_idx %arg13[%add3A_917], %gather3A_914 : memref<65160xf32, #tpu.memory_space<vmem>>[vector<16xi32>], vector<16xf32>,
        %gather3A_918 = tpu.vector_load_idx %arg9[%add3A_756, %get3A_15] : memref<16x721xf32, #tpu.memory_space<vmem>>[vector<16xi32>, vector<16xi32>], vector<16xf32>,
        %add3A_919 = arith.constant 2 : i32
        %add3A_920 = vector.broadcast %add3A_919 : i32 to vector<16xi32>
        %add3A_921 = arith.addi %add3A_909, %add3A_920 : vector<16xi32>
        tpu.vector_store_idx %arg13[%add3A_921], %gather3A_918 : memref<65160xf32, #tpu.memory_space<vmem>>[vector<16xi32>], vector<16xf32>,
        %gather3A_922 = tpu.vector_load_idx %arg9[%add3A_779, %get3A_15] : memref<16x721xf32, #tpu.memory_space<vmem>>[vector<16xi32>, vector<16xi32>], vector<16xf32>,
        %add3A_923 = arith.constant 3 : i32
        %add3A_924 = vector.broadcast %add3A_923 : i32 to vector<16xi32>
        %add3A_925 = arith.addi %add3A_909, %add3A_924 : vector<16xi32>
        tpu.vector_store_idx %arg13[%add3A_925], %gather3A_922 : memref<65160xf32, #tpu.memory_space<vmem>>[vector<16xi32>], vector<16xf32>,
        %add3A_926 = vector.broadcast %mul3A_781 : i32 to vector<16xi32>
        %add3A_927 = arith.addi %mul3A_77, %add3A_926 : vector<16xi32>
        %gather3A_928 = tpu.vector_load_idx %arg9[%add3A_710, %get3A_17] : memref<16x721xf32, #tpu.memory_space<vmem>>[vector<16xi32>, vector<16xi32>], vector<16xf32>,
        %add3A_929 = arith.constant 0 : i32
        %add3A_930 = vector.broadcast %add3A_929 : i32 to vector<16xi32>
        %add3A_931 = arith.addi %add3A_927, %add3A_930 : vector<16xi32>
        tpu.vector_store_idx %arg13[%add3A_931], %gather3A_928 : memref<65160xf32, #tpu.memory_space<vmem>>[vector<16xi32>], vector<16xf32>,
        %gather3A_932 = tpu.vector_load_idx %arg9[%add3A_733, %get3A_17] : memref<16x721xf32, #tpu.memory_space<vmem>>[vector<16xi32>, vector<16xi32>], vector<16xf32>,
        %add3A_933 = arith.constant 1 : i32
        %add3A_934 = vector.broadcast %add3A_933 : i32 to vector<16xi32>
        %add3A_935 = arith.addi %add3A_927, %add3A_934 : vector<16xi32>
        tpu.vector_store_idx %arg13[%add3A_935], %gather3A_932 : memref<65160xf32, #tpu.memory_space<vmem>>[vector<16xi32>], vector<16xf32>,
        %gather3A_936 = tpu.vector_load_idx %arg9[%add3A_756, %get3A_17] : memref<16x721xf32, #tpu.memory_space<vmem>>[vector<16xi32>, vector<16xi32>], vector<16xf32>,
        %add3A_937 = arith.constant 2 : i32
        %add3A_938 = vector.broadcast %add3A_937 : i32 to vector<16xi32>
        %add3A_939 = arith.addi %add3A_927, %add3A_938 : vector<16xi32>
        tpu.vector_store_idx %arg13[%add3A_939], %gather3A_936 : memref<65160xf32, #tpu.memory_space<vmem>>[vector<16xi32>], vector<16xf32>,
        %gather3A_940 = tpu.vector_load_idx %arg9[%add3A_779, %get3A_17] : memref<16x721xf32, #tpu.memory_space<vmem>>[vector<16xi32>, vector<16xi32>], vector<16xf32>,
        %add3A_941 = arith.constant 3 : i32
        %add3A_942 = vector.broadcast %add3A_941 : i32 to vector<16xi32>
        %add3A_943 = arith.addi %add3A_927, %add3A_942 : vector<16xi32>
        tpu.vector_store_idx %arg13[%add3A_943], %gather3A_940 : memref<65160xf32, #tpu.memory_space<vmem>>[vector<16xi32>], vector<16xf32>,
        %add3A_944 = vector.broadcast %mul3A_781 : i32 to vector<16xi32>
        %add3A_945 = arith.addi %mul3A_83, %add3A_944 : vector<16xi32>
        %gather3A_946 = tpu.vector_load_idx %arg9[%add3A_710, %get3A_19] : memref<16x721xf32, #tpu.memory_space<vmem>>[vector<16xi32>, vector<16xi32>], vector<16xf32>,
        %add3A_947 = arith.constant 0 : i32
        %add3A_948 = vector.broadcast %add3A_947 : i32 to vector<16xi32>
        %add3A_949 = arith.addi %add3A_945, %add3A_948 : vector<16xi32>
        tpu.vector_store_idx %arg13[%add3A_949], %gather3A_946 : memref<65160xf32, #tpu.memory_space<vmem>>[vector<16xi32>], vector<16xf32>,
        %gather3A_950 = tpu.vector_load_idx %arg9[%add3A_733, %get3A_19] : memref<16x721xf32, #tpu.memory_space<vmem>>[vector<16xi32>, vector<16xi32>], vector<16xf32>,
        %add3A_951 = arith.constant 1 : i32
        %add3A_952 = vector.broadcast %add3A_951 : i32 to vector<16xi32>
        %add3A_953 = arith.addi %add3A_945, %add3A_952 : vector<16xi32>
        tpu.vector_store_idx %arg13[%add3A_953], %gather3A_950 : memref<65160xf32, #tpu.memory_space<vmem>>[vector<16xi32>], vector<16xf32>,
        %gather3A_954 = tpu.vector_load_idx %arg9[%add3A_756, %get3A_19] : memref<16x721xf32, #tpu.memory_space<vmem>>[vector<16xi32>, vector<16xi32>], vector<16xf32>,
        %add3A_955 = arith.constant 2 : i32
        %add3A_956 = vector.broadcast %add3A_955 : i32 to vector<16xi32>
        %add3A_957 = arith.addi %add3A_945, %add3A_956 : vector<16xi32>
        tpu.vector_store_idx %arg13[%add3A_957], %gather3A_954 : memref<65160xf32, #tpu.memory_space<vmem>>[vector<16xi32>], vector<16xf32>,
        %gather3A_958 = tpu.vector_load_idx %arg9[%add3A_779, %get3A_19] : memref<16x721xf32, #tpu.memory_space<vmem>>[vector<16xi32>, vector<16xi32>], vector<16xf32>,
        %add3A_959 = arith.constant 3 : i32
        %add3A_960 = vector.broadcast %add3A_959 : i32 to vector<16xi32>
        %add3A_961 = arith.addi %add3A_945, %add3A_960 : vector<16xi32>
        tpu.vector_store_idx %arg13[%add3A_961], %gather3A_958 : memref<65160xf32, #tpu.memory_space<vmem>>[vector<16xi32>], vector<16xf32>,
        %add3A_962 = vector.broadcast %mul3A_781 : i32 to vector<16xi32>
        %add3A_963 = arith.addi %mul3A_89, %add3A_962 : vector<16xi32>
        %gather3A_964 = tpu.vector_load_idx %arg9[%add3A_710, %get3A_21] : memref<16x721xf32, #tpu.memory_space<vmem>>[vector<16xi32>, vector<16xi32>], vector<16xf32>,
        %add3A_965 = arith.constant 0 : i32
        %add3A_966 = vector.broadcast %add3A_965 : i32 to vector<16xi32>
        %add3A_967 = arith.addi %add3A_963, %add3A_966 : vector<16xi32>
        tpu.vector_store_idx %arg13[%add3A_967], %gather3A_964 : memref<65160xf32, #tpu.memory_space<vmem>>[vector<16xi32>], vector<16xf32>,
        %gather3A_968 = tpu.vector_load_idx %arg9[%add3A_733, %get3A_21] : memref<16x721xf32, #tpu.memory_space<vmem>>[vector<16xi32>, vector<16xi32>], vector<16xf32>,
        %add3A_969 = arith.constant 1 : i32
        %add3A_970 = vector.broadcast %add3A_969 : i32 to vector<16xi32>
        %add3A_971 = arith.addi %add3A_963, %add3A_970 : vector<16xi32>
        tpu.vector_store_idx %arg13[%add3A_971], %gather3A_968 : memref<65160xf32, #tpu.memory_space<vmem>>[vector<16xi32>], vector<16xf32>,
        %gather3A_972 = tpu.vector_load_idx %arg9[%add3A_756, %get3A_21] : memref<16x721xf32, #tpu.memory_space<vmem>>[vector<16xi32>, vector<16xi32>], vector<16xf32>,
        %add3A_973 = arith.constant 2 : i32
        %add3A_974 = vector.broadcast %add3A_973 : i32 to vector<16xi32>
        %add3A_975 = arith.addi %add3A_963, %add3A_974 : vector<16xi32>
        tpu.vector_store_idx %arg13[%add3A_975], %gather3A_972 : memref<65160xf32, #tpu.memory_space<vmem>>[vector<16xi32>], vector<16xf32>,
        %gather3A_976 = tpu.vector_load_idx %arg9[%add3A_779, %get3A_21] : memref<16x721xf32, #tpu.memory_space<vmem>>[vector<16xi32>, vector<16xi32>], vector<16xf32>,
        %add3A_977 = arith.constant 3 : i32
        %add3A_978 = vector.broadcast %add3A_977 : i32 to vector<16xi32>
        %add3A_979 = arith.addi %add3A_963, %add3A_978 : vector<16xi32>
        tpu.vector_store_idx %arg13[%add3A_979], %gather3A_976 : memref<65160xf32, #tpu.memory_space<vmem>>[vector<16xi32>], vector<16xf32>,
        %add3A_980 = vector.broadcast %mul3A_781 : i32 to vector<16xi32>
        %add3A_981 = arith.addi %mul3A_95, %add3A_980 : vector<16xi32>
        %gather3A_982 = tpu.vector_load_idx %arg9[%add3A_710, %get3A_23] : memref<16x721xf32, #tpu.memory_space<vmem>>[vector<16xi32>, vector<16xi32>], vector<16xf32>,
        %add3A_983 = arith.constant 0 : i32
        %add3A_984 = vector.broadcast %add3A_983 : i32 to vector<16xi32>
        %add3A_985 = arith.addi %add3A_981, %add3A_984 : vector<16xi32>
        tpu.vector_store_idx %arg13[%add3A_985], %gather3A_982 : memref<65160xf32, #tpu.memory_space<vmem>>[vector<16xi32>], vector<16xf32>,
        %gather3A_986 = tpu.vector_load_idx %arg9[%add3A_733, %get3A_23] : memref<16x721xf32, #tpu.memory_space<vmem>>[vector<16xi32>, vector<16xi32>], vector<16xf32>,
        %add3A_987 = arith.constant 1 : i32
        %add3A_988 = vector.broadcast %add3A_987 : i32 to vector<16xi32>
        %add3A_989 = arith.addi %add3A_981, %add3A_988 : vector<16xi32>
        tpu.vector_store_idx %arg13[%add3A_989], %gather3A_986 : memref<65160xf32, #tpu.memory_space<vmem>>[vector<16xi32>], vector<16xf32>,
        %gather3A_990 = tpu.vector_load_idx %arg9[%add3A_756, %get3A_23] : memref<16x721xf32, #tpu.memory_space<vmem>>[vector<16xi32>, vector<16xi32>], vector<16xf32>,
        %add3A_991 = arith.constant 2 : i32
        %add3A_992 = vector.broadcast %add3A_991 : i32 to vector<16xi32>
        %add3A_993 = arith.addi %add3A_981, %add3A_992 : vector<16xi32>
        tpu.vector_store_idx %arg13[%add3A_993], %gather3A_990 : memref<65160xf32, #tpu.memory_space<vmem>>[vector<16xi32>], vector<16xf32>,
        %gather3A_994 = tpu.vector_load_idx %arg9[%add3A_779, %get3A_23] : memref<16x721xf32, #tpu.memory_space<vmem>>[vector<16xi32>, vector<16xi32>], vector<16xf32>,
        %add3A_995 = arith.constant 3 : i32
        %add3A_996 = vector.broadcast %add3A_995 : i32 to vector<16xi32>
        %add3A_997 = arith.addi %add3A_981, %add3A_996 : vector<16xi32>
        tpu.vector_store_idx %arg13[%add3A_997], %gather3A_994 : memref<65160xf32, #tpu.memory_space<vmem>>[vector<16xi32>], vector<16xf32>,
        %mul3A_998 = arith.constant 5 : i32
        %mul3A_999 = arith.muli %mul3A_998, %scan3A_296 : i32
        %add3A_1000 = arith.constant 2 : i32
        %add3A_1001 = arith.addi %mul3A_999, %add3A_1000 : i32
        %lt3A_1002 = arith.constant 17 : i32
        %lt3A_1003 = arith.cmpi slt, %scan3A_296, %lt3A_1002 : i32
        %convert_element_type3A_1004 = arith.extui %lt3A_1003 : i1 to i32
        %cond3A_1005 = arith.constant 0 : i32
        %cond3A_1006 = arith.cmpi ne, %convert_element_type3A_1004, %cond3A_1005 : i32
        scf.if %cond3A_1006 {
          %add3A_1997 = arith.constant 4 : i32
          %add3A_1998 = arith.addi %add3A_1001, %add3A_1997 : i32
          %mul3A_1999 = arith.constant 4 : i32
          %mul3A_2000 = arith.muli %mul3A_1999, %add3A_1998 : i32
          %get3A_2001 = arith.index_cast %mul3A_2000 : i32 to index
          %get3A_2002 = tpu.vector_load %arg7[%get3A_2001] {strides = array<i32>} : memref<384xi32, #tpu.memory_space<vmem>>, vector<16xi32>,
          %slice3A_2003 = vector.extract_strided_slice %get3A_2002 {offsets = [0], sizes = [1], strides = [1]} : vector<16xi32> to vector<1xi32>
          %squeeze3A_2004 = vector.extract %slice3A_2003[0] : i32 from vector<1xi32>
          %jit3A_2005 = arith.constant 16 : i32
          %div3A_2006 = arith.divsi %squeeze3A_2004, %jit3A_2005 : i32
          %sign3A_2007 = arith.constant 0 : i32
          %sign3A_2008 = arith.cmpi sgt, %squeeze3A_2004, %sign3A_2007 : i32
          %sign3A_2009 = arith.extui %sign3A_2008 : i1 to i32
          %sign3A_2010 = arith.constant 0 : i32
          %sign3A_2011 = arith.cmpi slt, %squeeze3A_2004, %sign3A_2010 : i32
          %sign3A_2012 = arith.extui %sign3A_2011 : i1 to i32
          %sign3A_2013 = arith.subi %sign3A_2009, %sign3A_2012 : i32
          %sign3A_2014 = arith.constant 0 : i32
          %sign3A_2015 = arith.cmpi sgt, %jit3A_2005, %sign3A_2014 : i32
          %sign3A_2016 = arith.extui %sign3A_2015 : i1 to i32
          %sign3A_2017 = arith.constant 0 : i32
          %sign3A_2018 = arith.cmpi slt, %jit3A_2005, %sign3A_2017 : i32
          %sign3A_2019 = arith.extui %sign3A_2018 : i1 to i32
          %sign3A_2020 = arith.subi %sign3A_2016, %sign3A_2019 : i32
          %ne3A_2021 = arith.cmpi ne, %sign3A_2013, %sign3A_2020 : i32
          %rem3A_2022 = arith.remsi %squeeze3A_2004, %jit3A_2005 : i32
          %ne3A_2023 = arith.constant 0 : i32
          %ne3A_2024 = arith.cmpi ne, %rem3A_2022, %ne3A_2023 : i32
          %and3A_2025 = arith.andi %ne3A_2021, %ne3A_2024 : i1
          %sub3A_2026 = arith.constant 1 : i32
          %sub3A_2027 = arith.subi %div3A_2006, %sub3A_2026 : i32
          %select_n3A_2028 = arith.select %and3A_2025, %sub3A_2027, %div3A_2006 : i32
          %mul3A_2029 = arith.constant 16 : i32
          %mul3A_2030 = arith.muli %select_n3A_2028, %mul3A_2029 : i32
          %multiple_of3A_2031 = tpu.assume_multiple %mul3A_2030, 16 : i32
          %dma_start3A_2032 = arith.constant 0 : i32
          %dma_start3A_2033 = tpu.memref_slice %arg2[%select_n3A, %select_n3A_137, %multiple_of3A_2031, %dma_start3A_2032] : memref<2x32x1440x721xf32, #tpu.memory_space<hbm>> -> memref<1x1x16x721xf32, #tpu.memory_space<hbm>>
          %dma_start3A_2034 = tpu.memref_squeeze %dma_start3A_2033 : memref<1x1x16x721xf32, #tpu.memory_space<hbm>> -> memref<16x721xf32, #tpu.memory_space<hbm>>
          %dma_start3A_2035 = arith.constant 0 : i32
          %dma_start3A_2036 = tpu.memref_slice %arg2[%select_n3A, %select_n3A_137, %multiple_of3A_2031, %dma_start3A_2035] : memref<2x32x1440x721xf32, #tpu.memory_space<hbm>> -> memref<1x1x16x721xf32, #tpu.memory_space<hbm>>
          %dma_start3A_2037 = tpu.memref_squeeze %dma_start3A_2036 : memref<1x1x16x721xf32, #tpu.memory_space<hbm>> -> memref<16x721xf32, #tpu.memory_space<hbm>>
          tpu.enqueue_dma source(%dma_start3A_2037 : memref<16x721xf32, #tpu.memory_space<hbm>>) target(%arg9 : memref<16x721xf32, #tpu.memory_space<vmem>>) target_semaphore(%arg15 : memref<!tpu.dma_semaphore, #tpu.memory_space<semaphore_mem>>)
        } else {
        }
        %dma_wait3A_1007 = arith.constant 0 : i32
        %dma_wait3A_1008 = arith.constant 0 : i32
        %dma_wait3A_1009 = arith.constant 0 : i32
        %dma_wait3A_1010 = arith.constant 0 : i32
        %dma_wait3A_1011 = tpu.memref_slice %arg2[%dma_wait3A_1007, %dma_wait3A_1008, %dma_wait3A_1009, %dma_wait3A_1010] : memref<2x32x1440x721xf32, #tpu.memory_space<hbm>> -> memref<1x1x16x721xf32, #tpu.memory_space<hbm>>
        %dma_wait3A_1012 = tpu.memref_squeeze %dma_wait3A_1011 : memref<1x1x16x721xf32, #tpu.memory_space<hbm>> -> memref<16x721xf32, #tpu.memory_space<hbm>>
        %dma_wait3A_1013 = arith.constant 0 : i32
        %dma_wait3A_1014 = arith.constant 0 : i32
        %dma_wait3A_1015 = tpu.memref_slice %arg2[%dma_wait3A_1007, %dma_wait3A_1008, %dma_wait3A_1013, %dma_wait3A_1014] : memref<2x32x1440x721xf32, #tpu.memory_space<hbm>> -> memref<1x1x16x721xf32, #tpu.memory_space<hbm>>
        %dma_wait3A_1016 = tpu.memref_squeeze %dma_wait3A_1015 : memref<1x1x16x721xf32, #tpu.memory_space<hbm>> -> memref<16x721xf32, #tpu.memory_space<hbm>>
        tpu.wait_dma2 semaphore(%arg16 : memref<!tpu.dma_semaphore, #tpu.memory_space<semaphore_mem>>) src(%dma_wait3A_1016 : memref<16x721xf32, #tpu.memory_space<hbm>>) dst(%arg10 : memref<16x721xf32, #tpu.memory_space<vmem>>)
        %mul3A_1017 = arith.constant 4 : i32
        %mul3A_1018 = arith.muli %mul3A_1017, %add3A_1001 : i32
        %get3A_1019 = arith.index_cast %mul3A_1018 : i32 to index
        %get3A_1020 = tpu.vector_load %arg7[%get3A_1019] {strides = array<i32>} : memref<384xi32, #tpu.memory_space<vmem>>, vector<16xi32>,
        %mul3A_1021 = arith.constant 0 : i32
        %mul3A_1022 = vector.broadcast %mul3A_1021 : i32 to vector<16xi32>
        %mul3A_1023 = arith.muli %iota3A, %mul3A_1022 : vector<16xi32>
        %slice3A_1024 = vector.extract_strided_slice %get3A_1020 {offsets = [0], sizes = [1], strides = [1]} : vector<16xi32> to vector<1xi32>
        %squeeze3A_1025 = vector.extract %slice3A_1024[0] : i32 from vector<1xi32>
        %jit3A_1026 = arith.constant 16 : i32
        %eq3A_1027 = arith.constant 0 : i32
        %eq3A_1028 = arith.cmpi eq, %jit3A_1026, %eq3A_1027 : i32
        %jit3A_1029 = arith.constant 1 : i32
        %select_n3A_1030 = arith.select %eq3A_1028, %jit3A_1029, %jit3A_1026 : i32
        %rem3A_1031 = arith.remsi %squeeze3A_1025, %select_n3A_1030 : i32
        %ne3A_1032 = arith.constant 0 : i32
        %ne3A_1033 = arith.cmpi ne, %rem3A_1031, %ne3A_1032 : i32
        %lt3A_1034 = arith.constant 0 : i32
        %lt3A_1035 = arith.cmpi slt, %rem3A_1031, %lt3A_1034 : i32
        %lt3A_1036 = arith.constant 0 : i32
        %lt3A_1037 = arith.cmpi slt, %select_n3A_1030, %lt3A_1036 : i32
        %ne3A_1038 = arith.xori %lt3A_1035, %lt3A_1037 : i1
        %and3A_1039 = arith.andi %ne3A_1038, %ne3A_1033 : i1
        %add3A_1040 = arith.addi %rem3A_1031, %select_n3A_1030 : i32
        %select_n3A_1041 = arith.select %and3A_1039, %add3A_1040, %rem3A_1031 : i32
        %add3A_1042 = vector.broadcast %select_n3A_1041 : i32 to vector<16xi32>
        %add3A_1043 = arith.addi %mul3A_1023, %add3A_1042 : vector<16xi32>
        %mul3A_1044 = arith.constant 0 : i32
        %mul3A_1045 = vector.broadcast %mul3A_1044 : i32 to vector<16xi32>
        %mul3A_1046 = arith.muli %iota3A, %mul3A_1045 : vector<16xi32>
        %slice3A_1047 = vector.extract_strided_slice %get3A_1020 {offsets = [1], sizes = [1], strides = [1]} : vector<16xi32> to vector<1xi32>
        %squeeze3A_1048 = vector.extract %slice3A_1047[0] : i32 from vector<1xi32>
        %jit3A_1049 = arith.constant 16 : i32
        %eq3A_1050 = arith.constant 0 : i32
        %eq3A_1051 = arith.cmpi eq, %jit3A_1049, %eq3A_1050 : i32
        %jit3A_1052 = arith.constant 1 : i32
        %select_n3A_1053 = arith.select %eq3A_1051, %jit3A_1052, %jit3A_1049 : i32
        %rem3A_1054 = arith.remsi %squeeze3A_1048, %select_n3A_1053 : i32
        %ne3A_1055 = arith.constant 0 : i32
        %ne3A_1056 = arith.cmpi ne, %rem3A_1054, %ne3A_1055 : i32
        %lt3A_1057 = arith.constant 0 : i32
        %lt3A_1058 = arith.cmpi slt, %rem3A_1054, %lt3A_1057 : i32
        %lt3A_1059 = arith.constant 0 : i32
        %lt3A_1060 = arith.cmpi slt, %select_n3A_1053, %lt3A_1059 : i32
        %ne3A_1061 = arith.xori %lt3A_1058, %lt3A_1060 : i1
        %and3A_1062 = arith.andi %ne3A_1061, %ne3A_1056 : i1
        %add3A_1063 = arith.addi %rem3A_1054, %select_n3A_1053 : i32
        %select_n3A_1064 = arith.select %and3A_1062, %add3A_1063, %rem3A_1054 : i32
        %add3A_1065 = vector.broadcast %select_n3A_1064 : i32 to vector<16xi32>
        %add3A_1066 = arith.addi %mul3A_1046, %add3A_1065 : vector<16xi32>
        %mul3A_1067 = arith.constant 0 : i32
        %mul3A_1068 = vector.broadcast %mul3A_1067 : i32 to vector<16xi32>
        %mul3A_1069 = arith.muli %iota3A, %mul3A_1068 : vector<16xi32>
        %slice3A_1070 = vector.extract_strided_slice %get3A_1020 {offsets = [2], sizes = [1], strides = [1]} : vector<16xi32> to vector<1xi32>
        %squeeze3A_1071 = vector.extract %slice3A_1070[0] : i32 from vector<1xi32>
        %jit3A_1072 = arith.constant 16 : i32
        %eq3A_1073 = arith.constant 0 : i32
        %eq3A_1074 = arith.cmpi eq, %jit3A_1072, %eq3A_1073 : i32
        %jit3A_1075 = arith.constant 1 : i32
        %select_n3A_1076 = arith.select %eq3A_1074, %jit3A_1075, %jit3A_1072 : i32
        %rem3A_1077 = arith.remsi %squeeze3A_1071, %select_n3A_1076 : i32
        %ne3A_1078 = arith.constant 0 : i32
        %ne3A_1079 = arith.cmpi ne, %rem3A_1077, %ne3A_1078 : i32
        %lt3A_1080 = arith.constant 0 : i32
        %lt3A_1081 = arith.cmpi slt, %rem3A_1077, %lt3A_1080 : i32
        %lt3A_1082 = arith.constant 0 : i32
        %lt3A_1083 = arith.cmpi slt, %select_n3A_1076, %lt3A_1082 : i32
        %ne3A_1084 = arith.xori %lt3A_1081, %lt3A_1083 : i1
        %and3A_1085 = arith.andi %ne3A_1084, %ne3A_1079 : i1
        %add3A_1086 = arith.addi %rem3A_1077, %select_n3A_1076 : i32
        %select_n3A_1087 = arith.select %and3A_1085, %add3A_1086, %rem3A_1077 : i32
        %add3A_1088 = vector.broadcast %select_n3A_1087 : i32 to vector<16xi32>
        %add3A_1089 = arith.addi %mul3A_1069, %add3A_1088 : vector<16xi32>
        %mul3A_1090 = arith.constant 0 : i32
        %mul3A_1091 = vector.broadcast %mul3A_1090 : i32 to vector<16xi32>
        %mul3A_1092 = arith.muli %iota3A, %mul3A_1091 : vector<16xi32>
        %slice3A_1093 = vector.extract_strided_slice %get3A_1020 {offsets = [3], sizes = [1], strides = [1]} : vector<16xi32> to vector<1xi32>
        %squeeze3A_1094 = vector.extract %slice3A_1093[0] : i32 from vector<1xi32>
        %jit3A_1095 = arith.constant 16 : i32
        %eq3A_1096 = arith.constant 0 : i32
        %eq3A_1097 = arith.cmpi eq, %jit3A_1095, %eq3A_1096 : i32
        %jit3A_1098 = arith.constant 1 : i32
        %select_n3A_1099 = arith.select %eq3A_1097, %jit3A_1098, %jit3A_1095 : i32
        %rem3A_1100 = arith.remsi %squeeze3A_1094, %select_n3A_1099 : i32
        %ne3A_1101 = arith.constant 0 : i32
        %ne3A_1102 = arith.cmpi ne, %rem3A_1100, %ne3A_1101 : i32
        %lt3A_1103 = arith.constant 0 : i32
        %lt3A_1104 = arith.cmpi slt, %rem3A_1100, %lt3A_1103 : i32
        %lt3A_1105 = arith.constant 0 : i32
        %lt3A_1106 = arith.cmpi slt, %select_n3A_1099, %lt3A_1105 : i32
        %ne3A_1107 = arith.xori %lt3A_1104, %lt3A_1106 : i1
        %and3A_1108 = arith.andi %ne3A_1107, %ne3A_1102 : i1
        %add3A_1109 = arith.addi %rem3A_1100, %select_n3A_1099 : i32
        %select_n3A_1110 = arith.select %and3A_1108, %add3A_1109, %rem3A_1100 : i32
        %add3A_1111 = vector.broadcast %select_n3A_1110 : i32 to vector<16xi32>
        %add3A_1112 = arith.addi %mul3A_1092, %add3A_1111 : vector<16xi32>
        %mul3A_1113 = arith.constant 4 : i32
        %mul3A_1114 = arith.muli %mul3A_1113, %add3A_1001 : i32
        %add3A_1115 = vector.broadcast %mul3A_1114 : i32 to vector<16xi32>
        %add3A_1116 = arith.addi %mul3A_29, %add3A_1115 : vector<16xi32>
        %gather3A_1117 = tpu.vector_load_idx %arg10[%add3A_1043, %get3A_1] : memref<16x721xf32, #tpu.memory_space<vmem>>[vector<16xi32>, vector<16xi32>], vector<16xf32>,
        %add3A_1118 = arith.constant 0 : i32
        %add3A_1119 = vector.broadcast %add3A_1118 : i32 to vector<16xi32>
        %add3A_1120 = arith.addi %add3A_1116, %add3A_1119 : vector<16xi32>
        tpu.vector_store_idx %arg13[%add3A_1120], %gather3A_1117 : memref<65160xf32, #tpu.memory_space<vmem>>[vector<16xi32>], vector<16xf32>,
        %gather3A_1121 = tpu.vector_load_idx %arg10[%add3A_1066, %get3A_1] : memref<16x721xf32, #tpu.memory_space<vmem>>[vector<16xi32>, vector<16xi32>], vector<16xf32>,
        %add3A_1122 = arith.constant 1 : i32
        %add3A_1123 = vector.broadcast %add3A_1122 : i32 to vector<16xi32>
        %add3A_1124 = arith.addi %add3A_1116, %add3A_1123 : vector<16xi32>
        tpu.vector_store_idx %arg13[%add3A_1124], %gather3A_1121 : memref<65160xf32, #tpu.memory_space<vmem>>[vector<16xi32>], vector<16xf32>,
        %gather3A_1125 = tpu.vector_load_idx %arg10[%add3A_1089, %get3A_1] : memref<16x721xf32, #tpu.memory_space<vmem>>[vector<16xi32>, vector<16xi32>], vector<16xf32>,
        %add3A_1126 = arith.constant 2 : i32
        %add3A_1127 = vector.broadcast %add3A_1126 : i32 to vector<16xi32>
        %add3A_1128 = arith.addi %add3A_1116, %add3A_1127 : vector<16xi32>
        tpu.vector_store_idx %arg13[%add3A_1128], %gather3A_1125 : memref<65160xf32, #tpu.memory_space<vmem>>[vector<16xi32>], vector<16xf32>,
        %gather3A_1129 = tpu.vector_load_idx %arg10[%add3A_1112, %get3A_1] : memref<16x721xf32, #tpu.memory_space<vmem>>[vector<16xi32>, vector<16xi32>], vector<16xf32>,
        %add3A_1130 = arith.constant 3 : i32
        %add3A_1131 = vector.broadcast %add3A_1130 : i32 to vector<16xi32>
        %add3A_1132 = arith.addi %add3A_1116, %add3A_1131 : vector<16xi32>
        tpu.vector_store_idx %arg13[%add3A_1132], %gather3A_1129 : memref<65160xf32, #tpu.memory_space<vmem>>[vector<16xi32>], vector<16xf32>,
        %add3A_1133 = vector.broadcast %mul3A_1114 : i32 to vector<16xi32>
        %add3A_1134 = arith.addi %mul3A_35, %add3A_1133 : vector<16xi32>
        %gather3A_1135 = tpu.vector_load_idx %arg10[%add3A_1043, %get3A_3] : memref<16x721xf32, #tpu.memory_space<vmem>>[vector<16xi32>, vector<16xi32>], vector<16xf32>,
        %add3A_1136 = arith.constant 0 : i32
        %add3A_1137 = vector.broadcast %add3A_1136 : i32 to vector<16xi32>
        %add3A_1138 = arith.addi %add3A_1134, %add3A_1137 : vector<16xi32>
        tpu.vector_store_idx %arg13[%add3A_1138], %gather3A_1135 : memref<65160xf32, #tpu.memory_space<vmem>>[vector<16xi32>], vector<16xf32>,
        %gather3A_1139 = tpu.vector_load_idx %arg10[%add3A_1066, %get3A_3] : memref<16x721xf32, #tpu.memory_space<vmem>>[vector<16xi32>, vector<16xi32>], vector<16xf32>,
        %add3A_1140 = arith.constant 1 : i32
        %add3A_1141 = vector.broadcast %add3A_1140 : i32 to vector<16xi32>
        %add3A_1142 = arith.addi %add3A_1134, %add3A_1141 : vector<16xi32>
        tpu.vector_store_idx %arg13[%add3A_1142], %gather3A_1139 : memref<65160xf32, #tpu.memory_space<vmem>>[vector<16xi32>], vector<16xf32>,
        %gather3A_1143 = tpu.vector_load_idx %arg10[%add3A_1089, %get3A_3] : memref<16x721xf32, #tpu.memory_space<vmem>>[vector<16xi32>, vector<16xi32>], vector<16xf32>,
        %add3A_1144 = arith.constant 2 : i32
        %add3A_1145 = vector.broadcast %add3A_1144 : i32 to vector<16xi32>
        %add3A_1146 = arith.addi %add3A_1134, %add3A_1145 : vector<16xi32>
        tpu.vector_store_idx %arg13[%add3A_1146], %gather3A_1143 : memref<65160xf32, #tpu.memory_space<vmem>>[vector<16xi32>], vector<16xf32>,
        %gather3A_1147 = tpu.vector_load_idx %arg10[%add3A_1112, %get3A_3] : memref<16x721xf32, #tpu.memory_space<vmem>>[vector<16xi32>, vector<16xi32>], vector<16xf32>,
        %add3A_1148 = arith.constant 3 : i32
        %add3A_1149 = vector.broadcast %add3A_1148 : i32 to vector<16xi32>
        %add3A_1150 = arith.addi %add3A_1134, %add3A_1149 : vector<16xi32>
        tpu.vector_store_idx %arg13[%add3A_1150], %gather3A_1147 : memref<65160xf32, #tpu.memory_space<vmem>>[vector<16xi32>], vector<16xf32>,
        %add3A_1151 = vector.broadcast %mul3A_1114 : i32 to vector<16xi32>
        %add3A_1152 = arith.addi %mul3A_41, %add3A_1151 : vector<16xi32>
        %gather3A_1153 = tpu.vector_load_idx %arg10[%add3A_1043, %get3A_5] : memref<16x721xf32, #tpu.memory_space<vmem>>[vector<16xi32>, vector<16xi32>], vector<16xf32>,
        %add3A_1154 = arith.constant 0 : i32
        %add3A_1155 = vector.broadcast %add3A_1154 : i32 to vector<16xi32>
        %add3A_1156 = arith.addi %add3A_1152, %add3A_1155 : vector<16xi32>
        tpu.vector_store_idx %arg13[%add3A_1156], %gather3A_1153 : memref<65160xf32, #tpu.memory_space<vmem>>[vector<16xi32>], vector<16xf32>,
        %gather3A_1157 = tpu.vector_load_idx %arg10[%add3A_1066, %get3A_5] : memref<16x721xf32, #tpu.memory_space<vmem>>[vector<16xi32>, vector<16xi32>], vector<16xf32>,
        %add3A_1158 = arith.constant 1 : i32
        %add3A_1159 = vector.broadcast %add3A_1158 : i32 to vector<16xi32>
        %add3A_1160 = arith.addi %add3A_1152, %add3A_1159 : vector<16xi32>
        tpu.vector_store_idx %arg13[%add3A_1160], %gather3A_1157 : memref<65160xf32, #tpu.memory_space<vmem>>[vector<16xi32>], vector<16xf32>,
        %gather3A_1161 = tpu.vector_load_idx %arg10[%add3A_1089, %get3A_5] : memref<16x721xf32, #tpu.memory_space<vmem>>[vector<16xi32>, vector<16xi32>], vector<16xf32>,
        %add3A_1162 = arith.constant 2 : i32
        %add3A_1163 = vector.broadcast %add3A_1162 : i32 to vector<16xi32>
        %add3A_1164 = arith.addi %add3A_1152, %add3A_1163 : vector<16xi32>
        tpu.vector_store_idx %arg13[%add3A_1164], %gather3A_1161 : memref<65160xf32, #tpu.memory_space<vmem>>[vector<16xi32>], vector<16xf32>,
        %gather3A_1165 = tpu.vector_load_idx %arg10[%add3A_1112, %get3A_5] : memref<16x721xf32, #tpu.memory_space<vmem>>[vector<16xi32>, vector<16xi32>], vector<16xf32>,
        %add3A_1166 = arith.constant 3 : i32
        %add3A_1167 = vector.broadcast %add3A_1166 : i32 to vector<16xi32>
        %add3A_1168 = arith.addi %add3A_1152, %add3A_1167 : vector<16xi32>
        tpu.vector_store_idx %arg13[%add3A_1168], %gather3A_1165 : memref<65160xf32, #tpu.memory_space<vmem>>[vector<16xi32>], vector<16xf32>,
        %add3A_1169 = vector.broadcast %mul3A_1114 : i32 to vector<16xi32>
        %add3A_1170 = arith.addi %mul3A_47, %add3A_1169 : vector<16xi32>
        %gather3A_1171 = tpu.vector_load_idx %arg10[%add3A_1043, %get3A_7] : memref<16x721xf32, #tpu.memory_space<vmem>>[vector<16xi32>, vector<16xi32>], vector<16xf32>,
        %add3A_1172 = arith.constant 0 : i32
        %add3A_1173 = vector.broadcast %add3A_1172 : i32 to vector<16xi32>
        %add3A_1174 = arith.addi %add3A_1170, %add3A_1173 : vector<16xi32>
        tpu.vector_store_idx %arg13[%add3A_1174], %gather3A_1171 : memref<65160xf32, #tpu.memory_space<vmem>>[vector<16xi32>], vector<16xf32>,
        %gather3A_1175 = tpu.vector_load_idx %arg10[%add3A_1066, %get3A_7] : memref<16x721xf32, #tpu.memory_space<vmem>>[vector<16xi32>, vector<16xi32>], vector<16xf32>,
        %add3A_1176 = arith.constant 1 : i32
        %add3A_1177 = vector.broadcast %add3A_1176 : i32 to vector<16xi32>
        %add3A_1178 = arith.addi %add3A_1170, %add3A_1177 : vector<16xi32>
        tpu.vector_store_idx %arg13[%add3A_1178], %gather3A_1175 : memref<65160xf32, #tpu.memory_space<vmem>>[vector<16xi32>], vector<16xf32>,
        %gather3A_1179 = tpu.vector_load_idx %arg10[%add3A_1089, %get3A_7] : memref<16x721xf32, #tpu.memory_space<vmem>>[vector<16xi32>, vector<16xi32>], vector<16xf32>,
        %add3A_1180 = arith.constant 2 : i32
        %add3A_1181 = vector.broadcast %add3A_1180 : i32 to vector<16xi32>
        %add3A_1182 = arith.addi %add3A_1170, %add3A_1181 : vector<16xi32>
        tpu.vector_store_idx %arg13[%add3A_1182], %gather3A_1179 : memref<65160xf32, #tpu.memory_space<vmem>>[vector<16xi32>], vector<16xf32>,
        %gather3A_1183 = tpu.vector_load_idx %arg10[%add3A_1112, %get3A_7] : memref<16x721xf32, #tpu.memory_space<vmem>>[vector<16xi32>, vector<16xi32>], vector<16xf32>,
        %add3A_1184 = arith.constant 3 : i32
        %add3A_1185 = vector.broadcast %add3A_1184 : i32 to vector<16xi32>
        %add3A_1186 = arith.addi %add3A_1170, %add3A_1185 : vector<16xi32>
        tpu.vector_store_idx %arg13[%add3A_1186], %gather3A_1183 : memref<65160xf32, #tpu.memory_space<vmem>>[vector<16xi32>], vector<16xf32>,
        %add3A_1187 = vector.broadcast %mul3A_1114 : i32 to vector<16xi32>
        %add3A_1188 = arith.addi %mul3A_53, %add3A_1187 : vector<16xi32>
        %gather3A_1189 = tpu.vector_load_idx %arg10[%add3A_1043, %get3A_9] : memref<16x721xf32, #tpu.memory_space<vmem>>[vector<16xi32>, vector<16xi32>], vector<16xf32>,
        %add3A_1190 = arith.constant 0 : i32
        %add3A_1191 = vector.broadcast %add3A_1190 : i32 to vector<16xi32>
        %add3A_1192 = arith.addi %add3A_1188, %add3A_1191 : vector<16xi32>
        tpu.vector_store_idx %arg13[%add3A_1192], %gather3A_1189 : memref<65160xf32, #tpu.memory_space<vmem>>[vector<16xi32>], vector<16xf32>,
        %gather3A_1193 = tpu.vector_load_idx %arg10[%add3A_1066, %get3A_9] : memref<16x721xf32, #tpu.memory_space<vmem>>[vector<16xi32>, vector<16xi32>], vector<16xf32>,
        %add3A_1194 = arith.constant 1 : i32
        %add3A_1195 = vector.broadcast %add3A_1194 : i32 to vector<16xi32>
        %add3A_1196 = arith.addi %add3A_1188, %add3A_1195 : vector<16xi32>
        tpu.vector_store_idx %arg13[%add3A_1196], %gather3A_1193 : memref<65160xf32, #tpu.memory_space<vmem>>[vector<16xi32>], vector<16xf32>,
        %gather3A_1197 = tpu.vector_load_idx %arg10[%add3A_1089, %get3A_9] : memref<16x721xf32, #tpu.memory_space<vmem>>[vector<16xi32>, vector<16xi32>], vector<16xf32>,
        %add3A_1198 = arith.constant 2 : i32
        %add3A_1199 = vector.broadcast %add3A_1198 : i32 to vector<16xi32>
        %add3A_1200 = arith.addi %add3A_1188, %add3A_1199 : vector<16xi32>
        tpu.vector_store_idx %arg13[%add3A_1200], %gather3A_1197 : memref<65160xf32, #tpu.memory_space<vmem>>[vector<16xi32>], vector<16xf32>,
        %gather3A_1201 = tpu.vector_load_idx %arg10[%add3A_1112, %get3A_9] : memref<16x721xf32, #tpu.memory_space<vmem>>[vector<16xi32>, vector<16xi32>], vector<16xf32>,
        %add3A_1202 = arith.constant 3 : i32
        %add3A_1203 = vector.broadcast %add3A_1202 : i32 to vector<16xi32>
        %add3A_1204 = arith.addi %add3A_1188, %add3A_1203 : vector<16xi32>
        tpu.vector_store_idx %arg13[%add3A_1204], %gather3A_1201 : memref<65160xf32, #tpu.memory_space<vmem>>[vector<16xi32>], vector<16xf32>,
        %add3A_1205 = vector.broadcast %mul3A_1114 : i32 to vector<16xi32>
        %add3A_1206 = arith.addi %mul3A_59, %add3A_1205 : vector<16xi32>
        %gather3A_1207 = tpu.vector_load_idx %arg10[%add3A_1043, %get3A_11] : memref<16x721xf32, #tpu.memory_space<vmem>>[vector<16xi32>, vector<16xi32>], vector<16xf32>,
        %add3A_1208 = arith.constant 0 : i32
        %add3A_1209 = vector.broadcast %add3A_1208 : i32 to vector<16xi32>
        %add3A_1210 = arith.addi %add3A_1206, %add3A_1209 : vector<16xi32>
        tpu.vector_store_idx %arg13[%add3A_1210], %gather3A_1207 : memref<65160xf32, #tpu.memory_space<vmem>>[vector<16xi32>], vector<16xf32>,
        %gather3A_1211 = tpu.vector_load_idx %arg10[%add3A_1066, %get3A_11] : memref<16x721xf32, #tpu.memory_space<vmem>>[vector<16xi32>, vector<16xi32>], vector<16xf32>,
        %add3A_1212 = arith.constant 1 : i32
        %add3A_1213 = vector.broadcast %add3A_1212 : i32 to vector<16xi32>
        %add3A_1214 = arith.addi %add3A_1206, %add3A_1213 : vector<16xi32>
        tpu.vector_store_idx %arg13[%add3A_1214], %gather3A_1211 : memref<65160xf32, #tpu.memory_space<vmem>>[vector<16xi32>], vector<16xf32>,
        %gather3A_1215 = tpu.vector_load_idx %arg10[%add3A_1089, %get3A_11] : memref<16x721xf32, #tpu.memory_space<vmem>>[vector<16xi32>, vector<16xi32>], vector<16xf32>,
        %add3A_1216 = arith.constant 2 : i32
        %add3A_1217 = vector.broadcast %add3A_1216 : i32 to vector<16xi32>
        %add3A_1218 = arith.addi %add3A_1206, %add3A_1217 : vector<16xi32>
        tpu.vector_store_idx %arg13[%add3A_1218], %gather3A_1215 : memref<65160xf32, #tpu.memory_space<vmem>>[vector<16xi32>], vector<16xf32>,
        %gather3A_1219 = tpu.vector_load_idx %arg10[%add3A_1112, %get3A_11] : memref<16x721xf32, #tpu.memory_space<vmem>>[vector<16xi32>, vector<16xi32>], vector<16xf32>,
        %add3A_1220 = arith.constant 3 : i32
        %add3A_1221 = vector.broadcast %add3A_1220 : i32 to vector<16xi32>
        %add3A_1222 = arith.addi %add3A_1206, %add3A_1221 : vector<16xi32>
        tpu.vector_store_idx %arg13[%add3A_1222], %gather3A_1219 : memref<65160xf32, #tpu.memory_space<vmem>>[vector<16xi32>], vector<16xf32>,
        %add3A_1223 = vector.broadcast %mul3A_1114 : i32 to vector<16xi32>
        %add3A_1224 = arith.addi %mul3A_65, %add3A_1223 : vector<16xi32>
        %gather3A_1225 = tpu.vector_load_idx %arg10[%add3A_1043, %get3A_13] : memref<16x721xf32, #tpu.memory_space<vmem>>[vector<16xi32>, vector<16xi32>], vector<16xf32>,
        %add3A_1226 = arith.constant 0 : i32
        %add3A_1227 = vector.broadcast %add3A_1226 : i32 to vector<16xi32>
        %add3A_1228 = arith.addi %add3A_1224, %add3A_1227 : vector<16xi32>
        tpu.vector_store_idx %arg13[%add3A_1228], %gather3A_1225 : memref<65160xf32, #tpu.memory_space<vmem>>[vector<16xi32>], vector<16xf32>,
        %gather3A_1229 = tpu.vector_load_idx %arg10[%add3A_1066, %get3A_13] : memref<16x721xf32, #tpu.memory_space<vmem>>[vector<16xi32>, vector<16xi32>], vector<16xf32>,
        %add3A_1230 = arith.constant 1 : i32
        %add3A_1231 = vector.broadcast %add3A_1230 : i32 to vector<16xi32>
        %add3A_1232 = arith.addi %add3A_1224, %add3A_1231 : vector<16xi32>
        tpu.vector_store_idx %arg13[%add3A_1232], %gather3A_1229 : memref<65160xf32, #tpu.memory_space<vmem>>[vector<16xi32>], vector<16xf32>,
        %gather3A_1233 = tpu.vector_load_idx %arg10[%add3A_1089, %get3A_13] : memref<16x721xf32, #tpu.memory_space<vmem>>[vector<16xi32>, vector<16xi32>], vector<16xf32>,
        %add3A_1234 = arith.constant 2 : i32
        %add3A_1235 = vector.broadcast %add3A_1234 : i32 to vector<16xi32>
        %add3A_1236 = arith.addi %add3A_1224, %add3A_1235 : vector<16xi32>
        tpu.vector_store_idx %arg13[%add3A_1236], %gather3A_1233 : memref<65160xf32, #tpu.memory_space<vmem>>[vector<16xi32>], vector<16xf32>,
        %gather3A_1237 = tpu.vector_load_idx %arg10[%add3A_1112, %get3A_13] : memref<16x721xf32, #tpu.memory_space<vmem>>[vector<16xi32>, vector<16xi32>], vector<16xf32>,
        %add3A_1238 = arith.constant 3 : i32
        %add3A_1239 = vector.broadcast %add3A_1238 : i32 to vector<16xi32>
        %add3A_1240 = arith.addi %add3A_1224, %add3A_1239 : vector<16xi32>
        tpu.vector_store_idx %arg13[%add3A_1240], %gather3A_1237 : memref<65160xf32, #tpu.memory_space<vmem>>[vector<16xi32>], vector<16xf32>,
        %add3A_1241 = vector.broadcast %mul3A_1114 : i32 to vector<16xi32>
        %add3A_1242 = arith.addi %mul3A_71, %add3A_1241 : vector<16xi32>
        %gather3A_1243 = tpu.vector_load_idx %arg10[%add3A_1043, %get3A_15] : memref<16x721xf32, #tpu.memory_space<vmem>>[vector<16xi32>, vector<16xi32>], vector<16xf32>,
        %add3A_1244 = arith.constant 0 : i32
        %add3A_1245 = vector.broadcast %add3A_1244 : i32 to vector<16xi32>
        %add3A_1246 = arith.addi %add3A_1242, %add3A_1245 : vector<16xi32>
        tpu.vector_store_idx %arg13[%add3A_1246], %gather3A_1243 : memref<65160xf32, #tpu.memory_space<vmem>>[vector<16xi32>], vector<16xf32>,
        %gather3A_1247 = tpu.vector_load_idx %arg10[%add3A_1066, %get3A_15] : memref<16x721xf32, #tpu.memory_space<vmem>>[vector<16xi32>, vector<16xi32>], vector<16xf32>,
        %add3A_1248 = arith.constant 1 : i32
        %add3A_1249 = vector.broadcast %add3A_1248 : i32 to vector<16xi32>
        %add3A_1250 = arith.addi %add3A_1242, %add3A_1249 : vector<16xi32>
        tpu.vector_store_idx %arg13[%add3A_1250], %gather3A_1247 : memref<65160xf32, #tpu.memory_space<vmem>>[vector<16xi32>], vector<16xf32>,
        %gather3A_1251 = tpu.vector_load_idx %arg10[%add3A_1089, %get3A_15] : memref<16x721xf32, #tpu.memory_space<vmem>>[vector<16xi32>, vector<16xi32>], vector<16xf32>,
        %add3A_1252 = arith.constant 2 : i32
        %add3A_1253 = vector.broadcast %add3A_1252 : i32 to vector<16xi32>
        %add3A_1254 = arith.addi %add3A_1242, %add3A_1253 : vector<16xi32>
        tpu.vector_store_idx %arg13[%add3A_1254], %gather3A_1251 : memref<65160xf32, #tpu.memory_space<vmem>>[vector<16xi32>], vector<16xf32>,
        %gather3A_1255 = tpu.vector_load_idx %arg10[%add3A_1112, %get3A_15] : memref<16x721xf32, #tpu.memory_space<vmem>>[vector<16xi32>, vector<16xi32>], vector<16xf32>,
        %add3A_1256 = arith.constant 3 : i32
        %add3A_1257 = vector.broadcast %add3A_1256 : i32 to vector<16xi32>
        %add3A_1258 = arith.addi %add3A_1242, %add3A_1257 : vector<16xi32>
        tpu.vector_store_idx %arg13[%add3A_1258], %gather3A_1255 : memref<65160xf32, #tpu.memory_space<vmem>>[vector<16xi32>], vector<16xf32>,
        %add3A_1259 = vector.broadcast %mul3A_1114 : i32 to vector<16xi32>
        %add3A_1260 = arith.addi %mul3A_77, %add3A_1259 : vector<16xi32>
        %gather3A_1261 = tpu.vector_load_idx %arg10[%add3A_1043, %get3A_17] : memref<16x721xf32, #tpu.memory_space<vmem>>[vector<16xi32>, vector<16xi32>], vector<16xf32>,
        %add3A_1262 = arith.constant 0 : i32
        %add3A_1263 = vector.broadcast %add3A_1262 : i32 to vector<16xi32>
        %add3A_1264 = arith.addi %add3A_1260, %add3A_1263 : vector<16xi32>
        tpu.vector_store_idx %arg13[%add3A_1264], %gather3A_1261 : memref<65160xf32, #tpu.memory_space<vmem>>[vector<16xi32>], vector<16xf32>,
        %gather3A_1265 = tpu.vector_load_idx %arg10[%add3A_1066, %get3A_17] : memref<16x721xf32, #tpu.memory_space<vmem>>[vector<16xi32>, vector<16xi32>], vector<16xf32>,
        %add3A_1266 = arith.constant 1 : i32
        %add3A_1267 = vector.broadcast %add3A_1266 : i32 to vector<16xi32>
        %add3A_1268 = arith.addi %add3A_1260, %add3A_1267 : vector<16xi32>
        tpu.vector_store_idx %arg13[%add3A_1268], %gather3A_1265 : memref<65160xf32, #tpu.memory_space<vmem>>[vector<16xi32>], vector<16xf32>,
        %gather3A_1269 = tpu.vector_load_idx %arg10[%add3A_1089, %get3A_17] : memref<16x721xf32, #tpu.memory_space<vmem>>[vector<16xi32>, vector<16xi32>], vector<16xf32>,
        %add3A_1270 = arith.constant 2 : i32
        %add3A_1271 = vector.broadcast %add3A_1270 : i32 to vector<16xi32>
        %add3A_1272 = arith.addi %add3A_1260, %add3A_1271 : vector<16xi32>
        tpu.vector_store_idx %arg13[%add3A_1272], %gather3A_1269 : memref<65160xf32, #tpu.memory_space<vmem>>[vector<16xi32>], vector<16xf32>,
        %gather3A_1273 = tpu.vector_load_idx %arg10[%add3A_1112, %get3A_17] : memref<16x721xf32, #tpu.memory_space<vmem>>[vector<16xi32>, vector<16xi32>], vector<16xf32>,
        %add3A_1274 = arith.constant 3 : i32
        %add3A_1275 = vector.broadcast %add3A_1274 : i32 to vector<16xi32>
        %add3A_1276 = arith.addi %add3A_1260, %add3A_1275 : vector<16xi32>
        tpu.vector_store_idx %arg13[%add3A_1276], %gather3A_1273 : memref<65160xf32, #tpu.memory_space<vmem>>[vector<16xi32>], vector<16xf32>,
        %add3A_1277 = vector.broadcast %mul3A_1114 : i32 to vector<16xi32>
        %add3A_1278 = arith.addi %mul3A_83, %add3A_1277 : vector<16xi32>
        %gather3A_1279 = tpu.vector_load_idx %arg10[%add3A_1043, %get3A_19] : memref<16x721xf32, #tpu.memory_space<vmem>>[vector<16xi32>, vector<16xi32>], vector<16xf32>,
        %add3A_1280 = arith.constant 0 : i32
        %add3A_1281 = vector.broadcast %add3A_1280 : i32 to vector<16xi32>
        %add3A_1282 = arith.addi %add3A_1278, %add3A_1281 : vector<16xi32>
        tpu.vector_store_idx %arg13[%add3A_1282], %gather3A_1279 : memref<65160xf32, #tpu.memory_space<vmem>>[vector<16xi32>], vector<16xf32>,
        %gather3A_1283 = tpu.vector_load_idx %arg10[%add3A_1066, %get3A_19] : memref<16x721xf32, #tpu.memory_space<vmem>>[vector<16xi32>, vector<16xi32>], vector<16xf32>,
        %add3A_1284 = arith.constant 1 : i32
        %add3A_1285 = vector.broadcast %add3A_1284 : i32 to vector<16xi32>
        %add3A_1286 = arith.addi %add3A_1278, %add3A_1285 : vector<16xi32>
        tpu.vector_store_idx %arg13[%add3A_1286], %gather3A_1283 : memref<65160xf32, #tpu.memory_space<vmem>>[vector<16xi32>], vector<16xf32>,
        %gather3A_1287 = tpu.vector_load_idx %arg10[%add3A_1089, %get3A_19] : memref<16x721xf32, #tpu.memory_space<vmem>>[vector<16xi32>, vector<16xi32>], vector<16xf32>,
        %add3A_1288 = arith.constant 2 : i32
        %add3A_1289 = vector.broadcast %add3A_1288 : i32 to vector<16xi32>
        %add3A_1290 = arith.addi %add3A_1278, %add3A_1289 : vector<16xi32>
        tpu.vector_store_idx %arg13[%add3A_1290], %gather3A_1287 : memref<65160xf32, #tpu.memory_space<vmem>>[vector<16xi32>], vector<16xf32>,
        %gather3A_1291 = tpu.vector_load_idx %arg10[%add3A_1112, %get3A_19] : memref<16x721xf32, #tpu.memory_space<vmem>>[vector<16xi32>, vector<16xi32>], vector<16xf32>,
        %add3A_1292 = arith.constant 3 : i32
        %add3A_1293 = vector.broadcast %add3A_1292 : i32 to vector<16xi32>
        %add3A_1294 = arith.addi %add3A_1278, %add3A_1293 : vector<16xi32>
        tpu.vector_store_idx %arg13[%add3A_1294], %gather3A_1291 : memref<65160xf32, #tpu.memory_space<vmem>>[vector<16xi32>], vector<16xf32>,
        %add3A_1295 = vector.broadcast %mul3A_1114 : i32 to vector<16xi32>
        %add3A_1296 = arith.addi %mul3A_89, %add3A_1295 : vector<16xi32>
        %gather3A_1297 = tpu.vector_load_idx %arg10[%add3A_1043, %get3A_21] : memref<16x721xf32, #tpu.memory_space<vmem>>[vector<16xi32>, vector<16xi32>], vector<16xf32>,
        %add3A_1298 = arith.constant 0 : i32
        %add3A_1299 = vector.broadcast %add3A_1298 : i32 to vector<16xi32>
        %add3A_1300 = arith.addi %add3A_1296, %add3A_1299 : vector<16xi32>
        tpu.vector_store_idx %arg13[%add3A_1300], %gather3A_1297 : memref<65160xf32, #tpu.memory_space<vmem>>[vector<16xi32>], vector<16xf32>,
        %gather3A_1301 = tpu.vector_load_idx %arg10[%add3A_1066, %get3A_21] : memref<16x721xf32, #tpu.memory_space<vmem>>[vector<16xi32>, vector<16xi32>], vector<16xf32>,
        %add3A_1302 = arith.constant 1 : i32
        %add3A_1303 = vector.broadcast %add3A_1302 : i32 to vector<16xi32>
        %add3A_1304 = arith.addi %add3A_1296, %add3A_1303 : vector<16xi32>
        tpu.vector_store_idx %arg13[%add3A_1304], %gather3A_1301 : memref<65160xf32, #tpu.memory_space<vmem>>[vector<16xi32>], vector<16xf32>,
        %gather3A_1305 = tpu.vector_load_idx %arg10[%add3A_1089, %get3A_21] : memref<16x721xf32, #tpu.memory_space<vmem>>[vector<16xi32>, vector<16xi32>], vector<16xf32>,
        %add3A_1306 = arith.constant 2 : i32
        %add3A_1307 = vector.broadcast %add3A_1306 : i32 to vector<16xi32>
        %add3A_1308 = arith.addi %add3A_1296, %add3A_1307 : vector<16xi32>
        tpu.vector_store_idx %arg13[%add3A_1308], %gather3A_1305 : memref<65160xf32, #tpu.memory_space<vmem>>[vector<16xi32>], vector<16xf32>,
        %gather3A_1309 = tpu.vector_load_idx %arg10[%add3A_1112, %get3A_21] : memref<16x721xf32, #tpu.memory_space<vmem>>[vector<16xi32>, vector<16xi32>], vector<16xf32>,
        %add3A_1310 = arith.constant 3 : i32
        %add3A_1311 = vector.broadcast %add3A_1310 : i32 to vector<16xi32>
        %add3A_1312 = arith.addi %add3A_1296, %add3A_1311 : vector<16xi32>
        tpu.vector_store_idx %arg13[%add3A_1312], %gather3A_1309 : memref<65160xf32, #tpu.memory_space<vmem>>[vector<16xi32>], vector<16xf32>,
        %add3A_1313 = vector.broadcast %mul3A_1114 : i32 to vector<16xi32>
        %add3A_1314 = arith.addi %mul3A_95, %add3A_1313 : vector<16xi32>
        %gather3A_1315 = tpu.vector_load_idx %arg10[%add3A_1043, %get3A_23] : memref<16x721xf32, #tpu.memory_space<vmem>>[vector<16xi32>, vector<16xi32>], vector<16xf32>,
        %add3A_1316 = arith.constant 0 : i32
        %add3A_1317 = vector.broadcast %add3A_1316 : i32 to vector<16xi32>
        %add3A_1318 = arith.addi %add3A_1314, %add3A_1317 : vector<16xi32>
        tpu.vector_store_idx %arg13[%add3A_1318], %gather3A_1315 : memref<65160xf32, #tpu.memory_space<vmem>>[vector<16xi32>], vector<16xf32>,
        %gather3A_1319 = tpu.vector_load_idx %arg10[%add3A_1066, %get3A_23] : memref<16x721xf32, #tpu.memory_space<vmem>>[vector<16xi32>, vector<16xi32>], vector<16xf32>,
        %add3A_1320 = arith.constant 1 : i32
        %add3A_1321 = vector.broadcast %add3A_1320 : i32 to vector<16xi32>
        %add3A_1322 = arith.addi %add3A_1314, %add3A_1321 : vector<16xi32>
        tpu.vector_store_idx %arg13[%add3A_1322], %gather3A_1319 : memref<65160xf32, #tpu.memory_space<vmem>>[vector<16xi32>], vector<16xf32>,
        %gather3A_1323 = tpu.vector_load_idx %arg10[%add3A_1089, %get3A_23] : memref<16x721xf32, #tpu.memory_space<vmem>>[vector<16xi32>, vector<16xi32>], vector<16xf32>,
        %add3A_1324 = arith.constant 2 : i32
        %add3A_1325 = vector.broadcast %add3A_1324 : i32 to vector<16xi32>
        %add3A_1326 = arith.addi %add3A_1314, %add3A_1325 : vector<16xi32>
        tpu.vector_store_idx %arg13[%add3A_1326], %gather3A_1323 : memref<65160xf32, #tpu.memory_space<vmem>>[vector<16xi32>], vector<16xf32>,
        %gather3A_1327 = tpu.vector_load_idx %arg10[%add3A_1112, %get3A_23] : memref<16x721xf32, #tpu.memory_space<vmem>>[vector<16xi32>, vector<16xi32>], vector<16xf32>,
        %add3A_1328 = arith.constant 3 : i32
        %add3A_1329 = vector.broadcast %add3A_1328 : i32 to vector<16xi32>
        %add3A_1330 = arith.addi %add3A_1314, %add3A_1329 : vector<16xi32>
        tpu.vector_store_idx %arg13[%add3A_1330], %gather3A_1327 : memref<65160xf32, #tpu.memory_space<vmem>>[vector<16xi32>], vector<16xf32>,
        %mul3A_1331 = arith.constant 5 : i32
        %mul3A_1332 = arith.muli %mul3A_1331, %scan3A_296 : i32
        %add3A_1333 = arith.constant 3 : i32
        %add3A_1334 = arith.addi %mul3A_1332, %add3A_1333 : i32
        %lt3A_1335 = arith.constant 17 : i32
        %lt3A_1336 = arith.cmpi slt, %scan3A_296, %lt3A_1335 : i32
        %convert_element_type3A_1337 = arith.extui %lt3A_1336 : i1 to i32
        %cond3A_1338 = arith.constant 0 : i32
        %cond3A_1339 = arith.cmpi ne, %convert_element_type3A_1337, %cond3A_1338 : i32
        scf.if %cond3A_1339 {
          %add3A_1997 = arith.constant 4 : i32
          %add3A_1998 = arith.addi %add3A_1334, %add3A_1997 : i32
          %mul3A_1999 = arith.constant 4 : i32
          %mul3A_2000 = arith.muli %mul3A_1999, %add3A_1998 : i32
          %get3A_2001 = arith.index_cast %mul3A_2000 : i32 to index
          %get3A_2002 = tpu.vector_load %arg7[%get3A_2001] {strides = array<i32>} : memref<384xi32, #tpu.memory_space<vmem>>, vector<16xi32>,
          %slice3A_2003 = vector.extract_strided_slice %get3A_2002 {offsets = [0], sizes = [1], strides = [1]} : vector<16xi32> to vector<1xi32>
          %squeeze3A_2004 = vector.extract %slice3A_2003[0] : i32 from vector<1xi32>
          %jit3A_2005 = arith.constant 16 : i32
          %div3A_2006 = arith.divsi %squeeze3A_2004, %jit3A_2005 : i32
          %sign3A_2007 = arith.constant 0 : i32
          %sign3A_2008 = arith.cmpi sgt, %squeeze3A_2004, %sign3A_2007 : i32
          %sign3A_2009 = arith.extui %sign3A_2008 : i1 to i32
          %sign3A_2010 = arith.constant 0 : i32
          %sign3A_2011 = arith.cmpi slt, %squeeze3A_2004, %sign3A_2010 : i32
          %sign3A_2012 = arith.extui %sign3A_2011 : i1 to i32
          %sign3A_2013 = arith.subi %sign3A_2009, %sign3A_2012 : i32
          %sign3A_2014 = arith.constant 0 : i32
          %sign3A_2015 = arith.cmpi sgt, %jit3A_2005, %sign3A_2014 : i32
          %sign3A_2016 = arith.extui %sign3A_2015 : i1 to i32
          %sign3A_2017 = arith.constant 0 : i32
          %sign3A_2018 = arith.cmpi slt, %jit3A_2005, %sign3A_2017 : i32
          %sign3A_2019 = arith.extui %sign3A_2018 : i1 to i32
          %sign3A_2020 = arith.subi %sign3A_2016, %sign3A_2019 : i32
          %ne3A_2021 = arith.cmpi ne, %sign3A_2013, %sign3A_2020 : i32
          %rem3A_2022 = arith.remsi %squeeze3A_2004, %jit3A_2005 : i32
          %ne3A_2023 = arith.constant 0 : i32
          %ne3A_2024 = arith.cmpi ne, %rem3A_2022, %ne3A_2023 : i32
          %and3A_2025 = arith.andi %ne3A_2021, %ne3A_2024 : i1
          %sub3A_2026 = arith.constant 1 : i32
          %sub3A_2027 = arith.subi %div3A_2006, %sub3A_2026 : i32
          %select_n3A_2028 = arith.select %and3A_2025, %sub3A_2027, %div3A_2006 : i32
          %mul3A_2029 = arith.constant 16 : i32
          %mul3A_2030 = arith.muli %select_n3A_2028, %mul3A_2029 : i32
          %multiple_of3A_2031 = tpu.assume_multiple %mul3A_2030, 16 : i32
          %dma_start3A_2032 = arith.constant 0 : i32
          %dma_start3A_2033 = tpu.memref_slice %arg2[%select_n3A, %select_n3A_137, %multiple_of3A_2031, %dma_start3A_2032] : memref<2x32x1440x721xf32, #tpu.memory_space<hbm>> -> memref<1x1x16x721xf32, #tpu.memory_space<hbm>>
          %dma_start3A_2034 = tpu.memref_squeeze %dma_start3A_2033 : memref<1x1x16x721xf32, #tpu.memory_space<hbm>> -> memref<16x721xf32, #tpu.memory_space<hbm>>
          %dma_start3A_2035 = arith.constant 0 : i32
          %dma_start3A_2036 = tpu.memref_slice %arg2[%select_n3A, %select_n3A_137, %multiple_of3A_2031, %dma_start3A_2035] : memref<2x32x1440x721xf32, #tpu.memory_space<hbm>> -> memref<1x1x16x721xf32, #tpu.memory_space<hbm>>
          %dma_start3A_2037 = tpu.memref_squeeze %dma_start3A_2036 : memref<1x1x16x721xf32, #tpu.memory_space<hbm>> -> memref<16x721xf32, #tpu.memory_space<hbm>>
          tpu.enqueue_dma source(%dma_start3A_2037 : memref<16x721xf32, #tpu.memory_space<hbm>>) target(%arg10 : memref<16x721xf32, #tpu.memory_space<vmem>>) target_semaphore(%arg16 : memref<!tpu.dma_semaphore, #tpu.memory_space<semaphore_mem>>)
        } else {
        }
        %dma_wait3A_1340 = arith.constant 0 : i32
        %dma_wait3A_1341 = arith.constant 0 : i32
        %dma_wait3A_1342 = arith.constant 0 : i32
        %dma_wait3A_1343 = arith.constant 0 : i32
        %dma_wait3A_1344 = tpu.memref_slice %arg2[%dma_wait3A_1340, %dma_wait3A_1341, %dma_wait3A_1342, %dma_wait3A_1343] : memref<2x32x1440x721xf32, #tpu.memory_space<hbm>> -> memref<1x1x16x721xf32, #tpu.memory_space<hbm>>
        %dma_wait3A_1345 = tpu.memref_squeeze %dma_wait3A_1344 : memref<1x1x16x721xf32, #tpu.memory_space<hbm>> -> memref<16x721xf32, #tpu.memory_space<hbm>>
        %dma_wait3A_1346 = arith.constant 0 : i32
        %dma_wait3A_1347 = arith.constant 0 : i32
        %dma_wait3A_1348 = tpu.memref_slice %arg2[%dma_wait3A_1340, %dma_wait3A_1341, %dma_wait3A_1346, %dma_wait3A_1347] : memref<2x32x1440x721xf32, #tpu.memory_space<hbm>> -> memref<1x1x16x721xf32, #tpu.memory_space<hbm>>
        %dma_wait3A_1349 = tpu.memref_squeeze %dma_wait3A_1348 : memref<1x1x16x721xf32, #tpu.memory_space<hbm>> -> memref<16x721xf32, #tpu.memory_space<hbm>>
        tpu.wait_dma2 semaphore(%arg17 : memref<!tpu.dma_semaphore, #tpu.memory_space<semaphore_mem>>) src(%dma_wait3A_1349 : memref<16x721xf32, #tpu.memory_space<hbm>>) dst(%arg11 : memref<16x721xf32, #tpu.memory_space<vmem>>)
        %mul3A_1350 = arith.constant 4 : i32
        %mul3A_1351 = arith.muli %mul3A_1350, %add3A_1334 : i32
        %get3A_1352 = arith.index_cast %mul3A_1351 : i32 to index
        %get3A_1353 = tpu.vector_load %arg7[%get3A_1352] {strides = array<i32>} : memref<384xi32, #tpu.memory_space<vmem>>, vector<16xi32>,
        %mul3A_1354 = arith.constant 0 : i32
        %mul3A_1355 = vector.broadcast %mul3A_1354 : i32 to vector<16xi32>
        %mul3A_1356 = arith.muli %iota3A, %mul3A_1355 : vector<16xi32>
        %slice3A_1357 = vector.extract_strided_slice %get3A_1353 {offsets = [0], sizes = [1], strides = [1]} : vector<16xi32> to vector<1xi32>
        %squeeze3A_1358 = vector.extract %slice3A_1357[0] : i32 from vector<1xi32>
        %jit3A_1359 = arith.constant 16 : i32
        %eq3A_1360 = arith.constant 0 : i32
        %eq3A_1361 = arith.cmpi eq, %jit3A_1359, %eq3A_1360 : i32
        %jit3A_1362 = arith.constant 1 : i32
        %select_n3A_1363 = arith.select %eq3A_1361, %jit3A_1362, %jit3A_1359 : i32
        %rem3A_1364 = arith.remsi %squeeze3A_1358, %select_n3A_1363 : i32
        %ne3A_1365 = arith.constant 0 : i32
        %ne3A_1366 = arith.cmpi ne, %rem3A_1364, %ne3A_1365 : i32
        %lt3A_1367 = arith.constant 0 : i32
        %lt3A_1368 = arith.cmpi slt, %rem3A_1364, %lt3A_1367 : i32
        %lt3A_1369 = arith.constant 0 : i32
        %lt3A_1370 = arith.cmpi slt, %select_n3A_1363, %lt3A_1369 : i32
        %ne3A_1371 = arith.xori %lt3A_1368, %lt3A_1370 : i1
        %and3A_1372 = arith.andi %ne3A_1371, %ne3A_1366 : i1
        %add3A_1373 = arith.addi %rem3A_1364, %select_n3A_1363 : i32
        %select_n3A_1374 = arith.select %and3A_1372, %add3A_1373, %rem3A_1364 : i32
        %add3A_1375 = vector.broadcast %select_n3A_1374 : i32 to vector<16xi32>
        %add3A_1376 = arith.addi %mul3A_1356, %add3A_1375 : vector<16xi32>
        %mul3A_1377 = arith.constant 0 : i32
        %mul3A_1378 = vector.broadcast %mul3A_1377 : i32 to vector<16xi32>
        %mul3A_1379 = arith.muli %iota3A, %mul3A_1378 : vector<16xi32>
        %slice3A_1380 = vector.extract_strided_slice %get3A_1353 {offsets = [1], sizes = [1], strides = [1]} : vector<16xi32> to vector<1xi32>
        %squeeze3A_1381 = vector.extract %slice3A_1380[0] : i32 from vector<1xi32>
        %jit3A_1382 = arith.constant 16 : i32
        %eq3A_1383 = arith.constant 0 : i32
        %eq3A_1384 = arith.cmpi eq, %jit3A_1382, %eq3A_1383 : i32
        %jit3A_1385 = arith.constant 1 : i32
        %select_n3A_1386 = arith.select %eq3A_1384, %jit3A_1385, %jit3A_1382 : i32
        %rem3A_1387 = arith.remsi %squeeze3A_1381, %select_n3A_1386 : i32
        %ne3A_1388 = arith.constant 0 : i32
        %ne3A_1389 = arith.cmpi ne, %rem3A_1387, %ne3A_1388 : i32
        %lt3A_1390 = arith.constant 0 : i32
        %lt3A_1391 = arith.cmpi slt, %rem3A_1387, %lt3A_1390 : i32
        %lt3A_1392 = arith.constant 0 : i32
        %lt3A_1393 = arith.cmpi slt, %select_n3A_1386, %lt3A_1392 : i32
        %ne3A_1394 = arith.xori %lt3A_1391, %lt3A_1393 : i1
        %and3A_1395 = arith.andi %ne3A_1394, %ne3A_1389 : i1
        %add3A_1396 = arith.addi %rem3A_1387, %select_n3A_1386 : i32
        %select_n3A_1397 = arith.select %and3A_1395, %add3A_1396, %rem3A_1387 : i32
        %add3A_1398 = vector.broadcast %select_n3A_1397 : i32 to vector<16xi32>
        %add3A_1399 = arith.addi %mul3A_1379, %add3A_1398 : vector<16xi32>
        %mul3A_1400 = arith.constant 0 : i32
        %mul3A_1401 = vector.broadcast %mul3A_1400 : i32 to vector<16xi32>
        %mul3A_1402 = arith.muli %iota3A, %mul3A_1401 : vector<16xi32>
        %slice3A_1403 = vector.extract_strided_slice %get3A_1353 {offsets = [2], sizes = [1], strides = [1]} : vector<16xi32> to vector<1xi32>
        %squeeze3A_1404 = vector.extract %slice3A_1403[0] : i32 from vector<1xi32>
        %jit3A_1405 = arith.constant 16 : i32
        %eq3A_1406 = arith.constant 0 : i32
        %eq3A_1407 = arith.cmpi eq, %jit3A_1405, %eq3A_1406 : i32
        %jit3A_1408 = arith.constant 1 : i32
        %select_n3A_1409 = arith.select %eq3A_1407, %jit3A_1408, %jit3A_1405 : i32
        %rem3A_1410 = arith.remsi %squeeze3A_1404, %select_n3A_1409 : i32
        %ne3A_1411 = arith.constant 0 : i32
        %ne3A_1412 = arith.cmpi ne, %rem3A_1410, %ne3A_1411 : i32
        %lt3A_1413 = arith.constant 0 : i32
        %lt3A_1414 = arith.cmpi slt, %rem3A_1410, %lt3A_1413 : i32
        %lt3A_1415 = arith.constant 0 : i32
        %lt3A_1416 = arith.cmpi slt, %select_n3A_1409, %lt3A_1415 : i32
        %ne3A_1417 = arith.xori %lt3A_1414, %lt3A_1416 : i1
        %and3A_1418 = arith.andi %ne3A_1417, %ne3A_1412 : i1
        %add3A_1419 = arith.addi %rem3A_1410, %select_n3A_1409 : i32
        %select_n3A_1420 = arith.select %and3A_1418, %add3A_1419, %rem3A_1410 : i32
        %add3A_1421 = vector.broadcast %select_n3A_1420 : i32 to vector<16xi32>
        %add3A_1422 = arith.addi %mul3A_1402, %add3A_1421 : vector<16xi32>
        %mul3A_1423 = arith.constant 0 : i32
        %mul3A_1424 = vector.broadcast %mul3A_1423 : i32 to vector<16xi32>
        %mul3A_1425 = arith.muli %iota3A, %mul3A_1424 : vector<16xi32>
        %slice3A_1426 = vector.extract_strided_slice %get3A_1353 {offsets = [3], sizes = [1], strides = [1]} : vector<16xi32> to vector<1xi32>
        %squeeze3A_1427 = vector.extract %slice3A_1426[0] : i32 from vector<1xi32>
        %jit3A_1428 = arith.constant 16 : i32
        %eq3A_1429 = arith.constant 0 : i32
        %eq3A_1430 = arith.cmpi eq, %jit3A_1428, %eq3A_1429 : i32
        %jit3A_1431 = arith.constant 1 : i32
        %select_n3A_1432 = arith.select %eq3A_1430, %jit3A_1431, %jit3A_1428 : i32
        %rem3A_1433 = arith.remsi %squeeze3A_1427, %select_n3A_1432 : i32
        %ne3A_1434 = arith.constant 0 : i32
        %ne3A_1435 = arith.cmpi ne, %rem3A_1433, %ne3A_1434 : i32
        %lt3A_1436 = arith.constant 0 : i32
        %lt3A_1437 = arith.cmpi slt, %rem3A_1433, %lt3A_1436 : i32
        %lt3A_1438 = arith.constant 0 : i32
        %lt3A_1439 = arith.cmpi slt, %select_n3A_1432, %lt3A_1438 : i32
        %ne3A_1440 = arith.xori %lt3A_1437, %lt3A_1439 : i1
        %and3A_1441 = arith.andi %ne3A_1440, %ne3A_1435 : i1
        %add3A_1442 = arith.addi %rem3A_1433, %select_n3A_1432 : i32
        %select_n3A_1443 = arith.select %and3A_1441, %add3A_1442, %rem3A_1433 : i32
        %add3A_1444 = vector.broadcast %select_n3A_1443 : i32 to vector<16xi32>
        %add3A_1445 = arith.addi %mul3A_1425, %add3A_1444 : vector<16xi32>
        %mul3A_1446 = arith.constant 4 : i32
        %mul3A_1447 = arith.muli %mul3A_1446, %add3A_1334 : i32
        %add3A_1448 = vector.broadcast %mul3A_1447 : i32 to vector<16xi32>
        %add3A_1449 = arith.addi %mul3A_29, %add3A_1448 : vector<16xi32>
        %gather3A_1450 = tpu.vector_load_idx %arg11[%add3A_1376, %get3A_1] : memref<16x721xf32, #tpu.memory_space<vmem>>[vector<16xi32>, vector<16xi32>], vector<16xf32>,
        %add3A_1451 = arith.constant 0 : i32
        %add3A_1452 = vector.broadcast %add3A_1451 : i32 to vector<16xi32>
        %add3A_1453 = arith.addi %add3A_1449, %add3A_1452 : vector<16xi32>
        tpu.vector_store_idx %arg13[%add3A_1453], %gather3A_1450 : memref<65160xf32, #tpu.memory_space<vmem>>[vector<16xi32>], vector<16xf32>,
        %gather3A_1454 = tpu.vector_load_idx %arg11[%add3A_1399, %get3A_1] : memref<16x721xf32, #tpu.memory_space<vmem>>[vector<16xi32>, vector<16xi32>], vector<16xf32>,
        %add3A_1455 = arith.constant 1 : i32
        %add3A_1456 = vector.broadcast %add3A_1455 : i32 to vector<16xi32>
        %add3A_1457 = arith.addi %add3A_1449, %add3A_1456 : vector<16xi32>
        tpu.vector_store_idx %arg13[%add3A_1457], %gather3A_1454 : memref<65160xf32, #tpu.memory_space<vmem>>[vector<16xi32>], vector<16xf32>,
        %gather3A_1458 = tpu.vector_load_idx %arg11[%add3A_1422, %get3A_1] : memref<16x721xf32, #tpu.memory_space<vmem>>[vector<16xi32>, vector<16xi32>], vector<16xf32>,
        %add3A_1459 = arith.constant 2 : i32
        %add3A_1460 = vector.broadcast %add3A_1459 : i32 to vector<16xi32>
        %add3A_1461 = arith.addi %add3A_1449, %add3A_1460 : vector<16xi32>
        tpu.vector_store_idx %arg13[%add3A_1461], %gather3A_1458 : memref<65160xf32, #tpu.memory_space<vmem>>[vector<16xi32>], vector<16xf32>,
        %gather3A_1462 = tpu.vector_load_idx %arg11[%add3A_1445, %get3A_1] : memref<16x721xf32, #tpu.memory_space<vmem>>[vector<16xi32>, vector<16xi32>], vector<16xf32>,
        %add3A_1463 = arith.constant 3 : i32
        %add3A_1464 = vector.broadcast %add3A_1463 : i32 to vector<16xi32>
        %add3A_1465 = arith.addi %add3A_1449, %add3A_1464 : vector<16xi32>
        tpu.vector_store_idx %arg13[%add3A_1465], %gather3A_1462 : memref<65160xf32, #tpu.memory_space<vmem>>[vector<16xi32>], vector<16xf32>,
        %add3A_1466 = vector.broadcast %mul3A_1447 : i32 to vector<16xi32>
        %add3A_1467 = arith.addi %mul3A_35, %add3A_1466 : vector<16xi32>
        %gather3A_1468 = tpu.vector_load_idx %arg11[%add3A_1376, %get3A_3] : memref<16x721xf32, #tpu.memory_space<vmem>>[vector<16xi32>, vector<16xi32>], vector<16xf32>,
        %add3A_1469 = arith.constant 0 : i32
        %add3A_1470 = vector.broadcast %add3A_1469 : i32 to vector<16xi32>
        %add3A_1471 = arith.addi %add3A_1467, %add3A_1470 : vector<16xi32>
        tpu.vector_store_idx %arg13[%add3A_1471], %gather3A_1468 : memref<65160xf32, #tpu.memory_space<vmem>>[vector<16xi32>], vector<16xf32>,
        %gather3A_1472 = tpu.vector_load_idx %arg11[%add3A_1399, %get3A_3] : memref<16x721xf32, #tpu.memory_space<vmem>>[vector<16xi32>, vector<16xi32>], vector<16xf32>,
        %add3A_1473 = arith.constant 1 : i32
        %add3A_1474 = vector.broadcast %add3A_1473 : i32 to vector<16xi32>
        %add3A_1475 = arith.addi %add3A_1467, %add3A_1474 : vector<16xi32>
        tpu.vector_store_idx %arg13[%add3A_1475], %gather3A_1472 : memref<65160xf32, #tpu.memory_space<vmem>>[vector<16xi32>], vector<16xf32>,
        %gather3A_1476 = tpu.vector_load_idx %arg11[%add3A_1422, %get3A_3] : memref<16x721xf32, #tpu.memory_space<vmem>>[vector<16xi32>, vector<16xi32>], vector<16xf32>,
        %add3A_1477 = arith.constant 2 : i32
        %add3A_1478 = vector.broadcast %add3A_1477 : i32 to vector<16xi32>
        %add3A_1479 = arith.addi %add3A_1467, %add3A_1478 : vector<16xi32>
        tpu.vector_store_idx %arg13[%add3A_1479], %gather3A_1476 : memref<65160xf32, #tpu.memory_space<vmem>>[vector<16xi32>], vector<16xf32>,
        %gather3A_1480 = tpu.vector_load_idx %arg11[%add3A_1445, %get3A_3] : memref<16x721xf32, #tpu.memory_space<vmem>>[vector<16xi32>, vector<16xi32>], vector<16xf32>,
        %add3A_1481 = arith.constant 3 : i32
        %add3A_1482 = vector.broadcast %add3A_1481 : i32 to vector<16xi32>
        %add3A_1483 = arith.addi %add3A_1467, %add3A_1482 : vector<16xi32>
        tpu.vector_store_idx %arg13[%add3A_1483], %gather3A_1480 : memref<65160xf32, #tpu.memory_space<vmem>>[vector<16xi32>], vector<16xf32>,
        %add3A_1484 = vector.broadcast %mul3A_1447 : i32 to vector<16xi32>
        %add3A_1485 = arith.addi %mul3A_41, %add3A_1484 : vector<16xi32>
        %gather3A_1486 = tpu.vector_load_idx %arg11[%add3A_1376, %get3A_5] : memref<16x721xf32, #tpu.memory_space<vmem>>[vector<16xi32>, vector<16xi32>], vector<16xf32>,
        %add3A_1487 = arith.constant 0 : i32
        %add3A_1488 = vector.broadcast %add3A_1487 : i32 to vector<16xi32>
        %add3A_1489 = arith.addi %add3A_1485, %add3A_1488 : vector<16xi32>
        tpu.vector_store_idx %arg13[%add3A_1489], %gather3A_1486 : memref<65160xf32, #tpu.memory_space<vmem>>[vector<16xi32>], vector<16xf32>,
        %gather3A_1490 = tpu.vector_load_idx %arg11[%add3A_1399, %get3A_5] : memref<16x721xf32, #tpu.memory_space<vmem>>[vector<16xi32>, vector<16xi32>], vector<16xf32>,
        %add3A_1491 = arith.constant 1 : i32
        %add3A_1492 = vector.broadcast %add3A_1491 : i32 to vector<16xi32>
        %add3A_1493 = arith.addi %add3A_1485, %add3A_1492 : vector<16xi32>
        tpu.vector_store_idx %arg13[%add3A_1493], %gather3A_1490 : memref<65160xf32, #tpu.memory_space<vmem>>[vector<16xi32>], vector<16xf32>,
        %gather3A_1494 = tpu.vector_load_idx %arg11[%add3A_1422, %get3A_5] : memref<16x721xf32, #tpu.memory_space<vmem>>[vector<16xi32>, vector<16xi32>], vector<16xf32>,
        %add3A_1495 = arith.constant 2 : i32
        %add3A_1496 = vector.broadcast %add3A_1495 : i32 to vector<16xi32>
        %add3A_1497 = arith.addi %add3A_1485, %add3A_1496 : vector<16xi32>
        tpu.vector_store_idx %arg13[%add3A_1497], %gather3A_1494 : memref<65160xf32, #tpu.memory_space<vmem>>[vector<16xi32>], vector<16xf32>,
        %gather3A_1498 = tpu.vector_load_idx %arg11[%add3A_1445, %get3A_5] : memref<16x721xf32, #tpu.memory_space<vmem>>[vector<16xi32>, vector<16xi32>], vector<16xf32>,
        %add3A_1499 = arith.constant 3 : i32
        %add3A_1500 = vector.broadcast %add3A_1499 : i32 to vector<16xi32>
        %add3A_1501 = arith.addi %add3A_1485, %add3A_1500 : vector<16xi32>
        tpu.vector_store_idx %arg13[%add3A_1501], %gather3A_1498 : memref<65160xf32, #tpu.memory_space<vmem>>[vector<16xi32>], vector<16xf32>,
        %add3A_1502 = vector.broadcast %mul3A_1447 : i32 to vector<16xi32>
        %add3A_1503 = arith.addi %mul3A_47, %add3A_1502 : vector<16xi32>
        %gather3A_1504 = tpu.vector_load_idx %arg11[%add3A_1376, %get3A_7] : memref<16x721xf32, #tpu.memory_space<vmem>>[vector<16xi32>, vector<16xi32>], vector<16xf32>,
        %add3A_1505 = arith.constant 0 : i32
        %add3A_1506 = vector.broadcast %add3A_1505 : i32 to vector<16xi32>
        %add3A_1507 = arith.addi %add3A_1503, %add3A_1506 : vector<16xi32>
        tpu.vector_store_idx %arg13[%add3A_1507], %gather3A_1504 : memref<65160xf32, #tpu.memory_space<vmem>>[vector<16xi32>], vector<16xf32>,
        %gather3A_1508 = tpu.vector_load_idx %arg11[%add3A_1399, %get3A_7] : memref<16x721xf32, #tpu.memory_space<vmem>>[vector<16xi32>, vector<16xi32>], vector<16xf32>,
        %add3A_1509 = arith.constant 1 : i32
        %add3A_1510 = vector.broadcast %add3A_1509 : i32 to vector<16xi32>
        %add3A_1511 = arith.addi %add3A_1503, %add3A_1510 : vector<16xi32>
        tpu.vector_store_idx %arg13[%add3A_1511], %gather3A_1508 : memref<65160xf32, #tpu.memory_space<vmem>>[vector<16xi32>], vector<16xf32>,
        %gather3A_1512 = tpu.vector_load_idx %arg11[%add3A_1422, %get3A_7] : memref<16x721xf32, #tpu.memory_space<vmem>>[vector<16xi32>, vector<16xi32>], vector<16xf32>,
        %add3A_1513 = arith.constant 2 : i32
        %add3A_1514 = vector.broadcast %add3A_1513 : i32 to vector<16xi32>
        %add3A_1515 = arith.addi %add3A_1503, %add3A_1514 : vector<16xi32>
        tpu.vector_store_idx %arg13[%add3A_1515], %gather3A_1512 : memref<65160xf32, #tpu.memory_space<vmem>>[vector<16xi32>], vector<16xf32>,
        %gather3A_1516 = tpu.vector_load_idx %arg11[%add3A_1445, %get3A_7] : memref<16x721xf32, #tpu.memory_space<vmem>>[vector<16xi32>, vector<16xi32>], vector<16xf32>,
        %add3A_1517 = arith.constant 3 : i32
        %add3A_1518 = vector.broadcast %add3A_1517 : i32 to vector<16xi32>
        %add3A_1519 = arith.addi %add3A_1503, %add3A_1518 : vector<16xi32>
        tpu.vector_store_idx %arg13[%add3A_1519], %gather3A_1516 : memref<65160xf32, #tpu.memory_space<vmem>>[vector<16xi32>], vector<16xf32>,
        %add3A_1520 = vector.broadcast %mul3A_1447 : i32 to vector<16xi32>
        %add3A_1521 = arith.addi %mul3A_53, %add3A_1520 : vector<16xi32>
        %gather3A_1522 = tpu.vector_load_idx %arg11[%add3A_1376, %get3A_9] : memref<16x721xf32, #tpu.memory_space<vmem>>[vector<16xi32>, vector<16xi32>], vector<16xf32>,
        %add3A_1523 = arith.constant 0 : i32
        %add3A_1524 = vector.broadcast %add3A_1523 : i32 to vector<16xi32>
        %add3A_1525 = arith.addi %add3A_1521, %add3A_1524 : vector<16xi32>
        tpu.vector_store_idx %arg13[%add3A_1525], %gather3A_1522 : memref<65160xf32, #tpu.memory_space<vmem>>[vector<16xi32>], vector<16xf32>,
        %gather3A_1526 = tpu.vector_load_idx %arg11[%add3A_1399, %get3A_9] : memref<16x721xf32, #tpu.memory_space<vmem>>[vector<16xi32>, vector<16xi32>], vector<16xf32>,
        %add3A_1527 = arith.constant 1 : i32
        %add3A_1528 = vector.broadcast %add3A_1527 : i32 to vector<16xi32>
        %add3A_1529 = arith.addi %add3A_1521, %add3A_1528 : vector<16xi32>
        tpu.vector_store_idx %arg13[%add3A_1529], %gather3A_1526 : memref<65160xf32, #tpu.memory_space<vmem>>[vector<16xi32>], vector<16xf32>,
        %gather3A_1530 = tpu.vector_load_idx %arg11[%add3A_1422, %get3A_9] : memref<16x721xf32, #tpu.memory_space<vmem>>[vector<16xi32>, vector<16xi32>], vector<16xf32>,
        %add3A_1531 = arith.constant 2 : i32
        %add3A_1532 = vector.broadcast %add3A_1531 : i32 to vector<16xi32>
        %add3A_1533 = arith.addi %add3A_1521, %add3A_1532 : vector<16xi32>
        tpu.vector_store_idx %arg13[%add3A_1533], %gather3A_1530 : memref<65160xf32, #tpu.memory_space<vmem>>[vector<16xi32>], vector<16xf32>,
        %gather3A_1534 = tpu.vector_load_idx %arg11[%add3A_1445, %get3A_9] : memref<16x721xf32, #tpu.memory_space<vmem>>[vector<16xi32>, vector<16xi32>], vector<16xf32>,
        %add3A_1535 = arith.constant 3 : i32
        %add3A_1536 = vector.broadcast %add3A_1535 : i32 to vector<16xi32>
        %add3A_1537 = arith.addi %add3A_1521, %add3A_1536 : vector<16xi32>
        tpu.vector_store_idx %arg13[%add3A_1537], %gather3A_1534 : memref<65160xf32, #tpu.memory_space<vmem>>[vector<16xi32>], vector<16xf32>,
        %add3A_1538 = vector.broadcast %mul3A_1447 : i32 to vector<16xi32>
        %add3A_1539 = arith.addi %mul3A_59, %add3A_1538 : vector<16xi32>
        %gather3A_1540 = tpu.vector_load_idx %arg11[%add3A_1376, %get3A_11] : memref<16x721xf32, #tpu.memory_space<vmem>>[vector<16xi32>, vector<16xi32>], vector<16xf32>,
        %add3A_1541 = arith.constant 0 : i32
        %add3A_1542 = vector.broadcast %add3A_1541 : i32 to vector<16xi32>
        %add3A_1543 = arith.addi %add3A_1539, %add3A_1542 : vector<16xi32>
        tpu.vector_store_idx %arg13[%add3A_1543], %gather3A_1540 : memref<65160xf32, #tpu.memory_space<vmem>>[vector<16xi32>], vector<16xf32>,
        %gather3A_1544 = tpu.vector_load_idx %arg11[%add3A_1399, %get3A_11] : memref<16x721xf32, #tpu.memory_space<vmem>>[vector<16xi32>, vector<16xi32>], vector<16xf32>,
        %add3A_1545 = arith.constant 1 : i32
        %add3A_1546 = vector.broadcast %add3A_1545 : i32 to vector<16xi32>
        %add3A_1547 = arith.addi %add3A_1539, %add3A_1546 : vector<16xi32>
        tpu.vector_store_idx %arg13[%add3A_1547], %gather3A_1544 : memref<65160xf32, #tpu.memory_space<vmem>>[vector<16xi32>], vector<16xf32>,
        %gather3A_1548 = tpu.vector_load_idx %arg11[%add3A_1422, %get3A_11] : memref<16x721xf32, #tpu.memory_space<vmem>>[vector<16xi32>, vector<16xi32>], vector<16xf32>,
        %add3A_1549 = arith.constant 2 : i32
        %add3A_1550 = vector.broadcast %add3A_1549 : i32 to vector<16xi32>
        %add3A_1551 = arith.addi %add3A_1539, %add3A_1550 : vector<16xi32>
        tpu.vector_store_idx %arg13[%add3A_1551], %gather3A_1548 : memref<65160xf32, #tpu.memory_space<vmem>>[vector<16xi32>], vector<16xf32>,
        %gather3A_1552 = tpu.vector_load_idx %arg11[%add3A_1445, %get3A_11] : memref<16x721xf32, #tpu.memory_space<vmem>>[vector<16xi32>, vector<16xi32>], vector<16xf32>,
        %add3A_1553 = arith.constant 3 : i32
        %add3A_1554 = vector.broadcast %add3A_1553 : i32 to vector<16xi32>
        %add3A_1555 = arith.addi %add3A_1539, %add3A_1554 : vector<16xi32>
        tpu.vector_store_idx %arg13[%add3A_1555], %gather3A_1552 : memref<65160xf32, #tpu.memory_space<vmem>>[vector<16xi32>], vector<16xf32>,
        %add3A_1556 = vector.broadcast %mul3A_1447 : i32 to vector<16xi32>
        %add3A_1557 = arith.addi %mul3A_65, %add3A_1556 : vector<16xi32>
        %gather3A_1558 = tpu.vector_load_idx %arg11[%add3A_1376, %get3A_13] : memref<16x721xf32, #tpu.memory_space<vmem>>[vector<16xi32>, vector<16xi32>], vector<16xf32>,
        %add3A_1559 = arith.constant 0 : i32
        %add3A_1560 = vector.broadcast %add3A_1559 : i32 to vector<16xi32>
        %add3A_1561 = arith.addi %add3A_1557, %add3A_1560 : vector<16xi32>
        tpu.vector_store_idx %arg13[%add3A_1561], %gather3A_1558 : memref<65160xf32, #tpu.memory_space<vmem>>[vector<16xi32>], vector<16xf32>,
        %gather3A_1562 = tpu.vector_load_idx %arg11[%add3A_1399, %get3A_13] : memref<16x721xf32, #tpu.memory_space<vmem>>[vector<16xi32>, vector<16xi32>], vector<16xf32>,
        %add3A_1563 = arith.constant 1 : i32
        %add3A_1564 = vector.broadcast %add3A_1563 : i32 to vector<16xi32>
        %add3A_1565 = arith.addi %add3A_1557, %add3A_1564 : vector<16xi32>
        tpu.vector_store_idx %arg13[%add3A_1565], %gather3A_1562 : memref<65160xf32, #tpu.memory_space<vmem>>[vector<16xi32>], vector<16xf32>,
        %gather3A_1566 = tpu.vector_load_idx %arg11[%add3A_1422, %get3A_13] : memref<16x721xf32, #tpu.memory_space<vmem>>[vector<16xi32>, vector<16xi32>], vector<16xf32>,
        %add3A_1567 = arith.constant 2 : i32
        %add3A_1568 = vector.broadcast %add3A_1567 : i32 to vector<16xi32>
        %add3A_1569 = arith.addi %add3A_1557, %add3A_1568 : vector<16xi32>
        tpu.vector_store_idx %arg13[%add3A_1569], %gather3A_1566 : memref<65160xf32, #tpu.memory_space<vmem>>[vector<16xi32>], vector<16xf32>,
        %gather3A_1570 = tpu.vector_load_idx %arg11[%add3A_1445, %get3A_13] : memref<16x721xf32, #tpu.memory_space<vmem>>[vector<16xi32>, vector<16xi32>], vector<16xf32>,
        %add3A_1571 = arith.constant 3 : i32
        %add3A_1572 = vector.broadcast %add3A_1571 : i32 to vector<16xi32>
        %add3A_1573 = arith.addi %add3A_1557, %add3A_1572 : vector<16xi32>
        tpu.vector_store_idx %arg13[%add3A_1573], %gather3A_1570 : memref<65160xf32, #tpu.memory_space<vmem>>[vector<16xi32>], vector<16xf32>,
        %add3A_1574 = vector.broadcast %mul3A_1447 : i32 to vector<16xi32>
        %add3A_1575 = arith.addi %mul3A_71, %add3A_1574 : vector<16xi32>
        %gather3A_1576 = tpu.vector_load_idx %arg11[%add3A_1376, %get3A_15] : memref<16x721xf32, #tpu.memory_space<vmem>>[vector<16xi32>, vector<16xi32>], vector<16xf32>,
        %add3A_1577 = arith.constant 0 : i32
        %add3A_1578 = vector.broadcast %add3A_1577 : i32 to vector<16xi32>
        %add3A_1579 = arith.addi %add3A_1575, %add3A_1578 : vector<16xi32>
        tpu.vector_store_idx %arg13[%add3A_1579], %gather3A_1576 : memref<65160xf32, #tpu.memory_space<vmem>>[vector<16xi32>], vector<16xf32>,
        %gather3A_1580 = tpu.vector_load_idx %arg11[%add3A_1399, %get3A_15] : memref<16x721xf32, #tpu.memory_space<vmem>>[vector<16xi32>, vector<16xi32>], vector<16xf32>,
        %add3A_1581 = arith.constant 1 : i32
        %add3A_1582 = vector.broadcast %add3A_1581 : i32 to vector<16xi32>
        %add3A_1583 = arith.addi %add3A_1575, %add3A_1582 : vector<16xi32>
        tpu.vector_store_idx %arg13[%add3A_1583], %gather3A_1580 : memref<65160xf32, #tpu.memory_space<vmem>>[vector<16xi32>], vector<16xf32>,
        %gather3A_1584 = tpu.vector_load_idx %arg11[%add3A_1422, %get3A_15] : memref<16x721xf32, #tpu.memory_space<vmem>>[vector<16xi32>, vector<16xi32>], vector<16xf32>,
        %add3A_1585 = arith.constant 2 : i32
        %add3A_1586 = vector.broadcast %add3A_1585 : i32 to vector<16xi32>
        %add3A_1587 = arith.addi %add3A_1575, %add3A_1586 : vector<16xi32>
        tpu.vector_store_idx %arg13[%add3A_1587], %gather3A_1584 : memref<65160xf32, #tpu.memory_space<vmem>>[vector<16xi32>], vector<16xf32>,
        %gather3A_1588 = tpu.vector_load_idx %arg11[%add3A_1445, %get3A_15] : memref<16x721xf32, #tpu.memory_space<vmem>>[vector<16xi32>, vector<16xi32>], vector<16xf32>,
        %add3A_1589 = arith.constant 3 : i32
        %add3A_1590 = vector.broadcast %add3A_1589 : i32 to vector<16xi32>
        %add3A_1591 = arith.addi %add3A_1575, %add3A_1590 : vector<16xi32>
        tpu.vector_store_idx %arg13[%add3A_1591], %gather3A_1588 : memref<65160xf32, #tpu.memory_space<vmem>>[vector<16xi32>], vector<16xf32>,
        %add3A_1592 = vector.broadcast %mul3A_1447 : i32 to vector<16xi32>
        %add3A_1593 = arith.addi %mul3A_77, %add3A_1592 : vector<16xi32>
        %gather3A_1594 = tpu.vector_load_idx %arg11[%add3A_1376, %get3A_17] : memref<16x721xf32, #tpu.memory_space<vmem>>[vector<16xi32>, vector<16xi32>], vector<16xf32>,
        %add3A_1595 = arith.constant 0 : i32
        %add3A_1596 = vector.broadcast %add3A_1595 : i32 to vector<16xi32>
        %add3A_1597 = arith.addi %add3A_1593, %add3A_1596 : vector<16xi32>
        tpu.vector_store_idx %arg13[%add3A_1597], %gather3A_1594 : memref<65160xf32, #tpu.memory_space<vmem>>[vector<16xi32>], vector<16xf32>,
        %gather3A_1598 = tpu.vector_load_idx %arg11[%add3A_1399, %get3A_17] : memref<16x721xf32, #tpu.memory_space<vmem>>[vector<16xi32>, vector<16xi32>], vector<16xf32>,
        %add3A_1599 = arith.constant 1 : i32
        %add3A_1600 = vector.broadcast %add3A_1599 : i32 to vector<16xi32>
        %add3A_1601 = arith.addi %add3A_1593, %add3A_1600 : vector<16xi32>
        tpu.vector_store_idx %arg13[%add3A_1601], %gather3A_1598 : memref<65160xf32, #tpu.memory_space<vmem>>[vector<16xi32>], vector<16xf32>,
        %gather3A_1602 = tpu.vector_load_idx %arg11[%add3A_1422, %get3A_17] : memref<16x721xf32, #tpu.memory_space<vmem>>[vector<16xi32>, vector<16xi32>], vector<16xf32>,
        %add3A_1603 = arith.constant 2 : i32
        %add3A_1604 = vector.broadcast %add3A_1603 : i32 to vector<16xi32>
        %add3A_1605 = arith.addi %add3A_1593, %add3A_1604 : vector<16xi32>
        tpu.vector_store_idx %arg13[%add3A_1605], %gather3A_1602 : memref<65160xf32, #tpu.memory_space<vmem>>[vector<16xi32>], vector<16xf32>,
        %gather3A_1606 = tpu.vector_load_idx %arg11[%add3A_1445, %get3A_17] : memref<16x721xf32, #tpu.memory_space<vmem>>[vector<16xi32>, vector<16xi32>], vector<16xf32>,
        %add3A_1607 = arith.constant 3 : i32
        %add3A_1608 = vector.broadcast %add3A_1607 : i32 to vector<16xi32>
        %add3A_1609 = arith.addi %add3A_1593, %add3A_1608 : vector<16xi32>
        tpu.vector_store_idx %arg13[%add3A_1609], %gather3A_1606 : memref<65160xf32, #tpu.memory_space<vmem>>[vector<16xi32>], vector<16xf32>,
        %add3A_1610 = vector.broadcast %mul3A_1447 : i32 to vector<16xi32>
        %add3A_1611 = arith.addi %mul3A_83, %add3A_1610 : vector<16xi32>
        %gather3A_1612 = tpu.vector_load_idx %arg11[%add3A_1376, %get3A_19] : memref<16x721xf32, #tpu.memory_space<vmem>>[vector<16xi32>, vector<16xi32>], vector<16xf32>,
        %add3A_1613 = arith.constant 0 : i32
        %add3A_1614 = vector.broadcast %add3A_1613 : i32 to vector<16xi32>
        %add3A_1615 = arith.addi %add3A_1611, %add3A_1614 : vector<16xi32>
        tpu.vector_store_idx %arg13[%add3A_1615], %gather3A_1612 : memref<65160xf32, #tpu.memory_space<vmem>>[vector<16xi32>], vector<16xf32>,
        %gather3A_1616 = tpu.vector_load_idx %arg11[%add3A_1399, %get3A_19] : memref<16x721xf32, #tpu.memory_space<vmem>>[vector<16xi32>, vector<16xi32>], vector<16xf32>,
        %add3A_1617 = arith.constant 1 : i32
        %add3A_1618 = vector.broadcast %add3A_1617 : i32 to vector<16xi32>
        %add3A_1619 = arith.addi %add3A_1611, %add3A_1618 : vector<16xi32>
        tpu.vector_store_idx %arg13[%add3A_1619], %gather3A_1616 : memref<65160xf32, #tpu.memory_space<vmem>>[vector<16xi32>], vector<16xf32>,
        %gather3A_1620 = tpu.vector_load_idx %arg11[%add3A_1422, %get3A_19] : memref<16x721xf32, #tpu.memory_space<vmem>>[vector<16xi32>, vector<16xi32>], vector<16xf32>,
        %add3A_1621 = arith.constant 2 : i32
        %add3A_1622 = vector.broadcast %add3A_1621 : i32 to vector<16xi32>
        %add3A_1623 = arith.addi %add3A_1611, %add3A_1622 : vector<16xi32>
        tpu.vector_store_idx %arg13[%add3A_1623], %gather3A_1620 : memref<65160xf32, #tpu.memory_space<vmem>>[vector<16xi32>], vector<16xf32>,
        %gather3A_1624 = tpu.vector_load_idx %arg11[%add3A_1445, %get3A_19] : memref<16x721xf32, #tpu.memory_space<vmem>>[vector<16xi32>, vector<16xi32>], vector<16xf32>,
        %add3A_1625 = arith.constant 3 : i32
        %add3A_1626 = vector.broadcast %add3A_1625 : i32 to vector<16xi32>
        %add3A_1627 = arith.addi %add3A_1611, %add3A_1626 : vector<16xi32>
        tpu.vector_store_idx %arg13[%add3A_1627], %gather3A_1624 : memref<65160xf32, #tpu.memory_space<vmem>>[vector<16xi32>], vector<16xf32>,
        %add3A_1628 = vector.broadcast %mul3A_1447 : i32 to vector<16xi32>
        %add3A_1629 = arith.addi %mul3A_89, %add3A_1628 : vector<16xi32>
        %gather3A_1630 = tpu.vector_load_idx %arg11[%add3A_1376, %get3A_21] : memref<16x721xf32, #tpu.memory_space<vmem>>[vector<16xi32>, vector<16xi32>], vector<16xf32>,
        %add3A_1631 = arith.constant 0 : i32
        %add3A_1632 = vector.broadcast %add3A_1631 : i32 to vector<16xi32>
        %add3A_1633 = arith.addi %add3A_1629, %add3A_1632 : vector<16xi32>
        tpu.vector_store_idx %arg13[%add3A_1633], %gather3A_1630 : memref<65160xf32, #tpu.memory_space<vmem>>[vector<16xi32>], vector<16xf32>,
        %gather3A_1634 = tpu.vector_load_idx %arg11[%add3A_1399, %get3A_21] : memref<16x721xf32, #tpu.memory_space<vmem>>[vector<16xi32>, vector<16xi32>], vector<16xf32>,
        %add3A_1635 = arith.constant 1 : i32
        %add3A_1636 = vector.broadcast %add3A_1635 : i32 to vector<16xi32>
        %add3A_1637 = arith.addi %add3A_1629, %add3A_1636 : vector<16xi32>
        tpu.vector_store_idx %arg13[%add3A_1637], %gather3A_1634 : memref<65160xf32, #tpu.memory_space<vmem>>[vector<16xi32>], vector<16xf32>,
        %gather3A_1638 = tpu.vector_load_idx %arg11[%add3A_1422, %get3A_21] : memref<16x721xf32, #tpu.memory_space<vmem>>[vector<16xi32>, vector<16xi32>], vector<16xf32>,
        %add3A_1639 = arith.constant 2 : i32
        %add3A_1640 = vector.broadcast %add3A_1639 : i32 to vector<16xi32>
        %add3A_1641 = arith.addi %add3A_1629, %add3A_1640 : vector<16xi32>
        tpu.vector_store_idx %arg13[%add3A_1641], %gather3A_1638 : memref<65160xf32, #tpu.memory_space<vmem>>[vector<16xi32>], vector<16xf32>,
        %gather3A_1642 = tpu.vector_load_idx %arg11[%add3A_1445, %get3A_21] : memref<16x721xf32, #tpu.memory_space<vmem>>[vector<16xi32>, vector<16xi32>], vector<16xf32>,
        %add3A_1643 = arith.constant 3 : i32
        %add3A_1644 = vector.broadcast %add3A_1643 : i32 to vector<16xi32>
        %add3A_1645 = arith.addi %add3A_1629, %add3A_1644 : vector<16xi32>
        tpu.vector_store_idx %arg13[%add3A_1645], %gather3A_1642 : memref<65160xf32, #tpu.memory_space<vmem>>[vector<16xi32>], vector<16xf32>,
        %add3A_1646 = vector.broadcast %mul3A_1447 : i32 to vector<16xi32>
        %add3A_1647 = arith.addi %mul3A_95, %add3A_1646 : vector<16xi32>
        %gather3A_1648 = tpu.vector_load_idx %arg11[%add3A_1376, %get3A_23] : memref<16x721xf32, #tpu.memory_space<vmem>>[vector<16xi32>, vector<16xi32>], vector<16xf32>,
        %add3A_1649 = arith.constant 0 : i32
        %add3A_1650 = vector.broadcast %add3A_1649 : i32 to vector<16xi32>
        %add3A_1651 = arith.addi %add3A_1647, %add3A_1650 : vector<16xi32>
        tpu.vector_store_idx %arg13[%add3A_1651], %gather3A_1648 : memref<65160xf32, #tpu.memory_space<vmem>>[vector<16xi32>], vector<16xf32>,
        %gather3A_1652 = tpu.vector_load_idx %arg11[%add3A_1399, %get3A_23] : memref<16x721xf32, #tpu.memory_space<vmem>>[vector<16xi32>, vector<16xi32>], vector<16xf32>,
        %add3A_1653 = arith.constant 1 : i32
        %add3A_1654 = vector.broadcast %add3A_1653 : i32 to vector<16xi32>
        %add3A_1655 = arith.addi %add3A_1647, %add3A_1654 : vector<16xi32>
        tpu.vector_store_idx %arg13[%add3A_1655], %gather3A_1652 : memref<65160xf32, #tpu.memory_space<vmem>>[vector<16xi32>], vector<16xf32>,
        %gather3A_1656 = tpu.vector_load_idx %arg11[%add3A_1422, %get3A_23] : memref<16x721xf32, #tpu.memory_space<vmem>>[vector<16xi32>, vector<16xi32>], vector<16xf32>,
        %add3A_1657 = arith.constant 2 : i32
        %add3A_1658 = vector.broadcast %add3A_1657 : i32 to vector<16xi32>
        %add3A_1659 = arith.addi %add3A_1647, %add3A_1658 : vector<16xi32>
        tpu.vector_store_idx %arg13[%add3A_1659], %gather3A_1656 : memref<65160xf32, #tpu.memory_space<vmem>>[vector<16xi32>], vector<16xf32>,
        %gather3A_1660 = tpu.vector_load_idx %arg11[%add3A_1445, %get3A_23] : memref<16x721xf32, #tpu.memory_space<vmem>>[vector<16xi32>, vector<16xi32>], vector<16xf32>,
        %add3A_1661 = arith.constant 3 : i32
        %add3A_1662 = vector.broadcast %add3A_1661 : i32 to vector<16xi32>
        %add3A_1663 = arith.addi %add3A_1647, %add3A_1662 : vector<16xi32>
        tpu.vector_store_idx %arg13[%add3A_1663], %gather3A_1660 : memref<65160xf32, #tpu.memory_space<vmem>>[vector<16xi32>], vector<16xf32>,
        %mul3A_1664 = arith.constant 5 : i32
        %mul3A_1665 = arith.muli %mul3A_1664, %scan3A_296 : i32
        %add3A_1666 = arith.constant 4 : i32
        %add3A_1667 = arith.addi %mul3A_1665, %add3A_1666 : i32
        %lt3A_1668 = arith.constant 17 : i32
        %lt3A_1669 = arith.cmpi slt, %scan3A_296, %lt3A_1668 : i32
        %convert_element_type3A_1670 = arith.extui %lt3A_1669 : i1 to i32
        %cond3A_1671 = arith.constant 0 : i32
        %cond3A_1672 = arith.cmpi ne, %convert_element_type3A_1670, %cond3A_1671 : i32
        scf.if %cond3A_1672 {
          %add3A_1997 = arith.constant 4 : i32
          %add3A_1998 = arith.addi %add3A_1667, %add3A_1997 : i32
          %mul3A_1999 = arith.constant 4 : i32
          %mul3A_2000 = arith.muli %mul3A_1999, %add3A_1998 : i32
          %get3A_2001 = arith.index_cast %mul3A_2000 : i32 to index
          %get3A_2002 = tpu.vector_load %arg7[%get3A_2001] {strides = array<i32>} : memref<384xi32, #tpu.memory_space<vmem>>, vector<16xi32>,
          %slice3A_2003 = vector.extract_strided_slice %get3A_2002 {offsets = [0], sizes = [1], strides = [1]} : vector<16xi32> to vector<1xi32>
          %squeeze3A_2004 = vector.extract %slice3A_2003[0] : i32 from vector<1xi32>
          %jit3A_2005 = arith.constant 16 : i32
          %div3A_2006 = arith.divsi %squeeze3A_2004, %jit3A_2005 : i32
          %sign3A_2007 = arith.constant 0 : i32
          %sign3A_2008 = arith.cmpi sgt, %squeeze3A_2004, %sign3A_2007 : i32
          %sign3A_2009 = arith.extui %sign3A_2008 : i1 to i32
          %sign3A_2010 = arith.constant 0 : i32
          %sign3A_2011 = arith.cmpi slt, %squeeze3A_2004, %sign3A_2010 : i32
          %sign3A_2012 = arith.extui %sign3A_2011 : i1 to i32
          %sign3A_2013 = arith.subi %sign3A_2009, %sign3A_2012 : i32
          %sign3A_2014 = arith.constant 0 : i32
          %sign3A_2015 = arith.cmpi sgt, %jit3A_2005, %sign3A_2014 : i32
          %sign3A_2016 = arith.extui %sign3A_2015 : i1 to i32
          %sign3A_2017 = arith.constant 0 : i32
          %sign3A_2018 = arith.cmpi slt, %jit3A_2005, %sign3A_2017 : i32
          %sign3A_2019 = arith.extui %sign3A_2018 : i1 to i32
          %sign3A_2020 = arith.subi %sign3A_2016, %sign3A_2019 : i32
          %ne3A_2021 = arith.cmpi ne, %sign3A_2013, %sign3A_2020 : i32
          %rem3A_2022 = arith.remsi %squeeze3A_2004, %jit3A_2005 : i32
          %ne3A_2023 = arith.constant 0 : i32
          %ne3A_2024 = arith.cmpi ne, %rem3A_2022, %ne3A_2023 : i32
          %and3A_2025 = arith.andi %ne3A_2021, %ne3A_2024 : i1
          %sub3A_2026 = arith.constant 1 : i32
          %sub3A_2027 = arith.subi %div3A_2006, %sub3A_2026 : i32
          %select_n3A_2028 = arith.select %and3A_2025, %sub3A_2027, %div3A_2006 : i32
          %mul3A_2029 = arith.constant 16 : i32
          %mul3A_2030 = arith.muli %select_n3A_2028, %mul3A_2029 : i32
          %multiple_of3A_2031 = tpu.assume_multiple %mul3A_2030, 16 : i32
          %dma_start3A_2032 = arith.constant 0 : i32
          %dma_start3A_2033 = tpu.memref_slice %arg2[%select_n3A, %select_n3A_137, %multiple_of3A_2031, %dma_start3A_2032] : memref<2x32x1440x721xf32, #tpu.memory_space<hbm>> -> memref<1x1x16x721xf32, #tpu.memory_space<hbm>>
          %dma_start3A_2034 = tpu.memref_squeeze %dma_start3A_2033 : memref<1x1x16x721xf32, #tpu.memory_space<hbm>> -> memref<16x721xf32, #tpu.memory_space<hbm>>
          %dma_start3A_2035 = arith.constant 0 : i32
          %dma_start3A_2036 = tpu.memref_slice %arg2[%select_n3A, %select_n3A_137, %multiple_of3A_2031, %dma_start3A_2035] : memref<2x32x1440x721xf32, #tpu.memory_space<hbm>> -> memref<1x1x16x721xf32, #tpu.memory_space<hbm>>
          %dma_start3A_2037 = tpu.memref_squeeze %dma_start3A_2036 : memref<1x1x16x721xf32, #tpu.memory_space<hbm>> -> memref<16x721xf32, #tpu.memory_space<hbm>>
          tpu.enqueue_dma source(%dma_start3A_2037 : memref<16x721xf32, #tpu.memory_space<hbm>>) target(%arg11 : memref<16x721xf32, #tpu.memory_space<vmem>>) target_semaphore(%arg17 : memref<!tpu.dma_semaphore, #tpu.memory_space<semaphore_mem>>)
        } else {
        }
        %dma_wait3A_1673 = arith.constant 0 : i32
        %dma_wait3A_1674 = arith.constant 0 : i32
        %dma_wait3A_1675 = arith.constant 0 : i32
        %dma_wait3A_1676 = arith.constant 0 : i32
        %dma_wait3A_1677 = tpu.memref_slice %arg2[%dma_wait3A_1673, %dma_wait3A_1674, %dma_wait3A_1675, %dma_wait3A_1676] : memref<2x32x1440x721xf32, #tpu.memory_space<hbm>> -> memref<1x1x16x721xf32, #tpu.memory_space<hbm>>
        %dma_wait3A_1678 = tpu.memref_squeeze %dma_wait3A_1677 : memref<1x1x16x721xf32, #tpu.memory_space<hbm>> -> memref<16x721xf32, #tpu.memory_space<hbm>>
        %dma_wait3A_1679 = arith.constant 0 : i32
        %dma_wait3A_1680 = arith.constant 0 : i32
        %dma_wait3A_1681 = tpu.memref_slice %arg2[%dma_wait3A_1673, %dma_wait3A_1674, %dma_wait3A_1679, %dma_wait3A_1680] : memref<2x32x1440x721xf32, #tpu.memory_space<hbm>> -> memref<1x1x16x721xf32, #tpu.memory_space<hbm>>
        %dma_wait3A_1682 = tpu.memref_squeeze %dma_wait3A_1681 : memref<1x1x16x721xf32, #tpu.memory_space<hbm>> -> memref<16x721xf32, #tpu.memory_space<hbm>>
        tpu.wait_dma2 semaphore(%arg18 : memref<!tpu.dma_semaphore, #tpu.memory_space<semaphore_mem>>) src(%dma_wait3A_1682 : memref<16x721xf32, #tpu.memory_space<hbm>>) dst(%arg12 : memref<16x721xf32, #tpu.memory_space<vmem>>)
        %mul3A_1683 = arith.constant 4 : i32
        %mul3A_1684 = arith.muli %mul3A_1683, %add3A_1667 : i32
        %get3A_1685 = arith.index_cast %mul3A_1684 : i32 to index
        %get3A_1686 = tpu.vector_load %arg7[%get3A_1685] {strides = array<i32>} : memref<384xi32, #tpu.memory_space<vmem>>, vector<16xi32>,
        %mul3A_1687 = arith.constant 0 : i32
        %mul3A_1688 = vector.broadcast %mul3A_1687 : i32 to vector<16xi32>
        %mul3A_1689 = arith.muli %iota3A, %mul3A_1688 : vector<16xi32>
        %slice3A_1690 = vector.extract_strided_slice %get3A_1686 {offsets = [0], sizes = [1], strides = [1]} : vector<16xi32> to vector<1xi32>
        %squeeze3A_1691 = vector.extract %slice3A_1690[0] : i32 from vector<1xi32>
        %jit3A_1692 = arith.constant 16 : i32
        %eq3A_1693 = arith.constant 0 : i32
        %eq3A_1694 = arith.cmpi eq, %jit3A_1692, %eq3A_1693 : i32
        %jit3A_1695 = arith.constant 1 : i32
        %select_n3A_1696 = arith.select %eq3A_1694, %jit3A_1695, %jit3A_1692 : i32
        %rem3A_1697 = arith.remsi %squeeze3A_1691, %select_n3A_1696 : i32
        %ne3A_1698 = arith.constant 0 : i32
        %ne3A_1699 = arith.cmpi ne, %rem3A_1697, %ne3A_1698 : i32
        %lt3A_1700 = arith.constant 0 : i32
        %lt3A_1701 = arith.cmpi slt, %rem3A_1697, %lt3A_1700 : i32
        %lt3A_1702 = arith.constant 0 : i32
        %lt3A_1703 = arith.cmpi slt, %select_n3A_1696, %lt3A_1702 : i32
        %ne3A_1704 = arith.xori %lt3A_1701, %lt3A_1703 : i1
        %and3A_1705 = arith.andi %ne3A_1704, %ne3A_1699 : i1
        %add3A_1706 = arith.addi %rem3A_1697, %select_n3A_1696 : i32
        %select_n3A_1707 = arith.select %and3A_1705, %add3A_1706, %rem3A_1697 : i32
        %add3A_1708 = vector.broadcast %select_n3A_1707 : i32 to vector<16xi32>
        %add3A_1709 = arith.addi %mul3A_1689, %add3A_1708 : vector<16xi32>
        %mul3A_1710 = arith.constant 0 : i32
        %mul3A_1711 = vector.broadcast %mul3A_1710 : i32 to vector<16xi32>
        %mul3A_1712 = arith.muli %iota3A, %mul3A_1711 : vector<16xi32>
        %slice3A_1713 = vector.extract_strided_slice %get3A_1686 {offsets = [1], sizes = [1], strides = [1]} : vector<16xi32> to vector<1xi32>
        %squeeze3A_1714 = vector.extract %slice3A_1713[0] : i32 from vector<1xi32>
        %jit3A_1715 = arith.constant 16 : i32
        %eq3A_1716 = arith.constant 0 : i32
        %eq3A_1717 = arith.cmpi eq, %jit3A_1715, %eq3A_1716 : i32
        %jit3A_1718 = arith.constant 1 : i32
        %select_n3A_1719 = arith.select %eq3A_1717, %jit3A_1718, %jit3A_1715 : i32
        %rem3A_1720 = arith.remsi %squeeze3A_1714, %select_n3A_1719 : i32
        %ne3A_1721 = arith.constant 0 : i32
        %ne3A_1722 = arith.cmpi ne, %rem3A_1720, %ne3A_1721 : i32
        %lt3A_1723 = arith.constant 0 : i32
        %lt3A_1724 = arith.cmpi slt, %rem3A_1720, %lt3A_1723 : i32
        %lt3A_1725 = arith.constant 0 : i32
        %lt3A_1726 = arith.cmpi slt, %select_n3A_1719, %lt3A_1725 : i32
        %ne3A_1727 = arith.xori %lt3A_1724, %lt3A_1726 : i1
        %and3A_1728 = arith.andi %ne3A_1727, %ne3A_1722 : i1
        %add3A_1729 = arith.addi %rem3A_1720, %select_n3A_1719 : i32
        %select_n3A_1730 = arith.select %and3A_1728, %add3A_1729, %rem3A_1720 : i32
        %add3A_1731 = vector.broadcast %select_n3A_1730 : i32 to vector<16xi32>
        %add3A_1732 = arith.addi %mul3A_1712, %add3A_1731 : vector<16xi32>
        %mul3A_1733 = arith.constant 0 : i32
        %mul3A_1734 = vector.broadcast %mul3A_1733 : i32 to vector<16xi32>
        %mul3A_1735 = arith.muli %iota3A, %mul3A_1734 : vector<16xi32>
        %slice3A_1736 = vector.extract_strided_slice %get3A_1686 {offsets = [2], sizes = [1], strides = [1]} : vector<16xi32> to vector<1xi32>
        %squeeze3A_1737 = vector.extract %slice3A_1736[0] : i32 from vector<1xi32>
        %jit3A_1738 = arith.constant 16 : i32
        %eq3A_1739 = arith.constant 0 : i32
        %eq3A_1740 = arith.cmpi eq, %jit3A_1738, %eq3A_1739 : i32
        %jit3A_1741 = arith.constant 1 : i32
        %select_n3A_1742 = arith.select %eq3A_1740, %jit3A_1741, %jit3A_1738 : i32
        %rem3A_1743 = arith.remsi %squeeze3A_1737, %select_n3A_1742 : i32
        %ne3A_1744 = arith.constant 0 : i32
        %ne3A_1745 = arith.cmpi ne, %rem3A_1743, %ne3A_1744 : i32
        %lt3A_1746 = arith.constant 0 : i32
        %lt3A_1747 = arith.cmpi slt, %rem3A_1743, %lt3A_1746 : i32
        %lt3A_1748 = arith.constant 0 : i32
        %lt3A_1749 = arith.cmpi slt, %select_n3A_1742, %lt3A_1748 : i32
        %ne3A_1750 = arith.xori %lt3A_1747, %lt3A_1749 : i1
        %and3A_1751 = arith.andi %ne3A_1750, %ne3A_1745 : i1
        %add3A_1752 = arith.addi %rem3A_1743, %select_n3A_1742 : i32
        %select_n3A_1753 = arith.select %and3A_1751, %add3A_1752, %rem3A_1743 : i32
        %add3A_1754 = vector.broadcast %select_n3A_1753 : i32 to vector<16xi32>
        %add3A_1755 = arith.addi %mul3A_1735, %add3A_1754 : vector<16xi32>
        %mul3A_1756 = arith.constant 0 : i32
        %mul3A_1757 = vector.broadcast %mul3A_1756 : i32 to vector<16xi32>
        %mul3A_1758 = arith.muli %iota3A, %mul3A_1757 : vector<16xi32>
        %slice3A_1759 = vector.extract_strided_slice %get3A_1686 {offsets = [3], sizes = [1], strides = [1]} : vector<16xi32> to vector<1xi32>
        %squeeze3A_1760 = vector.extract %slice3A_1759[0] : i32 from vector<1xi32>
        %jit3A_1761 = arith.constant 16 : i32
        %eq3A_1762 = arith.constant 0 : i32
        %eq3A_1763 = arith.cmpi eq, %jit3A_1761, %eq3A_1762 : i32
        %jit3A_1764 = arith.constant 1 : i32
        %select_n3A_1765 = arith.select %eq3A_1763, %jit3A_1764, %jit3A_1761 : i32
        %rem3A_1766 = arith.remsi %squeeze3A_1760, %select_n3A_1765 : i32
        %ne3A_1767 = arith.constant 0 : i32
        %ne3A_1768 = arith.cmpi ne, %rem3A_1766, %ne3A_1767 : i32
        %lt3A_1769 = arith.constant 0 : i32
        %lt3A_1770 = arith.cmpi slt, %rem3A_1766, %lt3A_1769 : i32
        %lt3A_1771 = arith.constant 0 : i32
        %lt3A_1772 = arith.cmpi slt, %select_n3A_1765, %lt3A_1771 : i32
        %ne3A_1773 = arith.xori %lt3A_1770, %lt3A_1772 : i1
        %and3A_1774 = arith.andi %ne3A_1773, %ne3A_1768 : i1
        %add3A_1775 = arith.addi %rem3A_1766, %select_n3A_1765 : i32
        %select_n3A_1776 = arith.select %and3A_1774, %add3A_1775, %rem3A_1766 : i32
        %add3A_1777 = vector.broadcast %select_n3A_1776 : i32 to vector<16xi32>
        %add3A_1778 = arith.addi %mul3A_1758, %add3A_1777 : vector<16xi32>
        %mul3A_1779 = arith.constant 4 : i32
        %mul3A_1780 = arith.muli %mul3A_1779, %add3A_1667 : i32
        %add3A_1781 = vector.broadcast %mul3A_1780 : i32 to vector<16xi32>
        %add3A_1782 = arith.addi %mul3A_29, %add3A_1781 : vector<16xi32>
        %gather3A_1783 = tpu.vector_load_idx %arg12[%add3A_1709, %get3A_1] : memref<16x721xf32, #tpu.memory_space<vmem>>[vector<16xi32>, vector<16xi32>], vector<16xf32>,
        %add3A_1784 = arith.constant 0 : i32
        %add3A_1785 = vector.broadcast %add3A_1784 : i32 to vector<16xi32>
        %add3A_1786 = arith.addi %add3A_1782, %add3A_1785 : vector<16xi32>
        tpu.vector_store_idx %arg13[%add3A_1786], %gather3A_1783 : memref<65160xf32, #tpu.memory_space<vmem>>[vector<16xi32>], vector<16xf32>,
        %gather3A_1787 = tpu.vector_load_idx %arg12[%add3A_1732, %get3A_1] : memref<16x721xf32, #tpu.memory_space<vmem>>[vector<16xi32>, vector<16xi32>], vector<16xf32>,
        %add3A_1788 = arith.constant 1 : i32
        %add3A_1789 = vector.broadcast %add3A_1788 : i32 to vector<16xi32>
        %add3A_1790 = arith.addi %add3A_1782, %add3A_1789 : vector<16xi32>
        tpu.vector_store_idx %arg13[%add3A_1790], %gather3A_1787 : memref<65160xf32, #tpu.memory_space<vmem>>[vector<16xi32>], vector<16xf32>,
        %gather3A_1791 = tpu.vector_load_idx %arg12[%add3A_1755, %get3A_1] : memref<16x721xf32, #tpu.memory_space<vmem>>[vector<16xi32>, vector<16xi32>], vector<16xf32>,
        %add3A_1792 = arith.constant 2 : i32
        %add3A_1793 = vector.broadcast %add3A_1792 : i32 to vector<16xi32>
        %add3A_1794 = arith.addi %add3A_1782, %add3A_1793 : vector<16xi32>
        tpu.vector_store_idx %arg13[%add3A_1794], %gather3A_1791 : memref<65160xf32, #tpu.memory_space<vmem>>[vector<16xi32>], vector<16xf32>,
        %gather3A_1795 = tpu.vector_load_idx %arg12[%add3A_1778, %get3A_1] : memref<16x721xf32, #tpu.memory_space<vmem>>[vector<16xi32>, vector<16xi32>], vector<16xf32>,
        %add3A_1796 = arith.constant 3 : i32
        %add3A_1797 = vector.broadcast %add3A_1796 : i32 to vector<16xi32>
        %add3A_1798 = arith.addi %add3A_1782, %add3A_1797 : vector<16xi32>
        tpu.vector_store_idx %arg13[%add3A_1798], %gather3A_1795 : memref<65160xf32, #tpu.memory_space<vmem>>[vector<16xi32>], vector<16xf32>,
        %add3A_1799 = vector.broadcast %mul3A_1780 : i32 to vector<16xi32>
        %add3A_1800 = arith.addi %mul3A_35, %add3A_1799 : vector<16xi32>
        %gather3A_1801 = tpu.vector_load_idx %arg12[%add3A_1709, %get3A_3] : memref<16x721xf32, #tpu.memory_space<vmem>>[vector<16xi32>, vector<16xi32>], vector<16xf32>,
        %add3A_1802 = arith.constant 0 : i32
        %add3A_1803 = vector.broadcast %add3A_1802 : i32 to vector<16xi32>
        %add3A_1804 = arith.addi %add3A_1800, %add3A_1803 : vector<16xi32>
        tpu.vector_store_idx %arg13[%add3A_1804], %gather3A_1801 : memref<65160xf32, #tpu.memory_space<vmem>>[vector<16xi32>], vector<16xf32>,
        %gather3A_1805 = tpu.vector_load_idx %arg12[%add3A_1732, %get3A_3] : memref<16x721xf32, #tpu.memory_space<vmem>>[vector<16xi32>, vector<16xi32>], vector<16xf32>,
        %add3A_1806 = arith.constant 1 : i32
        %add3A_1807 = vector.broadcast %add3A_1806 : i32 to vector<16xi32>
        %add3A_1808 = arith.addi %add3A_1800, %add3A_1807 : vector<16xi32>
        tpu.vector_store_idx %arg13[%add3A_1808], %gather3A_1805 : memref<65160xf32, #tpu.memory_space<vmem>>[vector<16xi32>], vector<16xf32>,
        %gather3A_1809 = tpu.vector_load_idx %arg12[%add3A_1755, %get3A_3] : memref<16x721xf32, #tpu.memory_space<vmem>>[vector<16xi32>, vector<16xi32>], vector<16xf32>,
        %add3A_1810 = arith.constant 2 : i32
        %add3A_1811 = vector.broadcast %add3A_1810 : i32 to vector<16xi32>
        %add3A_1812 = arith.addi %add3A_1800, %add3A_1811 : vector<16xi32>
        tpu.vector_store_idx %arg13[%add3A_1812], %gather3A_1809 : memref<65160xf32, #tpu.memory_space<vmem>>[vector<16xi32>], vector<16xf32>,
        %gather3A_1813 = tpu.vector_load_idx %arg12[%add3A_1778, %get3A_3] : memref<16x721xf32, #tpu.memory_space<vmem>>[vector<16xi32>, vector<16xi32>], vector<16xf32>,
        %add3A_1814 = arith.constant 3 : i32
        %add3A_1815 = vector.broadcast %add3A_1814 : i32 to vector<16xi32>
        %add3A_1816 = arith.addi %add3A_1800, %add3A_1815 : vector<16xi32>
        tpu.vector_store_idx %arg13[%add3A_1816], %gather3A_1813 : memref<65160xf32, #tpu.memory_space<vmem>>[vector<16xi32>], vector<16xf32>,
        %add3A_1817 = vector.broadcast %mul3A_1780 : i32 to vector<16xi32>
        %add3A_1818 = arith.addi %mul3A_41, %add3A_1817 : vector<16xi32>
        %gather3A_1819 = tpu.vector_load_idx %arg12[%add3A_1709, %get3A_5] : memref<16x721xf32, #tpu.memory_space<vmem>>[vector<16xi32>, vector<16xi32>], vector<16xf32>,
        %add3A_1820 = arith.constant 0 : i32
        %add3A_1821 = vector.broadcast %add3A_1820 : i32 to vector<16xi32>
        %add3A_1822 = arith.addi %add3A_1818, %add3A_1821 : vector<16xi32>
        tpu.vector_store_idx %arg13[%add3A_1822], %gather3A_1819 : memref<65160xf32, #tpu.memory_space<vmem>>[vector<16xi32>], vector<16xf32>,
        %gather3A_1823 = tpu.vector_load_idx %arg12[%add3A_1732, %get3A_5] : memref<16x721xf32, #tpu.memory_space<vmem>>[vector<16xi32>, vector<16xi32>], vector<16xf32>,
        %add3A_1824 = arith.constant 1 : i32
        %add3A_1825 = vector.broadcast %add3A_1824 : i32 to vector<16xi32>
        %add3A_1826 = arith.addi %add3A_1818, %add3A_1825 : vector<16xi32>
        tpu.vector_store_idx %arg13[%add3A_1826], %gather3A_1823 : memref<65160xf32, #tpu.memory_space<vmem>>[vector<16xi32>], vector<16xf32>,
        %gather3A_1827 = tpu.vector_load_idx %arg12[%add3A_1755, %get3A_5] : memref<16x721xf32, #tpu.memory_space<vmem>>[vector<16xi32>, vector<16xi32>], vector<16xf32>,
        %add3A_1828 = arith.constant 2 : i32
        %add3A_1829 = vector.broadcast %add3A_1828 : i32 to vector<16xi32>
        %add3A_1830 = arith.addi %add3A_1818, %add3A_1829 : vector<16xi32>
        tpu.vector_store_idx %arg13[%add3A_1830], %gather3A_1827 : memref<65160xf32, #tpu.memory_space<vmem>>[vector<16xi32>], vector<16xf32>,
        %gather3A_1831 = tpu.vector_load_idx %arg12[%add3A_1778, %get3A_5] : memref<16x721xf32, #tpu.memory_space<vmem>>[vector<16xi32>, vector<16xi32>], vector<16xf32>,
        %add3A_1832 = arith.constant 3 : i32
        %add3A_1833 = vector.broadcast %add3A_1832 : i32 to vector<16xi32>
        %add3A_1834 = arith.addi %add3A_1818, %add3A_1833 : vector<16xi32>
        tpu.vector_store_idx %arg13[%add3A_1834], %gather3A_1831 : memref<65160xf32, #tpu.memory_space<vmem>>[vector<16xi32>], vector<16xf32>,
        %add3A_1835 = vector.broadcast %mul3A_1780 : i32 to vector<16xi32>
        %add3A_1836 = arith.addi %mul3A_47, %add3A_1835 : vector<16xi32>
        %gather3A_1837 = tpu.vector_load_idx %arg12[%add3A_1709, %get3A_7] : memref<16x721xf32, #tpu.memory_space<vmem>>[vector<16xi32>, vector<16xi32>], vector<16xf32>,
        %add3A_1838 = arith.constant 0 : i32
        %add3A_1839 = vector.broadcast %add3A_1838 : i32 to vector<16xi32>
        %add3A_1840 = arith.addi %add3A_1836, %add3A_1839 : vector<16xi32>
        tpu.vector_store_idx %arg13[%add3A_1840], %gather3A_1837 : memref<65160xf32, #tpu.memory_space<vmem>>[vector<16xi32>], vector<16xf32>,
        %gather3A_1841 = tpu.vector_load_idx %arg12[%add3A_1732, %get3A_7] : memref<16x721xf32, #tpu.memory_space<vmem>>[vector<16xi32>, vector<16xi32>], vector<16xf32>,
        %add3A_1842 = arith.constant 1 : i32
        %add3A_1843 = vector.broadcast %add3A_1842 : i32 to vector<16xi32>
        %add3A_1844 = arith.addi %add3A_1836, %add3A_1843 : vector<16xi32>
        tpu.vector_store_idx %arg13[%add3A_1844], %gather3A_1841 : memref<65160xf32, #tpu.memory_space<vmem>>[vector<16xi32>], vector<16xf32>,
        %gather3A_1845 = tpu.vector_load_idx %arg12[%add3A_1755, %get3A_7] : memref<16x721xf32, #tpu.memory_space<vmem>>[vector<16xi32>, vector<16xi32>], vector<16xf32>,
        %add3A_1846 = arith.constant 2 : i32
        %add3A_1847 = vector.broadcast %add3A_1846 : i32 to vector<16xi32>
        %add3A_1848 = arith.addi %add3A_1836, %add3A_1847 : vector<16xi32>
        tpu.vector_store_idx %arg13[%add3A_1848], %gather3A_1845 : memref<65160xf32, #tpu.memory_space<vmem>>[vector<16xi32>], vector<16xf32>,
        %gather3A_1849 = tpu.vector_load_idx %arg12[%add3A_1778, %get3A_7] : memref<16x721xf32, #tpu.memory_space<vmem>>[vector<16xi32>, vector<16xi32>], vector<16xf32>,
        %add3A_1850 = arith.constant 3 : i32
        %add3A_1851 = vector.broadcast %add3A_1850 : i32 to vector<16xi32>
        %add3A_1852 = arith.addi %add3A_1836, %add3A_1851 : vector<16xi32>
        tpu.vector_store_idx %arg13[%add3A_1852], %gather3A_1849 : memref<65160xf32, #tpu.memory_space<vmem>>[vector<16xi32>], vector<16xf32>,
        %add3A_1853 = vector.broadcast %mul3A_1780 : i32 to vector<16xi32>
        %add3A_1854 = arith.addi %mul3A_53, %add3A_1853 : vector<16xi32>
        %gather3A_1855 = tpu.vector_load_idx %arg12[%add3A_1709, %get3A_9] : memref<16x721xf32, #tpu.memory_space<vmem>>[vector<16xi32>, vector<16xi32>], vector<16xf32>,
        %add3A_1856 = arith.constant 0 : i32
        %add3A_1857 = vector.broadcast %add3A_1856 : i32 to vector<16xi32>
        %add3A_1858 = arith.addi %add3A_1854, %add3A_1857 : vector<16xi32>
        tpu.vector_store_idx %arg13[%add3A_1858], %gather3A_1855 : memref<65160xf32, #tpu.memory_space<vmem>>[vector<16xi32>], vector<16xf32>,
        %gather3A_1859 = tpu.vector_load_idx %arg12[%add3A_1732, %get3A_9] : memref<16x721xf32, #tpu.memory_space<vmem>>[vector<16xi32>, vector<16xi32>], vector<16xf32>,
        %add3A_1860 = arith.constant 1 : i32
        %add3A_1861 = vector.broadcast %add3A_1860 : i32 to vector<16xi32>
        %add3A_1862 = arith.addi %add3A_1854, %add3A_1861 : vector<16xi32>
        tpu.vector_store_idx %arg13[%add3A_1862], %gather3A_1859 : memref<65160xf32, #tpu.memory_space<vmem>>[vector<16xi32>], vector<16xf32>,
        %gather3A_1863 = tpu.vector_load_idx %arg12[%add3A_1755, %get3A_9] : memref<16x721xf32, #tpu.memory_space<vmem>>[vector<16xi32>, vector<16xi32>], vector<16xf32>,
        %add3A_1864 = arith.constant 2 : i32
        %add3A_1865 = vector.broadcast %add3A_1864 : i32 to vector<16xi32>
        %add3A_1866 = arith.addi %add3A_1854, %add3A_1865 : vector<16xi32>
        tpu.vector_store_idx %arg13[%add3A_1866], %gather3A_1863 : memref<65160xf32, #tpu.memory_space<vmem>>[vector<16xi32>], vector<16xf32>,
        %gather3A_1867 = tpu.vector_load_idx %arg12[%add3A_1778, %get3A_9] : memref<16x721xf32, #tpu.memory_space<vmem>>[vector<16xi32>, vector<16xi32>], vector<16xf32>,
        %add3A_1868 = arith.constant 3 : i32
        %add3A_1869 = vector.broadcast %add3A_1868 : i32 to vector<16xi32>
        %add3A_1870 = arith.addi %add3A_1854, %add3A_1869 : vector<16xi32>
        tpu.vector_store_idx %arg13[%add3A_1870], %gather3A_1867 : memref<65160xf32, #tpu.memory_space<vmem>>[vector<16xi32>], vector<16xf32>,
        %add3A_1871 = vector.broadcast %mul3A_1780 : i32 to vector<16xi32>
        %add3A_1872 = arith.addi %mul3A_59, %add3A_1871 : vector<16xi32>
        %gather3A_1873 = tpu.vector_load_idx %arg12[%add3A_1709, %get3A_11] : memref<16x721xf32, #tpu.memory_space<vmem>>[vector<16xi32>, vector<16xi32>], vector<16xf32>,
        %add3A_1874 = arith.constant 0 : i32
        %add3A_1875 = vector.broadcast %add3A_1874 : i32 to vector<16xi32>
        %add3A_1876 = arith.addi %add3A_1872, %add3A_1875 : vector<16xi32>
        tpu.vector_store_idx %arg13[%add3A_1876], %gather3A_1873 : memref<65160xf32, #tpu.memory_space<vmem>>[vector<16xi32>], vector<16xf32>,
        %gather3A_1877 = tpu.vector_load_idx %arg12[%add3A_1732, %get3A_11] : memref<16x721xf32, #tpu.memory_space<vmem>>[vector<16xi32>, vector<16xi32>], vector<16xf32>,
        %add3A_1878 = arith.constant 1 : i32
        %add3A_1879 = vector.broadcast %add3A_1878 : i32 to vector<16xi32>
        %add3A_1880 = arith.addi %add3A_1872, %add3A_1879 : vector<16xi32>
        tpu.vector_store_idx %arg13[%add3A_1880], %gather3A_1877 : memref<65160xf32, #tpu.memory_space<vmem>>[vector<16xi32>], vector<16xf32>,
        %gather3A_1881 = tpu.vector_load_idx %arg12[%add3A_1755, %get3A_11] : memref<16x721xf32, #tpu.memory_space<vmem>>[vector<16xi32>, vector<16xi32>], vector<16xf32>,
        %add3A_1882 = arith.constant 2 : i32
        %add3A_1883 = vector.broadcast %add3A_1882 : i32 to vector<16xi32>
        %add3A_1884 = arith.addi %add3A_1872, %add3A_1883 : vector<16xi32>
        tpu.vector_store_idx %arg13[%add3A_1884], %gather3A_1881 : memref<65160xf32, #tpu.memory_space<vmem>>[vector<16xi32>], vector<16xf32>,
        %gather3A_1885 = tpu.vector_load_idx %arg12[%add3A_1778, %get3A_11] : memref<16x721xf32, #tpu.memory_space<vmem>>[vector<16xi32>, vector<16xi32>], vector<16xf32>,
        %add3A_1886 = arith.constant 3 : i32
        %add3A_1887 = vector.broadcast %add3A_1886 : i32 to vector<16xi32>
        %add3A_1888 = arith.addi %add3A_1872, %add3A_1887 : vector<16xi32>
        tpu.vector_store_idx %arg13[%add3A_1888], %gather3A_1885 : memref<65160xf32, #tpu.memory_space<vmem>>[vector<16xi32>], vector<16xf32>,
        %add3A_1889 = vector.broadcast %mul3A_1780 : i32 to vector<16xi32>
        %add3A_1890 = arith.addi %mul3A_65, %add3A_1889 : vector<16xi32>
        %gather3A_1891 = tpu.vector_load_idx %arg12[%add3A_1709, %get3A_13] : memref<16x721xf32, #tpu.memory_space<vmem>>[vector<16xi32>, vector<16xi32>], vector<16xf32>,
        %add3A_1892 = arith.constant 0 : i32
        %add3A_1893 = vector.broadcast %add3A_1892 : i32 to vector<16xi32>
        %add3A_1894 = arith.addi %add3A_1890, %add3A_1893 : vector<16xi32>
        tpu.vector_store_idx %arg13[%add3A_1894], %gather3A_1891 : memref<65160xf32, #tpu.memory_space<vmem>>[vector<16xi32>], vector<16xf32>,
        %gather3A_1895 = tpu.vector_load_idx %arg12[%add3A_1732, %get3A_13] : memref<16x721xf32, #tpu.memory_space<vmem>>[vector<16xi32>, vector<16xi32>], vector<16xf32>,
        %add3A_1896 = arith.constant 1 : i32
        %add3A_1897 = vector.broadcast %add3A_1896 : i32 to vector<16xi32>
        %add3A_1898 = arith.addi %add3A_1890, %add3A_1897 : vector<16xi32>
        tpu.vector_store_idx %arg13[%add3A_1898], %gather3A_1895 : memref<65160xf32, #tpu.memory_space<vmem>>[vector<16xi32>], vector<16xf32>,
        %gather3A_1899 = tpu.vector_load_idx %arg12[%add3A_1755, %get3A_13] : memref<16x721xf32, #tpu.memory_space<vmem>>[vector<16xi32>, vector<16xi32>], vector<16xf32>,
        %add3A_1900 = arith.constant 2 : i32
        %add3A_1901 = vector.broadcast %add3A_1900 : i32 to vector<16xi32>
        %add3A_1902 = arith.addi %add3A_1890, %add3A_1901 : vector<16xi32>
        tpu.vector_store_idx %arg13[%add3A_1902], %gather3A_1899 : memref<65160xf32, #tpu.memory_space<vmem>>[vector<16xi32>], vector<16xf32>,
        %gather3A_1903 = tpu.vector_load_idx %arg12[%add3A_1778, %get3A_13] : memref<16x721xf32, #tpu.memory_space<vmem>>[vector<16xi32>, vector<16xi32>], vector<16xf32>,
        %add3A_1904 = arith.constant 3 : i32
        %add3A_1905 = vector.broadcast %add3A_1904 : i32 to vector<16xi32>
        %add3A_1906 = arith.addi %add3A_1890, %add3A_1905 : vector<16xi32>
        tpu.vector_store_idx %arg13[%add3A_1906], %gather3A_1903 : memref<65160xf32, #tpu.memory_space<vmem>>[vector<16xi32>], vector<16xf32>,
        %add3A_1907 = vector.broadcast %mul3A_1780 : i32 to vector<16xi32>
        %add3A_1908 = arith.addi %mul3A_71, %add3A_1907 : vector<16xi32>
        %gather3A_1909 = tpu.vector_load_idx %arg12[%add3A_1709, %get3A_15] : memref<16x721xf32, #tpu.memory_space<vmem>>[vector<16xi32>, vector<16xi32>], vector<16xf32>,
        %add3A_1910 = arith.constant 0 : i32
        %add3A_1911 = vector.broadcast %add3A_1910 : i32 to vector<16xi32>
        %add3A_1912 = arith.addi %add3A_1908, %add3A_1911 : vector<16xi32>
        tpu.vector_store_idx %arg13[%add3A_1912], %gather3A_1909 : memref<65160xf32, #tpu.memory_space<vmem>>[vector<16xi32>], vector<16xf32>,
        %gather3A_1913 = tpu.vector_load_idx %arg12[%add3A_1732, %get3A_15] : memref<16x721xf32, #tpu.memory_space<vmem>>[vector<16xi32>, vector<16xi32>], vector<16xf32>,
        %add3A_1914 = arith.constant 1 : i32
        %add3A_1915 = vector.broadcast %add3A_1914 : i32 to vector<16xi32>
        %add3A_1916 = arith.addi %add3A_1908, %add3A_1915 : vector<16xi32>
        tpu.vector_store_idx %arg13[%add3A_1916], %gather3A_1913 : memref<65160xf32, #tpu.memory_space<vmem>>[vector<16xi32>], vector<16xf32>,
        %gather3A_1917 = tpu.vector_load_idx %arg12[%add3A_1755, %get3A_15] : memref<16x721xf32, #tpu.memory_space<vmem>>[vector<16xi32>, vector<16xi32>], vector<16xf32>,
        %add3A_1918 = arith.constant 2 : i32
        %add3A_1919 = vector.broadcast %add3A_1918 : i32 to vector<16xi32>
        %add3A_1920 = arith.addi %add3A_1908, %add3A_1919 : vector<16xi32>
        tpu.vector_store_idx %arg13[%add3A_1920], %gather3A_1917 : memref<65160xf32, #tpu.memory_space<vmem>>[vector<16xi32>], vector<16xf32>,
        %gather3A_1921 = tpu.vector_load_idx %arg12[%add3A_1778, %get3A_15] : memref<16x721xf32, #tpu.memory_space<vmem>>[vector<16xi32>, vector<16xi32>], vector<16xf32>,
        %add3A_1922 = arith.constant 3 : i32
        %add3A_1923 = vector.broadcast %add3A_1922 : i32 to vector<16xi32>
        %add3A_1924 = arith.addi %add3A_1908, %add3A_1923 : vector<16xi32>
        tpu.vector_store_idx %arg13[%add3A_1924], %gather3A_1921 : memref<65160xf32, #tpu.memory_space<vmem>>[vector<16xi32>], vector<16xf32>,
        %add3A_1925 = vector.broadcast %mul3A_1780 : i32 to vector<16xi32>
        %add3A_1926 = arith.addi %mul3A_77, %add3A_1925 : vector<16xi32>
        %gather3A_1927 = tpu.vector_load_idx %arg12[%add3A_1709, %get3A_17] : memref<16x721xf32, #tpu.memory_space<vmem>>[vector<16xi32>, vector<16xi32>], vector<16xf32>,
        %add3A_1928 = arith.constant 0 : i32
        %add3A_1929 = vector.broadcast %add3A_1928 : i32 to vector<16xi32>
        %add3A_1930 = arith.addi %add3A_1926, %add3A_1929 : vector<16xi32>
        tpu.vector_store_idx %arg13[%add3A_1930], %gather3A_1927 : memref<65160xf32, #tpu.memory_space<vmem>>[vector<16xi32>], vector<16xf32>,
        %gather3A_1931 = tpu.vector_load_idx %arg12[%add3A_1732, %get3A_17] : memref<16x721xf32, #tpu.memory_space<vmem>>[vector<16xi32>, vector<16xi32>], vector<16xf32>,
        %add3A_1932 = arith.constant 1 : i32
        %add3A_1933 = vector.broadcast %add3A_1932 : i32 to vector<16xi32>
        %add3A_1934 = arith.addi %add3A_1926, %add3A_1933 : vector<16xi32>
        tpu.vector_store_idx %arg13[%add3A_1934], %gather3A_1931 : memref<65160xf32, #tpu.memory_space<vmem>>[vector<16xi32>], vector<16xf32>,
        %gather3A_1935 = tpu.vector_load_idx %arg12[%add3A_1755, %get3A_17] : memref<16x721xf32, #tpu.memory_space<vmem>>[vector<16xi32>, vector<16xi32>], vector<16xf32>,
        %add3A_1936 = arith.constant 2 : i32
        %add3A_1937 = vector.broadcast %add3A_1936 : i32 to vector<16xi32>
        %add3A_1938 = arith.addi %add3A_1926, %add3A_1937 : vector<16xi32>
        tpu.vector_store_idx %arg13[%add3A_1938], %gather3A_1935 : memref<65160xf32, #tpu.memory_space<vmem>>[vector<16xi32>], vector<16xf32>,
        %gather3A_1939 = tpu.vector_load_idx %arg12[%add3A_1778, %get3A_17] : memref<16x721xf32, #tpu.memory_space<vmem>>[vector<16xi32>, vector<16xi32>], vector<16xf32>,
        %add3A_1940 = arith.constant 3 : i32
        %add3A_1941 = vector.broadcast %add3A_1940 : i32 to vector<16xi32>
        %add3A_1942 = arith.addi %add3A_1926, %add3A_1941 : vector<16xi32>
        tpu.vector_store_idx %arg13[%add3A_1942], %gather3A_1939 : memref<65160xf32, #tpu.memory_space<vmem>>[vector<16xi32>], vector<16xf32>,
        %add3A_1943 = vector.broadcast %mul3A_1780 : i32 to vector<16xi32>
        %add3A_1944 = arith.addi %mul3A_83, %add3A_1943 : vector<16xi32>
        %gather3A_1945 = tpu.vector_load_idx %arg12[%add3A_1709, %get3A_19] : memref<16x721xf32, #tpu.memory_space<vmem>>[vector<16xi32>, vector<16xi32>], vector<16xf32>,
        %add3A_1946 = arith.constant 0 : i32
        %add3A_1947 = vector.broadcast %add3A_1946 : i32 to vector<16xi32>
        %add3A_1948 = arith.addi %add3A_1944, %add3A_1947 : vector<16xi32>
        tpu.vector_store_idx %arg13[%add3A_1948], %gather3A_1945 : memref<65160xf32, #tpu.memory_space<vmem>>[vector<16xi32>], vector<16xf32>,
        %gather3A_1949 = tpu.vector_load_idx %arg12[%add3A_1732, %get3A_19] : memref<16x721xf32, #tpu.memory_space<vmem>>[vector<16xi32>, vector<16xi32>], vector<16xf32>,
        %add3A_1950 = arith.constant 1 : i32
        %add3A_1951 = vector.broadcast %add3A_1950 : i32 to vector<16xi32>
        %add3A_1952 = arith.addi %add3A_1944, %add3A_1951 : vector<16xi32>
        tpu.vector_store_idx %arg13[%add3A_1952], %gather3A_1949 : memref<65160xf32, #tpu.memory_space<vmem>>[vector<16xi32>], vector<16xf32>,
        %gather3A_1953 = tpu.vector_load_idx %arg12[%add3A_1755, %get3A_19] : memref<16x721xf32, #tpu.memory_space<vmem>>[vector<16xi32>, vector<16xi32>], vector<16xf32>,
        %add3A_1954 = arith.constant 2 : i32
        %add3A_1955 = vector.broadcast %add3A_1954 : i32 to vector<16xi32>
        %add3A_1956 = arith.addi %add3A_1944, %add3A_1955 : vector<16xi32>
        tpu.vector_store_idx %arg13[%add3A_1956], %gather3A_1953 : memref<65160xf32, #tpu.memory_space<vmem>>[vector<16xi32>], vector<16xf32>,
        %gather3A_1957 = tpu.vector_load_idx %arg12[%add3A_1778, %get3A_19] : memref<16x721xf32, #tpu.memory_space<vmem>>[vector<16xi32>, vector<16xi32>], vector<16xf32>,
        %add3A_1958 = arith.constant 3 : i32
        %add3A_1959 = vector.broadcast %add3A_1958 : i32 to vector<16xi32>
        %add3A_1960 = arith.addi %add3A_1944, %add3A_1959 : vector<16xi32>
        tpu.vector_store_idx %arg13[%add3A_1960], %gather3A_1957 : memref<65160xf32, #tpu.memory_space<vmem>>[vector<16xi32>], vector<16xf32>,
        %add3A_1961 = vector.broadcast %mul3A_1780 : i32 to vector<16xi32>
        %add3A_1962 = arith.addi %mul3A_89, %add3A_1961 : vector<16xi32>
        %gather3A_1963 = tpu.vector_load_idx %arg12[%add3A_1709, %get3A_21] : memref<16x721xf32, #tpu.memory_space<vmem>>[vector<16xi32>, vector<16xi32>], vector<16xf32>,
        %add3A_1964 = arith.constant 0 : i32
        %add3A_1965 = vector.broadcast %add3A_1964 : i32 to vector<16xi32>
        %add3A_1966 = arith.addi %add3A_1962, %add3A_1965 : vector<16xi32>
        tpu.vector_store_idx %arg13[%add3A_1966], %gather3A_1963 : memref<65160xf32, #tpu.memory_space<vmem>>[vector<16xi32>], vector<16xf32>,
        %gather3A_1967 = tpu.vector_load_idx %arg12[%add3A_1732, %get3A_21] : memref<16x721xf32, #tpu.memory_space<vmem>>[vector<16xi32>, vector<16xi32>], vector<16xf32>,
        %add3A_1968 = arith.constant 1 : i32
        %add3A_1969 = vector.broadcast %add3A_1968 : i32 to vector<16xi32>
        %add3A_1970 = arith.addi %add3A_1962, %add3A_1969 : vector<16xi32>
        tpu.vector_store_idx %arg13[%add3A_1970], %gather3A_1967 : memref<65160xf32, #tpu.memory_space<vmem>>[vector<16xi32>], vector<16xf32>,
        %gather3A_1971 = tpu.vector_load_idx %arg12[%add3A_1755, %get3A_21] : memref<16x721xf32, #tpu.memory_space<vmem>>[vector<16xi32>, vector<16xi32>], vector<16xf32>,
        %add3A_1972 = arith.constant 2 : i32
        %add3A_1973 = vector.broadcast %add3A_1972 : i32 to vector<16xi32>
        %add3A_1974 = arith.addi %add3A_1962, %add3A_1973 : vector<16xi32>
        tpu.vector_store_idx %arg13[%add3A_1974], %gather3A_1971 : memref<65160xf32, #tpu.memory_space<vmem>>[vector<16xi32>], vector<16xf32>,
        %gather3A_1975 = tpu.vector_load_idx %arg12[%add3A_1778, %get3A_21] : memref<16x721xf32, #tpu.memory_space<vmem>>[vector<16xi32>, vector<16xi32>], vector<16xf32>,
        %add3A_1976 = arith.constant 3 : i32
        %add3A_1977 = vector.broadcast %add3A_1976 : i32 to vector<16xi32>
        %add3A_1978 = arith.addi %add3A_1962, %add3A_1977 : vector<16xi32>
        tpu.vector_store_idx %arg13[%add3A_1978], %gather3A_1975 : memref<65160xf32, #tpu.memory_space<vmem>>[vector<16xi32>], vector<16xf32>,
        %add3A_1979 = vector.broadcast %mul3A_1780 : i32 to vector<16xi32>
        %add3A_1980 = arith.addi %mul3A_95, %add3A_1979 : vector<16xi32>
        %gather3A_1981 = tpu.vector_load_idx %arg12[%add3A_1709, %get3A_23] : memref<16x721xf32, #tpu.memory_space<vmem>>[vector<16xi32>, vector<16xi32>], vector<16xf32>,
        %add3A_1982 = arith.constant 0 : i32
        %add3A_1983 = vector.broadcast %add3A_1982 : i32 to vector<16xi32>
        %add3A_1984 = arith.addi %add3A_1980, %add3A_1983 : vector<16xi32>
        tpu.vector_store_idx %arg13[%add3A_1984], %gather3A_1981 : memref<65160xf32, #tpu.memory_space<vmem>>[vector<16xi32>], vector<16xf32>,
        %gather3A_1985 = tpu.vector_load_idx %arg12[%add3A_1732, %get3A_23] : memref<16x721xf32, #tpu.memory_space<vmem>>[vector<16xi32>, vector<16xi32>], vector<16xf32>,
        %add3A_1986 = arith.constant 1 : i32
        %add3A_1987 = vector.broadcast %add3A_1986 : i32 to vector<16xi32>
        %add3A_1988 = arith.addi %add3A_1980, %add3A_1987 : vector<16xi32>
        tpu.vector_store_idx %arg13[%add3A_1988], %gather3A_1985 : memref<65160xf32, #tpu.memory_space<vmem>>[vector<16xi32>], vector<16xf32>,
        %gather3A_1989 = tpu.vector_load_idx %arg12[%add3A_1755, %get3A_23] : memref<16x721xf32, #tpu.memory_space<vmem>>[vector<16xi32>, vector<16xi32>], vector<16xf32>,
        %add3A_1990 = arith.constant 2 : i32
        %add3A_1991 = vector.broadcast %add3A_1990 : i32 to vector<16xi32>
        %add3A_1992 = arith.addi %add3A_1980, %add3A_1991 : vector<16xi32>
        tpu.vector_store_idx %arg13[%add3A_1992], %gather3A_1989 : memref<65160xf32, #tpu.memory_space<vmem>>[vector<16xi32>], vector<16xf32>,
        %gather3A_1993 = tpu.vector_load_idx %arg12[%add3A_1778, %get3A_23] : memref<16x721xf32, #tpu.memory_space<vmem>>[vector<16xi32>, vector<16xi32>], vector<16xf32>,
        %add3A_1994 = arith.constant 3 : i32
        %add3A_1995 = vector.broadcast %add3A_1994 : i32 to vector<16xi32>
        %add3A_1996 = arith.addi %add3A_1980, %add3A_1995 : vector<16xi32>
        tpu.vector_store_idx %arg13[%add3A_1996], %gather3A_1993 : memref<65160xf32, #tpu.memory_space<vmem>>[vector<16xi32>], vector<16xf32>,
      }
      %scan3A_289 = arith.constant 18 : i32
      %scan3A_290 = arith.constant 0 : i32
      %scan3A_291 = arith.constant 0 : i32
      %scan3A_292 = arith.constant 181 : i32
      %scan3A_293 = arith.addi %scan3A_291, %scan3A_292 : i32
      %scan3A_294 = arith.constant 1 : i32
      scf.for %scan3A_296 = %scan3A_291 to %scan3A_293 step %scan3A_294  : i32 {
        %mul3A_297 = arith.constant 181 : i32
        %mul3A_298 = arith.muli %select_n3A, %mul3A_297 : i32
        %add3A_299 = arith.addi %mul3A_298, %scan3A_296 : i32
        %mul3A_300 = arith.constant 32 : i32
        %mul3A_301 = arith.muli %add3A_299, %mul3A_300 : i32
        %add3A_302 = arith.addi %mul3A_301, %select_n3A_137 : i32
        %mul3A_303 = arith.constant 360 : i32
        %mul3A_304 = arith.muli %add3A_302, %mul3A_303 : i32
        %mul3A_305 = arith.constant 360 : i32
        %mul3A_306 = arith.muli %scan3A_296, %mul3A_305 : i32
        %dma_start3A_307 = tpu.memref_slice %arg13[%mul3A_306] : memref<65160xf32, #tpu.memory_space<vmem>> -> memref<360xf32, #tpu.memory_space<vmem>>
        %dma_start3A_308 = tpu.memref_slice %arg5[%mul3A_304] : memref<4170240xf32, #tpu.memory_space<hbm>> -> memref<360xf32, #tpu.memory_space<hbm>>
        %dma_start3A_309 = tpu.memref_slice %arg5[%mul3A_304] : memref<4170240xf32, #tpu.memory_space<hbm>> -> memref<360xf32, #tpu.memory_space<hbm>>
        %dma_start3A_310 = tpu.memref_slice %arg13[%mul3A_306] : memref<65160xf32, #tpu.memory_space<vmem>> -> memref<360xf32, #tpu.memory_space<vmem>>
        tpu.enqueue_dma source(%dma_start3A_310 : memref<360xf32, #tpu.memory_space<vmem>>) target(%dma_start3A_309 : memref<360xf32, #tpu.memory_space<hbm>>) target_semaphore(%arg19 : memref<!tpu.dma_semaphore, #tpu.memory_space<semaphore_mem>>)
      }
      %scan3A_295 = arith.constant 181 : i32
    }
    %scan3A_100 = arith.constant 2 : i32
    %dma_wait3A = arith.constant 0 : i32
    %dma_wait3A_101 = tpu.memref_slice %arg5[%dma_wait3A] : memref<4170240xf32, #tpu.memory_space<hbm>> -> memref<65160xf32, #tpu.memory_space<hbm>>
    %dma_wait3A_102 = arith.constant 0 : i32
    %dma_wait3A_103 = tpu.memref_slice %arg5[%dma_wait3A_102] : memref<4170240xf32, #tpu.memory_space<hbm>> -> memref<65160xf32, #tpu.memory_space<hbm>>
    tpu.wait_dma2 semaphore(%arg19 : memref<!tpu.dma_semaphore, #tpu.memory_space<semaphore_mem>>) src(%dma_wait3A_103 : memref<65160xf32, #tpu.memory_space<hbm>>) dst(%arg13 : memref<65160xf32, #tpu.memory_space<vmem>>)
    return
  }
}

</mosaic_0001>

<sc_bundles>
// kernel: kernel.3.cloned.1.call-start
scs
__scs_entry_jumppad:
0x0: {  	(pc) =	sbr.rel $0x88, $3  }
0x1: {  	(tag) =	ssettag $0x0;
	lr =	simm.s32 $0x1  }
0x2: {  	[smem:$0x3F9E] =	sst lr;
	_ =	strace $0xD0000000  }
0x3: {  	_ = 	snop  }
0x4: {  	_ = 	snop  }
0x5: {  	_ = 	snop  }
0x6: {  	_ = 	snop  }
0x7: {  	_ = 	snop  }
__scs_overlays_trampoline_lowered:
0x8: {  	[smem:$0x3FAD] =	sst s0  }
0x9: {  	[smem:$0x3FAE] =	sst s1  }
0xa: {  	[smem:$0x3FAF] =	sst s2  }
0xb: {  	[smem:$0x3FB0] =	sst s3  }
0xc: {  	[smem:$0x3FB1] =	sst s4  }
0xd: {  	[smem:$0x3FB2] =	sst s5  }
0xe: {  	[smem:$0x3FB3] =	sst s6  }
0xf: {  	[smem:$0x3FB4] =	sst s7  }
0x10: {  	[smem:$0x3FB5] =	sst s8  }
0x11: {  	[smem:$0x3FB6] =	sst s9;
	s0 =	simm.s32 @!p0 $0x0  }
0x12: {  	s1 =	sld [smem:$0x3F9C];
	s0 =	simm.s32 @p0 $0x1  }
0x13: {  	[smem:$0x3FB7] =	sst s0;
	s0 =	simm.s32 @!p1 $0x0  }
0x14: {  	s2 =	sld [smem:$0x3F9B];
	s0 =	simm.s32 @p1 $0x1  }
0x15: {  	[smem:$0x3FB8] =	sst s0;
	s0 =	simm.s32 @!p2 $0x0  }
0x16: {  	s3 =	sld [smem:$0x3FDB];
	s0 =	simm.s32 @p2 $0x1  }
0x17: {  	s4 =	simm.s32 $0x1BF5;
	[smem:$0x3FBA] =	sst s0  }
0x18: {  	s0 =	sld [smem:$0x3F9D];
	_ =	swait.ge [sflag:s4], $0x0  }
0x19: {  	s7 =	sld [smem:$0x3F9E]  }
0x1a: {  	s8 =	sadd.s32 $0xFFFFE003, lr  }
0x1b: {  	s9 =	sadd.s32 $0xFFFFFEF7, lr;
	s5 =	simm.s32 $0xFFFFFFFF;
	p2 =	slt.u32 s8, $0xFFFFF086  }
0x1c: {  	p1 =	slt.u32 s9, $0xF7A;
	s5 =	simm.s32 @!p2 $0x0  }
0x1d: {  	s5 =	simm.s32 @p1 $0x1;
	p0 =	seq.s32 s7, s2  }
0x1e: {  	s7 =	smul.u32 @!p0 $0xF7A, s2;
	p2 =	seq.s32 @!p0 s5, $0x0  }
0x1f: {  	s9 =	smul.u32 $0xF7A, s1;
	s8 =	simm.s32 @!p0 $0x1BF5;
	p2 =	por !p2, p0  }
0x20: {  	[sflag:s8] =	ssyncset.s32 @!p0 $0xFFFFF086;
	s6 =	sadd.s32 @!p0 s3, s7;
	s7 =	simm.s32 @!p0 $0x108  }
0x21: {  	s3 =	sadd.s32 s3, s9;
	s6 =	sadd.s32 @!p0 $0x88, s6;
	s7 =	simm.s32 @p2 $0x1082  }
0x22: {  	[simem:s7], [sflag:s8] =	dma.local @!p0 [hbm:s6], $0xF7A  }
0x23: {  	s9 =	sor.u32 $0xD0000000, s2;
	s6 =	simm.s32 $0x108;
	_ =	swait.ge @!p0 [sflag:s8], $0x0  }
0x24: {  	s3 =	sadd.s32 $0x88, s3;
	s6 =	simm.s32 @!p1 $0x1082;
	[sflag:s4] =	ssyncset.s32 $0xFFFFF086  }
0x25: {  	[simem:s6], [sflag:s4] =	dma.local [hbm:s3], $0xF7A  }
0x26: {  	[smem:$0x3F9E] =	sst s1;
	(tag) =	ssettag s2;
	_ =	strace s9  }
0x27: {  	s1 =	sld [smem:$0x3FAE]  }
0x28: {  	s2 =	sld [smem:$0x3FAF]  }
0x29: {  	s4 =	sld [smem:$0x3FB1]  }
0x2a: {  	p0 =	seq.s32 s5, $0x0;
	s5 =	sld [smem:$0x3FB2]  }
0x2b: {  	s6 =	sld [smem:$0x3FB3]  }
0x2c: {  	s7 =	sld [smem:$0x3FB4]  }
0x2d: {  	s3 =	simm.s32 $0x108;
	s8 =	sld [smem:$0x3FB5]  }
0x2e: {  	s3 =	simm.s32 @!p0 $0x1082;
	s9 =	sld [smem:$0x3FB6]  }
0x2f: {  	lr =	sadd.s32 s0, s3;
	s0 =	sld [smem:$0x3FAD]  }
0x30: {  	s3 =	sld [smem:$0x3FB0]  }
0x31: {  	[smem:$0x3FB9] =	sst s10  }
0x32: {  	s10 =	sld [smem:$0x3FB7];
	_ =	sdelay $0x3  }
0x33: {  	p0 =	seq.s32 s10, $0x1;
	s10 =	sld [smem:$0x3FB9];
	_ =	sdelay $0x3  }
0x34: {  	[smem:$0x3FB9] =	sst s10  }
0x35: {  	s10 =	sld [smem:$0x3FB8];
	_ =	sdelay $0x3  }
0x36: {  	p1 =	seq.s32 s10, $0x1;
	s10 =	sld [smem:$0x3FB9];
	_ =	sdelay $0x3  }
0x37: {  	[smem:$0x3FB9] =	sst s10  }
0x38: {  	s10 =	sld [smem:$0x3FBA]  }
0x39: {  	_ = 	snop;
	(pc) =	sbr.ind lr, $3  }
0x3a: {  	_ = 	snop  }
0x3b: {  	_ = 	snop  }
0x3c: {  	p2 =	seq.s32 s10, $0x1;
	s10 =	sld [smem:$0x3FB9]  }
0x3d: {  	_ =	shalt  }
0x3e: {  	_ =	shalt  }
0x3f: {  	_ =	shalt  }
0x40: {  	_ =	shalt  }
0x41: {  	_ =	shalt  }
0x42: {  	_ =	shalt  }
0x43: {  	_ =	shalt  }
0x44: {  	_ =	shalt  }
0x45: {  	_ =	shalt  }
0x46: {  	_ =	shalt  }
0x47: {  	_ =	shalt  }
0x48: {  	_ =	shalt  }
0x49: {  	_ =	shalt  }
0x4a: {  	_ =	shalt  }
0x4b: {  	_ =	shalt  }
0x4c: {  	_ =	shalt  }
0x4d: {  	_ =	shalt  }
0x4e: {  	_ =	shalt  }
0x4f: {  	_ =	shalt  }
0x50: {  	_ =	shalt  }
0x51: {  	_ =	shalt  }
0x52: {  	_ =	shalt  }
0x53: {  	_ =	shalt  }
0x54: {  	_ =	shalt  }
0x55: {  	_ =	shalt  }
0x56: {  	_ =	shalt  }
0x57: {  	_ =	shalt  }
0x58: {  	_ =	shalt  }
0x59: {  	_ =	shalt  }
0x5a: {  	_ =	shalt  }
0x5b: {  	_ =	shalt  }
0x5c: {  	_ =	shalt  }
0x5d: {  	_ =	shalt  }
0x5e: {  	_ =	shalt  }
0x5f: {  	_ =	shalt  }
0x60: {  	_ =	shalt  }
0x61: {  	_ =	shalt  }
0x62: {  	_ =	shalt  }
0x63: {  	_ =	shalt  }
0x64: {  	_ =	shalt  }
0x65: {  	_ =	shalt  }
0x66: {  	_ =	shalt  }
0x67: {  	_ =	shalt  }
0x68: {  	_ =	shalt  }
0x69: {  	_ =	shalt  }
0x6a: {  	_ =	shalt  }
0x6b: {  	_ =	shalt  }
0x6c: {  	_ =	shalt  }
0x6d: {  	_ =	shalt  }
0x6e: {  	_ =	shalt  }
0x6f: {  	_ =	shalt  }
0x70: {  	_ =	shalt  }
0x71: {  	_ =	shalt  }
0x72: {  	_ =	shalt  }
0x73: {  	_ =	shalt  }
0x74: {  	_ =	shalt  }
0x75: {  	_ =	shalt  }
0x76: {  	_ =	shalt  }
0x77: {  	_ =	shalt  }
0x78: {  	_ =	shalt  }
0x79: {  	_ =	shalt  }
0x7a: {  	_ =	shalt  }
0x7b: {  	_ =	shalt  }
0x7c: {  	_ =	shalt  }
0x7d: {  	_ =	shalt  }
0x7e: {  	_ =	shalt  }
0x7f: {  	_ =	shalt  }
0x80: {  	_ =	shalt  }
0x81: {  	_ =	shalt  }
0x82: {  	_ =	shalt  }
0x83: {  	_ =	shalt  }
0x84: {  	_ =	shalt  }
0x85: {  	_ =	shalt  }
0x86: {  	_ =	shalt  }
0x87: {  	_ =	shalt  }
.Lfunc_end0:
.L_simem_size_0:
called_computation_lowered:
.L_overlay_start_0:
0x88: {  	s2 =	sld [smem:$0x3FD9]  }
0x89: {  	s3 =	sld [smem:$0x3FFE];
	_ =	sdelay $0x1  }
0x8a: {  	s1 =	srdreg.scid  }
0x8b: {  	s0 =	sand.u32 $0x1, s1  }
0x8c: {  	s17 =	sshll.u32 s0, $0xA;
	s2 =	sadd.s32 s3, s2  }
0x8d: {  	s2 =	sadd.s32 s2, s17  }
0x8e: {  	[smem:$0x3FC5] =	sst s2  }
0x8f: {  	_ = 	snop  }
0x90: {  	s2 =	sld [smem:$0x3FC9]  }
0x91: {  	s18 =	sld [smem:$0x3FD0];
	(tm) =	ssettm $0x1  }
0x92: {  	s4 =	sld [smem:$0x3FFB];
	_ =	sdelay $0x3  }
0x93: {  	_ =	strace s4  }
0x94: {  	s4 =	sld [smem:$0x3FFC];
	_ =	sdelay $0x3  }
0x95: {  	_ =	strace s4  }
0x96: {  	s4 =	sld [smem:$0x3FFD];
	_ =	sdelay $0x3  }
0x97: {  	_ =	strace s4  }
0x98: {  	_ =	strace $0x8FFFFFFF  }
0x99: {  	s19 =	sld [smem:$0x3FDB];
	_ =	sdelay $0x1  }
0x9a: {  	s5 =	simm.s32 $_scs_section_size  }
0x9b: {  	s6 =	simm.s32 $_size__tile_overlayer_lowered;
	s7 =	simm.s32 $_tile_overlayer_lowered  }
0x9c: {  	s22 =	simm.s32 $0x1BFF;
	s21 =	sshll.u32 s7, $0x1;
	s4 =	sadd.s32 s5, s19  }
0x9d: {  	s8 =	simm.s32 $0x0;
	s20 =	sshll.u32 s6, $0x1;
	s6 =	sadd.s32 s21, s4  }
0x9e: {  	[timem:s8], [sflag:s22] =	dma.local [hbm:s6], s20  }
0x9f: {  	_ =	swait.ge [sflag:s22], s20  }
0xa0: {  	s5 =	ssub.s32 $0x0, s20;
	[sflag:s22] =	ssyncset.done $0x0  }
0xa1: {  	[sflag:s22] =	ssyncadd.s32 s5;
	_ =	sdelay $0x1  }
0xa2: {  	s23 =	simm.s32 $0x1B8B  }
0xa3: {  	_ =	swait.ge [sflag:s23], $0x1  }
0xa4: {  	[sflag:s23] =	ssyncset.done $0x0  }
0xa5: {  	s25 =	simm.s32 $0x1B8E;
	s24 =	sld [smem:$0x3FFE];
	[sflag:s23] =	ssyncadd.s32 $0xFFFFFFFF  }
0xa6: {  	s26 =	simm.s32 $execute0_lowered;
	[smem:$0x3FD2] =	sst s25  }
0xa7: {  	s6 =	sshll.u32 s26, $0x1;
	_ =	strace $0x80000046;
	[dreg:$0x1] =	wrdreg $0xFFFFFFFF  }
0xa8: {  	s28 =	simm.s32 $_size_execute0_lowered;
	s4 =	sadd.s32 s4, s6;
	[dreg:$0x0] =	wrdreg $0x0  }
0xa9: {  	s6 =	sshll.u32 s28, $0x1;
	[dreg:$0x2] =	wrdreg s4  }
0xaa: {  	[dreg:$0x3] =	wrdreg s6  }
0xab: {  	[dreg:$0x4] =	wrdreg $0xC0  }
0xac: {  	_ =	task [dreg:s8], $0x5FFFF  }
0xad: {  	[dreg:$0x1] =	wrdreg $0xFFFFFFFF  }
0xae: {  	[dreg:$0x0] =	wrdreg $0x60  }
0xaf: {  	[dreg:$0x2] =	wrdreg s2  }
0xb0: {  	[dreg:$0x3] =	wrdreg s24  }
0xb1: {  	[dreg:$0x4] =	wrdreg s18  }
0xb2: {  	[dreg:$0x5] =	wrdreg $0x9  }
0xb3: {  	_ =	task.clear_ibuf [dreg:s8], $0x6FFFF;
	_ =	strace $0x90000046  }
0xb4: {  	s29 =	simm.s32 $0x9;
	_ =	strace $0x80000048  }
0xb5: {  	_ =	swait.ge [sflag:s29], $0x1  }
0xb6: {  	[sflag:s29] =	ssyncadd.s32 $0xFFFFFFFF  }
0xb7: {  	_ =	strace $0x90000048  }
0xb8: {  	_ =	sfence  }
0xb9: {  	s30 =	sld [smem:$0x0];
	_ =	sdelay $0x2  }
0xba: {  	s31 =	sshll.u32 s1, $0xD;
	s1 =	sshrl.u32 s1, $0x2  }
0xbb: {  	s3 =	sand.u32 $0x4000, s31;
	s1 =	sadd.s32 s1, s30  }
0xbc: {  	s0 =	sor.u32 s3, s0;
	s1 =	sshll.u32 s1, $0x11  }
0xbd: {  	s0 =	sor.u32 s1, s0  }
0xbe: {  	s0 =	sadd.s32 $0x8F2B, s0  }
0xbf: {  	[sflag:s0] =	ssyncadd.remote.s32 $0x1  }
0xc0: {  	_ =	sfence.sel $0xFFFF  }
0xc1: {  	[dreg:$0x0] =	wrdreg $0xFFFFFFFF;
	(pc) =	sbr.abs _section_cstart, $3  }
0xc2: {  	[dreg:$0x1] =	wrdreg $0xFFFFFFFF  }
0xc3: {  	_ =	task.clear_ibuf [dreg:s8], $0x2FFFF;
	_ =	strace $0x9FFFFFFF  }
0xc4: {  	(tm) =	ssettm $0x7FFFFFFF  }
0xc5: {  	_ =	shalt  }
tec
execute0_lowered:
.L_overlay_start_1:
0x0: {  	(tag) =	ssettag $0x1  }
0x1: {  	v0 =	vlaneseq.u32  }
0x2: {  	s1 =	rddreg [dreg:$0x0];
	v0 =	vmul.u32 $0x168, v0  }
0x3: {  	s6 =	rddreg [dreg:$0x1];
	s4 =	simm.s32 $0x0  }
0x4: {  	[smem:$0x7FF] =	sst s4;
	v11 =	vor.u32 $0x1, v0  }
0x5: {  	s3 =	rddreg [dreg:$0x2];
	_ =	strace $0x80000047;
	v17 =	vor.u32 $0x2, v0;
	[tilespmem:$0x1FED0] =	vst v11  }
0x6: {  	v18 =	vor.u32 $0x3, v0;
	[tilespmem:$0x1FEE0] =	vst v17  }
0x7: {  	v19 =	vadd.s32 $0x1680, v0;
	[tilespmem:$0x1FEF0] =	vst v18  }
0x8: {  	v24 =	vadd.s32 $0x1681, v0;
	[tilespmem:$0x1FF00] =	vst v19  }
0x9: {  	v60 =	vadd.s32 $0x2D02, v0;
	[tilespmem:$0x1FF10] =	vst v24  }
0xa: {  	v52 =	vadd.s32 $0x2D03, v0;
	[tilespmem:$0x1FF20] =	vst v60  }
0xb: {  	s0 =	stileid.u32;
	v25 =	vadd.s32 $0x1682, v0;
	[tilespmem:$0x1FF30] =	vst v52  }
0xc: {  	s9 =	srdreg.scid;
	s14 =	simm.s32 $0x3280;
	s15 =	simm.s32 $0x6280;
	v58 =	vadd.s32 $0x7083, v0;
	[tilespmem:$0x1FF40] =	vst v25  }
0xd: {  	s16 =	simm.s32 $0x9280;
	s17 =	simm.s32 $0xC280;
	s18 =	simm.s32 $0xF280;
	v26 =	vadd.s32 $0x1683, v0;
	[tilespmem:$0x1FF50] =	vst v58  }
0xe: {  	s19 =	simm.s32 $0x2;
	s20 =	simm.s32 $0x3;
	s21 =	simm.s32 $0x4;
	v59 =	vadd.s32 $0x8701, v0;
	[tilespmem:$0x1FF60] =	vst v26  }
0xf: {  	s22 =	simm.s32 $0x5;
	s23 =	simm.s32 $0x6;
	s7 =	sshrl.u32 s0, $0x3;
	v27 =	vadd.s32 $0x2D00, v0;
	[tilespmem:$0x1FF70] =	vst v59  }
0x10: {  	s24 =	simm.s32 $0x0;
	s10 =	sand.u32 $0x7, s0;
	s8 =	smul.u32 $0x3FA20, s7;
	v13 =	vadd.s32 $0x2D01, v0;
	[tilespmem:$0x1FF80] =	vst v27  }
0x11: {  	s5 =	sadd.s32 $0x400, s6;
	s9 =	sand.u32 $0x1, s9;
	s10 =	smul.u32 $0xB4, s10;
	v14 =	vadd.s32 $0x4380, v0;
	[tilespmem:$0x1FF90] =	vst v13  }
0x12: {  	s12 =	sshll.u32 s0, $0x2;
	s30 =	ssub.s32 $0x2, s9;
	s13 =	smul.u32 $0x5A, s9;
	v57 =	vadd.s32 $0x7081, v0;
	[tilespmem:$0x1FFA0] =	vst v14  }
0x13: {  	s9 =	sshll.u32 s9, $0x1;
	s12 =	sand.u32 $0x1C, s12;
	s11 =	sshrl.u32 s30, $0x1;
	v56 =	vadd.s32 $0x7082, v0;
	[tilespmem:$0x1FFB0] =	vst v57  }
0x14: {  	s7 =	smul.u32 $0x21C0000, s7;
	v53 =	vadd.s32 $0x4381, v0;
	v23 =	vadd.s32 $0x5A01, v0;
	s6 =	sadd.s32 s8, s6;
	s8 =	ssub.s32 s30, s11;
	[tilespmem:$0x1FFC0] =	vst v56  }
0x15: {  	v21 =	vadd.s32 $0x4382, v0;
	v15 =	vadd.s32 $0x4383, v0;
	v16 =	vadd.s32 $0x5A00, v0;
	s11 =	simm.s32 $0x100;
	[tilespmem:$0x1FFD0] =	vst v23;
	s10 =	sadd.s32 s10, s6;
	s6 =	sor.u32 s9, s12  }
0x16: {  	v54 =	vadd.s32 $0x5A02, v0;
	v22 =	vadd.s32 $0x5A03, v0;
	v55 =	vadd.s32 $0x7080, v0;
	[tilespmem:$0x1FFE0] =	vst v21;
	s8 =	smax.u32 s8, $0x1;
	s12 =	simm.s32 $0x1;
	s31 =	sadd.s32 s13, s10  }
0x17: {  	v20 =	vadd.s32 $0x8700, v0;
	v61 =	vadd.s32 $0x8702, v0;
	v62 =	vadd.s32 $0x8703, v0;
	[tilespmem:$0x1FFF0] =	vst v54;
	s10 =	simm.s32 $0x7;
	s13 =	simm.s32 $0x280;
	s9 =	sadd.s32 $0x600, s31  }
.LBB2_1:
0x18: {  	[tilespmem:s4], [sflag:$0x7] =	stream.linear.gather [hbm4b:s5+s4], $0x100, $0x38;
	[tilespmem:$0x1F180] =	vst v63  }
0x19: {  	_ =	swait.ge [sflag:s10], $0x100  }
0x1a: {  	[sflag:s10] =	ssyncset.done $0x0  }
0x1b: {  	[sflag:s10] =	ssyncadd.s32 $0xFFFFFF00  }
0x1c: {  	[tilespmem:s11], [sflag:$0x7] =	stream.linear.gather [hbm4b:s3+s4], $0x180, $0x38;
	[tilespmem:$0x1F180] =	vst v63  }
0x1d: {  	_ =	swait.ge [sflag:s10], $0x180  }
0x1e: {  	[sflag:s10] =	ssyncset.done $0x0  }
0x1f: {  	[sflag:s10] =	ssyncadd.s32 $0xFFFFFE80  }
0x20: {  	v1 =	vld [tilespmem:$0x0]  }
0x21: {  	v2 =	vld [tilespmem:$0x10]  }
0x22: {  	v3 =	vld [tilespmem:$0x20]  }
0x23: {  	v4 =	vld [tilespmem:$0x30]  }
0x24: {  	v5 =	vld [tilespmem:$0x40]  }
0x25: {  	v6 =	vld [tilespmem:$0x50]  }
0x26: {  	v7 =	vld [tilespmem:$0x60]  }
0x27: {  	v9 =	vld [tilespmem:$0x70];
	v28 =	vand.u32 $0x7F, v1;
	v1 =	vshll.u32 v1, $0x3;
	v8 =	vshll.u32 v2, $0x3  }
0x28: {  	v30 =	vand.u32 $0x7F, v2;
	v32 =	vand.u32 $0x7F, v3;
	v29 =	vand.u32 $0xFFFFFC00, v1;
	v1 =	vld [tilespmem:$0x80]  }
0x29: {  	v2 =	vshll.u32 v3, $0x3;
	v3 =	vshll.u32 v4, $0x3;
	v31 =	vand.u32 $0xFFFFFC00, v8;
	v8 =	vld [tilespmem:$0x90]  }
0x2a: {  	v34 =	vand.u32 $0x7F, v4;
	v36 =	vand.u32 $0x7F, v5;
	v33 =	vand.u32 $0xFFFFFC00, v2;
	v2 =	vld [tilespmem:$0xA0]  }
0x2b: {  	v51 =	vshll.u32 v6, $0x3;
	v35 =	vand.u32 $0xFFFFFC00, v3;
	v3 =	vshll.u32 v5, $0x3;
	v5 =	vld [tilespmem:$0xA5]  }
0x2c: {  	v38 =	vand.u32 $0x7F, v6;
	v40 =	vand.u32 $0x7F, v7;
	v63 =	vshll.u32 v9, $0x3  }
0x2d: {  	v42 =	vand.u32 $0x7F, v9;
	v37 =	vand.u32 $0xFFFFFC00, v3;
	v3 =	vshll.u32 v7, $0x3  }
0x2e: {  	v39 =	vand.u32 $0xFFFFFC00, v51;
	v43 =	vand.u32 $0xFFFFFC00, v63;
	v41 =	vand.u32 $0xFFFFFC00, v3  }
0x2f: {  	v44 =	vand.u32 $0x7F, v1;
	v1 =	vshll.u32 v1, $0x3;
	v3 =	vshll.u32 v8, $0x3  }
0x30: {  	v46 =	vand.u32 $0x7F, v8;
	v48 =	vand.u32 $0x7F, v2;
	v50 =	vand.u32 $0x7F, v5  }
0x31: {  	v45 =	vand.u32 $0xFFFFFC00, v1;
	v1 =	vshll.u32 v2, $0x3;
	v2 =	vshll.u32 v5, $0x3  }
0x32: {  	p1 =	por $0x1, $0x1;
	p2 =	por $0x0, $0x0;
	s25 =	simm.s32 $0x0;
	v47 =	vand.u32 $0xFFFFFC00, v3;
	v49 =	vand.u32 $0xFFFFFC00, v1;
	v51 =	vand.u32 $0xFFFFFC00, v2  }
.LBB2_2:
0x33: {  	v1 =	vld [tilespmem:$0x100];
	_ =	sdelay $0x4  }
0x34: {  	(v2sf) =	vpush v1, $0x0;
	_ =	sdelay $0xe  }
0x35: {  	s26 =	spop (v2sf)  }
0x36: {  	s28 =	sand.u32 $0xF, s26  }
0x37: {  	s29 =	sshra.s32 s26, $0x1F;
	p0 =	slt.s32 s26, $0x1;
	p3 =	sne.s32 s28, $0x0  }
0x38: {  	s28 =	sshrl.u32 s29, $0x1C;
	p0 =	por !p0, !p3  }
0x39: {  	s26 =	sadd.s32 s28, s26;
	s28 =	simm.s32 $0x1;
	p0 =	por !p0, !p0  }
0x3a: {  	s29 =	sor.u32 s6, s25;
	s26 =	sshrl.u32 s26, $0x4;
	s28 =	simm.s32 @!p0 $0x0  }
0x3b: {  	s29 =	smul.u32 $0x10E000, s29;
	s26 =	ssub.s32 s26, s28  }
0x3c: {  	s28 =	smul.u32 $0x3000, s26  }
0x3d: {  	s26 =	sadd.s32 s7, s29  }
0x3e: {  	s28 =	sadd.s32 s26, s28  }
0x3f: {  	s28 =	sshrl.u32 s28, $0x3  }
0x40: {  	s28 =	sadd.s32 s1, s28  }
0x41: {  	[tilespmem:s13], [sflag:$0x1] =	stream.linear.gather [hbm4b:s28+s4], $0x3000, $0x38;
	[tilespmem:$0x1F180] =	vst v63  }
0x42: {  	v1 =	vld [tilespmem:$0x104];
	_ =	sdelay $0x4  }
0x43: {  	(v2sf) =	vpush v1, $0x0;
	_ =	sdelay $0xe  }
0x44: {  	s28 =	spop (v2sf)  }
0x45: {  	s29 =	sand.u32 $0xF, s28  }
0x46: {  	p6 =	slt.s32 s28, $0x1;
	p5 =	sne.s32 s29, $0x0;
	s29 =	sshra.s32 s28, $0x1F  }
0x47: {  	s29 =	sshrl.u32 s29, $0x1C;
	p0 =	por !p6, !p5  }
0x48: {  	s28 =	sadd.s32 s29, s28;
	p0 =	por !p0, !p0;
	s29 =	simm.s32 $0x1  }
0x49: {  	s28 =	sshrl.u32 s28, $0x4;
	s29 =	simm.s32 @!p0 $0x0  }
0x4a: {  	s28 =	ssub.s32 s28, s29  }
0x4b: {  	s28 =	smul.u32 $0x3000, s28;
	_ =	sdelay $0x1  }
0x4c: {  	s28 =	sadd.s32 s26, s28  }
0x4d: {  	s28 =	sshrl.u32 s28, $0x3  }
0x4e: {  	s28 =	sadd.s32 s1, s28  }
0x4f: {  	[tilespmem:s14], [sflag:$0x2] =	stream.linear.gather [hbm4b:s28+s4], $0x3000, $0x38;
	[tilespmem:$0x1F180] =	vst v63  }
0x50: {  	v1 =	vld [tilespmem:$0x108];
	_ =	sdelay $0x4  }
0x51: {  	(v2sf) =	vpush v1, $0x0;
	_ =	sdelay $0xe  }
0x52: {  	s28 =	spop (v2sf)  }
0x53: {  	s29 =	sand.u32 $0xF, s28  }
0x54: {  	p4 =	slt.s32 s28, $0x1;
	p3 =	sne.s32 s29, $0x0;
	s29 =	sshra.s32 s28, $0x1F  }
0x55: {  	s29 =	sshrl.u32 s29, $0x1C;
	p0 =	por !p4, !p3  }
0x56: {  	s28 =	sadd.s32 s29, s28;
	p0 =	por !p0, !p0;
	s29 =	simm.s32 $0x1  }
0x57: {  	s28 =	sshrl.u32 s28, $0x4;
	s29 =	simm.s32 @!p0 $0x0  }
0x58: {  	s28 =	ssub.s32 s28, s29  }
0x59: {  	s28 =	smul.u32 $0x3000, s28;
	_ =	sdelay $0x1  }
0x5a: {  	s28 =	sadd.s32 s26, s28  }
0x5b: {  	s28 =	sshrl.u32 s28, $0x3  }
0x5c: {  	s28 =	sadd.s32 s1, s28  }
0x5d: {  	[tilespmem:s15], [sflag:$0x3] =	stream.linear.gather [hbm4b:s28+s4], $0x3000, $0x38;
	[tilespmem:$0x1F180] =	vst v63  }
0x5e: {  	v1 =	vld [tilespmem:$0x10C];
	_ =	sdelay $0x4  }
0x5f: {  	(v2sf) =	vpush v1, $0x0;
	_ =	sdelay $0xe  }
0x60: {  	s28 =	spop (v2sf)  }
0x61: {  	s29 =	sand.u32 $0xF, s28  }
0x62: {  	p6 =	slt.s32 s28, $0x1;
	p5 =	sne.s32 s29, $0x0;
	s29 =	sshra.s32 s28, $0x1F  }
0x63: {  	s29 =	sshrl.u32 s29, $0x1C;
	p0 =	por !p6, !p5  }
0x64: {  	s28 =	sadd.s32 s29, s28;
	p0 =	por !p0, !p0;
	s29 =	simm.s32 $0x1  }
0x65: {  	s28 =	sshrl.u32 s28, $0x4;
	s29 =	simm.s32 @!p0 $0x0  }
0x66: {  	s28 =	ssub.s32 s28, s29  }
0x67: {  	s28 =	smul.u32 $0x3000, s28;
	_ =	sdelay $0x1  }
0x68: {  	s28 =	sadd.s32 s26, s28  }
0x69: {  	s28 =	sshrl.u32 s28, $0x3  }
0x6a: {  	s28 =	sadd.s32 s1, s28  }
0x6b: {  	[tilespmem:s16], [sflag:$0x4] =	stream.linear.gather [hbm4b:s28+s4], $0x3000, $0x38;
	[tilespmem:$0x1F180] =	vst v63  }
0x6c: {  	s28 =	simm.s32 @p2 $0x6  }
0x6d: {  	_ =	swait.ge @p2 [sflag:s28], $0xFE88  }
0x6e: {  	p0 =	por p1, p1;
	[sflag:s28] =	ssyncset.done @p2 $0x0  }
0x6f: {  	s29 =	simm.s32 $0x110;
	[sflag:s28] =	ssyncadd.s32 @p2 $0xFFFF0178;
	s28 =	simm.s32 $0x0  }
.LBB2_3:
0x70: {  	v1 =	vld [tilespmem:s29+$0x0];
	_ =	sdelay $0x4  }
0x71: {  	(v2sf) =	vpush v1, $0x0;
	_ =	sdelay $0xe  }
0x72: {  	s30 =	spop (v2sf)  }
0x73: {  	s31 =	sand.u32 $0xF, s30  }
0x74: {  	s0 =	sshra.s32 s30, $0x1F;
	p1 =	slt.s32 s30, $0x1;
	p2 =	sne.s32 s31, $0x0  }
0x75: {  	s0 =	sshrl.u32 s0, $0x1C;
	p1 =	por !p1, !p2  }
0x76: {  	s0 =	sadd.s32 s0, s30;
	s30 =	simm.s32 $0x1;
	p1 =	por !p1, !p1  }
0x77: {  	s0 =	sshrl.u32 s0, $0x4;
	s30 =	simm.s32 @!p1 $0x0  }
0x78: {  	s0 =	ssub.s32 s0, s30  }
0x79: {  	s0 =	smul.u32 $0x3000, s0;
	_ =	sdelay $0x1  }
0x7a: {  	s0 =	sadd.s32 s26, s0  }
0x7b: {  	s0 =	sshrl.u32 s0, $0x3  }
0x7c: {  	s0 =	sadd.s32 s1, s0  }
0x7d: {  	[tilespmem:s17], [sflag:$0x5] =	stream.linear.gather [hbm4b:s0+s4], $0x3000, $0x38;
	[tilespmem:$0x1F180] =	vst v63  }
0x7e: {  	_ =	swait.ge [sflag:s12], $0x3000  }
0x7f: {  	[sflag:s12] =	ssyncset.done $0x0  }
0x80: {  	[sflag:s12] =	ssyncadd.s32 $0xFFFFD000  }
0x81: {  	v1 =	vld [tilespmem:s29+$0xFFFFFFF0];
	_ =	sdelay $0x4  }
0x82: {  	(v2sf) =	vpush v1, $0x0;
	_ =	sdelay $0x5  }
0x83: {  	(v2sf) =	vpush v1, $0x1;
	_ =	sdelay $0x5  }
0x84: {  	(v2sf) =	vpush v1, $0x2;
	_ =	sdelay $0x2  }
0x85: {  	s31 =	spop (v2sf)  }
0x86: {  	s0 =	sand.u32 $0xF, s31  }
0x87: {  	v2 =	vmov s0  }
0x88: {  	(v2sf) =	vpush v1, $0x3;
	v1 =	vshrl.u32 v2, $0x3  }
0x89: {  	v5 =	vmul.u32 $0x1800, v1  }
0x8a: {  	v1 =	vshll.u32 v2, $0x7  }
0x8b: {  	s2 =	spop (v2sf);
	v6 =	vand.u32 $0x380, v1;
	v2 =	vadd.s32 v29, v5  }
0x8c: {  	s0 =	sand.u32 $0xF, s2;
	v1 =	vor.u32 v6, v2  }
0x8d: {  	v2 =	vmov s0;
	v1 =	vor.u32 v28, v1  }
0x8e: {  	v3 =	vshrl.u32 v2, $0x3  }
0x8f: {  	v7 =	vmul.u32 $0x1800, v3  }
0x90: {  	v2 =	vshll.u32 v2, $0x7  }
0x91: {  	s30 =	spop (v2sf);
	v8 =	vand.u32 $0x380, v2;
	v3 =	vadd.s32 v29, v7  }
0x92: {  	s0 =	sand.u32 $0xF, s30;
	v2 =	vadd.s32 s28, v0;
	v3 =	vor.u32 v8, v3;
	v1 =	vld.idx.msk [tilespmem:v1+s13+$0x0], $0xffff  }
0x93: {  	v4 =	vmov s0;
	v3 =	vor.u32 v28, v3  }
0x94: {  	v9 =	vshrl.u32 v4, $0x3  }
0x95: {  	v9 =	vmul.u32 $0x1800, v9  }
0x96: {  	v4 =	vshll.u32 v4, $0x7  }
0x97: {  	v10 =	vand.u32 $0x380, v4;
	s31 =	spop (v2sf);
	[tilespmem:v2+s18+$0x0] =	vst.idx.msk $0xffff, v1;
	v1 =	vadd.s32 v29, v9  }
0x98: {  	s0 =	sand.u32 $0xF, s31;
	v2 =	vld.idx.msk [tilespmem:v3+s13+$0x0], $0xffff;
	v3 =	vadd.s32 s28, v11;
	v1 =	vor.u32 v10, v1  }
0x99: {  	v63 =	vmov s0;
	v1 =	vor.u32 v28, v1  }
0x9a: {  	v11 =	vshrl.u32 v63, $0x3  }
0x9b: {  	v11 =	vmul.u32 $0x1800, v11  }
0x9c: {  	v4 =	vshll.u32 v63, $0x7  }
0x9d: {  	v12 =	vand.u32 $0x380, v4;
	[tilespmem:v3+s18+$0x0] =	vst.idx.msk $0xffff, v2;
	v2 =	vadd.s32 v29, v11  }
0x9e: {  	v3 =	vadd.s32 s28, v17;
	v1 =	vld.idx.msk [tilespmem:v1+s13+$0x0], $0xffff;
	v2 =	vor.u32 v12, v2  }
0x9f: {  	v2 =	vor.u32 v28, v2;
	_ =	sdelay $0x3  }
0xa0: {  	[tilespmem:v3+s18+$0x0] =	vst.idx.msk $0xffff, v1;
	v1 =	vadd.s32 v31, v5  }
0xa1: {  	v3 =	vadd.s32 s28, v18;
	v2 =	vld.idx.msk [tilespmem:v2+s13+$0x0], $0xffff;
	v1 =	vor.u32 v6, v1  }
0xa2: {  	v1 =	vor.u32 v30, v1;
	_ =	sdelay $0x3  }
0xa3: {  	[tilespmem:v3+s18+$0x0] =	vst.idx.msk $0xffff, v2;
	v2 =	vadd.s32 v31, v7  }
0xa4: {  	v3 =	vadd.s32 s28, v19;
	v1 =	vld.idx.msk [tilespmem:v1+s13+$0x0], $0xffff;
	v2 =	vor.u32 v8, v2  }
0xa5: {  	v2 =	vor.u32 v30, v2;
	_ =	sdelay $0x3  }
0xa6: {  	[tilespmem:v3+s18+$0x0] =	vst.idx.msk $0xffff, v1;
	v1 =	vadd.s32 v31, v9  }
0xa7: {  	v3 =	vadd.s32 s28, v24;
	v2 =	vld.idx.msk [tilespmem:v2+s13+$0x0], $0xffff;
	v1 =	vor.u32 v10, v1  }
0xa8: {  	v1 =	vor.u32 v30, v1;
	_ =	sdelay $0x3  }
0xa9: {  	[tilespmem:v3+s18+$0x0] =	vst.idx.msk $0xffff, v2;
	v2 =	vadd.s32 v31, v11  }
0xaa: {  	v3 =	vadd.s32 s28, v25;
	v1 =	vld.idx.msk [tilespmem:v1+s13+$0x0], $0xffff;
	v2 =	vor.u32 v12, v2  }
0xab: {  	v2 =	vor.u32 v30, v2;
	_ =	sdelay $0x3  }
0xac: {  	[tilespmem:v3+s18+$0x0] =	vst.idx.msk $0xffff, v1;
	v1 =	vadd.s32 v33, v5  }
0xad: {  	v3 =	vadd.s32 s28, v26;
	v2 =	vld.idx.msk [tilespmem:v2+s13+$0x0], $0xffff;
	v1 =	vor.u32 v6, v1  }
0xae: {  	v1 =	vor.u32 v32, v1;
	_ =	sdelay $0x3  }
0xaf: {  	[tilespmem:v3+s18+$0x0] =	vst.idx.msk $0xffff, v2;
	v2 =	vadd.s32 v33, v7  }
0xb0: {  	v3 =	vadd.s32 s28, v27;
	v1 =	vld.idx.msk [tilespmem:v1+s13+$0x0], $0xffff;
	v2 =	vor.u32 v8, v2  }
0xb1: {  	v2 =	vor.u32 v32, v2;
	_ =	sdelay $0x3  }
0xb2: {  	[tilespmem:v3+s18+$0x0] =	vst.idx.msk $0xffff, v1;
	v1 =	vadd.s32 v33, v9  }
0xb3: {  	v3 =	vadd.s32 s28, v13;
	v2 =	vld.idx.msk [tilespmem:v2+s13+$0x0], $0xffff;
	v1 =	vor.u32 v10, v1  }
0xb4: {  	v1 =	vor.u32 v32, v1;
	_ =	sdelay $0x3  }
0xb5: {  	[tilespmem:v3+s18+$0x0] =	vst.idx.msk $0xffff, v2;
	v2 =	vadd.s32 v33, v11  }
0xb6: {  	v3 =	vadd.s32 s28, v60;
	v1 =	vld.idx.msk [tilespmem:v1+s13+$0x0], $0xffff;
	v2 =	vor.u32 v12, v2  }
0xb7: {  	v2 =	vor.u32 v32, v2;
	_ =	sdelay $0x3  }
0xb8: {  	[tilespmem:v3+s18+$0x0] =	vst.idx.msk $0xffff, v1;
	v1 =	vadd.s32 v35, v5  }
0xb9: {  	v3 =	vadd.s32 s28, v52;
	v2 =	vld.idx.msk [tilespmem:v2+s13+$0x0], $0xffff;
	v1 =	vor.u32 v6, v1  }
0xba: {  	v1 =	vor.u32 v34, v1;
	_ =	sdelay $0x3  }
0xbb: {  	[tilespmem:v3+s18+$0x0] =	vst.idx.msk $0xffff, v2;
	v2 =	vadd.s32 v35, v7  }
0xbc: {  	v3 =	vadd.s32 s28, v14;
	v1 =	vld.idx.msk [tilespmem:v1+s13+$0x0], $0xffff;
	v2 =	vor.u32 v8, v2  }
0xbd: {  	v2 =	vor.u32 v34, v2;
	_ =	sdelay $0x3  }
0xbe: {  	[tilespmem:v3+s18+$0x0] =	vst.idx.msk $0xffff, v1;
	v1 =	vadd.s32 v35, v9  }
0xbf: {  	v3 =	vadd.s32 s28, v53;
	v2 =	vld.idx.msk [tilespmem:v2+s13+$0x0], $0xffff;
	v1 =	vor.u32 v10, v1  }
0xc0: {  	v1 =	vor.u32 v34, v1;
	_ =	sdelay $0x3  }
0xc1: {  	[tilespmem:v3+s18+$0x0] =	vst.idx.msk $0xffff, v2;
	v2 =	vadd.s32 v35, v11  }
0xc2: {  	v3 =	vadd.s32 s28, v21;
	v1 =	vld.idx.msk [tilespmem:v1+s13+$0x0], $0xffff;
	v2 =	vor.u32 v12, v2  }
0xc3: {  	v2 =	vor.u32 v34, v2;
	_ =	sdelay $0x3  }
0xc4: {  	[tilespmem:v3+s18+$0x0] =	vst.idx.msk $0xffff, v1;
	v1 =	vadd.s32 v37, v5  }
0xc5: {  	v3 =	vadd.s32 s28, v15;
	v2 =	vld.idx.msk [tilespmem:v2+s13+$0x0], $0xffff;
	v1 =	vor.u32 v6, v1  }
0xc6: {  	v1 =	vor.u32 v36, v1;
	_ =	sdelay $0x3  }
0xc7: {  	[tilespmem:v3+s18+$0x0] =	vst.idx.msk $0xffff, v2;
	v2 =	vadd.s32 v37, v7  }
0xc8: {  	v3 =	vadd.s32 s28, v16;
	v1 =	vld.idx.msk [tilespmem:v1+s13+$0x0], $0xffff;
	v2 =	vor.u32 v8, v2  }
0xc9: {  	v2 =	vor.u32 v36, v2;
	_ =	sdelay $0x3  }
0xca: {  	[tilespmem:v3+s18+$0x0] =	vst.idx.msk $0xffff, v1;
	v1 =	vadd.s32 v37, v9  }
0xcb: {  	v3 =	vadd.s32 s28, v23;
	v2 =	vld.idx.msk [tilespmem:v2+s13+$0x0], $0xffff;
	v1 =	vor.u32 v10, v1  }
0xcc: {  	v1 =	vor.u32 v36, v1;
	_ =	sdelay $0x3  }
0xcd: {  	[tilespmem:v3+s18+$0x0] =	vst.idx.msk $0xffff, v2;
	v2 =	vadd.s32 v37, v11  }
0xce: {  	v3 =	vadd.s32 s28, v54;
	v1 =	vld.idx.msk [tilespmem:v1+s13+$0x0], $0xffff;
	v2 =	vor.u32 v12, v2  }
0xcf: {  	v2 =	vor.u32 v36, v2;
	_ =	sdelay $0x3  }
0xd0: {  	[tilespmem:v3+s18+$0x0] =	vst.idx.msk $0xffff, v1;
	v1 =	vadd.s32 v39, v5  }
0xd1: {  	v3 =	vadd.s32 s28, v22;
	v2 =	vld.idx.msk [tilespmem:v2+s13+$0x0], $0xffff;
	v1 =	vor.u32 v6, v1  }
0xd2: {  	v1 =	vor.u32 v38, v1;
	_ =	sdelay $0x3  }
0xd3: {  	[tilespmem:v3+s18+$0x0] =	vst.idx.msk $0xffff, v2;
	v2 =	vadd.s32 v39, v7  }
0xd4: {  	v3 =	vadd.s32 s28, v55;
	v1 =	vld.idx.msk [tilespmem:v1+s13+$0x0], $0xffff;
	v2 =	vor.u32 v8, v2  }
0xd5: {  	v2 =	vor.u32 v38, v2;
	_ =	sdelay $0x3  }
0xd6: {  	[tilespmem:v3+s18+$0x0] =	vst.idx.msk $0xffff, v1;
	v1 =	vadd.s32 v39, v9  }
0xd7: {  	v3 =	vadd.s32 s28, v57;
	v2 =	vld.idx.msk [tilespmem:v2+s13+$0x0], $0xffff;
	v1 =	vor.u32 v10, v1  }
0xd8: {  	v1 =	vor.u32 v38, v1;
	_ =	sdelay $0x3  }
0xd9: {  	[tilespmem:v3+s18+$0x0] =	vst.idx.msk $0xffff, v2;
	v2 =	vadd.s32 v39, v11  }
0xda: {  	v3 =	vadd.s32 s28, v56;
	v1 =	vld.idx.msk [tilespmem:v1+s13+$0x0], $0xffff;
	v2 =	vor.u32 v12, v2  }
0xdb: {  	v2 =	vor.u32 v38, v2;
	_ =	sdelay $0x3  }
0xdc: {  	[tilespmem:v3+s18+$0x0] =	vst.idx.msk $0xffff, v1;
	v1 =	vadd.s32 v41, v5  }
0xdd: {  	v3 =	vadd.s32 s28, v58;
	v2 =	vld.idx.msk [tilespmem:v2+s13+$0x0], $0xffff;
	v1 =	vor.u32 v6, v1  }
0xde: {  	v1 =	vor.u32 v40, v1;
	_ =	sdelay $0x3  }
0xdf: {  	[tilespmem:v3+s18+$0x0] =	vst.idx.msk $0xffff, v2;
	v2 =	vadd.s32 v41, v7  }
0xe0: {  	v3 =	vadd.s32 s28, v20;
	v1 =	vld.idx.msk [tilespmem:v1+s13+$0x0], $0xffff;
	v2 =	vor.u32 v8, v2  }
0xe1: {  	v2 =	vor.u32 v40, v2;
	_ =	sdelay $0x3  }
0xe2: {  	[tilespmem:v3+s18+$0x0] =	vst.idx.msk $0xffff, v1;
	v1 =	vadd.s32 v41, v9  }
0xe3: {  	v3 =	vadd.s32 s28, v59;
	v2 =	vld.idx.msk [tilespmem:v2+s13+$0x0], $0xffff;
	v1 =	vor.u32 v10, v1  }
0xe4: {  	v1 =	vor.u32 v40, v1;
	_ =	sdelay $0x3  }
0xe5: {  	[tilespmem:v3+s18+$0x0] =	vst.idx.msk $0xffff, v2;
	v2 =	vadd.s32 v41, v11  }
0xe6: {  	v3 =	vadd.s32 s28, v61;
	v1 =	vld.idx.msk [tilespmem:v1+s13+$0x0], $0xffff;
	v2 =	vor.u32 v12, v2  }
0xe7: {  	v2 =	vor.u32 v40, v2;
	_ =	sdelay $0x3  }
0xe8: {  	[tilespmem:v3+s18+$0x0] =	vst.idx.msk $0xffff, v1;
	v1 =	vadd.s32 v43, v5  }
0xe9: {  	v3 =	vadd.s32 s28, v62;
	v2 =	vld.idx.msk [tilespmem:v2+s13+$0x0], $0xffff;
	v1 =	vor.u32 v6, v1  }
0xea: {  	v1 =	vor.u32 v42, v1;
	_ =	sdelay $0x3  }
0xeb: {  	v24 =	vadd.s32 $0x9D80, v0;
	[tilespmem:v3+s18+$0x0] =	vst.idx.msk $0xffff, v2;
	v2 =	vadd.s32 v43, v7  }
0xec: {  	v3 =	vadd.s32 s28, v24;
	v1 =	vld.idx.msk [tilespmem:v1+s13+$0x0], $0xffff;
	v2 =	vor.u32 v8, v2  }
0xed: {  	v2 =	vor.u32 v42, v2;
	_ =	sdelay $0x3  }
0xee: {  	v25 =	vadd.s32 $0x9D81, v0;
	[tilespmem:v3+s18+$0x0] =	vst.idx.msk $0xffff, v1;
	v1 =	vadd.s32 v43, v9  }
0xef: {  	v3 =	vadd.s32 s28, v25;
	v2 =	vld.idx.msk [tilespmem:v2+s13+$0x0], $0xffff;
	v1 =	vor.u32 v10, v1  }
0xf0: {  	v1 =	vor.u32 v42, v1;
	_ =	sdelay $0x3  }
0xf1: {  	v26 =	vadd.s32 $0x9D82, v0;
	[tilespmem:v3+s18+$0x0] =	vst.idx.msk $0xffff, v2;
	v2 =	vadd.s32 v43, v11  }
0xf2: {  	v3 =	vadd.s32 s28, v26;
	v1 =	vld.idx.msk [tilespmem:v1+s13+$0x0], $0xffff;
	v2 =	vor.u32 v12, v2  }
0xf3: {  	v2 =	vor.u32 v42, v2;
	_ =	sdelay $0x3  }
0xf4: {  	v27 =	vadd.s32 $0x9D83, v0;
	[tilespmem:v3+s18+$0x0] =	vst.idx.msk $0xffff, v1;
	v1 =	vadd.s32 v45, v5  }
0xf5: {  	v3 =	vadd.s32 s28, v27;
	v2 =	vld.idx.msk [tilespmem:v2+s13+$0x0], $0xffff;
	v1 =	vor.u32 v6, v1  }
0xf6: {  	v1 =	vor.u32 v44, v1;
	_ =	sdelay $0x3  }
0xf7: {  	v52 =	vadd.s32 $0xB400, v0;
	[tilespmem:v3+s18+$0x0] =	vst.idx.msk $0xffff, v2;
	v2 =	vadd.s32 v45, v7  }
0xf8: {  	v3 =	vadd.s32 s28, v52;
	v1 =	vld.idx.msk [tilespmem:v1+s13+$0x0], $0xffff;
	v2 =	vor.u32 v8, v2  }
0xf9: {  	v2 =	vor.u32 v44, v2;
	_ =	sdelay $0x3  }
0xfa: {  	v56 =	vadd.s32 $0xB401, v0;
	[tilespmem:v3+s18+$0x0] =	vst.idx.msk $0xffff, v1;
	v1 =	vadd.s32 v45, v9  }
0xfb: {  	v3 =	vadd.s32 s28, v56;
	v2 =	vld.idx.msk [tilespmem:v2+s13+$0x0], $0xffff;
	v1 =	vor.u32 v10, v1  }
0xfc: {  	v1 =	vor.u32 v44, v1;
	_ =	sdelay $0x3  }
0xfd: {  	v57 =	vadd.s32 $0xB402, v0;
	[tilespmem:v3+s18+$0x0] =	vst.idx.msk $0xffff, v2;
	v2 =	vadd.s32 v45, v11  }
0xfe: {  	v3 =	vadd.s32 s28, v57;
	v1 =	vld.idx.msk [tilespmem:v1+s13+$0x0], $0xffff;
	v2 =	vor.u32 v12, v2  }
0xff: {  	v2 =	vor.u32 v44, v2;
	_ =	sdelay $0x3  }
0x100: {  	v23 =	vmov v20;
	v20 =	vadd.s32 $0xB403, v0;
	[tilespmem:v3+s18+$0x0] =	vst.idx.msk $0xffff, v1;
	v1 =	vadd.s32 v47, v5  }
0x101: {  	v3 =	vadd.s32 s28, v20;
	v2 =	vld.idx.msk [tilespmem:v2+s13+$0x0], $0xffff;
	v1 =	vor.u32 v6, v1  }
0x102: {  	v1 =	vor.u32 v46, v1;
	_ =	sdelay $0x3  }
0x103: {  	v60 =	vadd.s32 $0xCA80, v0;
	[tilespmem:v3+s18+$0x0] =	vst.idx.msk $0xffff, v2;
	v2 =	vadd.s32 v47, v7  }
0x104: {  	v3 =	vadd.s32 s28, v60;
	v1 =	vld.idx.msk [tilespmem:v1+s13+$0x0], $0xffff;
	v2 =	vor.u32 v8, v2  }
0x105: {  	v2 =	vor.u32 v46, v2;
	_ =	sdelay $0x3  }
0x106: {  	v21 =	vadd.s32 $0xCA81, v0;
	[tilespmem:v3+s18+$0x0] =	vst.idx.msk $0xffff, v1;
	v1 =	vadd.s32 v47, v9  }
0x107: {  	v3 =	vadd.s32 s28, v21;
	v2 =	vld.idx.msk [tilespmem:v2+s13+$0x0], $0xffff;
	v1 =	vor.u32 v10, v1  }
0x108: {  	v1 =	vor.u32 v46, v1;
	_ =	sdelay $0x3  }
0x109: {  	v58 =	vadd.s32 $0xCA82, v0;
	[tilespmem:v3+s18+$0x0] =	vst.idx.msk $0xffff, v2;
	v2 =	vadd.s32 v47, v11  }
0x10a: {  	v3 =	vadd.s32 s28, v58;
	v1 =	vld.idx.msk [tilespmem:v1+s13+$0x0], $0xffff;
	v2 =	vor.u32 v12, v2  }
0x10b: {  	v2 =	vor.u32 v46, v2;
	_ =	sdelay $0x3  }
0x10c: {  	v63 =	vadd.s32 $0xCA83, v0;
	[tilespmem:v3+s18+$0x0] =	vst.idx.msk $0xffff, v1;
	v1 =	vadd.s32 v49, v5  }
0x10d: {  	v3 =	vadd.s32 s28, v63;
	v2 =	vld.idx.msk [tilespmem:v2+s13+$0x0], $0xffff;
	v1 =	vor.u32 v6, v1  }
0x10e: {  	v54 =	vor.u32 v48, v1;
	_ =	sdelay $0x3  }
0x10f: {  	v1 =	vadd.s32 $0xE100, v0;
	[tilespmem:v3+s18+$0x0] =	vst.idx.msk $0xffff, v2;
	v2 =	vadd.s32 v49, v7  }
0x110: {  	v3 =	vadd.s32 s28, v1;
	v4 =	vld.idx.msk [tilespmem:v54+s13+$0x0], $0xffff;
	v2 =	vor.u32 v8, v2  }
0x111: {  	v13 =	vor.u32 v48, v2;
	_ =	sdelay $0x3  }
0x112: {  	v2 =	vadd.s32 $0xE101, v0;
	[tilespmem:v3+s18+$0x0] =	vst.idx.msk $0xffff, v4;
	v3 =	vadd.s32 v49, v9  }
0x113: {  	v4 =	vld.idx.msk [tilespmem:v13+s13+$0x0], $0xffff;
	v13 =	vadd.s32 s28, v2;
	v3 =	vor.u32 v10, v3  }
0x114: {  	v14 =	vor.u32 v48, v3;
	_ =	sdelay $0x2  }
0x115: {  	v59 =	vadd.s32 v49, v11  }
0x116: {  	v3 =	vadd.s32 $0xE102, v0;
	[tilespmem:v13+s18+$0x0] =	vst.idx.msk $0xffff, v4  }
0x117: {  	v4 =	vor.u32 v12, v59;
	v13 =	vld.idx.msk [tilespmem:v14+s13+$0x0], $0xffff;
	v14 =	vadd.s32 s28, v3  }
0x118: {  	v59 =	vmov v53;
	v53 =	vmov v15;
	v15 =	vor.u32 v48, v4;
	_ =	sdelay $0x3  }
0x119: {  	v5 =	vadd.s32 v51, v5;
	v54 =	vmov v22;
	v22 =	vadd.s32 $0xE103, v0;
	[tilespmem:v14+s18+$0x0] =	vst.idx.msk $0xffff, v13  }
0x11a: {  	v5 =	vor.u32 v6, v5;
	v14 =	vadd.s32 s28, v22;
	v13 =	vld.idx.msk [tilespmem:v15+s13+$0x0], $0xffff  }
0x11b: {  	v6 =	vor.u32 v50, v5;
	_ =	sdelay $0x3  }
0x11c: {  	v5 =	vadd.s32 $0xE808, v0;
	v7 =	vadd.s32 v51, v7;
	[tilespmem:v14+s18+$0x0] =	vst.idx.msk $0xffff, v13  }
0x11d: {  	v7 =	vor.u32 v8, v7;
	v13 =	vadd.s32 s28, v5;
	v6 =	vld.idx.msk [tilespmem:v6+s13+$0x0], $0xffff  }
0x11e: {  	v7 =	vor.u32 v50, v7;
	_ =	sdelay $0x3  }
0x11f: {  	v8 =	vadd.s32 v51, v9;
	[tilespmem:v13+s18+$0x0] =	vst.idx.msk $0xffff, v6;
	v6 =	vadd.s32 $0xE809, v0  }
0x120: {  	v8 =	vor.u32 v10, v8;
	v7 =	vld.idx.msk [tilespmem:v7+s13+$0x0], $0xffff;
	v9 =	vadd.s32 s28, v6  }
0x121: {  	v8 =	vor.u32 v50, v8;
	_ =	sdelay $0x3  }
0x122: {  	[tilespmem:v9+s18+$0x0] =	vst.idx.msk $0xffff, v7;
	v7 =	vadd.s32 $0xE80A, v0;
	v9 =	vadd.s32 v51, v11  }
0x123: {  	v8 =	vld.idx.msk [tilespmem:v8+s13+$0x0], $0xffff;
	v10 =	vadd.s32 s28, v7;
	v9 =	vor.u32 v12, v9  }
0x124: {  	v9 =	vor.u32 v50, v9;
	_ =	sdelay $0x3  }
0x125: {  	[tilespmem:v10+s18+$0x0] =	vst.idx.msk $0xffff, v8;
	v8 =	vadd.s32 $0xE80B, v0  }
0x126: {  	v9 =	vld.idx.msk [tilespmem:v9+s13+$0x0], $0xffff;
	v10 =	vadd.s32 s28, v8;
	_ =	sdelay $0x4  }
0x127: {  	p1 =	seq.s32 s28, $0x154;
	[tilespmem:v10+s18+$0x0] =	vst.idx.msk $0xffff, v9  }
0x128: {  	v9 =	vld @!p1 [tilespmem:s29+$0x4];
	_ =	sdelay $0x4  }
0x129: {  	(v2sf) =	vpush @!p1 v9, $0x0;
	_ =	sdelay $0xe  }
0x12a: {  	s0 =	spop @!p1 (v2sf)  }
0x12b: {  	s30 =	sand.u32 @!p1 $0xF, s0  }
0x12c: {  	p2 =	slt.s32 @!p1 s0, $0x1;
	p3 =	sne.s32 @!p1 s30, $0x0  }
0x12d: {  	s30 =	sshra.s32 @!p1 s0, $0x1F;
	p2 =	por @!p1 !p2, !p3  }
0x12e: {  	s30 =	sshrl.u32 @!p1 s30, $0x1C;
	p2 =	por @!p1 !p2, !p2  }
0x12f: {  	s0 =	sadd.s32 @!p1 s30, s0;
	s30 =	simm.s32 @!p1 $0x1;
	p2 =	por !p2, p1  }
0x130: {  	s0 =	sshrl.u32 @!p1 s0, $0x4;
	s30 =	simm.s32 @p2 $0x0  }
0x131: {  	s0 =	ssub.s32 @!p1 s0, s30  }
0x132: {  	s0 =	smul.u32 @!p1 $0x3000, s0;
	_ =	sdelay $0x1  }
0x133: {  	s0 =	sadd.s32 @!p1 s26, s0  }
0x134: {  	s0 =	sshrl.u32 @!p1 s0, $0x3  }
0x135: {  	s31 =	simm.s32 @!p1 $0x280;
	s30 =	simm.s32 @!p1 $0x0;
	s0 =	sadd.s32 @!p1 s1, s0  }
0x136: {  	[tilespmem:s31], [sflag:$0x1] =	stream.linear.gather @!p1 [hbm4b:s0+s30], $0x3000, $0x38;
	[tilespmem:$0x1F180] =	vst v63  }
0x137: {  	_ =	swait.ge [sflag:s19], $0x3000  }
0x138: {  	[sflag:s19] =	ssyncset.done $0x0  }
0x139: {  	[sflag:s19] =	ssyncadd.s32 $0xFFFFD000  }
0x13a: {  	v9 =	vld [tilespmem:s29+$0xFFFFFFF4];
	_ =	sdelay $0x4  }
0x13b: {  	(v2sf) =	vpush v9, $0x0;
	_ =	sdelay $0x5  }
0x13c: {  	(v2sf) =	vpush v9, $0x1;
	_ =	sdelay $0x8  }
0x13d: {  	s2 =	spop (v2sf)  }
0x13e: {  	s0 =	sand.u32 $0xF, s2  }
0x13f: {  	(v2sf) =	vpush v9, $0x2;
	v10 =	vmov s0  }
0x140: {  	(v2sf) =	vpush v9, $0x3;
	v9 =	vshrl.u32 v10, $0x3  }
0x141: {  	v9 =	vmul.u32 $0x1800, v9  }
0x142: {  	v10 =	vshll.u32 v10, $0x7  }
0x143: {  	s31 =	spop (v2sf);
	v10 =	vand.u32 $0x380, v10;
	v11 =	vadd.s32 v29, v9  }
0x144: {  	s0 =	sand.u32 $0xF, s31;
	v11 =	vor.u32 v10, v11  }
0x145: {  	v12 =	vmov s0;
	v13 =	vor.u32 v28, v11  }
0x146: {  	v11 =	vshrl.u32 v12, $0x3  }
0x147: {  	v11 =	vmul.u32 $0x1800, v11  }
0x148: {  	v12 =	vshll.u32 v12, $0x7  }
0x149: {  	s31 =	sadd.s32 $0x4, s28;
	v12 =	vand.u32 $0x380, v12;
	v14 =	vadd.s32 v29, v11  }
0x14a: {  	v4 =	vmov v16;
	v15 =	vadd.s32 s31, v0;
	v16 =	vld.idx.msk [tilespmem:v13+s14+$0x0], $0xffff;
	v13 =	vor.u32 v12, v14  }
0x14b: {  	v17 =	vor.u32 v28, v13;
	_ =	sdelay $0x3  }
0x14c: {  	s2 =	spop (v2sf);
	[tilespmem:v15+s18+$0x0] =	vst.idx.msk $0xffff, v16  }
0x14d: {  	s0 =	sand.u32 $0xF, s2;
	v16 =	vld.idx.msk [tilespmem:v17+s14+$0x0], $0xffff  }
0x14e: {  	v14 =	vmov s0;
	v17 =	vld [tilespmem:$0x1FED0]  }
0x14f: {  	v13 =	vshrl.u32 v14, $0x3  }
0x150: {  	v13 =	vmul.u32 $0x1800, v13  }
0x151: {  	v14 =	vshll.u32 v14, $0x7  }
0x152: {  	v14 =	vand.u32 $0x380, v14;
	v15 =	vadd.s32 v29, v13  }
0x153: {  	v15 =	vor.u32 v14, v15;
	v17 =	vadd.s32 s31, v17  }
0x154: {  	v19 =	vor.u32 v28, v15  }
0x155: {  	s2 =	spop (v2sf)  }
0x156: {  	s0 =	sand.u32 $0xF, s2  }
0x157: {  	v18 =	vmov s0  }
0x158: {  	v15 =	vshrl.u32 v18, $0x3;
	v18 =	vshll.u32 v18, $0x7;
	[tilespmem:v17+s18+$0x0] =	vst.idx.msk $0xffff, v16  }
0x159: {  	v16 =	vand.u32 $0x380, v18;
	v18 =	vld.idx.msk [tilespmem:v19+s14+$0x0], $0xffff  }
0x15a: {  	v19 =	vld [tilespmem:$0x1FEE0];
	_ =	sdelay $0x4  }
0x15b: {  	v19 =	vadd.s32 s31, v19  }
0x15c: {  	v15 =	vmul.u32 $0x1800, v15;
	_ =	sdelay $0x1  }
0x15d: {  	v17 =	vadd.s32 v29, v15  }
0x15e: {  	v17 =	vor.u32 v16, v17  }
0x15f: {  	v17 =	vor.u32 v28, v17;
	[tilespmem:v19+s18+$0x0] =	vst.idx.msk $0xffff, v18;
	v19 =	vld [tilespmem:$0x1FEF0];
	_ =	sdelay $0x4  }
0x160: {  	v17 =	vld.idx.msk [tilespmem:v17+s14+$0x0], $0xffff;
	v19 =	vadd.s32 s31, v19;
	_ =	sdelay $0x2  }
0x161: {  	v18 =	vadd.s32 v31, v9  }
0x162: {  	v18 =	vor.u32 v10, v18  }
0x163: {  	v18 =	vor.u32 v30, v18;
	[tilespmem:v19+s18+$0x0] =	vst.idx.msk $0xffff, v17;
	v19 =	vld [tilespmem:$0x1FF00];
	_ =	sdelay $0x4  }
0x164: {  	v18 =	vld.idx.msk [tilespmem:v18+s14+$0x0], $0xffff;
	v19 =	vadd.s32 s31, v19;
	_ =	sdelay $0x2  }
0x165: {  	v17 =	vadd.s32 v31, v11  }
0x166: {  	v17 =	vor.u32 v12, v17  }
0x167: {  	v17 =	vor.u32 v30, v17;
	[tilespmem:v19+s18+$0x0] =	vst.idx.msk $0xffff, v18;
	v19 =	vld [tilespmem:$0x1FF10];
	_ =	sdelay $0x4  }
0x168: {  	v17 =	vld.idx.msk [tilespmem:v17+s14+$0x0], $0xffff;
	v19 =	vadd.s32 s31, v19;
	_ =	sdelay $0x2  }
0x169: {  	v18 =	vadd.s32 v31, v13  }
0x16a: {  	v18 =	vor.u32 v14, v18  }
0x16b: {  	v18 =	vor.u32 v30, v18;
	[tilespmem:v19+s18+$0x0] =	vst.idx.msk $0xffff, v17;
	v19 =	vld [tilespmem:$0x1FF40];
	_ =	sdelay $0x4  }
0x16c: {  	v18 =	vld.idx.msk [tilespmem:v18+s14+$0x0], $0xffff;
	v19 =	vadd.s32 s31, v19;
	_ =	sdelay $0x2  }
0x16d: {  	v17 =	vadd.s32 v31, v15  }
0x16e: {  	v17 =	vor.u32 v16, v17  }
0x16f: {  	v17 =	vor.u32 v30, v17;
	[tilespmem:v19+s18+$0x0] =	vst.idx.msk $0xffff, v18;
	v19 =	vld [tilespmem:$0x1FF60];
	_ =	sdelay $0x4  }
0x170: {  	v17 =	vld.idx.msk [tilespmem:v17+s14+$0x0], $0xffff;
	v19 =	vadd.s32 s31, v19;
	_ =	sdelay $0x2  }
0x171: {  	v18 =	vadd.s32 v33, v9  }
0x172: {  	v18 =	vor.u32 v10, v18  }
0x173: {  	v18 =	vor.u32 v32, v18;
	[tilespmem:v19+s18+$0x0] =	vst.idx.msk $0xffff, v17;
	v19 =	vld [tilespmem:$0x1FF80];
	_ =	sdelay $0x4  }
0x174: {  	v18 =	vld.idx.msk [tilespmem:v18+s14+$0x0], $0xffff;
	v19 =	vadd.s32 s31, v19;
	_ =	sdelay $0x2  }
0x175: {  	v17 =	vadd.s32 v33, v11  }
0x176: {  	v17 =	vor.u32 v12, v17  }
0x177: {  	v17 =	vor.u32 v32, v17;
	[tilespmem:v19+s18+$0x0] =	vst.idx.msk $0xffff, v18;
	v19 =	vld [tilespmem:$0x1FF90];
	_ =	sdelay $0x4  }
0x178: {  	v17 =	vld.idx.msk [tilespmem:v17+s14+$0x0], $0xffff;
	v19 =	vadd.s32 s31, v19;
	_ =	sdelay $0x2  }
0x179: {  	v18 =	vadd.s32 v33, v13  }
0x17a: {  	v18 =	vor.u32 v14, v18  }
0x17b: {  	v18 =	vor.u32 v32, v18;
	[tilespmem:v19+s18+$0x0] =	vst.idx.msk $0xffff, v17;
	v19 =	vld [tilespmem:$0x1FF20];
	_ =	sdelay $0x4  }
0x17c: {  	v18 =	vld.idx.msk [tilespmem:v18+s14+$0x0], $0xffff;
	v19 =	vadd.s32 s31, v19;
	_ =	sdelay $0x2  }
0x17d: {  	v17 =	vadd.s32 v33, v15  }
0x17e: {  	v17 =	vor.u32 v16, v17  }
0x17f: {  	v17 =	vor.u32 v32, v17;
	[tilespmem:v19+s18+$0x0] =	vst.idx.msk $0xffff, v18;
	v19 =	vld [tilespmem:$0x1FF30];
	_ =	sdelay $0x4  }
0x180: {  	v17 =	vld.idx.msk [tilespmem:v17+s14+$0x0], $0xffff;
	v19 =	vadd.s32 s31, v19;
	_ =	sdelay $0x2  }
0x181: {  	v18 =	vadd.s32 v35, v9  }
0x182: {  	v18 =	vor.u32 v10, v18  }
0x183: {  	v18 =	vor.u32 v34, v18;
	[tilespmem:v19+s18+$0x0] =	vst.idx.msk $0xffff, v17;
	v19 =	vld [tilespmem:$0x1FFA0];
	_ =	sdelay $0x3  }
0x184: {  	v17 =	vadd.s32 v35, v11  }
0x185: {  	v18 =	vld.idx.msk [tilespmem:v18+s14+$0x0], $0xffff;
	v17 =	vor.u32 v12, v17;
	v19 =	vadd.s32 s31, v19  }
0x186: {  	v17 =	vor.u32 v34, v17;
	_ =	sdelay $0x3  }
0x187: {  	[tilespmem:v19+s18+$0x0] =	vst.idx.msk $0xffff, v18  }
0x188: {  	v19 =	vadd.s32 s31, v59;
	v17 =	vld.idx.msk [tilespmem:v17+s14+$0x0], $0xffff;
	_ =	sdelay $0x2  }
0x189: {  	v18 =	vadd.s32 v35, v13  }
0x18a: {  	v18 =	vor.u32 v14, v18  }
0x18b: {  	v18 =	vor.u32 v34, v18;
	[tilespmem:v19+s18+$0x0] =	vst.idx.msk $0xffff, v17;
	v19 =	vld [tilespmem:$0x1FFE0];
	_ =	sdelay $0x3  }
0x18c: {  	v17 =	vadd.s32 v35, v15  }
0x18d: {  	v18 =	vld.idx.msk [tilespmem:v18+s14+$0x0], $0xffff;
	v17 =	vor.u32 v16, v17;
	v19 =	vadd.s32 s31, v19  }
0x18e: {  	v17 =	vor.u32 v34, v17;
	_ =	sdelay $0x3  }
0x18f: {  	[tilespmem:v19+s18+$0x0] =	vst.idx.msk $0xffff, v18;
	v18 =	vadd.s32 v37, v9  }
0x190: {  	v19 =	vadd.s32 s31, v53;
	v17 =	vld.idx.msk [tilespmem:v17+s14+$0x0], $0xffff;
	v18 =	vor.u32 v10, v18  }
0x191: {  	v18 =	vor.u32 v36, v18;
	_ =	sdelay $0x3  }
0x192: {  	[tilespmem:v19+s18+$0x0] =	vst.idx.msk $0xffff, v17  }
0x193: {  	v19 =	vadd.s32 s31, v4;
	v18 =	vld.idx.msk [tilespmem:v18+s14+$0x0], $0xffff;
	_ =	sdelay $0x2  }
0x194: {  	v17 =	vadd.s32 v37, v11  }
0x195: {  	v17 =	vor.u32 v12, v17  }
0x196: {  	v17 =	vor.u32 v36, v17;
	[tilespmem:v19+s18+$0x0] =	vst.idx.msk $0xffff, v18;
	v19 =	vld [tilespmem:$0x1FFD0];
	_ =	sdelay $0x4  }
0x197: {  	v17 =	vld.idx.msk [tilespmem:v17+s14+$0x0], $0xffff;
	v19 =	vadd.s32 s31, v19;
	_ =	sdelay $0x2  }
0x198: {  	v18 =	vadd.s32 v37, v13  }
0x199: {  	v18 =	vor.u32 v14, v18  }
0x19a: {  	v18 =	vor.u32 v36, v18;
	[tilespmem:v19+s18+$0x0] =	vst.idx.msk $0xffff, v17;
	v19 =	vld [tilespmem:$0x1FFF0];
	_ =	sdelay $0x3  }
0x19b: {  	v17 =	vadd.s32 v37, v15  }
0x19c: {  	v18 =	vld.idx.msk [tilespmem:v18+s14+$0x0], $0xffff;
	v17 =	vor.u32 v16, v17;
	v19 =	vadd.s32 s31, v19  }
0x19d: {  	v17 =	vor.u32 v36, v17;
	_ =	sdelay $0x3  }
0x19e: {  	[tilespmem:v19+s18+$0x0] =	vst.idx.msk $0xffff, v18;
	v18 =	vadd.s32 v39, v9  }
0x19f: {  	v19 =	vadd.s32 s31, v54;
	v17 =	vld.idx.msk [tilespmem:v17+s14+$0x0], $0xffff;
	v18 =	vor.u32 v10, v18  }
0x1a0: {  	v18 =	vor.u32 v38, v18;
	_ =	sdelay $0x3  }
0x1a1: {  	[tilespmem:v19+s18+$0x0] =	vst.idx.msk $0xffff, v17  }
0x1a2: {  	v19 =	vadd.s32 s31, v55;
	v18 =	vld.idx.msk [tilespmem:v18+s14+$0x0], $0xffff;
	_ =	sdelay $0x2  }
0x1a3: {  	v17 =	vadd.s32 v39, v11  }
0x1a4: {  	v17 =	vor.u32 v12, v17  }
0x1a5: {  	v17 =	vor.u32 v38, v17;
	[tilespmem:v19+s18+$0x0] =	vst.idx.msk $0xffff, v18;
	v19 =	vld [tilespmem:$0x1FFB0];
	_ =	sdelay $0x4  }
0x1a6: {  	v17 =	vld.idx.msk [tilespmem:v17+s14+$0x0], $0xffff;
	v19 =	vadd.s32 s31, v19;
	_ =	sdelay $0x2  }
0x1a7: {  	v18 =	vadd.s32 v39, v13  }
0x1a8: {  	v18 =	vor.u32 v14, v18  }
0x1a9: {  	v18 =	vor.u32 v38, v18;
	[tilespmem:v19+s18+$0x0] =	vst.idx.msk $0xffff, v17;
	v19 =	vld [tilespmem:$0x1FFC0];
	_ =	sdelay $0x4  }
0x1aa: {  	v18 =	vld.idx.msk [tilespmem:v18+s14+$0x0], $0xffff;
	v19 =	vadd.s32 s31, v19;
	_ =	sdelay $0x2  }
0x1ab: {  	v17 =	vadd.s32 v39, v15  }
0x1ac: {  	v17 =	vor.u32 v16, v17  }
0x1ad: {  	v17 =	vor.u32 v38, v17;
	[tilespmem:v19+s18+$0x0] =	vst.idx.msk $0xffff, v18;
	v19 =	vld [tilespmem:$0x1FF50];
	_ =	sdelay $0x3  }
0x1ae: {  	v18 =	vadd.s32 v41, v9  }
0x1af: {  	v17 =	vld.idx.msk [tilespmem:v17+s14+$0x0], $0xffff;
	v18 =	vor.u32 v10, v18;
	v19 =	vadd.s32 s31, v19  }
0x1b0: {  	v18 =	vor.u32 v40, v18;
	_ =	sdelay $0x3  }
0x1b1: {  	[tilespmem:v19+s18+$0x0] =	vst.idx.msk $0xffff, v17  }
0x1b2: {  	v19 =	vadd.s32 s31, v23;
	v18 =	vld.idx.msk [tilespmem:v18+s14+$0x0], $0xffff;
	_ =	sdelay $0x2  }
0x1b3: {  	v17 =	vadd.s32 v41, v11  }
0x1b4: {  	v17 =	vor.u32 v12, v17  }
0x1b5: {  	v17 =	vor.u32 v40, v17;
	[tilespmem:v19+s18+$0x0] =	vst.idx.msk $0xffff, v18;
	v19 =	vld [tilespmem:$0x1FF70];
	_ =	sdelay $0x3  }
0x1b6: {  	v18 =	vadd.s32 v41, v13  }
0x1b7: {  	v17 =	vld.idx.msk [tilespmem:v17+s14+$0x0], $0xffff;
	v18 =	vor.u32 v14, v18;
	v19 =	vadd.s32 s31, v19  }
0x1b8: {  	v18 =	vor.u32 v40, v18;
	_ =	sdelay $0x3  }
0x1b9: {  	[tilespmem:v19+s18+$0x0] =	vst.idx.msk $0xffff, v17;
	v17 =	vadd.s32 v41, v15  }
0x1ba: {  	v19 =	vadd.s32 s31, v61;
	v18 =	vld.idx.msk [tilespmem:v18+s14+$0x0], $0xffff;
	v17 =	vor.u32 v16, v17  }
0x1bb: {  	v17 =	vor.u32 v40, v17;
	_ =	sdelay $0x3  }
0x1bc: {  	[tilespmem:v19+s18+$0x0] =	vst.idx.msk $0xffff, v18;
	v18 =	vadd.s32 v43, v9  }
0x1bd: {  	v19 =	vadd.s32 s31, v62;
	v17 =	vld.idx.msk [tilespmem:v17+s14+$0x0], $0xffff;
	v18 =	vor.u32 v10, v18  }
0x1be: {  	v18 =	vor.u32 v42, v18;
	_ =	sdelay $0x3  }
0x1bf: {  	[tilespmem:v19+s18+$0x0] =	vst.idx.msk $0xffff, v17;
	v17 =	vadd.s32 v43, v11  }
0x1c0: {  	v19 =	vadd.s32 s31, v24;
	v18 =	vld.idx.msk [tilespmem:v18+s14+$0x0], $0xffff;
	v17 =	vor.u32 v12, v17  }
0x1c1: {  	v17 =	vor.u32 v42, v17;
	_ =	sdelay $0x3  }
0x1c2: {  	[tilespmem:v19+s18+$0x0] =	vst.idx.msk $0xffff, v18;
	v18 =	vadd.s32 v43, v13  }
0x1c3: {  	v19 =	vadd.s32 s31, v25;
	v17 =	vld.idx.msk [tilespmem:v17+s14+$0x0], $0xffff;
	v18 =	vor.u32 v14, v18  }
0x1c4: {  	v18 =	vor.u32 v42, v18;
	_ =	sdelay $0x3  }
0x1c5: {  	[tilespmem:v19+s18+$0x0] =	vst.idx.msk $0xffff, v17;
	v17 =	vadd.s32 v43, v15  }
0x1c6: {  	v19 =	vadd.s32 s31, v26;
	v18 =	vld.idx.msk [tilespmem:v18+s14+$0x0], $0xffff;
	v17 =	vor.u32 v16, v17  }
0x1c7: {  	v17 =	vor.u32 v42, v17;
	_ =	sdelay $0x3  }
0x1c8: {  	[tilespmem:v19+s18+$0x0] =	vst.idx.msk $0xffff, v18;
	v18 =	vadd.s32 v45, v9  }
0x1c9: {  	v19 =	vadd.s32 s31, v27;
	v17 =	vld.idx.msk [tilespmem:v17+s14+$0x0], $0xffff;
	v18 =	vor.u32 v10, v18  }
0x1ca: {  	v18 =	vor.u32 v44, v18;
	_ =	sdelay $0x3  }
0x1cb: {  	[tilespmem:v19+s18+$0x0] =	vst.idx.msk $0xffff, v17;
	v17 =	vadd.s32 v45, v11  }
0x1cc: {  	v19 =	vadd.s32 s31, v52;
	v18 =	vld.idx.msk [tilespmem:v18+s14+$0x0], $0xffff;
	v17 =	vor.u32 v12, v17  }
0x1cd: {  	v17 =	vor.u32 v44, v17;
	_ =	sdelay $0x3  }
0x1ce: {  	[tilespmem:v19+s18+$0x0] =	vst.idx.msk $0xffff, v18;
	v18 =	vadd.s32 v45, v13  }
0x1cf: {  	v19 =	vadd.s32 s31, v56;
	v17 =	vld.idx.msk [tilespmem:v17+s14+$0x0], $0xffff;
	v18 =	vor.u32 v14, v18  }
0x1d0: {  	v18 =	vor.u32 v44, v18;
	_ =	sdelay $0x3  }
0x1d1: {  	[tilespmem:v19+s18+$0x0] =	vst.idx.msk $0xffff, v17;
	v17 =	vadd.s32 v45, v15  }
0x1d2: {  	v19 =	vadd.s32 s31, v57;
	v18 =	vld.idx.msk [tilespmem:v18+s14+$0x0], $0xffff;
	v17 =	vor.u32 v16, v17  }
0x1d3: {  	v17 =	vor.u32 v44, v17;
	_ =	sdelay $0x3  }
0x1d4: {  	[tilespmem:v19+s18+$0x0] =	vst.idx.msk $0xffff, v18;
	v18 =	vadd.s32 v47, v9  }
0x1d5: {  	v19 =	vadd.s32 s31, v20;
	v17 =	vld.idx.msk [tilespmem:v17+s14+$0x0], $0xffff;
	v18 =	vor.u32 v10, v18  }
0x1d6: {  	v18 =	vor.u32 v46, v18;
	_ =	sdelay $0x3  }
0x1d7: {  	[tilespmem:v19+s18+$0x0] =	vst.idx.msk $0xffff, v17;
	v17 =	vadd.s32 v47, v11  }
0x1d8: {  	v19 =	vadd.s32 s31, v60;
	v18 =	vld.idx.msk [tilespmem:v18+s14+$0x0], $0xffff;
	v17 =	vor.u32 v12, v17  }
0x1d9: {  	v17 =	vor.u32 v46, v17;
	_ =	sdelay $0x3  }
0x1da: {  	[tilespmem:v19+s18+$0x0] =	vst.idx.msk $0xffff, v18;
	v18 =	vadd.s32 v47, v13  }
0x1db: {  	v19 =	vadd.s32 s31, v21;
	v17 =	vld.idx.msk [tilespmem:v17+s14+$0x0], $0xffff;
	v18 =	vor.u32 v14, v18  }
0x1dc: {  	v18 =	vor.u32 v46, v18;
	_ =	sdelay $0x3  }
0x1dd: {  	[tilespmem:v19+s18+$0x0] =	vst.idx.msk $0xffff, v17;
	v17 =	vadd.s32 v47, v15  }
0x1de: {  	v19 =	vadd.s32 s31, v58;
	v18 =	vld.idx.msk [tilespmem:v18+s14+$0x0], $0xffff;
	v17 =	vor.u32 v16, v17  }
0x1df: {  	v17 =	vor.u32 v46, v17;
	_ =	sdelay $0x3  }
0x1e0: {  	[tilespmem:v19+s18+$0x0] =	vst.idx.msk $0xffff, v18;
	v18 =	vadd.s32 v49, v9  }
0x1e1: {  	v19 =	vadd.s32 s31, v63;
	v17 =	vld.idx.msk [tilespmem:v17+s14+$0x0], $0xffff;
	v18 =	vor.u32 v10, v18  }
0x1e2: {  	v18 =	vor.u32 v48, v18;
	_ =	sdelay $0x3  }
0x1e3: {  	[tilespmem:v19+s18+$0x0] =	vst.idx.msk $0xffff, v17;
	v17 =	vadd.s32 v49, v11  }
0x1e4: {  	v19 =	vadd.s32 s31, v1;
	v18 =	vld.idx.msk [tilespmem:v18+s14+$0x0], $0xffff;
	v17 =	vor.u32 v12, v17  }
0x1e5: {  	v17 =	vor.u32 v48, v17;
	_ =	sdelay $0x3  }
0x1e6: {  	[tilespmem:v19+s18+$0x0] =	vst.idx.msk $0xffff, v18;
	v18 =	vadd.s32 v49, v13  }
0x1e7: {  	v19 =	vadd.s32 s31, v2;
	v17 =	vld.idx.msk [tilespmem:v17+s14+$0x0], $0xffff;
	v18 =	vor.u32 v14, v18  }
0x1e8: {  	v18 =	vor.u32 v48, v18;
	_ =	sdelay $0x3  }
0x1e9: {  	[tilespmem:v19+s18+$0x0] =	vst.idx.msk $0xffff, v17;
	v17 =	vadd.s32 v49, v15  }
0x1ea: {  	v19 =	vadd.s32 s31, v3;
	v18 =	vld.idx.msk [tilespmem:v18+s14+$0x0], $0xffff;
	v17 =	vor.u32 v16, v17  }
0x1eb: {  	v17 =	vor.u32 v48, v17;
	_ =	sdelay $0x3  }
0x1ec: {  	v9 =	vadd.s32 v51, v9;
	[tilespmem:v19+s18+$0x0] =	vst.idx.msk $0xffff, v18  }
0x1ed: {  	v9 =	vor.u32 v10, v9;
	v18 =	vadd.s32 s31, v22;
	v17 =	vld.idx.msk [tilespmem:v17+s14+$0x0], $0xffff  }
0x1ee: {  	v9 =	vor.u32 v50, v9;
	_ =	sdelay $0x3  }
0x1ef: {  	v10 =	vadd.s32 v51, v11;
	[tilespmem:v18+s18+$0x0] =	vst.idx.msk $0xffff, v17  }
0x1f0: {  	v10 =	vor.u32 v12, v10;
	v11 =	vadd.s32 s31, v5;
	v9 =	vld.idx.msk [tilespmem:v9+s14+$0x0], $0xffff  }
0x1f1: {  	v10 =	vor.u32 v50, v10;
	_ =	sdelay $0x3  }
0x1f2: {  	[tilespmem:v11+s18+$0x0] =	vst.idx.msk $0xffff, v9;
	v9 =	vadd.s32 v51, v13  }
0x1f3: {  	v11 =	vadd.s32 s31, v6;
	v10 =	vld.idx.msk [tilespmem:v10+s14+$0x0], $0xffff;
	v9 =	vor.u32 v14, v9  }
0x1f4: {  	v9 =	vor.u32 v50, v9;
	_ =	sdelay $0x3  }
0x1f5: {  	[tilespmem:v11+s18+$0x0] =	vst.idx.msk $0xffff, v10;
	v10 =	vadd.s32 v51, v15  }
0x1f6: {  	v11 =	vadd.s32 s31, v7;
	v9 =	vld.idx.msk [tilespmem:v9+s14+$0x0], $0xffff;
	v10 =	vor.u32 v16, v10  }
0x1f7: {  	v10 =	vor.u32 v50, v10;
	_ =	sdelay $0x3  }
0x1f8: {  	[tilespmem:v11+s18+$0x0] =	vst.idx.msk $0xffff, v9  }
0x1f9: {  	v9 =	vld.idx.msk [tilespmem:v10+s14+$0x0], $0xffff;
	v10 =	vadd.s32 s31, v8;
	_ =	sdelay $0x4  }
0x1fa: {  	[tilespmem:v10+s18+$0x0] =	vst.idx.msk $0xffff, v9  }
0x1fb: {  	v9 =	vld @!p1 [tilespmem:s29+$0x8];
	_ =	sdelay $0x4  }
0x1fc: {  	(v2sf) =	vpush @!p1 v9, $0x0;
	_ =	sdelay $0xe  }
0x1fd: {  	s0 =	spop @!p1 (v2sf)  }
0x1fe: {  	s31 =	sand.u32 @!p1 $0xF, s0  }
0x1ff: {  	p2 =	slt.s32 @!p1 s0, $0x1;
	p3 =	sne.s32 @!p1 s31, $0x0  }
0x200: {  	s31 =	sshra.s32 @!p1 s0, $0x1F;
	p2 =	por @!p1 !p2, !p3  }
0x201: {  	s31 =	sshrl.u32 @!p1 s31, $0x1C;
	p2 =	por @!p1 !p2, !p2  }
0x202: {  	s0 =	sadd.s32 @!p1 s31, s0;
	s31 =	simm.s32 @!p1 $0x1;
	p2 =	por !p2, p1  }
0x203: {  	s0 =	sshrl.u32 @!p1 s0, $0x4;
	s31 =	simm.s32 @p2 $0x0  }
0x204: {  	s0 =	ssub.s32 @!p1 s0, s31  }
0x205: {  	s0 =	smul.u32 @!p1 $0x3000, s0;
	_ =	sdelay $0x1  }
0x206: {  	s0 =	sadd.s32 @!p1 s26, s0  }
0x207: {  	s0 =	sshrl.u32 @!p1 s0, $0x3  }
0x208: {  	s31 =	simm.s32 @!p1 $0x3280;
	s0 =	sadd.s32 @!p1 s1, s0  }
0x209: {  	[tilespmem:s31], [sflag:$0x2] =	stream.linear.gather @!p1 [hbm4b:s0+s30], $0x3000, $0x38;
	[tilespmem:$0x1F180] =	vst v63  }
0x20a: {  	_ =	swait.ge [sflag:s20], $0x3000  }
0x20b: {  	[sflag:s20] =	ssyncset.done $0x0  }
0x20c: {  	[sflag:s20] =	ssyncadd.s32 $0xFFFFD000  }
0x20d: {  	v9 =	vld [tilespmem:s29+$0xFFFFFFF8];
	_ =	sdelay $0x4  }
0x20e: {  	(v2sf) =	vpush v9, $0x0;
	_ =	sdelay $0x5  }
0x20f: {  	(v2sf) =	vpush v9, $0x1;
	_ =	sdelay $0x8  }
0x210: {  	s2 =	spop (v2sf)  }
0x211: {  	s0 =	sand.u32 $0xF, s2  }
0x212: {  	(v2sf) =	vpush v9, $0x2;
	v10 =	vmov s0  }
0x213: {  	(v2sf) =	vpush v9, $0x3;
	v9 =	vshrl.u32 v10, $0x3  }
0x214: {  	v9 =	vmul.u32 $0x1800, v9  }
0x215: {  	v10 =	vshll.u32 v10, $0x7  }
0x216: {  	s31 =	spop (v2sf);
	v10 =	vand.u32 $0x380, v10;
	v11 =	vadd.s32 v29, v9  }
0x217: {  	s0 =	sand.u32 $0xF, s31;
	v11 =	vor.u32 v10, v11  }
0x218: {  	v12 =	vmov s0;
	v13 =	vor.u32 v28, v11  }
0x219: {  	v11 =	vshrl.u32 v12, $0x3  }
0x21a: {  	v11 =	vmul.u32 $0x1800, v11  }
0x21b: {  	v12 =	vshll.u32 v12, $0x7  }
0x21c: {  	s31 =	sadd.s32 $0x8, s28;
	v12 =	vand.u32 $0x380, v12;
	v14 =	vadd.s32 v29, v11  }
0x21d: {  	v15 =	vadd.s32 s31, v0;
	v16 =	vld.idx.msk [tilespmem:v13+s15+$0x0], $0xffff;
	v13 =	vor.u32 v12, v14  }
0x21e: {  	v17 =	vor.u32 v28, v13;
	_ =	sdelay $0x3  }
0x21f: {  	s2 =	spop (v2sf);
	[tilespmem:v15+s18+$0x0] =	vst.idx.msk $0xffff, v16  }
0x220: {  	s0 =	sand.u32 $0xF, s2;
	v16 =	vld.idx.msk [tilespmem:v17+s15+$0x0], $0xffff  }
0x221: {  	v14 =	vmov s0;
	v17 =	vld [tilespmem:$0x1FED0]  }
0x222: {  	v13 =	vshrl.u32 v14, $0x3  }
0x223: {  	v13 =	vmul.u32 $0x1800, v13  }
0x224: {  	v14 =	vshll.u32 v14, $0x7  }
0x225: {  	v14 =	vand.u32 $0x380, v14;
	v15 =	vadd.s32 v29, v13  }
0x226: {  	v15 =	vor.u32 v14, v15;
	v17 =	vadd.s32 s31, v17  }
0x227: {  	v19 =	vor.u32 v28, v15  }
0x228: {  	s2 =	spop (v2sf)  }
0x229: {  	s0 =	sand.u32 $0xF, s2  }
0x22a: {  	v18 =	vmov s0  }
0x22b: {  	v15 =	vshrl.u32 v18, $0x3;
	v18 =	vshll.u32 v18, $0x7;
	[tilespmem:v17+s18+$0x0] =	vst.idx.msk $0xffff, v16  }
0x22c: {  	v16 =	vand.u32 $0x380, v18;
	v18 =	vld.idx.msk [tilespmem:v19+s15+$0x0], $0xffff  }
0x22d: {  	v19 =	vld [tilespmem:$0x1FEE0];
	_ =	sdelay $0x4  }
0x22e: {  	v19 =	vadd.s32 s31, v19  }
0x22f: {  	v15 =	vmul.u32 $0x1800, v15;
	_ =	sdelay $0x1  }
0x230: {  	v17 =	vadd.s32 v29, v15  }
0x231: {  	v17 =	vor.u32 v16, v17  }
0x232: {  	v17 =	vor.u32 v28, v17;
	[tilespmem:v19+s18+$0x0] =	vst.idx.msk $0xffff, v18;
	v19 =	vld [tilespmem:$0x1FEF0];
	_ =	sdelay $0x4  }
0x233: {  	v17 =	vld.idx.msk [tilespmem:v17+s15+$0x0], $0xffff;
	v19 =	vadd.s32 s31, v19;
	_ =	sdelay $0x2  }
0x234: {  	v18 =	vadd.s32 v31, v9  }
0x235: {  	v18 =	vor.u32 v10, v18  }
0x236: {  	v18 =	vor.u32 v30, v18;
	[tilespmem:v19+s18+$0x0] =	vst.idx.msk $0xffff, v17;
	v19 =	vld [tilespmem:$0x1FF00];
	_ =	sdelay $0x4  }
0x237: {  	v18 =	vld.idx.msk [tilespmem:v18+s15+$0x0], $0xffff;
	v19 =	vadd.s32 s31, v19;
	_ =	sdelay $0x2  }
0x238: {  	v17 =	vadd.s32 v31, v11  }
0x239: {  	v17 =	vor.u32 v12, v17  }
0x23a: {  	v17 =	vor.u32 v30, v17;
	[tilespmem:v19+s18+$0x0] =	vst.idx.msk $0xffff, v18;
	v19 =	vld [tilespmem:$0x1FF10];
	_ =	sdelay $0x4  }
0x23b: {  	v17 =	vld.idx.msk [tilespmem:v17+s15+$0x0], $0xffff;
	v19 =	vadd.s32 s31, v19;
	_ =	sdelay $0x2  }
0x23c: {  	v18 =	vadd.s32 v31, v13  }
0x23d: {  	v18 =	vor.u32 v14, v18  }
0x23e: {  	v18 =	vor.u32 v30, v18;
	[tilespmem:v19+s18+$0x0] =	vst.idx.msk $0xffff, v17;
	v19 =	vld [tilespmem:$0x1FF40];
	_ =	sdelay $0x4  }
0x23f: {  	v18 =	vld.idx.msk [tilespmem:v18+s15+$0x0], $0xffff;
	v19 =	vadd.s32 s31, v19;
	_ =	sdelay $0x2  }
0x240: {  	v17 =	vadd.s32 v31, v15  }
0x241: {  	v17 =	vor.u32 v16, v17  }
0x242: {  	v17 =	vor.u32 v30, v17;
	[tilespmem:v19+s18+$0x0] =	vst.idx.msk $0xffff, v18;
	v19 =	vld [tilespmem:$0x1FF60];
	_ =	sdelay $0x4  }
0x243: {  	v17 =	vld.idx.msk [tilespmem:v17+s15+$0x0], $0xffff;
	v19 =	vadd.s32 s31, v19;
	_ =	sdelay $0x2  }
0x244: {  	v18 =	vadd.s32 v33, v9  }
0x245: {  	v18 =	vor.u32 v10, v18  }
0x246: {  	v18 =	vor.u32 v32, v18;
	[tilespmem:v19+s18+$0x0] =	vst.idx.msk $0xffff, v17;
	v19 =	vld [tilespmem:$0x1FF80];
	_ =	sdelay $0x4  }
0x247: {  	v18 =	vld.idx.msk [tilespmem:v18+s15+$0x0], $0xffff;
	v19 =	vadd.s32 s31, v19;
	_ =	sdelay $0x2  }
0x248: {  	v17 =	vadd.s32 v33, v11  }
0x249: {  	v17 =	vor.u32 v12, v17  }
0x24a: {  	v17 =	vor.u32 v32, v17;
	[tilespmem:v19+s18+$0x0] =	vst.idx.msk $0xffff, v18;
	v19 =	vld [tilespmem:$0x1FF90];
	_ =	sdelay $0x4  }
0x24b: {  	v17 =	vld.idx.msk [tilespmem:v17+s15+$0x0], $0xffff;
	v19 =	vadd.s32 s31, v19;
	_ =	sdelay $0x2  }
0x24c: {  	v18 =	vadd.s32 v33, v13  }
0x24d: {  	v18 =	vor.u32 v14, v18  }
0x24e: {  	v18 =	vor.u32 v32, v18;
	[tilespmem:v19+s18+$0x0] =	vst.idx.msk $0xffff, v17;
	v19 =	vld [tilespmem:$0x1FF20];
	_ =	sdelay $0x4  }
0x24f: {  	v18 =	vld.idx.msk [tilespmem:v18+s15+$0x0], $0xffff;
	v19 =	vadd.s32 s31, v19;
	_ =	sdelay $0x2  }
0x250: {  	v17 =	vadd.s32 v33, v15  }
0x251: {  	v17 =	vor.u32 v16, v17  }
0x252: {  	v17 =	vor.u32 v32, v17;
	[tilespmem:v19+s18+$0x0] =	vst.idx.msk $0xffff, v18;
	v19 =	vld [tilespmem:$0x1FF30];
	_ =	sdelay $0x4  }
0x253: {  	v17 =	vld.idx.msk [tilespmem:v17+s15+$0x0], $0xffff;
	v19 =	vadd.s32 s31, v19;
	_ =	sdelay $0x2  }
0x254: {  	v18 =	vadd.s32 v35, v9  }
0x255: {  	v18 =	vor.u32 v10, v18  }
0x256: {  	v18 =	vor.u32 v34, v18;
	[tilespmem:v19+s18+$0x0] =	vst.idx.msk $0xffff, v17;
	v19 =	vld [tilespmem:$0x1FFA0];
	_ =	sdelay $0x3  }
0x257: {  	v17 =	vadd.s32 v35, v11  }
0x258: {  	v18 =	vld.idx.msk [tilespmem:v18+s15+$0x0], $0xffff;
	v17 =	vor.u32 v12, v17;
	v19 =	vadd.s32 s31, v19  }
0x259: {  	v17 =	vor.u32 v34, v17;
	_ =	sdelay $0x3  }
0x25a: {  	[tilespmem:v19+s18+$0x0] =	vst.idx.msk $0xffff, v18  }
0x25b: {  	v19 =	vadd.s32 s31, v59;
	v17 =	vld.idx.msk [tilespmem:v17+s15+$0x0], $0xffff;
	_ =	sdelay $0x2  }
0x25c: {  	v18 =	vadd.s32 v35, v13  }
0x25d: {  	v18 =	vor.u32 v14, v18  }
0x25e: {  	v18 =	vor.u32 v34, v18;
	[tilespmem:v19+s18+$0x0] =	vst.idx.msk $0xffff, v17;
	v19 =	vld [tilespmem:$0x1FFE0];
	_ =	sdelay $0x3  }
0x25f: {  	v17 =	vadd.s32 v35, v15  }
0x260: {  	v18 =	vld.idx.msk [tilespmem:v18+s15+$0x0], $0xffff;
	v17 =	vor.u32 v16, v17;
	v19 =	vadd.s32 s31, v19  }
0x261: {  	v17 =	vor.u32 v34, v17;
	_ =	sdelay $0x3  }
0x262: {  	[tilespmem:v19+s18+$0x0] =	vst.idx.msk $0xffff, v18;
	v18 =	vadd.s32 v37, v9  }
0x263: {  	v19 =	vadd.s32 s31, v53;
	v17 =	vld.idx.msk [tilespmem:v17+s15+$0x0], $0xffff;
	v18 =	vor.u32 v10, v18  }
0x264: {  	v18 =	vor.u32 v36, v18;
	_ =	sdelay $0x3  }
0x265: {  	[tilespmem:v19+s18+$0x0] =	vst.idx.msk $0xffff, v17  }
0x266: {  	v19 =	vadd.s32 s31, v4;
	v18 =	vld.idx.msk [tilespmem:v18+s15+$0x0], $0xffff;
	_ =	sdelay $0x2  }
0x267: {  	v17 =	vadd.s32 v37, v11  }
0x268: {  	v17 =	vor.u32 v12, v17  }
0x269: {  	v17 =	vor.u32 v36, v17;
	[tilespmem:v19+s18+$0x0] =	vst.idx.msk $0xffff, v18;
	v19 =	vld [tilespmem:$0x1FFD0];
	_ =	sdelay $0x4  }
0x26a: {  	v17 =	vld.idx.msk [tilespmem:v17+s15+$0x0], $0xffff;
	v19 =	vadd.s32 s31, v19;
	_ =	sdelay $0x2  }
0x26b: {  	v18 =	vadd.s32 v37, v13  }
0x26c: {  	v18 =	vor.u32 v14, v18  }
0x26d: {  	v18 =	vor.u32 v36, v18;
	[tilespmem:v19+s18+$0x0] =	vst.idx.msk $0xffff, v17;
	v19 =	vld [tilespmem:$0x1FFF0];
	_ =	sdelay $0x3  }
0x26e: {  	v17 =	vadd.s32 v37, v15  }
0x26f: {  	v18 =	vld.idx.msk [tilespmem:v18+s15+$0x0], $0xffff;
	v17 =	vor.u32 v16, v17;
	v19 =	vadd.s32 s31, v19  }
0x270: {  	v17 =	vor.u32 v36, v17;
	_ =	sdelay $0x3  }
0x271: {  	[tilespmem:v19+s18+$0x0] =	vst.idx.msk $0xffff, v18;
	v18 =	vadd.s32 v39, v9  }
0x272: {  	v19 =	vadd.s32 s31, v54;
	v17 =	vld.idx.msk [tilespmem:v17+s15+$0x0], $0xffff;
	v18 =	vor.u32 v10, v18  }
0x273: {  	v18 =	vor.u32 v38, v18;
	_ =	sdelay $0x3  }
0x274: {  	[tilespmem:v19+s18+$0x0] =	vst.idx.msk $0xffff, v17  }
0x275: {  	v19 =	vadd.s32 s31, v55;
	v18 =	vld.idx.msk [tilespmem:v18+s15+$0x0], $0xffff;
	_ =	sdelay $0x2  }
0x276: {  	v17 =	vadd.s32 v39, v11  }
0x277: {  	v17 =	vor.u32 v12, v17  }
0x278: {  	v17 =	vor.u32 v38, v17;
	[tilespmem:v19+s18+$0x0] =	vst.idx.msk $0xffff, v18;
	v19 =	vld [tilespmem:$0x1FFB0];
	_ =	sdelay $0x4  }
0x279: {  	v17 =	vld.idx.msk [tilespmem:v17+s15+$0x0], $0xffff;
	v19 =	vadd.s32 s31, v19;
	_ =	sdelay $0x2  }
0x27a: {  	v18 =	vadd.s32 v39, v13  }
0x27b: {  	v18 =	vor.u32 v14, v18  }
0x27c: {  	v18 =	vor.u32 v38, v18;
	[tilespmem:v19+s18+$0x0] =	vst.idx.msk $0xffff, v17;
	v19 =	vld [tilespmem:$0x1FFC0];
	_ =	sdelay $0x4  }
0x27d: {  	v18 =	vld.idx.msk [tilespmem:v18+s15+$0x0], $0xffff;
	v19 =	vadd.s32 s31, v19;
	_ =	sdelay $0x2  }
0x27e: {  	v17 =	vadd.s32 v39, v15  }
0x27f: {  	v17 =	vor.u32 v16, v17  }
0x280: {  	v17 =	vor.u32 v38, v17;
	[tilespmem:v19+s18+$0x0] =	vst.idx.msk $0xffff, v18;
	v19 =	vld [tilespmem:$0x1FF50];
	_ =	sdelay $0x3  }
0x281: {  	v18 =	vadd.s32 v41, v9  }
0x282: {  	v17 =	vld.idx.msk [tilespmem:v17+s15+$0x0], $0xffff;
	v18 =	vor.u32 v10, v18;
	v19 =	vadd.s32 s31, v19  }
0x283: {  	v18 =	vor.u32 v40, v18;
	_ =	sdelay $0x3  }
0x284: {  	[tilespmem:v19+s18+$0x0] =	vst.idx.msk $0xffff, v17  }
0x285: {  	v19 =	vadd.s32 s31, v23;
	v18 =	vld.idx.msk [tilespmem:v18+s15+$0x0], $0xffff;
	_ =	sdelay $0x2  }
0x286: {  	v17 =	vadd.s32 v41, v11  }
0x287: {  	v17 =	vor.u32 v12, v17  }
0x288: {  	v17 =	vor.u32 v40, v17;
	[tilespmem:v19+s18+$0x0] =	vst.idx.msk $0xffff, v18;
	v19 =	vld [tilespmem:$0x1FF70];
	_ =	sdelay $0x3  }
0x289: {  	v18 =	vadd.s32 v41, v13  }
0x28a: {  	v17 =	vld.idx.msk [tilespmem:v17+s15+$0x0], $0xffff;
	v18 =	vor.u32 v14, v18;
	v19 =	vadd.s32 s31, v19  }
0x28b: {  	v18 =	vor.u32 v40, v18;
	_ =	sdelay $0x3  }
0x28c: {  	[tilespmem:v19+s18+$0x0] =	vst.idx.msk $0xffff, v17;
	v17 =	vadd.s32 v41, v15  }
0x28d: {  	v19 =	vadd.s32 s31, v61;
	v18 =	vld.idx.msk [tilespmem:v18+s15+$0x0], $0xffff;
	v17 =	vor.u32 v16, v17  }
0x28e: {  	v17 =	vor.u32 v40, v17;
	_ =	sdelay $0x3  }
0x28f: {  	[tilespmem:v19+s18+$0x0] =	vst.idx.msk $0xffff, v18;
	v18 =	vadd.s32 v43, v9  }
0x290: {  	v19 =	vadd.s32 s31, v62;
	v17 =	vld.idx.msk [tilespmem:v17+s15+$0x0], $0xffff;
	v18 =	vor.u32 v10, v18  }
0x291: {  	v18 =	vor.u32 v42, v18;
	_ =	sdelay $0x3  }
0x292: {  	[tilespmem:v19+s18+$0x0] =	vst.idx.msk $0xffff, v17;
	v17 =	vadd.s32 v43, v11  }
0x293: {  	v19 =	vadd.s32 s31, v24;
	v18 =	vld.idx.msk [tilespmem:v18+s15+$0x0], $0xffff;
	v17 =	vor.u32 v12, v17  }
0x294: {  	v17 =	vor.u32 v42, v17;
	_ =	sdelay $0x3  }
0x295: {  	[tilespmem:v19+s18+$0x0] =	vst.idx.msk $0xffff, v18;
	v18 =	vadd.s32 v43, v13  }
0x296: {  	v19 =	vadd.s32 s31, v25;
	v17 =	vld.idx.msk [tilespmem:v17+s15+$0x0], $0xffff;
	v18 =	vor.u32 v14, v18  }
0x297: {  	v18 =	vor.u32 v42, v18;
	_ =	sdelay $0x3  }
0x298: {  	[tilespmem:v19+s18+$0x0] =	vst.idx.msk $0xffff, v17;
	v17 =	vadd.s32 v43, v15  }
0x299: {  	v19 =	vadd.s32 s31, v26;
	v18 =	vld.idx.msk [tilespmem:v18+s15+$0x0], $0xffff;
	v17 =	vor.u32 v16, v17  }
0x29a: {  	v17 =	vor.u32 v42, v17;
	_ =	sdelay $0x3  }
0x29b: {  	[tilespmem:v19+s18+$0x0] =	vst.idx.msk $0xffff, v18;
	v18 =	vadd.s32 v45, v9  }
0x29c: {  	v19 =	vadd.s32 s31, v27;
	v17 =	vld.idx.msk [tilespmem:v17+s15+$0x0], $0xffff;
	v18 =	vor.u32 v10, v18  }
0x29d: {  	v18 =	vor.u32 v44, v18;
	_ =	sdelay $0x3  }
0x29e: {  	[tilespmem:v19+s18+$0x0] =	vst.idx.msk $0xffff, v17;
	v17 =	vadd.s32 v45, v11  }
0x29f: {  	v19 =	vadd.s32 s31, v52;
	v18 =	vld.idx.msk [tilespmem:v18+s15+$0x0], $0xffff;
	v17 =	vor.u32 v12, v17  }
0x2a0: {  	v17 =	vor.u32 v44, v17;
	_ =	sdelay $0x3  }
0x2a1: {  	[tilespmem:v19+s18+$0x0] =	vst.idx.msk $0xffff, v18;
	v18 =	vadd.s32 v45, v13  }
0x2a2: {  	v19 =	vadd.s32 s31, v56;
	v17 =	vld.idx.msk [tilespmem:v17+s15+$0x0], $0xffff;
	v18 =	vor.u32 v14, v18  }
0x2a3: {  	v18 =	vor.u32 v44, v18;
	_ =	sdelay $0x3  }
0x2a4: {  	[tilespmem:v19+s18+$0x0] =	vst.idx.msk $0xffff, v17;
	v17 =	vadd.s32 v45, v15  }
0x2a5: {  	v19 =	vadd.s32 s31, v57;
	v18 =	vld.idx.msk [tilespmem:v18+s15+$0x0], $0xffff;
	v17 =	vor.u32 v16, v17  }
0x2a6: {  	v17 =	vor.u32 v44, v17;
	_ =	sdelay $0x3  }
0x2a7: {  	[tilespmem:v19+s18+$0x0] =	vst.idx.msk $0xffff, v18;
	v18 =	vadd.s32 v47, v9  }
0x2a8: {  	v19 =	vadd.s32 s31, v20;
	v17 =	vld.idx.msk [tilespmem:v17+s15+$0x0], $0xffff;
	v18 =	vor.u32 v10, v18  }
0x2a9: {  	v18 =	vor.u32 v46, v18;
	_ =	sdelay $0x3  }
0x2aa: {  	[tilespmem:v19+s18+$0x0] =	vst.idx.msk $0xffff, v17;
	v17 =	vadd.s32 v47, v11  }
0x2ab: {  	v19 =	vadd.s32 s31, v60;
	v18 =	vld.idx.msk [tilespmem:v18+s15+$0x0], $0xffff;
	v17 =	vor.u32 v12, v17  }
0x2ac: {  	v17 =	vor.u32 v46, v17;
	_ =	sdelay $0x3  }
0x2ad: {  	[tilespmem:v19+s18+$0x0] =	vst.idx.msk $0xffff, v18;
	v18 =	vadd.s32 v47, v13  }
0x2ae: {  	v19 =	vadd.s32 s31, v21;
	v17 =	vld.idx.msk [tilespmem:v17+s15+$0x0], $0xffff;
	v18 =	vor.u32 v14, v18  }
0x2af: {  	v18 =	vor.u32 v46, v18;
	_ =	sdelay $0x3  }
0x2b0: {  	[tilespmem:v19+s18+$0x0] =	vst.idx.msk $0xffff, v17;
	v17 =	vadd.s32 v47, v15  }
0x2b1: {  	v19 =	vadd.s32 s31, v58;
	v18 =	vld.idx.msk [tilespmem:v18+s15+$0x0], $0xffff;
	v17 =	vor.u32 v16, v17  }
0x2b2: {  	v17 =	vor.u32 v46, v17;
	_ =	sdelay $0x3  }
0x2b3: {  	[tilespmem:v19+s18+$0x0] =	vst.idx.msk $0xffff, v18;
	v18 =	vadd.s32 v49, v9  }
0x2b4: {  	v19 =	vadd.s32 s31, v63;
	v17 =	vld.idx.msk [tilespmem:v17+s15+$0x0], $0xffff;
	v18 =	vor.u32 v10, v18  }
0x2b5: {  	v18 =	vor.u32 v48, v18;
	_ =	sdelay $0x3  }
0x2b6: {  	[tilespmem:v19+s18+$0x0] =	vst.idx.msk $0xffff, v17;
	v17 =	vadd.s32 v49, v11  }
0x2b7: {  	v19 =	vadd.s32 s31, v1;
	v18 =	vld.idx.msk [tilespmem:v18+s15+$0x0], $0xffff;
	v17 =	vor.u32 v12, v17  }
0x2b8: {  	v17 =	vor.u32 v48, v17;
	_ =	sdelay $0x3  }
0x2b9: {  	[tilespmem:v19+s18+$0x0] =	vst.idx.msk $0xffff, v18;
	v18 =	vadd.s32 v49, v13  }
0x2ba: {  	v19 =	vadd.s32 s31, v2;
	v17 =	vld.idx.msk [tilespmem:v17+s15+$0x0], $0xffff;
	v18 =	vor.u32 v14, v18  }
0x2bb: {  	v18 =	vor.u32 v48, v18;
	_ =	sdelay $0x3  }
0x2bc: {  	[tilespmem:v19+s18+$0x0] =	vst.idx.msk $0xffff, v17;
	v17 =	vadd.s32 v49, v15  }
0x2bd: {  	v19 =	vadd.s32 s31, v3;
	v18 =	vld.idx.msk [tilespmem:v18+s15+$0x0], $0xffff;
	v17 =	vor.u32 v16, v17  }
0x2be: {  	v17 =	vor.u32 v48, v17;
	_ =	sdelay $0x3  }
0x2bf: {  	v9 =	vadd.s32 v51, v9;
	[tilespmem:v19+s18+$0x0] =	vst.idx.msk $0xffff, v18  }
0x2c0: {  	v9 =	vor.u32 v10, v9;
	v18 =	vadd.s32 s31, v22;
	v17 =	vld.idx.msk [tilespmem:v17+s15+$0x0], $0xffff  }
0x2c1: {  	v9 =	vor.u32 v50, v9;
	_ =	sdelay $0x3  }
0x2c2: {  	v10 =	vadd.s32 v51, v11;
	[tilespmem:v18+s18+$0x0] =	vst.idx.msk $0xffff, v17  }
0x2c3: {  	v10 =	vor.u32 v12, v10;
	v11 =	vadd.s32 s31, v5;
	v9 =	vld.idx.msk [tilespmem:v9+s15+$0x0], $0xffff  }
0x2c4: {  	v10 =	vor.u32 v50, v10;
	_ =	sdelay $0x3  }
0x2c5: {  	[tilespmem:v11+s18+$0x0] =	vst.idx.msk $0xffff, v9;
	v9 =	vadd.s32 v51, v13  }
0x2c6: {  	v11 =	vadd.s32 s31, v6;
	v10 =	vld.idx.msk [tilespmem:v10+s15+$0x0], $0xffff;
	v9 =	vor.u32 v14, v9  }
0x2c7: {  	v9 =	vor.u32 v50, v9;
	_ =	sdelay $0x3  }
0x2c8: {  	[tilespmem:v11+s18+$0x0] =	vst.idx.msk $0xffff, v10;
	v10 =	vadd.s32 v51, v15  }
0x2c9: {  	v11 =	vadd.s32 s31, v7;
	v9 =	vld.idx.msk [tilespmem:v9+s15+$0x0], $0xffff;
	v10 =	vor.u32 v16, v10  }
0x2ca: {  	v10 =	vor.u32 v50, v10;
	_ =	sdelay $0x3  }
0x2cb: {  	[tilespmem:v11+s18+$0x0] =	vst.idx.msk $0xffff, v9  }
0x2cc: {  	v9 =	vld.idx.msk [tilespmem:v10+s15+$0x0], $0xffff;
	v10 =	vadd.s32 s31, v8;
	_ =	sdelay $0x4  }
0x2cd: {  	[tilespmem:v10+s18+$0x0] =	vst.idx.msk $0xffff, v9  }
0x2ce: {  	v9 =	vld @!p1 [tilespmem:s29+$0xC];
	_ =	sdelay $0x4  }
0x2cf: {  	(v2sf) =	vpush @!p1 v9, $0x0;
	_ =	sdelay $0xe  }
0x2d0: {  	s0 =	spop @!p1 (v2sf)  }
0x2d1: {  	s31 =	sand.u32 @!p1 $0xF, s0  }
0x2d2: {  	p2 =	slt.s32 @!p1 s0, $0x1;
	p3 =	sne.s32 @!p1 s31, $0x0  }
0x2d3: {  	s31 =	sshra.s32 @!p1 s0, $0x1F;
	p2 =	por @!p1 !p2, !p3  }
0x2d4: {  	s31 =	sshrl.u32 @!p1 s31, $0x1C;
	p2 =	por @!p1 !p2, !p2  }
0x2d5: {  	s0 =	sadd.s32 @!p1 s31, s0;
	s31 =	simm.s32 @!p1 $0x1;
	p2 =	por !p2, p1  }
0x2d6: {  	s0 =	sshrl.u32 @!p1 s0, $0x4;
	s31 =	simm.s32 @p2 $0x0  }
0x2d7: {  	s0 =	ssub.s32 @!p1 s0, s31  }
0x2d8: {  	s0 =	smul.u32 @!p1 $0x3000, s0;
	_ =	sdelay $0x1  }
0x2d9: {  	s0 =	sadd.s32 @!p1 s26, s0  }
0x2da: {  	s0 =	sshrl.u32 @!p1 s0, $0x3  }
0x2db: {  	s31 =	simm.s32 @!p1 $0x6280;
	s0 =	sadd.s32 @!p1 s1, s0  }
0x2dc: {  	[tilespmem:s31], [sflag:$0x3] =	stream.linear.gather @!p1 [hbm4b:s0+s30], $0x3000, $0x38;
	[tilespmem:$0x1F180] =	vst v63  }
0x2dd: {  	_ =	swait.ge [sflag:s21], $0x3000  }
0x2de: {  	[sflag:s21] =	ssyncset.done $0x0  }
0x2df: {  	[sflag:s21] =	ssyncadd.s32 $0xFFFFD000  }
0x2e0: {  	v9 =	vld [tilespmem:s29+$0xFFFFFFFC];
	_ =	sdelay $0x4  }
0x2e1: {  	(v2sf) =	vpush v9, $0x0;
	_ =	sdelay $0x5  }
0x2e2: {  	(v2sf) =	vpush v9, $0x1;
	_ =	sdelay $0x8  }
0x2e3: {  	s2 =	spop (v2sf)  }
0x2e4: {  	s0 =	sand.u32 $0xF, s2  }
0x2e5: {  	(v2sf) =	vpush v9, $0x2;
	v10 =	vmov s0  }
0x2e6: {  	(v2sf) =	vpush v9, $0x3;
	v9 =	vshrl.u32 v10, $0x3  }
0x2e7: {  	v9 =	vmul.u32 $0x1800, v9  }
0x2e8: {  	v10 =	vshll.u32 v10, $0x7  }
0x2e9: {  	s31 =	spop (v2sf);
	v10 =	vand.u32 $0x380, v10;
	v11 =	vadd.s32 v29, v9  }
0x2ea: {  	s0 =	sand.u32 $0xF, s31;
	v11 =	vor.u32 v10, v11  }
0x2eb: {  	v12 =	vmov s0;
	v13 =	vor.u32 v28, v11  }
0x2ec: {  	v11 =	vshrl.u32 v12, $0x3  }
0x2ed: {  	v11 =	vmul.u32 $0x1800, v11  }
0x2ee: {  	v12 =	vshll.u32 v12, $0x7  }
0x2ef: {  	s31 =	sadd.s32 $0xC, s28;
	v12 =	vand.u32 $0x380, v12;
	v14 =	vadd.s32 v29, v11  }
0x2f0: {  	v15 =	vadd.s32 s31, v0;
	v16 =	vld.idx.msk [tilespmem:v13+s16+$0x0], $0xffff;
	v13 =	vor.u32 v12, v14  }
0x2f1: {  	v17 =	vor.u32 v28, v13;
	_ =	sdelay $0x3  }
0x2f2: {  	s2 =	spop (v2sf);
	[tilespmem:v15+s18+$0x0] =	vst.idx.msk $0xffff, v16  }
0x2f3: {  	s0 =	sand.u32 $0xF, s2;
	v16 =	vld.idx.msk [tilespmem:v17+s16+$0x0], $0xffff  }
0x2f4: {  	v14 =	vmov s0;
	v17 =	vld [tilespmem:$0x1FED0]  }
0x2f5: {  	v13 =	vshrl.u32 v14, $0x3  }
0x2f6: {  	v13 =	vmul.u32 $0x1800, v13  }
0x2f7: {  	v14 =	vshll.u32 v14, $0x7  }
0x2f8: {  	v14 =	vand.u32 $0x380, v14;
	v15 =	vadd.s32 v29, v13  }
0x2f9: {  	v15 =	vor.u32 v14, v15;
	v17 =	vadd.s32 s31, v17  }
0x2fa: {  	v19 =	vor.u32 v28, v15  }
0x2fb: {  	s2 =	spop (v2sf)  }
0x2fc: {  	s0 =	sand.u32 $0xF, s2  }
0x2fd: {  	v18 =	vmov s0  }
0x2fe: {  	v15 =	vshrl.u32 v18, $0x3;
	v18 =	vshll.u32 v18, $0x7;
	[tilespmem:v17+s18+$0x0] =	vst.idx.msk $0xffff, v16  }
0x2ff: {  	v16 =	vand.u32 $0x380, v18;
	v18 =	vld.idx.msk [tilespmem:v19+s16+$0x0], $0xffff  }
0x300: {  	v19 =	vld [tilespmem:$0x1FEE0];
	_ =	sdelay $0x4  }
0x301: {  	v19 =	vadd.s32 s31, v19  }
0x302: {  	v15 =	vmul.u32 $0x1800, v15;
	_ =	sdelay $0x1  }
0x303: {  	v17 =	vadd.s32 v29, v15  }
0x304: {  	v17 =	vor.u32 v16, v17  }
0x305: {  	v17 =	vor.u32 v28, v17;
	[tilespmem:v19+s18+$0x0] =	vst.idx.msk $0xffff, v18;
	v19 =	vld [tilespmem:$0x1FEF0];
	_ =	sdelay $0x4  }
0x306: {  	v17 =	vld.idx.msk [tilespmem:v17+s16+$0x0], $0xffff;
	v19 =	vadd.s32 s31, v19;
	_ =	sdelay $0x2  }
0x307: {  	v18 =	vadd.s32 v31, v9  }
0x308: {  	v18 =	vor.u32 v10, v18  }
0x309: {  	v18 =	vor.u32 v30, v18;
	[tilespmem:v19+s18+$0x0] =	vst.idx.msk $0xffff, v17;
	v19 =	vld [tilespmem:$0x1FF00];
	_ =	sdelay $0x4  }
0x30a: {  	v18 =	vld.idx.msk [tilespmem:v18+s16+$0x0], $0xffff;
	v19 =	vadd.s32 s31, v19;
	_ =	sdelay $0x2  }
0x30b: {  	v17 =	vadd.s32 v31, v11  }
0x30c: {  	v17 =	vor.u32 v12, v17  }
0x30d: {  	v17 =	vor.u32 v30, v17;
	[tilespmem:v19+s18+$0x0] =	vst.idx.msk $0xffff, v18;
	v19 =	vld [tilespmem:$0x1FF10];
	_ =	sdelay $0x4  }
0x30e: {  	v17 =	vld.idx.msk [tilespmem:v17+s16+$0x0], $0xffff;
	v19 =	vadd.s32 s31, v19;
	_ =	sdelay $0x2  }
0x30f: {  	v18 =	vadd.s32 v31, v13  }
0x310: {  	v18 =	vor.u32 v14, v18  }
0x311: {  	v18 =	vor.u32 v30, v18;
	[tilespmem:v19+s18+$0x0] =	vst.idx.msk $0xffff, v17;
	v19 =	vld [tilespmem:$0x1FF40];
	_ =	sdelay $0x4  }
0x312: {  	v18 =	vld.idx.msk [tilespmem:v18+s16+$0x0], $0xffff;
	v19 =	vadd.s32 s31, v19;
	_ =	sdelay $0x2  }
0x313: {  	v17 =	vadd.s32 v31, v15  }
0x314: {  	v17 =	vor.u32 v16, v17  }
0x315: {  	v17 =	vor.u32 v30, v17;
	[tilespmem:v19+s18+$0x0] =	vst.idx.msk $0xffff, v18;
	v19 =	vld [tilespmem:$0x1FF60];
	_ =	sdelay $0x4  }
0x316: {  	v17 =	vld.idx.msk [tilespmem:v17+s16+$0x0], $0xffff;
	v19 =	vadd.s32 s31, v19;
	_ =	sdelay $0x2  }
0x317: {  	v18 =	vadd.s32 v33, v9  }
0x318: {  	v18 =	vor.u32 v10, v18  }
0x319: {  	v18 =	vor.u32 v32, v18;
	[tilespmem:v19+s18+$0x0] =	vst.idx.msk $0xffff, v17;
	v19 =	vld [tilespmem:$0x1FF80];
	_ =	sdelay $0x4  }
0x31a: {  	v18 =	vld.idx.msk [tilespmem:v18+s16+$0x0], $0xffff;
	v19 =	vadd.s32 s31, v19;
	_ =	sdelay $0x2  }
0x31b: {  	v17 =	vadd.s32 v33, v11  }
0x31c: {  	v17 =	vor.u32 v12, v17  }
0x31d: {  	v17 =	vor.u32 v32, v17;
	[tilespmem:v19+s18+$0x0] =	vst.idx.msk $0xffff, v18;
	v19 =	vld [tilespmem:$0x1FF90];
	_ =	sdelay $0x4  }
0x31e: {  	v17 =	vld.idx.msk [tilespmem:v17+s16+$0x0], $0xffff;
	v19 =	vadd.s32 s31, v19;
	_ =	sdelay $0x2  }
0x31f: {  	v18 =	vadd.s32 v33, v13  }
0x320: {  	v18 =	vor.u32 v14, v18  }
0x321: {  	v18 =	vor.u32 v32, v18;
	[tilespmem:v19+s18+$0x0] =	vst.idx.msk $0xffff, v17;
	v19 =	vld [tilespmem:$0x1FF20];
	_ =	sdelay $0x4  }
0x322: {  	v18 =	vld.idx.msk [tilespmem:v18+s16+$0x0], $0xffff;
	v19 =	vadd.s32 s31, v19;
	_ =	sdelay $0x2  }
0x323: {  	v17 =	vadd.s32 v33, v15  }
0x324: {  	v17 =	vor.u32 v16, v17  }
0x325: {  	v17 =	vor.u32 v32, v17;
	[tilespmem:v19+s18+$0x0] =	vst.idx.msk $0xffff, v18;
	v19 =	vld [tilespmem:$0x1FF30];
	_ =	sdelay $0x4  }
0x326: {  	v17 =	vld.idx.msk [tilespmem:v17+s16+$0x0], $0xffff;
	v19 =	vadd.s32 s31, v19;
	_ =	sdelay $0x2  }
0x327: {  	v18 =	vadd.s32 v35, v9  }
0x328: {  	v18 =	vor.u32 v10, v18  }
0x329: {  	v18 =	vor.u32 v34, v18;
	[tilespmem:v19+s18+$0x0] =	vst.idx.msk $0xffff, v17;
	v19 =	vld [tilespmem:$0x1FFA0];
	_ =	sdelay $0x3  }
0x32a: {  	v17 =	vadd.s32 v35, v11  }
0x32b: {  	v18 =	vld.idx.msk [tilespmem:v18+s16+$0x0], $0xffff;
	v17 =	vor.u32 v12, v17;
	v19 =	vadd.s32 s31, v19  }
0x32c: {  	v17 =	vor.u32 v34, v17;
	_ =	sdelay $0x3  }
0x32d: {  	[tilespmem:v19+s18+$0x0] =	vst.idx.msk $0xffff, v18  }
0x32e: {  	v19 =	vadd.s32 s31, v59;
	v17 =	vld.idx.msk [tilespmem:v17+s16+$0x0], $0xffff;
	_ =	sdelay $0x2  }
0x32f: {  	v18 =	vadd.s32 v35, v13  }
0x330: {  	v18 =	vor.u32 v14, v18  }
0x331: {  	v18 =	vor.u32 v34, v18;
	[tilespmem:v19+s18+$0x0] =	vst.idx.msk $0xffff, v17;
	v19 =	vld [tilespmem:$0x1FFE0];
	_ =	sdelay $0x3  }
0x332: {  	v17 =	vadd.s32 v35, v15  }
0x333: {  	v18 =	vld.idx.msk [tilespmem:v18+s16+$0x0], $0xffff;
	v17 =	vor.u32 v16, v17;
	v19 =	vadd.s32 s31, v19  }
0x334: {  	v17 =	vor.u32 v34, v17;
	_ =	sdelay $0x3  }
0x335: {  	[tilespmem:v19+s18+$0x0] =	vst.idx.msk $0xffff, v18;
	v18 =	vadd.s32 v37, v9  }
0x336: {  	v19 =	vadd.s32 s31, v53;
	v17 =	vld.idx.msk [tilespmem:v17+s16+$0x0], $0xffff;
	v18 =	vor.u32 v10, v18  }
0x337: {  	v18 =	vor.u32 v36, v18;
	_ =	sdelay $0x3  }
0x338: {  	[tilespmem:v19+s18+$0x0] =	vst.idx.msk $0xffff, v17  }
0x339: {  	v19 =	vadd.s32 s31, v4;
	v18 =	vld.idx.msk [tilespmem:v18+s16+$0x0], $0xffff;
	_ =	sdelay $0x2  }
0x33a: {  	v17 =	vadd.s32 v37, v11  }
0x33b: {  	v17 =	vor.u32 v12, v17  }
0x33c: {  	v17 =	vor.u32 v36, v17;
	[tilespmem:v19+s18+$0x0] =	vst.idx.msk $0xffff, v18;
	v19 =	vld [tilespmem:$0x1FFD0];
	_ =	sdelay $0x4  }
0x33d: {  	v17 =	vld.idx.msk [tilespmem:v17+s16+$0x0], $0xffff;
	v19 =	vadd.s32 s31, v19;
	_ =	sdelay $0x2  }
0x33e: {  	v18 =	vadd.s32 v37, v13  }
0x33f: {  	v18 =	vor.u32 v14, v18  }
0x340: {  	v18 =	vor.u32 v36, v18;
	[tilespmem:v19+s18+$0x0] =	vst.idx.msk $0xffff, v17;
	v19 =	vld [tilespmem:$0x1FFF0];
	_ =	sdelay $0x3  }
0x341: {  	v17 =	vadd.s32 v37, v15  }
0x342: {  	v18 =	vld.idx.msk [tilespmem:v18+s16+$0x0], $0xffff;
	v17 =	vor.u32 v16, v17;
	v19 =	vadd.s32 s31, v19  }
0x343: {  	v17 =	vor.u32 v36, v17;
	_ =	sdelay $0x3  }
0x344: {  	[tilespmem:v19+s18+$0x0] =	vst.idx.msk $0xffff, v18;
	v18 =	vadd.s32 v39, v9  }
0x345: {  	v19 =	vadd.s32 s31, v54;
	v17 =	vld.idx.msk [tilespmem:v17+s16+$0x0], $0xffff;
	v18 =	vor.u32 v10, v18  }
0x346: {  	v18 =	vor.u32 v38, v18;
	_ =	sdelay $0x3  }
0x347: {  	[tilespmem:v19+s18+$0x0] =	vst.idx.msk $0xffff, v17  }
0x348: {  	v19 =	vadd.s32 s31, v55;
	v18 =	vld.idx.msk [tilespmem:v18+s16+$0x0], $0xffff;
	_ =	sdelay $0x2  }
0x349: {  	v17 =	vadd.s32 v39, v11  }
0x34a: {  	v17 =	vor.u32 v12, v17  }
0x34b: {  	v17 =	vor.u32 v38, v17;
	[tilespmem:v19+s18+$0x0] =	vst.idx.msk $0xffff, v18;
	v19 =	vld [tilespmem:$0x1FFB0];
	_ =	sdelay $0x4  }
0x34c: {  	v17 =	vld.idx.msk [tilespmem:v17+s16+$0x0], $0xffff;
	v19 =	vadd.s32 s31, v19;
	_ =	sdelay $0x2  }
0x34d: {  	v18 =	vadd.s32 v39, v13  }
0x34e: {  	v18 =	vor.u32 v14, v18  }
0x34f: {  	v18 =	vor.u32 v38, v18;
	[tilespmem:v19+s18+$0x0] =	vst.idx.msk $0xffff, v17;
	v19 =	vld [tilespmem:$0x1FFC0];
	_ =	sdelay $0x4  }
0x350: {  	v18 =	vld.idx.msk [tilespmem:v18+s16+$0x0], $0xffff;
	v19 =	vadd.s32 s31, v19;
	_ =	sdelay $0x2  }
0x351: {  	v17 =	vadd.s32 v39, v15  }
0x352: {  	v17 =	vor.u32 v16, v17  }
0x353: {  	v17 =	vor.u32 v38, v17;
	[tilespmem:v19+s18+$0x0] =	vst.idx.msk $0xffff, v18;
	v19 =	vld [tilespmem:$0x1FF50];
	_ =	sdelay $0x3  }
0x354: {  	v18 =	vadd.s32 v41, v9  }
0x355: {  	v17 =	vld.idx.msk [tilespmem:v17+s16+$0x0], $0xffff;
	v18 =	vor.u32 v10, v18;
	v19 =	vadd.s32 s31, v19  }
0x356: {  	v18 =	vor.u32 v40, v18;
	_ =	sdelay $0x3  }
0x357: {  	[tilespmem:v19+s18+$0x0] =	vst.idx.msk $0xffff, v17  }
0x358: {  	v19 =	vadd.s32 s31, v23;
	v18 =	vld.idx.msk [tilespmem:v18+s16+$0x0], $0xffff;
	_ =	sdelay $0x2  }
0x359: {  	v17 =	vadd.s32 v41, v11  }
0x35a: {  	v17 =	vor.u32 v12, v17  }
0x35b: {  	v17 =	vor.u32 v40, v17;
	[tilespmem:v19+s18+$0x0] =	vst.idx.msk $0xffff, v18;
	v19 =	vld [tilespmem:$0x1FF70];
	_ =	sdelay $0x3  }
0x35c: {  	v18 =	vadd.s32 v41, v13  }
0x35d: {  	v17 =	vld.idx.msk [tilespmem:v17+s16+$0x0], $0xffff;
	v18 =	vor.u32 v14, v18;
	v19 =	vadd.s32 s31, v19  }
0x35e: {  	v18 =	vor.u32 v40, v18;
	_ =	sdelay $0x3  }
0x35f: {  	[tilespmem:v19+s18+$0x0] =	vst.idx.msk $0xffff, v17;
	v17 =	vadd.s32 v41, v15  }
0x360: {  	v19 =	vadd.s32 s31, v61;
	v18 =	vld.idx.msk [tilespmem:v18+s16+$0x0], $0xffff;
	v17 =	vor.u32 v16, v17  }
0x361: {  	v17 =	vor.u32 v40, v17;
	_ =	sdelay $0x3  }
0x362: {  	[tilespmem:v19+s18+$0x0] =	vst.idx.msk $0xffff, v18;
	v18 =	vadd.s32 v43, v9  }
0x363: {  	v19 =	vadd.s32 s31, v62;
	v17 =	vld.idx.msk [tilespmem:v17+s16+$0x0], $0xffff;
	v18 =	vor.u32 v10, v18  }
0x364: {  	v18 =	vor.u32 v42, v18;
	_ =	sdelay $0x3  }
0x365: {  	[tilespmem:v19+s18+$0x0] =	vst.idx.msk $0xffff, v17;
	v17 =	vadd.s32 v43, v11  }
0x366: {  	v19 =	vadd.s32 s31, v24;
	v18 =	vld.idx.msk [tilespmem:v18+s16+$0x0], $0xffff;
	v17 =	vor.u32 v12, v17  }
0x367: {  	v17 =	vor.u32 v42, v17;
	_ =	sdelay $0x3  }
0x368: {  	[tilespmem:v19+s18+$0x0] =	vst.idx.msk $0xffff, v18;
	v18 =	vadd.s32 v43, v13  }
0x369: {  	v19 =	vadd.s32 s31, v25;
	v17 =	vld.idx.msk [tilespmem:v17+s16+$0x0], $0xffff;
	v18 =	vor.u32 v14, v18  }
0x36a: {  	v18 =	vor.u32 v42, v18;
	_ =	sdelay $0x3  }
0x36b: {  	[tilespmem:v19+s18+$0x0] =	vst.idx.msk $0xffff, v17;
	v17 =	vadd.s32 v43, v15  }
0x36c: {  	v19 =	vadd.s32 s31, v26;
	v18 =	vld.idx.msk [tilespmem:v18+s16+$0x0], $0xffff;
	v17 =	vor.u32 v16, v17  }
0x36d: {  	v17 =	vor.u32 v42, v17;
	_ =	sdelay $0x3  }
0x36e: {  	[tilespmem:v19+s18+$0x0] =	vst.idx.msk $0xffff, v18;
	v18 =	vadd.s32 v45, v9  }
0x36f: {  	v19 =	vadd.s32 s31, v27;
	v17 =	vld.idx.msk [tilespmem:v17+s16+$0x0], $0xffff;
	v18 =	vor.u32 v10, v18  }
0x370: {  	v18 =	vor.u32 v44, v18;
	_ =	sdelay $0x3  }
0x371: {  	[tilespmem:v19+s18+$0x0] =	vst.idx.msk $0xffff, v17;
	v17 =	vadd.s32 v45, v11  }
0x372: {  	v19 =	vadd.s32 s31, v52;
	v18 =	vld.idx.msk [tilespmem:v18+s16+$0x0], $0xffff;
	v17 =	vor.u32 v12, v17  }
0x373: {  	v17 =	vor.u32 v44, v17;
	_ =	sdelay $0x3  }
0x374: {  	[tilespmem:v19+s18+$0x0] =	vst.idx.msk $0xffff, v18;
	v18 =	vadd.s32 v45, v13  }
0x375: {  	v19 =	vadd.s32 s31, v56;
	v17 =	vld.idx.msk [tilespmem:v17+s16+$0x0], $0xffff;
	v18 =	vor.u32 v14, v18  }
0x376: {  	v18 =	vor.u32 v44, v18;
	_ =	sdelay $0x3  }
0x377: {  	[tilespmem:v19+s18+$0x0] =	vst.idx.msk $0xffff, v17;
	v17 =	vadd.s32 v45, v15  }
0x378: {  	v19 =	vadd.s32 s31, v57;
	v18 =	vld.idx.msk [tilespmem:v18+s16+$0x0], $0xffff;
	v17 =	vor.u32 v16, v17  }
0x379: {  	v17 =	vor.u32 v44, v17;
	_ =	sdelay $0x3  }
0x37a: {  	[tilespmem:v19+s18+$0x0] =	vst.idx.msk $0xffff, v18;
	v18 =	vadd.s32 v47, v9  }
0x37b: {  	v19 =	vadd.s32 s31, v20;
	v17 =	vld.idx.msk [tilespmem:v17+s16+$0x0], $0xffff;
	v18 =	vor.u32 v10, v18  }
0x37c: {  	v18 =	vor.u32 v46, v18;
	_ =	sdelay $0x3  }
0x37d: {  	[tilespmem:v19+s18+$0x0] =	vst.idx.msk $0xffff, v17;
	v17 =	vadd.s32 v47, v11  }
0x37e: {  	v19 =	vadd.s32 s31, v60;
	v18 =	vld.idx.msk [tilespmem:v18+s16+$0x0], $0xffff;
	v17 =	vor.u32 v12, v17  }
0x37f: {  	v17 =	vor.u32 v46, v17;
	_ =	sdelay $0x3  }
0x380: {  	[tilespmem:v19+s18+$0x0] =	vst.idx.msk $0xffff, v18;
	v18 =	vadd.s32 v47, v13  }
0x381: {  	v19 =	vadd.s32 s31, v21;
	v17 =	vld.idx.msk [tilespmem:v17+s16+$0x0], $0xffff;
	v18 =	vor.u32 v14, v18  }
0x382: {  	v18 =	vor.u32 v46, v18;
	_ =	sdelay $0x3  }
0x383: {  	[tilespmem:v19+s18+$0x0] =	vst.idx.msk $0xffff, v17;
	v17 =	vadd.s32 v47, v15  }
0x384: {  	v19 =	vadd.s32 s31, v58;
	v18 =	vld.idx.msk [tilespmem:v18+s16+$0x0], $0xffff;
	v17 =	vor.u32 v16, v17  }
0x385: {  	v17 =	vor.u32 v46, v17;
	_ =	sdelay $0x3  }
0x386: {  	[tilespmem:v19+s18+$0x0] =	vst.idx.msk $0xffff, v18;
	v18 =	vadd.s32 v49, v9  }
0x387: {  	v19 =	vadd.s32 s31, v63;
	v17 =	vld.idx.msk [tilespmem:v17+s16+$0x0], $0xffff;
	v18 =	vor.u32 v10, v18  }
0x388: {  	v18 =	vor.u32 v48, v18;
	_ =	sdelay $0x3  }
0x389: {  	[tilespmem:v19+s18+$0x0] =	vst.idx.msk $0xffff, v17;
	v17 =	vadd.s32 v49, v11  }
0x38a: {  	v19 =	vadd.s32 s31, v1;
	v18 =	vld.idx.msk [tilespmem:v18+s16+$0x0], $0xffff;
	v17 =	vor.u32 v12, v17  }
0x38b: {  	v17 =	vor.u32 v48, v17;
	_ =	sdelay $0x3  }
0x38c: {  	[tilespmem:v19+s18+$0x0] =	vst.idx.msk $0xffff, v18;
	v18 =	vadd.s32 v49, v13  }
0x38d: {  	v19 =	vadd.s32 s31, v2;
	v17 =	vld.idx.msk [tilespmem:v17+s16+$0x0], $0xffff;
	v18 =	vor.u32 v14, v18  }
0x38e: {  	v18 =	vor.u32 v48, v18;
	_ =	sdelay $0x3  }
0x38f: {  	[tilespmem:v19+s18+$0x0] =	vst.idx.msk $0xffff, v17;
	v17 =	vadd.s32 v49, v15  }
0x390: {  	v19 =	vadd.s32 s31, v3;
	v18 =	vld.idx.msk [tilespmem:v18+s16+$0x0], $0xffff;
	v17 =	vor.u32 v16, v17  }
0x391: {  	v17 =	vor.u32 v48, v17;
	_ =	sdelay $0x3  }
0x392: {  	v9 =	vadd.s32 v51, v9;
	[tilespmem:v19+s18+$0x0] =	vst.idx.msk $0xffff, v18  }
0x393: {  	v9 =	vor.u32 v10, v9;
	v18 =	vadd.s32 s31, v22;
	v17 =	vld.idx.msk [tilespmem:v17+s16+$0x0], $0xffff  }
0x394: {  	v9 =	vor.u32 v50, v9;
	_ =	sdelay $0x3  }
0x395: {  	v10 =	vadd.s32 v51, v11;
	[tilespmem:v18+s18+$0x0] =	vst.idx.msk $0xffff, v17  }
0x396: {  	v10 =	vor.u32 v12, v10;
	v11 =	vadd.s32 s31, v5;
	v9 =	vld.idx.msk [tilespmem:v9+s16+$0x0], $0xffff  }
0x397: {  	v10 =	vor.u32 v50, v10;
	_ =	sdelay $0x3  }
0x398: {  	[tilespmem:v11+s18+$0x0] =	vst.idx.msk $0xffff, v9;
	v9 =	vadd.s32 v51, v13  }
0x399: {  	v11 =	vadd.s32 s31, v6;
	v10 =	vld.idx.msk [tilespmem:v10+s16+$0x0], $0xffff;
	v9 =	vor.u32 v14, v9  }
0x39a: {  	v9 =	vor.u32 v50, v9;
	_ =	sdelay $0x3  }
0x39b: {  	[tilespmem:v11+s18+$0x0] =	vst.idx.msk $0xffff, v10;
	v10 =	vadd.s32 v51, v15  }
0x39c: {  	v11 =	vadd.s32 s31, v7;
	v9 =	vld.idx.msk [tilespmem:v9+s16+$0x0], $0xffff;
	v10 =	vor.u32 v16, v10  }
0x39d: {  	v10 =	vor.u32 v50, v10;
	_ =	sdelay $0x3  }
0x39e: {  	[tilespmem:v11+s18+$0x0] =	vst.idx.msk $0xffff, v9  }
0x39f: {  	v9 =	vld.idx.msk [tilespmem:v10+s16+$0x0], $0xffff;
	v10 =	vadd.s32 s31, v8;
	_ =	sdelay $0x4  }
0x3a0: {  	[tilespmem:v10+s18+$0x0] =	vst.idx.msk $0xffff, v9  }
0x3a1: {  	v9 =	vld @!p1 [tilespmem:s29+$0x10];
	_ =	sdelay $0x4  }
0x3a2: {  	(v2sf) =	vpush @!p1 v9, $0x0;
	_ =	sdelay $0xe  }
0x3a3: {  	s0 =	spop @!p1 (v2sf)  }
0x3a4: {  	s31 =	sand.u32 @!p1 $0xF, s0  }
0x3a5: {  	p2 =	slt.s32 @!p1 s0, $0x1;
	p3 =	sne.s32 @!p1 s31, $0x0  }
0x3a6: {  	s31 =	sshra.s32 @!p1 s0, $0x1F;
	p2 =	por @!p1 !p2, !p3  }
0x3a7: {  	s31 =	sshrl.u32 @!p1 s31, $0x1C;
	p2 =	por @!p1 !p2, !p2  }
0x3a8: {  	s2 =	simm.s32 @!p1 $0x1;
	s0 =	sadd.s32 @!p1 s31, s0;
	p2 =	por !p2, p1  }
0x3a9: {  	s0 =	sshrl.u32 @!p1 s0, $0x4;
	s2 =	simm.s32 @p2 $0x0  }
0x3aa: {  	s0 =	ssub.s32 @!p1 s0, s2  }
0x3ab: {  	s0 =	smul.u32 @!p1 $0x3000, s0;
	_ =	sdelay $0x1  }
0x3ac: {  	s0 =	sadd.s32 @!p1 s26, s0  }
0x3ad: {  	s0 =	sshrl.u32 @!p1 s0, $0x3  }
0x3ae: {  	s2 =	simm.s32 @!p1 $0x9280;
	s0 =	sadd.s32 @!p1 s1, s0  }
0x3af: {  	[tilespmem:s2], [sflag:$0x4] =	stream.linear.gather @!p1 [hbm4b:s0+s30], $0x3000, $0x38;
	[tilespmem:$0x1F180] =	vst v63  }
0x3b0: {  	_ =	swait.ge [sflag:s22], $0x3000  }
0x3b1: {  	[sflag:s22] =	ssyncset.done $0x0  }
0x3b2: {  	[sflag:s22] =	ssyncadd.s32 $0xFFFFD000  }
0x3b3: {  	v9 =	vld [tilespmem:s29+$0x0];
	_ =	sdelay $0x4  }
0x3b4: {  	(v2sf) =	vpush v9, $0x0;
	_ =	sdelay $0x5  }
0x3b5: {  	(v2sf) =	vpush v9, $0x1;
	_ =	sdelay $0x8  }
0x3b6: {  	s2 =	spop (v2sf)  }
0x3b7: {  	s0 =	sand.u32 $0xF, s2  }
0x3b8: {  	(v2sf) =	vpush v9, $0x2;
	v10 =	vmov s0  }
0x3b9: {  	(v2sf) =	vpush v9, $0x3;
	v9 =	vshrl.u32 v10, $0x3  }
0x3ba: {  	v9 =	vmul.u32 $0x1800, v9  }
0x3bb: {  	v10 =	vshll.u32 v10, $0x7  }
0x3bc: {  	s30 =	spop (v2sf);
	v10 =	vand.u32 $0x380, v10;
	v11 =	vadd.s32 v29, v9  }
0x3bd: {  	s0 =	sand.u32 $0xF, s30;
	v11 =	vor.u32 v10, v11  }
0x3be: {  	v12 =	vmov s0;
	v13 =	vor.u32 v28, v11  }
0x3bf: {  	v11 =	vshrl.u32 v12, $0x3  }
0x3c0: {  	v11 =	vmul.u32 $0x1800, v11  }
0x3c1: {  	v12 =	vshll.u32 v12, $0x7  }
0x3c2: {  	s2 =	sadd.s32 $0x10, s28;
	v12 =	vand.u32 $0x380, v12;
	v14 =	vadd.s32 v29, v11  }
0x3c3: {  	v15 =	vadd.s32 s2, v0;
	v16 =	vld.idx.msk [tilespmem:v13+s17+$0x0], $0xffff;
	v13 =	vor.u32 v12, v14  }
0x3c4: {  	v17 =	vor.u32 v28, v13;
	_ =	sdelay $0x3  }
0x3c5: {  	s31 =	spop (v2sf);
	[tilespmem:v15+s18+$0x0] =	vst.idx.msk $0xffff, v16  }
0x3c6: {  	s0 =	sand.u32 $0xF, s31;
	v16 =	vld.idx.msk [tilespmem:v17+s17+$0x0], $0xffff  }
0x3c7: {  	v14 =	vmov s0;
	v17 =	vld [tilespmem:$0x1FED0]  }
0x3c8: {  	v13 =	vshrl.u32 v14, $0x3  }
0x3c9: {  	v13 =	vmul.u32 $0x1800, v13  }
0x3ca: {  	v14 =	vshll.u32 v14, $0x7  }
0x3cb: {  	v14 =	vand.u32 $0x380, v14;
	v15 =	vadd.s32 v29, v13  }
0x3cc: {  	v15 =	vor.u32 v14, v15;
	v17 =	vadd.s32 s2, v17  }
0x3cd: {  	v19 =	vor.u32 v28, v15  }
0x3ce: {  	s31 =	spop (v2sf)  }
0x3cf: {  	s0 =	sand.u32 $0xF, s31  }
0x3d0: {  	v18 =	vmov s0  }
0x3d1: {  	v15 =	vshrl.u32 v18, $0x3;
	v18 =	vshll.u32 v18, $0x7;
	[tilespmem:v17+s18+$0x0] =	vst.idx.msk $0xffff, v16  }
0x3d2: {  	v16 =	vand.u32 $0x380, v18;
	v18 =	vld.idx.msk [tilespmem:v19+s17+$0x0], $0xffff  }
0x3d3: {  	v19 =	vld [tilespmem:$0x1FEE0];
	_ =	sdelay $0x4  }
0x3d4: {  	v19 =	vadd.s32 s2, v19  }
0x3d5: {  	v15 =	vmul.u32 $0x1800, v15;
	_ =	sdelay $0x1  }
0x3d6: {  	v17 =	vadd.s32 v29, v15  }
0x3d7: {  	v17 =	vor.u32 v16, v17  }
0x3d8: {  	v17 =	vor.u32 v28, v17;
	[tilespmem:v19+s18+$0x0] =	vst.idx.msk $0xffff, v18;
	v19 =	vld [tilespmem:$0x1FEF0];
	_ =	sdelay $0x4  }
0x3d9: {  	v17 =	vld.idx.msk [tilespmem:v17+s17+$0x0], $0xffff;
	v19 =	vadd.s32 s2, v19;
	_ =	sdelay $0x2  }
0x3da: {  	v18 =	vadd.s32 v31, v9  }
0x3db: {  	v18 =	vor.u32 v10, v18  }
0x3dc: {  	v18 =	vor.u32 v30, v18;
	[tilespmem:v19+s18+$0x0] =	vst.idx.msk $0xffff, v17;
	v19 =	vld [tilespmem:$0x1FF00];
	_ =	sdelay $0x4  }
0x3dd: {  	v18 =	vld.idx.msk [tilespmem:v18+s17+$0x0], $0xffff;
	v19 =	vadd.s32 s2, v19;
	_ =	sdelay $0x2  }
0x3de: {  	v17 =	vadd.s32 v31, v11  }
0x3df: {  	v17 =	vor.u32 v12, v17  }
0x3e0: {  	v17 =	vor.u32 v30, v17;
	[tilespmem:v19+s18+$0x0] =	vst.idx.msk $0xffff, v18;
	v19 =	vld [tilespmem:$0x1FF10];
	_ =	sdelay $0x4  }
0x3e1: {  	v17 =	vld.idx.msk [tilespmem:v17+s17+$0x0], $0xffff;
	v19 =	vadd.s32 s2, v19;
	_ =	sdelay $0x2  }
0x3e2: {  	v18 =	vadd.s32 v31, v13  }
0x3e3: {  	v18 =	vor.u32 v14, v18  }
0x3e4: {  	v18 =	vor.u32 v30, v18;
	[tilespmem:v19+s18+$0x0] =	vst.idx.msk $0xffff, v17;
	v19 =	vld [tilespmem:$0x1FF40];
	_ =	sdelay $0x4  }
0x3e5: {  	v18 =	vld.idx.msk [tilespmem:v18+s17+$0x0], $0xffff;
	v19 =	vadd.s32 s2, v19;
	_ =	sdelay $0x2  }
0x3e6: {  	v17 =	vadd.s32 v31, v15  }
0x3e7: {  	v17 =	vor.u32 v16, v17  }
0x3e8: {  	v17 =	vor.u32 v30, v17;
	[tilespmem:v19+s18+$0x0] =	vst.idx.msk $0xffff, v18;
	v19 =	vld [tilespmem:$0x1FF60];
	_ =	sdelay $0x4  }
0x3e9: {  	v17 =	vld.idx.msk [tilespmem:v17+s17+$0x0], $0xffff;
	v19 =	vadd.s32 s2, v19;
	_ =	sdelay $0x2  }
0x3ea: {  	v18 =	vadd.s32 v33, v9  }
0x3eb: {  	v18 =	vor.u32 v10, v18  }
0x3ec: {  	v18 =	vor.u32 v32, v18;
	[tilespmem:v19+s18+$0x0] =	vst.idx.msk $0xffff, v17;
	v19 =	vld [tilespmem:$0x1FF80];
	_ =	sdelay $0x4  }
0x3ed: {  	v18 =	vld.idx.msk [tilespmem:v18+s17+$0x0], $0xffff;
	v19 =	vadd.s32 s2, v19;
	_ =	sdelay $0x2  }
0x3ee: {  	v17 =	vadd.s32 v33, v11  }
0x3ef: {  	v17 =	vor.u32 v12, v17  }
0x3f0: {  	v17 =	vor.u32 v32, v17;
	[tilespmem:v19+s18+$0x0] =	vst.idx.msk $0xffff, v18;
	v19 =	vld [tilespmem:$0x1FF90];
	_ =	sdelay $0x4  }
0x3f1: {  	v17 =	vld.idx.msk [tilespmem:v17+s17+$0x0], $0xffff;
	v19 =	vadd.s32 s2, v19;
	_ =	sdelay $0x2  }
0x3f2: {  	v18 =	vadd.s32 v33, v13  }
0x3f3: {  	v18 =	vor.u32 v14, v18  }
0x3f4: {  	v18 =	vor.u32 v32, v18;
	[tilespmem:v19+s18+$0x0] =	vst.idx.msk $0xffff, v17;
	v19 =	vld [tilespmem:$0x1FF20];
	_ =	sdelay $0x4  }
0x3f5: {  	v18 =	vld.idx.msk [tilespmem:v18+s17+$0x0], $0xffff;
	v19 =	vadd.s32 s2, v19;
	_ =	sdelay $0x2  }
0x3f6: {  	v17 =	vadd.s32 v33, v15  }
0x3f7: {  	v17 =	vor.u32 v16, v17  }
0x3f8: {  	v17 =	vor.u32 v32, v17;
	[tilespmem:v19+s18+$0x0] =	vst.idx.msk $0xffff, v18;
	v19 =	vld [tilespmem:$0x1FF30];
	_ =	sdelay $0x4  }
0x3f9: {  	v17 =	vld.idx.msk [tilespmem:v17+s17+$0x0], $0xffff;
	v19 =	vadd.s32 s2, v19;
	_ =	sdelay $0x2  }
0x3fa: {  	v18 =	vadd.s32 v35, v9  }
0x3fb: {  	v18 =	vor.u32 v10, v18  }
0x3fc: {  	v18 =	vor.u32 v34, v18;
	[tilespmem:v19+s18+$0x0] =	vst.idx.msk $0xffff, v17;
	v19 =	vld [tilespmem:$0x1FFA0];
	_ =	sdelay $0x3  }
0x3fd: {  	v17 =	vadd.s32 v35, v11  }
0x3fe: {  	v18 =	vld.idx.msk [tilespmem:v18+s17+$0x0], $0xffff;
	v17 =	vor.u32 v12, v17;
	v19 =	vadd.s32 s2, v19  }
0x3ff: {  	v17 =	vor.u32 v34, v17;
	_ =	sdelay $0x3  }
0x400: {  	[tilespmem:v19+s18+$0x0] =	vst.idx.msk $0xffff, v18  }
0x401: {  	v19 =	vadd.s32 s2, v59;
	v17 =	vld.idx.msk [tilespmem:v17+s17+$0x0], $0xffff;
	_ =	sdelay $0x2  }
0x402: {  	v18 =	vadd.s32 v35, v13  }
0x403: {  	v18 =	vor.u32 v14, v18  }
0x404: {  	v18 =	vor.u32 v34, v18;
	[tilespmem:v19+s18+$0x0] =	vst.idx.msk $0xffff, v17;
	v19 =	vld [tilespmem:$0x1FFE0];
	_ =	sdelay $0x3  }
0x405: {  	v17 =	vadd.s32 v35, v15  }
0x406: {  	v18 =	vld.idx.msk [tilespmem:v18+s17+$0x0], $0xffff;
	v17 =	vor.u32 v16, v17;
	v19 =	vadd.s32 s2, v19  }
0x407: {  	v17 =	vor.u32 v34, v17;
	_ =	sdelay $0x3  }
0x408: {  	[tilespmem:v19+s18+$0x0] =	vst.idx.msk $0xffff, v18;
	v18 =	vadd.s32 v37, v9  }
0x409: {  	v19 =	vadd.s32 s2, v53;
	v17 =	vld.idx.msk [tilespmem:v17+s17+$0x0], $0xffff;
	v18 =	vor.u32 v10, v18  }
0x40a: {  	v18 =	vor.u32 v36, v18;
	_ =	sdelay $0x3  }
0x40b: {  	[tilespmem:v19+s18+$0x0] =	vst.idx.msk $0xffff, v17  }
0x40c: {  	v19 =	vadd.s32 s2, v4;
	v18 =	vld.idx.msk [tilespmem:v18+s17+$0x0], $0xffff;
	_ =	sdelay $0x2  }
0x40d: {  	v17 =	vadd.s32 v37, v11  }
0x40e: {  	v17 =	vor.u32 v12, v17  }
0x40f: {  	v17 =	vor.u32 v36, v17;
	[tilespmem:v19+s18+$0x0] =	vst.idx.msk $0xffff, v18;
	v19 =	vld [tilespmem:$0x1FFD0];
	_ =	sdelay $0x4  }
0x410: {  	v17 =	vld.idx.msk [tilespmem:v17+s17+$0x0], $0xffff;
	v19 =	vadd.s32 s2, v19;
	_ =	sdelay $0x2  }
0x411: {  	v18 =	vadd.s32 v37, v13  }
0x412: {  	v18 =	vor.u32 v14, v18  }
0x413: {  	v18 =	vor.u32 v36, v18;
	[tilespmem:v19+s18+$0x0] =	vst.idx.msk $0xffff, v17;
	v19 =	vld [tilespmem:$0x1FFF0];
	_ =	sdelay $0x3  }
0x414: {  	v17 =	vadd.s32 v37, v15  }
0x415: {  	v18 =	vld.idx.msk [tilespmem:v18+s17+$0x0], $0xffff;
	v17 =	vor.u32 v16, v17;
	v19 =	vadd.s32 s2, v19  }
0x416: {  	v17 =	vor.u32 v36, v17;
	_ =	sdelay $0x3  }
0x417: {  	[tilespmem:v19+s18+$0x0] =	vst.idx.msk $0xffff, v18;
	v18 =	vadd.s32 v39, v9  }
0x418: {  	v19 =	vadd.s32 s2, v54;
	v17 =	vld.idx.msk [tilespmem:v17+s17+$0x0], $0xffff;
	v18 =	vor.u32 v10, v18  }
0x419: {  	v18 =	vor.u32 v38, v18;
	_ =	sdelay $0x3  }
0x41a: {  	[tilespmem:v19+s18+$0x0] =	vst.idx.msk $0xffff, v17  }
0x41b: {  	v19 =	vadd.s32 s2, v55;
	v18 =	vld.idx.msk [tilespmem:v18+s17+$0x0], $0xffff;
	_ =	sdelay $0x2  }
0x41c: {  	v17 =	vadd.s32 v39, v11  }
0x41d: {  	v17 =	vor.u32 v12, v17  }
0x41e: {  	v17 =	vor.u32 v38, v17;
	[tilespmem:v19+s18+$0x0] =	vst.idx.msk $0xffff, v18;
	v19 =	vld [tilespmem:$0x1FFB0];
	_ =	sdelay $0x4  }
0x41f: {  	v17 =	vld.idx.msk [tilespmem:v17+s17+$0x0], $0xffff;
	v19 =	vadd.s32 s2, v19;
	_ =	sdelay $0x2  }
0x420: {  	v18 =	vadd.s32 v39, v13  }
0x421: {  	v18 =	vor.u32 v14, v18  }
0x422: {  	v18 =	vor.u32 v38, v18;
	[tilespmem:v19+s18+$0x0] =	vst.idx.msk $0xffff, v17;
	v19 =	vld [tilespmem:$0x1FFC0];
	_ =	sdelay $0x4  }
0x423: {  	v18 =	vld.idx.msk [tilespmem:v18+s17+$0x0], $0xffff;
	v19 =	vadd.s32 s2, v19;
	_ =	sdelay $0x2  }
0x424: {  	v17 =	vadd.s32 v39, v15  }
0x425: {  	v17 =	vor.u32 v16, v17  }
0x426: {  	v17 =	vor.u32 v38, v17;
	[tilespmem:v19+s18+$0x0] =	vst.idx.msk $0xffff, v18;
	v19 =	vld [tilespmem:$0x1FF50];
	_ =	sdelay $0x3  }
0x427: {  	v18 =	vadd.s32 v41, v9  }
0x428: {  	v17 =	vld.idx.msk [tilespmem:v17+s17+$0x0], $0xffff;
	v18 =	vor.u32 v10, v18;
	v19 =	vadd.s32 s2, v19  }
0x429: {  	v18 =	vor.u32 v40, v18;
	_ =	sdelay $0x3  }
0x42a: {  	[tilespmem:v19+s18+$0x0] =	vst.idx.msk $0xffff, v17  }
0x42b: {  	v19 =	vadd.s32 s2, v23;
	v18 =	vld.idx.msk [tilespmem:v18+s17+$0x0], $0xffff;
	_ =	sdelay $0x2  }
0x42c: {  	v17 =	vadd.s32 v41, v11  }
0x42d: {  	v17 =	vor.u32 v12, v17  }
0x42e: {  	v17 =	vor.u32 v40, v17;
	[tilespmem:v19+s18+$0x0] =	vst.idx.msk $0xffff, v18;
	v19 =	vld [tilespmem:$0x1FF70];
	_ =	sdelay $0x3  }
0x42f: {  	v18 =	vadd.s32 v41, v13  }
0x430: {  	v17 =	vld.idx.msk [tilespmem:v17+s17+$0x0], $0xffff;
	v18 =	vor.u32 v14, v18;
	v19 =	vadd.s32 s2, v19  }
0x431: {  	v18 =	vor.u32 v40, v18;
	_ =	sdelay $0x3  }
0x432: {  	[tilespmem:v19+s18+$0x0] =	vst.idx.msk $0xffff, v17;
	v17 =	vadd.s32 v41, v15  }
0x433: {  	v19 =	vadd.s32 s2, v61;
	v18 =	vld.idx.msk [tilespmem:v18+s17+$0x0], $0xffff;
	v17 =	vor.u32 v16, v17  }
0x434: {  	v17 =	vor.u32 v40, v17;
	_ =	sdelay $0x3  }
0x435: {  	[tilespmem:v19+s18+$0x0] =	vst.idx.msk $0xffff, v18;
	v18 =	vadd.s32 v43, v9  }
0x436: {  	v19 =	vadd.s32 s2, v62;
	v17 =	vld.idx.msk [tilespmem:v17+s17+$0x0], $0xffff;
	v18 =	vor.u32 v10, v18  }
0x437: {  	v18 =	vor.u32 v42, v18;
	_ =	sdelay $0x3  }
0x438: {  	[tilespmem:v19+s18+$0x0] =	vst.idx.msk $0xffff, v17;
	v17 =	vadd.s32 v43, v11  }
0x439: {  	v19 =	vadd.s32 s2, v24;
	v18 =	vld.idx.msk [tilespmem:v18+s17+$0x0], $0xffff;
	v17 =	vor.u32 v12, v17  }
0x43a: {  	v17 =	vor.u32 v42, v17;
	_ =	sdelay $0x3  }
0x43b: {  	[tilespmem:v19+s18+$0x0] =	vst.idx.msk $0xffff, v18;
	v18 =	vadd.s32 v43, v13  }
0x43c: {  	v19 =	vadd.s32 s2, v25;
	v17 =	vld.idx.msk [tilespmem:v17+s17+$0x0], $0xffff;
	v18 =	vor.u32 v14, v18  }
0x43d: {  	v18 =	vor.u32 v42, v18;
	_ =	sdelay $0x3  }
0x43e: {  	[tilespmem:v19+s18+$0x0] =	vst.idx.msk $0xffff, v17;
	v17 =	vadd.s32 v43, v15  }
0x43f: {  	v19 =	vadd.s32 s2, v26;
	v18 =	vld.idx.msk [tilespmem:v18+s17+$0x0], $0xffff;
	v17 =	vor.u32 v16, v17  }
0x440: {  	v17 =	vor.u32 v42, v17;
	_ =	sdelay $0x3  }
0x441: {  	[tilespmem:v19+s18+$0x0] =	vst.idx.msk $0xffff, v18;
	v18 =	vadd.s32 v45, v9  }
0x442: {  	v19 =	vadd.s32 s2, v27;
	v17 =	vld.idx.msk [tilespmem:v17+s17+$0x0], $0xffff;
	v18 =	vor.u32 v10, v18  }
0x443: {  	v18 =	vor.u32 v44, v18;
	_ =	sdelay $0x3  }
0x444: {  	[tilespmem:v19+s18+$0x0] =	vst.idx.msk $0xffff, v17;
	v17 =	vadd.s32 v45, v11  }
0x445: {  	v19 =	vadd.s32 s2, v52;
	v18 =	vld.idx.msk [tilespmem:v18+s17+$0x0], $0xffff;
	v17 =	vor.u32 v12, v17  }
0x446: {  	v17 =	vor.u32 v44, v17;
	_ =	sdelay $0x3  }
0x447: {  	[tilespmem:v19+s18+$0x0] =	vst.idx.msk $0xffff, v18;
	v18 =	vadd.s32 v45, v13  }
0x448: {  	v19 =	vadd.s32 s2, v56;
	v17 =	vld.idx.msk [tilespmem:v17+s17+$0x0], $0xffff;
	v18 =	vor.u32 v14, v18  }
0x449: {  	v18 =	vor.u32 v44, v18;
	_ =	sdelay $0x3  }
0x44a: {  	[tilespmem:v19+s18+$0x0] =	vst.idx.msk $0xffff, v17;
	v17 =	vadd.s32 v45, v15  }
0x44b: {  	v19 =	vadd.s32 s2, v57;
	v18 =	vld.idx.msk [tilespmem:v18+s17+$0x0], $0xffff;
	v17 =	vor.u32 v16, v17  }
0x44c: {  	v17 =	vor.u32 v44, v17;
	_ =	sdelay $0x3  }
0x44d: {  	[tilespmem:v19+s18+$0x0] =	vst.idx.msk $0xffff, v18;
	v18 =	vadd.s32 v47, v9  }
0x44e: {  	v19 =	vadd.s32 s2, v20;
	v17 =	vld.idx.msk [tilespmem:v17+s17+$0x0], $0xffff;
	v18 =	vor.u32 v10, v18  }
0x44f: {  	v18 =	vor.u32 v46, v18;
	_ =	sdelay $0x3  }
0x450: {  	[tilespmem:v19+s18+$0x0] =	vst.idx.msk $0xffff, v17;
	v17 =	vadd.s32 v47, v11  }
0x451: {  	v19 =	vadd.s32 s2, v60;
	v18 =	vld.idx.msk [tilespmem:v18+s17+$0x0], $0xffff;
	v17 =	vor.u32 v12, v17  }
0x452: {  	v17 =	vor.u32 v46, v17;
	_ =	sdelay $0x3  }
0x453: {  	[tilespmem:v19+s18+$0x0] =	vst.idx.msk $0xffff, v18;
	v18 =	vadd.s32 v47, v13  }
0x454: {  	v19 =	vadd.s32 s2, v21;
	v17 =	vld.idx.msk [tilespmem:v17+s17+$0x0], $0xffff;
	v18 =	vor.u32 v14, v18  }
0x455: {  	v18 =	vor.u32 v46, v18;
	_ =	sdelay $0x3  }
0x456: {  	[tilespmem:v19+s18+$0x0] =	vst.idx.msk $0xffff, v17;
	v17 =	vadd.s32 v47, v15  }
0x457: {  	v19 =	vadd.s32 s2, v58;
	v18 =	vld.idx.msk [tilespmem:v18+s17+$0x0], $0xffff;
	v17 =	vor.u32 v16, v17  }
0x458: {  	v17 =	vor.u32 v46, v17;
	_ =	sdelay $0x3  }
0x459: {  	[tilespmem:v19+s18+$0x0] =	vst.idx.msk $0xffff, v18;
	v18 =	vadd.s32 v49, v9  }
0x45a: {  	v19 =	vadd.s32 s2, v63;
	v17 =	vld.idx.msk [tilespmem:v17+s17+$0x0], $0xffff;
	v18 =	vor.u32 v10, v18  }
0x45b: {  	v18 =	vor.u32 v48, v18;
	_ =	sdelay $0x3  }
0x45c: {  	[tilespmem:v19+s18+$0x0] =	vst.idx.msk $0xffff, v17;
	v17 =	vadd.s32 v49, v11  }
0x45d: {  	v1 =	vadd.s32 s2, v1;
	v18 =	vld.idx.msk [tilespmem:v18+s17+$0x0], $0xffff;
	v17 =	vor.u32 v12, v17  }
0x45e: {  	v17 =	vor.u32 v48, v17;
	_ =	sdelay $0x3  }
0x45f: {  	[tilespmem:v1+s18+$0x0] =	vst.idx.msk $0xffff, v18;
	v1 =	vadd.s32 v49, v13  }
0x460: {  	v2 =	vadd.s32 s2, v2;
	v17 =	vld.idx.msk [tilespmem:v17+s17+$0x0], $0xffff;
	v1 =	vor.u32 v14, v1  }
0x461: {  	v1 =	vor.u32 v48, v1;
	_ =	sdelay $0x3  }
0x462: {  	[tilespmem:v2+s18+$0x0] =	vst.idx.msk $0xffff, v17;
	v2 =	vadd.s32 v49, v15  }
0x463: {  	v3 =	vadd.s32 s2, v3;
	v1 =	vld.idx.msk [tilespmem:v1+s17+$0x0], $0xffff;
	v2 =	vor.u32 v16, v2  }
0x464: {  	v2 =	vor.u32 v48, v2;
	_ =	sdelay $0x3  }
0x465: {  	[tilespmem:v3+s18+$0x0] =	vst.idx.msk $0xffff, v1;
	v1 =	vadd.s32 v51, v9  }
0x466: {  	v3 =	vadd.s32 s2, v22;
	v1 =	vor.u32 v10, v1;
	v2 =	vld.idx.msk [tilespmem:v2+s17+$0x0], $0xffff  }
0x467: {  	v1 =	vor.u32 v50, v1;
	_ =	sdelay $0x3  }
0x468: {  	[tilespmem:v3+s18+$0x0] =	vst.idx.msk $0xffff, v2;
	v2 =	vadd.s32 v51, v11  }
0x469: {  	v3 =	vadd.s32 s2, v5;
	v2 =	vor.u32 v12, v2;
	v1 =	vld.idx.msk [tilespmem:v1+s17+$0x0], $0xffff  }
0x46a: {  	v2 =	vor.u32 v50, v2  }
0x46b: {  	v24 =	vld [tilespmem:$0x1FF10]  }
0x46c: {  	v25 =	vld [tilespmem:$0x1FF40]  }
0x46d: {  	v26 =	vld [tilespmem:$0x1FF60]  }
0x46e: {  	v27 =	vld [tilespmem:$0x1FF80];
	[tilespmem:v3+s18+$0x0] =	vst.idx.msk $0xffff, v1;
	v1 =	vadd.s32 v51, v13  }
0x46f: {  	v3 =	vadd.s32 s2, v6;
	v1 =	vor.u32 v14, v1;
	v2 =	vld.idx.msk [tilespmem:v2+s17+$0x0], $0xffff  }
0x470: {  	v52 =	vld [tilespmem:$0x1FF30];
	v1 =	vor.u32 v50, v1  }
0x471: {  	v56 =	vld [tilespmem:$0x1FFC0]  }
0x472: {  	v57 =	vld [tilespmem:$0x1FFB0]  }
0x473: {  	v20 =	vmov v23;
	v23 =	vld [tilespmem:$0x1FFD0]  }
0x474: {  	v60 =	vld [tilespmem:$0x1FF20];
	[tilespmem:v3+s18+$0x0] =	vst.idx.msk $0xffff, v2;
	v2 =	vadd.s32 v51, v15  }
0x475: {  	v3 =	vadd.s32 s2, v7;
	v2 =	vor.u32 v16, v2;
	v1 =	vld.idx.msk [tilespmem:v1+s17+$0x0], $0xffff  }
0x476: {  	v21 =	vld [tilespmem:$0x1FFE0];
	v2 =	vor.u32 v50, v2  }
0x477: {  	v58 =	vld [tilespmem:$0x1FF50]  }
0x478: {  	v19 =	vld [tilespmem:$0x1FF00]  }
0x479: {  	v18 =	vld [tilespmem:$0x1FEF0]  }
0x47a: {  	s28 =	sadd.s32 $0x14, s28;
	v17 =	vld [tilespmem:$0x1FEE0];
	[tilespmem:v3+s18+$0x0] =	vst.idx.msk $0xffff, v1  }
0x47b: {  	p1 =	sne.s32 s28, $0x168;
	v1 =	vld.idx.msk [tilespmem:v2+s17+$0x0], $0xffff;
	v2 =	vadd.s32 s2, v8  }
.Ltmp0:
0x47c: {  	v22 =	vmov v54;
	v54 =	vld [tilespmem:$0x1FFF0];
	(pc) =	sbr.rel @p1 .LBB2_3-.Ltmp0, $4  }
0x47d: {  	v11 =	vld [tilespmem:$0x1FED0]  }
0x47e: {  	v13 =	vld [tilespmem:$0x1FF90]  }
0x47f: {  	v14 =	vld [tilespmem:$0x1FFA0]  }
0x480: {  	s29 =	sadd.s32 $0x14, s29;
	v15 =	vmov v53;
	v53 =	vmov v59;
	v59 =	vld [tilespmem:$0x1FF70];
	v16 =	vmov v4;
	[tilespmem:v2+s18+$0x0] =	vst.idx.msk $0xffff, v1  }
0x481: {  	s0 =	smul.u32 $0x2D, s25;
	_ =	sdelay $0x1  }
0x482: {  	s25 =	sadd.s32 s0, s9  }
0x483: {  	s26 =	simm.s32 $0x5A0;
	s29 =	simm.s32 $0xF280;
	s28 =	sadd.s32 $0x0, s25  }
.LBB2_5:
0x484: {  	[hbm4b:s28+s4] =	stream.linear.scatter [tilespmem:s29], [sflag:$0x6], $0x168, $0x38;
	[tilespmem:$0x1F180] =	vst v63  }
0x485: {  	s0 =	smov.u32 s26;
	p1 =	sne.s32 s26, $0x3F480  }
.Ltmp1:
0x486: {  	s26 =	sadd.s32 $0x5A0, s26;
	(pc) =	sbr.rel @p1 .LBB2_5-.Ltmp1, $3  }
0x487: {  	_ =	sdelay $0x1  }
0x488: {  	s2 =	sshra.s32 s0, $0x2  }
0x489: {  	s28 =	sadd.s32 s0, s25;
	s29 =	sadd.s32 $0xF280, s2  }
.Ltmp2:
0x48a: {  	(pc) =	sbr.rel @p0 .LBB2_2-.Ltmp2, $3  }
0x48b: {  	_ =	sdelay $0x1  }
0x48c: {  	[hbm4b:s28+s4] =	stream.linear.scatter [tilespmem:s29], [sflag:$0x6], $0x168, $0x38;
	[tilespmem:$0x1F180] =	vst v63  }
0x48d: {  	s25 =	simm.s32 $0x1;
	p1 =	por $0x0, $0x0;
	p2 =	por $0x1, $0x1  }
0x48e: {  	s24 =	sadd.s32 $0x1, s24  }
0x48f: {  	p0 =	sne.s32 s24, s8  }
.Ltmp3:
0x490: {  	_ = 	snop;
	(pc) =	sbr.rel @p0 .LBB2_1-.Ltmp3, $4  }
0x491: {  	_ = 	snop  }
0x492: {  	_ =	swait.ge [sflag:s23], $0xFE88  }
0x493: {  	[sflag:s23] =	ssyncset.done $0x0  }
0x494: {  	[sflag:s23] =	ssyncadd.s32 $0xFFFF0178  }
0x495: {  	_ =	sfence.sel $0x180000  }
0x496: {  	[bflag:$0x0] =	sbarrier.arrive $0xFFFF  }
0x497: {  	_ =	strace $0x90000047  }
0x498: {  	s0 =	stileid.u32;
	[bflag:$0x2] =	sbarrier.arrive $0xFFFF  }
0x499: {  	p0 =	sne.s32 s0, $0x0;
	s0 =	rddreg [dreg:$0x3]  }
0x49a: {  	s0 =	sadd.s32 @!p0 $0x100000, s0  }
0x49b: {  	[sflag:s0] =	ssyncadd.tile.s32 @!p0 $0x1;
	_ =	shalt  }
.Lfunc_end2:
_tile_overlayer_lowered:
.L_overlay_start_2:
0x49c: {  	(tag) =	ssettag $0x2  }
0x49d: {  	s0 =	rddreg [dreg:$0x0];
	s2 =	stileid.u32  }
0x49e: {  	s1 =	rddreg [dreg:$0x1];
	p0 =	sne.s32 s2, $0x0  }
0x49f: {  	s3 =	rddreg [dreg:$0x2];
	[bflag:$0x3] =	sbarrier.arrive $0xFFFF;
	s2 =	simm.s32 @!p0 $0x1C07  }
0x4a0: {  	[timem:s3], [sflag:s2] =	dma.local @!p0 [hbm:s0], s1  }
0x4a1: {  	s0 =	simm.s32 @!p0 $0x7  }
0x4a2: {  	_ =	swait.ge @!p0 [sflag:s0], s1  }
0x4a3: {  	s1 =	ssub.s32 @!p0 $0x0, s1;
	[sflag:s0] =	ssyncset.done @!p0 $0x0  }
0x4a4: {  	[sflag:s0] =	ssyncadd.s32 @!p0 s1  }
0x4a5: {  	[bflag:$0x3] =	sbarrier.arrive $0xFFFF  }
0x4a6: {  	_ =	shalt  }

</sc_bundles>
